<compile_context>
chip_gen: v7x
topology: tpu7x:2x2x1
jax: 0.10.2.dev20260603
libtpu: 0.0.44.dev20260713+nightly
codegen_flags: <defaults>
</compile_context>

<pallas_src>
import functools

import numpy as np
import jax
import jax.numpy as jnp
from jax import lax
from jax.experimental import pallas as pl
from jax.experimental.pallas import tpu as pltpu
from jax.experimental.pallas import tpu_sc as plsc

N = 10000
E = 320000
D = 128
NP = 10240
NC = 2
NS = 16
NW = NC * NS
L = 16
C = 128
WPW = 80
NWIN = NW * WPW
HALF = WPW // 2
ROWS_PER_SUB = NP // NS

_PAD_AR = np.arange(NWIN * C - E, dtype=np.int32)
_PADS = np.stack([_PAD_AR % N, N + _PAD_AR % (NP - N)])


def _make_agg_kernel(with_cnt):
  mesh = plsc.VectorSubcoreMesh(core_axis_name="c", subcore_axis_name="s")

  out_type = [jax.ShapeDtypeStruct((NC, NP, D), jnp.float32)]
  if with_cnt:
    out_type.append(jax.ShapeDtypeStruct((NC, NP), jnp.float32))

  scratch = [
      pltpu.VMEM((HALF, C), jnp.int32),
      pltpu.VMEM((HALF, C), jnp.int32),
      pltpu.VMEM((C, D), jnp.float32),
      pltpu.VMEM((C, D), jnp.float32),
      pltpu.VMEM((C,), jnp.float32),
      pltpu.VMEM((16, D), jnp.float32),
      pltpu.VMEM((ROWS_PER_SUB,), jnp.float32),
      pltpu.VMEM_SHARED((NP, D), jnp.float32),
      pltpu.VMEM_SHARED((NP,), jnp.float32),
      pltpu.SemaphoreType.DMA,
      pltpu.SemaphoreType.DMA,
  ]

  @functools.partial(pl.kernel, out_type=out_type, mesh=mesh,
                     scratch_types=scratch)
  def agg(edge_hbm, feat_hbm, *refs):
    if with_cnt:
      agg_out, cnt_out = refs[0], refs[1]
      refs = refs[2:]
    else:
      agg_out = refs[0]
      refs = refs[1:]
    (src_v, dst_v, rows_a, rows_b, ones_v, ztile_v, cbuf_v,
     agg_sh, cnt_sh, sem_a, sem_b) = refs

    c = lax.axis_index("c")
    s = lax.axis_index("s")
    wid = s * NC + c

    zf = jnp.zeros((L,), jnp.float32)
    of = jnp.ones((L,), jnp.float32)
    for r in range(16):
      for g in range(D // L):
        ztile_v[r, pl.ds(g * L, L)] = zf
    if with_cnt:
      for i in range(C // L):
        ones_v[pl.ds(i * L, L)] = of
      for i in range(ROWS_PER_SUB // L):
        cbuf_v[pl.ds(i * L, L)] = zf

    row0 = s * ROWS_PER_SUB

    def gather(g, buf, sem):
      pltpu.async_copy(feat_hbm.at[src_v.at[g]], buf, sem)

    def gwait(buf, sem):
      pltpu.make_async_copy(feat_hbm.at[src_v.at[0]], buf, sem).wait()

    def scat(g, buf):
      pltpu.sync_copy(buf, agg_sh.at[dst_v.at[g]], add=True)
      if with_cnt:
        pltpu.sync_copy(ones_v, cnt_sh.at[dst_v.at[g]], add=True)

    for half in range(2):
      w0 = wid * WPW + half * HALF
      pltpu.sync_copy(edge_hbm.at[0, pl.ds(w0, HALF)], src_v)
      pltpu.sync_copy(edge_hbm.at[1, pl.ds(w0, HALF)], dst_v)
      gather(0, rows_a, sem_a)
      gather(1, rows_b, sem_b)

      if half == 0:
        def zero_step(j, carry):
          pltpu.sync_copy(ztile_v, agg_sh.at[pl.ds(row0 + j * 16, 16)])
          return carry
        lax.fori_loop(0, ROWS_PER_SUB // 16, zero_step, 0)
        if with_cnt:
          pltpu.sync_copy(cbuf_v, cnt_sh.at[pl.ds(row0, ROWS_PER_SUB)])
        plsc.subcore_barrier()

      def pair_step(k, carry):
        g0 = 2 * k
        gwait(rows_a, sem_a)
        scat(g0, rows_a)

        @pl.when(k < HALF // 2 - 1)
        def _():
          gather(g0 + 2, rows_a, sem_a)
        gwait(rows_b, sem_b)
        scat(g0 + 1, rows_b)

        @pl.when(k < HALF // 2 - 1)
        def _():
          gather(g0 + 3, rows_b, sem_b)
        return carry
      lax.fori_loop(0, HALF // 2, pair_step, 0)
    plsc.subcore_barrier()

    pltpu.sync_copy(agg_sh.at[pl.ds(row0, ROWS_PER_SUB)],
                    agg_out.at[c, pl.ds(row0, ROWS_PER_SUB)])
    if with_cnt:
      pltpu.sync_copy(cnt_sh.at[pl.ds(row0, ROWS_PER_SUB)],
                      cnt_out.at[c, pl.ds(row0, ROWS_PER_SUB)])

  return agg


_agg_cache = {}


def _get_agg(with_cnt):
  if with_cnt not in _agg_cache:
    _agg_cache[with_cnt] = _make_agg_kernel(with_cnt)
  return _agg_cache[with_cnt]

BR = 2000


def _dot_t(a, w):
  return lax.dot_general(a, w, (((1,), (1,)), ((), ())),
                         preferred_element_type=jnp.float32)


def _self_body(x_ref, wr_ref, b_ref, o_ref):
  o_ref[...] = _dot_t(x_ref[...], wr_ref[...]) + b_ref[...]


def _self_term(x, wr, b):
  return pl.pallas_call(
      _self_body,
      grid=(N // BR,),
      in_specs=[
          pl.BlockSpec((BR, D), lambda i: (i, 0)),
          pl.BlockSpec((D, D), lambda i: (0, 0)),
          pl.BlockSpec((1, D), lambda i: (0, 0)),
      ],
      out_specs=pl.BlockSpec((BR, D), lambda i: (i, 0)),
      out_shape=jax.ShapeDtypeStruct((N, D), jnp.float32),
  )(x, wr, b)


def _combine_body(relu, aggs_ref, cnt_ref, self_ref, wl_ref, o_ref):
  cnt = cnt_ref[0] + cnt_ref[1]
  inv = 1.0 / jnp.maximum(cnt, 1.0)
  mean = (aggs_ref[0] + aggs_ref[1]) * inv
  out = _dot_t(mean, wl_ref[...]) + self_ref[...]
  if relu:
    out = jnp.maximum(out, 0.0)
  o_ref[...] = out


def _combine(aggs, cnts3, selfterm, wl, relu):
  return pl.pallas_call(
      functools.partial(_combine_body, relu),
      grid=(N // BR,),
      in_specs=[
          pl.BlockSpec((NC, BR, D), lambda i: (0, i, 0)),
          pl.BlockSpec((NC, BR, 1), lambda i: (0, i, 0)),
          pl.BlockSpec((BR, D), lambda i: (i, 0)),
          pl.BlockSpec((D, D), lambda i: (0, 0)),
      ],
      out_specs=pl.BlockSpec((BR, D), lambda i: (i, 0)),
      out_shape=jax.ShapeDtypeStruct((N, D), jnp.float32),
  )(aggs, cnts3, selfterm, wl)


def kernel(x, edge_index, W1_l, b1_l, W1_r, W2_l, b2_l, W2_r):
  edge2d = jnp.concatenate(
      [edge_index.astype(jnp.int32), jnp.asarray(_PADS)], axis=1
  ).reshape(2, NWIN, C)

  aggs1, cnts = _get_agg(True)(edge2d, x)
  cnts3 = cnts.reshape(NC, NP, 1)
  self1 = _self_term(x, W1_r, b1_l.reshape(1, D))
  h = _combine(aggs1, cnts3, self1, W1_l, True)
  (aggs2,) = _get_agg(False)(edge2d, h)
  self2 = _self_term(h, W2_r, b2_l.reshape(1, D))
  return _combine(aggs2, cnts3, self2, W2_l, False)

# --- scband reference (transcript-rebuilt; emitter-appended) ---
"""Pipeline reference for scband-graph-sage-72997264162856 (READ-ONLY COPY).

The authoritative reference and input builder live on the scoring server;
editing this copy changes nothing except your own understanding.
"""

import jax, jax.numpy as jnp
import numpy as np

N_NODES = 10000
N_EDGES = 320000
D_IN = 128
D_HID = 128
D_OUT = 128


def setup_inputs(seed: int = 0) -> dict:
    key = jax.random.key(seed)
    ks = jax.random.split(key, 8)
    x = jax.random.normal(ks[0], (N_NODES, D_IN), dtype=jnp.float32)
    edge_index = jax.random.randint(ks[1], (2, N_EDGES), 0, N_NODES, dtype=jnp.int64)
    s1 = 1.0 / np.sqrt(D_IN)
    s2 = 1.0 / np.sqrt(D_HID)
    W1_l = jax.random.uniform(ks[2], (D_HID, D_IN), jnp.float32, -s1, s1)
    b1_l = jax.random.uniform(ks[3], (D_HID,), jnp.float32, -s1, s1)
    W1_r = jax.random.uniform(ks[4], (D_HID, D_IN), jnp.float32, -s1, s1)
    W2_l = jax.random.uniform(ks[5], (D_OUT, D_HID), jnp.float32, -s2, s2)
    b2_l = jax.random.uniform(ks[6], (D_OUT,), jnp.float32, -s2, s2)
    W2_r = jax.random.uniform(ks[7], (D_OUT, D_HID), jnp.float32, -s2, s2)
    return {"x": x, "edge_index": edge_index, "W1_l": W1_l, "b1_l": b1_l,
            "W1_r": W1_r, "W2_l": W2_l, "b2_l": b2_l, "W2_r": W2_r}


def _sage_conv(x, edge_index, W_l, b_l, W_r):
    # PyG SAGEConv with aggr='mean': out = lin_l(mean_{j in N(i)} x_j) + lin_r(x_i)
    src = edge_index[0]
    dst = edge_index[1]
    msg = jnp.take(x, src, axis=0)  # gather source features
    agg = jax.ops.segment_sum(msg, dst, num_segments=x.shape[0])
    cnt = jax.ops.segment_sum(jnp.ones((edge_index.shape[1],), dtype=x.dtype), dst,
                              num_segments=x.shape[0])
    mean = agg / jnp.clip(cnt, 1.0, None)[:, None]
    return mean @ W_l.T + b_l + x @ W_r.T


def reference(x, edge_index, W1_l, b1_l, W1_r, W2_l, b2_l, W2_r):
    h = _sage_conv(x, edge_index, W1_l, b1_l, W1_r)
    h = jax.nn.relu(h)
    out = _sage_conv(h, edge_index, W2_l, b2_l, W2_r)
    return out

if __name__ == "__main__":
    import jax
    _d = setup_inputs()
    print(jax.jit(kernel)(*tuple(_d.values())))

</pallas_src>

<mosaic_0001>
#map = affine_map<(d0, d1) -> (0, 0, 0)>
#map1 = affine_map<(d0, d1) -> (0, 0)>
module attributes {stable_mosaic.version = 14 : i64} {
  func.func @agg(%arg0: i32, %arg1: i32, %arg2: memref<2x2560x128xi32, #tpu.memory_space<hbm>>, %arg3: memref<10000x128xf32, #tpu.memory_space<hbm>>, %arg4: memref<2x10240x128xf32, #tpu.memory_space<hbm>>, %arg5: memref<2x10240xf32, #tpu.memory_space<hbm>>, %arg6: memref<40x128xi32, #tpu.memory_space<vmem>>, %arg7: memref<40x128xi32, #tpu.memory_space<vmem>>, %arg8: memref<128x128xf32, #tpu.memory_space<vmem>>, %arg9: memref<128x128xf32, #tpu.memory_space<vmem>>, %arg10: memref<128xf32, #tpu.memory_space<vmem>>, %arg11: memref<16x128xf32, #tpu.memory_space<vmem>>, %arg12: memref<640xf32, #tpu.memory_space<vmem>>, %arg13: memref<10240x128xf32, #tpu.memory_space<vmem_shared>>, %arg14: memref<10240xf32, #tpu.memory_space<vmem_shared>>, %arg15: memref<!tpu.dma_semaphore, #tpu.memory_space<semaphore_mem>>, %arg16: memref<!tpu.dma_semaphore, #tpu.memory_space<semaphore_mem>>) attributes {dimension_semantics = [#tpu.dimension_semantics<core_parallel>, #tpu.dimension_semantics<subcore_parallel>], iteration_bounds = array<i64: 2, 16>, scalar_prefetch = 0 : i64, scratch_operands = 11 : i64, tpu.core_type = #tpu.core_type<sc_vector_subcore>, window_params = [{transform_indices = #map}, {transform_indices = #map1}, {transform_indices = #map}, {transform_indices = #map1}]} {
    %mul3A = arith.constant 2 : i32
    %mul3A_0 = arith.muli %arg1, %mul3A : i32
    %add3A = arith.addi %mul3A_0, %arg0 : i32
    %broadcast_in_dim3A = arith.constant 0.000000e+00 : f32
    %broadcast_in_dim3A_1 = vector.broadcast %broadcast_in_dim3A : f32 to vector<16xf32>
    %broadcast_in_dim3A_2 = arith.constant 1.000000e+00 : f32
    %broadcast_in_dim3A_3 = vector.broadcast %broadcast_in_dim3A_2 : f32 to vector<16xf32>
    %swap3A = arith.constant 0 : i32
    %swap3A_4 = arith.index_cast %swap3A : i32 to index
    %swap3A_5 = arith.constant 0 : index
    %swap3A_6 = tpu.vector_load %arg11[%swap3A_4, %swap3A_5] {strides = array<i32>} : memref<16x128xf32, #tpu.memory_space<vmem>>, vector<1x16xf32>,
    %swap3A_7 = vector.shape_cast %swap3A_6 : vector<1x16xf32> to vector<16xf32>
    %swap3A_8 = vector.shape_cast %broadcast_in_dim3A_1 : vector<16xf32> to vector<1x16xf32>
    tpu.vector_store %arg11[%swap3A_4, %swap3A_5], %swap3A_8 {strides = array<i32>} : memref<16x128xf32, #tpu.memory_space<vmem>>, vector<1x16xf32>,
    %swap3A_9 = arith.constant 0 : i32
    %swap3A_10 = arith.index_cast %swap3A_9 : i32 to index
    %swap3A_11 = arith.constant 16 : index
    %swap3A_12 = tpu.vector_load %arg11[%swap3A_10, %swap3A_11] {strides = array<i32>} : memref<16x128xf32, #tpu.memory_space<vmem>>, vector<1x16xf32>,
    %swap3A_13 = vector.shape_cast %swap3A_12 : vector<1x16xf32> to vector<16xf32>
    %swap3A_14 = vector.shape_cast %broadcast_in_dim3A_1 : vector<16xf32> to vector<1x16xf32>
    tpu.vector_store %arg11[%swap3A_10, %swap3A_11], %swap3A_14 {strides = array<i32>} : memref<16x128xf32, #tpu.memory_space<vmem>>, vector<1x16xf32>,
    %swap3A_15 = arith.constant 0 : i32
    %swap3A_16 = arith.index_cast %swap3A_15 : i32 to index
    %swap3A_17 = arith.constant 32 : index
    %swap3A_18 = tpu.vector_load %arg11[%swap3A_16, %swap3A_17] {strides = array<i32>} : memref<16x128xf32, #tpu.memory_space<vmem>>, vector<1x16xf32>,
    %swap3A_19 = vector.shape_cast %swap3A_18 : vector<1x16xf32> to vector<16xf32>
    %swap3A_20 = vector.shape_cast %broadcast_in_dim3A_1 : vector<16xf32> to vector<1x16xf32>
    tpu.vector_store %arg11[%swap3A_16, %swap3A_17], %swap3A_20 {strides = array<i32>} : memref<16x128xf32, #tpu.memory_space<vmem>>, vector<1x16xf32>,
    %swap3A_21 = arith.constant 0 : i32
    %swap3A_22 = arith.index_cast %swap3A_21 : i32 to index
    %swap3A_23 = arith.constant 48 : index
    %swap3A_24 = tpu.vector_load %arg11[%swap3A_22, %swap3A_23] {strides = array<i32>} : memref<16x128xf32, #tpu.memory_space<vmem>>, vector<1x16xf32>,
    %swap3A_25 = vector.shape_cast %swap3A_24 : vector<1x16xf32> to vector<16xf32>
    %swap3A_26 = vector.shape_cast %broadcast_in_dim3A_1 : vector<16xf32> to vector<1x16xf32>
    tpu.vector_store %arg11[%swap3A_22, %swap3A_23], %swap3A_26 {strides = array<i32>} : memref<16x128xf32, #tpu.memory_space<vmem>>, vector<1x16xf32>,
    %swap3A_27 = arith.constant 0 : i32
    %swap3A_28 = arith.index_cast %swap3A_27 : i32 to index
    %swap3A_29 = arith.constant 64 : index
    %swap3A_30 = tpu.vector_load %arg11[%swap3A_28, %swap3A_29] {strides = array<i32>} : memref<16x128xf32, #tpu.memory_space<vmem>>, vector<1x16xf32>,
    %swap3A_31 = vector.shape_cast %swap3A_30 : vector<1x16xf32> to vector<16xf32>
    %swap3A_32 = vector.shape_cast %broadcast_in_dim3A_1 : vector<16xf32> to vector<1x16xf32>
    tpu.vector_store %arg11[%swap3A_28, %swap3A_29], %swap3A_32 {strides = array<i32>} : memref<16x128xf32, #tpu.memory_space<vmem>>, vector<1x16xf32>,
    %swap3A_33 = arith.constant 0 : i32
    %swap3A_34 = arith.index_cast %swap3A_33 : i32 to index
    %swap3A_35 = arith.constant 80 : index
    %swap3A_36 = tpu.vector_load %arg11[%swap3A_34, %swap3A_35] {strides = array<i32>} : memref<16x128xf32, #tpu.memory_space<vmem>>, vector<1x16xf32>,
    %swap3A_37 = vector.shape_cast %swap3A_36 : vector<1x16xf32> to vector<16xf32>
    %swap3A_38 = vector.shape_cast %broadcast_in_dim3A_1 : vector<16xf32> to vector<1x16xf32>
    tpu.vector_store %arg11[%swap3A_34, %swap3A_35], %swap3A_38 {strides = array<i32>} : memref<16x128xf32, #tpu.memory_space<vmem>>, vector<1x16xf32>,
    %swap3A_39 = arith.constant 0 : i32
    %swap3A_40 = arith.index_cast %swap3A_39 : i32 to index
    %swap3A_41 = arith.constant 96 : index
    %swap3A_42 = tpu.vector_load %arg11[%swap3A_40, %swap3A_41] {strides = array<i32>} : memref<16x128xf32, #tpu.memory_space<vmem>>, vector<1x16xf32>,
    %swap3A_43 = vector.shape_cast %swap3A_42 : vector<1x16xf32> to vector<16xf32>
    %swap3A_44 = vector.shape_cast %broadcast_in_dim3A_1 : vector<16xf32> to vector<1x16xf32>
    tpu.vector_store %arg11[%swap3A_40, %swap3A_41], %swap3A_44 {strides = array<i32>} : memref<16x128xf32, #tpu.memory_space<vmem>>, vector<1x16xf32>,
    %swap3A_45 = arith.constant 0 : i32
    %swap3A_46 = arith.index_cast %swap3A_45 : i32 to index
    %swap3A_47 = arith.constant 112 : index
    %swap3A_48 = tpu.vector_load %arg11[%swap3A_46, %swap3A_47] {strides = array<i32>} : memref<16x128xf32, #tpu.memory_space<vmem>>, vector<1x16xf32>,
    %swap3A_49 = vector.shape_cast %swap3A_48 : vector<1x16xf32> to vector<16xf32>
    %swap3A_50 = vector.shape_cast %broadcast_in_dim3A_1 : vector<16xf32> to vector<1x16xf32>
    tpu.vector_store %arg11[%swap3A_46, %swap3A_47], %swap3A_50 {strides = array<i32>} : memref<16x128xf32, #tpu.memory_space<vmem>>, vector<1x16xf32>,
    %swap3A_51 = arith.constant 1 : i32
    %swap3A_52 = arith.index_cast %swap3A_51 : i32 to index
    %swap3A_53 = arith.constant 0 : index
    %swap3A_54 = tpu.vector_load %arg11[%swap3A_52, %swap3A_53] {strides = array<i32>} : memref<16x128xf32, #tpu.memory_space<vmem>>, vector<1x16xf32>,
    %swap3A_55 = vector.shape_cast %swap3A_54 : vector<1x16xf32> to vector<16xf32>
    %swap3A_56 = vector.shape_cast %broadcast_in_dim3A_1 : vector<16xf32> to vector<1x16xf32>
    tpu.vector_store %arg11[%swap3A_52, %swap3A_53], %swap3A_56 {strides = array<i32>} : memref<16x128xf32, #tpu.memory_space<vmem>>, vector<1x16xf32>,
    %swap3A_57 = arith.constant 1 : i32
    %swap3A_58 = arith.index_cast %swap3A_57 : i32 to index
    %swap3A_59 = arith.constant 16 : index
    %swap3A_60 = tpu.vector_load %arg11[%swap3A_58, %swap3A_59] {strides = array<i32>} : memref<16x128xf32, #tpu.memory_space<vmem>>, vector<1x16xf32>,
    %swap3A_61 = vector.shape_cast %swap3A_60 : vector<1x16xf32> to vector<16xf32>
    %swap3A_62 = vector.shape_cast %broadcast_in_dim3A_1 : vector<16xf32> to vector<1x16xf32>
    tpu.vector_store %arg11[%swap3A_58, %swap3A_59], %swap3A_62 {strides = array<i32>} : memref<16x128xf32, #tpu.memory_space<vmem>>, vector<1x16xf32>,
    %swap3A_63 = arith.constant 1 : i32
    %swap3A_64 = arith.index_cast %swap3A_63 : i32 to index
    %swap3A_65 = arith.constant 32 : index
    %swap3A_66 = tpu.vector_load %arg11[%swap3A_64, %swap3A_65] {strides = array<i32>} : memref<16x128xf32, #tpu.memory_space<vmem>>, vector<1x16xf32>,
    %swap3A_67 = vector.shape_cast %swap3A_66 : vector<1x16xf32> to vector<16xf32>
    %swap3A_68 = vector.shape_cast %broadcast_in_dim3A_1 : vector<16xf32> to vector<1x16xf32>
    tpu.vector_store %arg11[%swap3A_64, %swap3A_65], %swap3A_68 {strides = array<i32>} : memref<16x128xf32, #tpu.memory_space<vmem>>, vector<1x16xf32>,
    %swap3A_69 = arith.constant 1 : i32
    %swap3A_70 = arith.index_cast %swap3A_69 : i32 to index
    %swap3A_71 = arith.constant 48 : index
    %swap3A_72 = tpu.vector_load %arg11[%swap3A_70, %swap3A_71] {strides = array<i32>} : memref<16x128xf32, #tpu.memory_space<vmem>>, vector<1x16xf32>,
    %swap3A_73 = vector.shape_cast %swap3A_72 : vector<1x16xf32> to vector<16xf32>
    %swap3A_74 = vector.shape_cast %broadcast_in_dim3A_1 : vector<16xf32> to vector<1x16xf32>
    tpu.vector_store %arg11[%swap3A_70, %swap3A_71], %swap3A_74 {strides = array<i32>} : memref<16x128xf32, #tpu.memory_space<vmem>>, vector<1x16xf32>,
    %swap3A_75 = arith.constant 1 : i32
    %swap3A_76 = arith.index_cast %swap3A_75 : i32 to index
    %swap3A_77 = arith.constant 64 : index
    %swap3A_78 = tpu.vector_load %arg11[%swap3A_76, %swap3A_77] {strides = array<i32>} : memref<16x128xf32, #tpu.memory_space<vmem>>, vector<1x16xf32>,
    %swap3A_79 = vector.shape_cast %swap3A_78 : vector<1x16xf32> to vector<16xf32>
    %swap3A_80 = vector.shape_cast %broadcast_in_dim3A_1 : vector<16xf32> to vector<1x16xf32>
    tpu.vector_store %arg11[%swap3A_76, %swap3A_77], %swap3A_80 {strides = array<i32>} : memref<16x128xf32, #tpu.memory_space<vmem>>, vector<1x16xf32>,
    %swap3A_81 = arith.constant 1 : i32
    %swap3A_82 = arith.index_cast %swap3A_81 : i32 to index
    %swap3A_83 = arith.constant 80 : index
    %swap3A_84 = tpu.vector_load %arg11[%swap3A_82, %swap3A_83] {strides = array<i32>} : memref<16x128xf32, #tpu.memory_space<vmem>>, vector<1x16xf32>,
    %swap3A_85 = vector.shape_cast %swap3A_84 : vector<1x16xf32> to vector<16xf32>
    %swap3A_86 = vector.shape_cast %broadcast_in_dim3A_1 : vector<16xf32> to vector<1x16xf32>
    tpu.vector_store %arg11[%swap3A_82, %swap3A_83], %swap3A_86 {strides = array<i32>} : memref<16x128xf32, #tpu.memory_space<vmem>>, vector<1x16xf32>,
    %swap3A_87 = arith.constant 1 : i32
    %swap3A_88 = arith.index_cast %swap3A_87 : i32 to index
    %swap3A_89 = arith.constant 96 : index
    %swap3A_90 = tpu.vector_load %arg11[%swap3A_88, %swap3A_89] {strides = array<i32>} : memref<16x128xf32, #tpu.memory_space<vmem>>, vector<1x16xf32>,
    %swap3A_91 = vector.shape_cast %swap3A_90 : vector<1x16xf32> to vector<16xf32>
    %swap3A_92 = vector.shape_cast %broadcast_in_dim3A_1 : vector<16xf32> to vector<1x16xf32>
    tpu.vector_store %arg11[%swap3A_88, %swap3A_89], %swap3A_92 {strides = array<i32>} : memref<16x128xf32, #tpu.memory_space<vmem>>, vector<1x16xf32>,
    %swap3A_93 = arith.constant 1 : i32
    %swap3A_94 = arith.index_cast %swap3A_93 : i32 to index
    %swap3A_95 = arith.constant 112 : index
    %swap3A_96 = tpu.vector_load %arg11[%swap3A_94, %swap3A_95] {strides = array<i32>} : memref<16x128xf32, #tpu.memory_space<vmem>>, vector<1x16xf32>,
    %swap3A_97 = vector.shape_cast %swap3A_96 : vector<1x16xf32> to vector<16xf32>
    %swap3A_98 = vector.shape_cast %broadcast_in_dim3A_1 : vector<16xf32> to vector<1x16xf32>
    tpu.vector_store %arg11[%swap3A_94, %swap3A_95], %swap3A_98 {strides = array<i32>} : memref<16x128xf32, #tpu.memory_space<vmem>>, vector<1x16xf32>,
    %swap3A_99 = arith.constant 2 : i32
    %swap3A_100 = arith.index_cast %swap3A_99 : i32 to index
    %swap3A_101 = arith.constant 0 : index
    %swap3A_102 = tpu.vector_load %arg11[%swap3A_100, %swap3A_101] {strides = array<i32>} : memref<16x128xf32, #tpu.memory_space<vmem>>, vector<1x16xf32>,
    %swap3A_103 = vector.shape_cast %swap3A_102 : vector<1x16xf32> to vector<16xf32>
    %swap3A_104 = vector.shape_cast %broadcast_in_dim3A_1 : vector<16xf32> to vector<1x16xf32>
    tpu.vector_store %arg11[%swap3A_100, %swap3A_101], %swap3A_104 {strides = array<i32>} : memref<16x128xf32, #tpu.memory_space<vmem>>, vector<1x16xf32>,
    %swap3A_105 = arith.constant 2 : i32
    %swap3A_106 = arith.index_cast %swap3A_105 : i32 to index
    %swap3A_107 = arith.constant 16 : index
    %swap3A_108 = tpu.vector_load %arg11[%swap3A_106, %swap3A_107] {strides = array<i32>} : memref<16x128xf32, #tpu.memory_space<vmem>>, vector<1x16xf32>,
    %swap3A_109 = vector.shape_cast %swap3A_108 : vector<1x16xf32> to vector<16xf32>
    %swap3A_110 = vector.shape_cast %broadcast_in_dim3A_1 : vector<16xf32> to vector<1x16xf32>
    tpu.vector_store %arg11[%swap3A_106, %swap3A_107], %swap3A_110 {strides = array<i32>} : memref<16x128xf32, #tpu.memory_space<vmem>>, vector<1x16xf32>,
    %swap3A_111 = arith.constant 2 : i32
    %swap3A_112 = arith.index_cast %swap3A_111 : i32 to index
    %swap3A_113 = arith.constant 32 : index
    %swap3A_114 = tpu.vector_load %arg11[%swap3A_112, %swap3A_113] {strides = array<i32>} : memref<16x128xf32, #tpu.memory_space<vmem>>, vector<1x16xf32>,
    %swap3A_115 = vector.shape_cast %swap3A_114 : vector<1x16xf32> to vector<16xf32>
    %swap3A_116 = vector.shape_cast %broadcast_in_dim3A_1 : vector<16xf32> to vector<1x16xf32>
    tpu.vector_store %arg11[%swap3A_112, %swap3A_113], %swap3A_116 {strides = array<i32>} : memref<16x128xf32, #tpu.memory_space<vmem>>, vector<1x16xf32>,
    %swap3A_117 = arith.constant 2 : i32
    %swap3A_118 = arith.index_cast %swap3A_117 : i32 to index
    %swap3A_119 = arith.constant 48 : index
    %swap3A_120 = tpu.vector_load %arg11[%swap3A_118, %swap3A_119] {strides = array<i32>} : memref<16x128xf32, #tpu.memory_space<vmem>>, vector<1x16xf32>,
    %swap3A_121 = vector.shape_cast %swap3A_120 : vector<1x16xf32> to vector<16xf32>
    %swap3A_122 = vector.shape_cast %broadcast_in_dim3A_1 : vector<16xf32> to vector<1x16xf32>
    tpu.vector_store %arg11[%swap3A_118, %swap3A_119], %swap3A_122 {strides = array<i32>} : memref<16x128xf32, #tpu.memory_space<vmem>>, vector<1x16xf32>,
    %swap3A_123 = arith.constant 2 : i32
    %swap3A_124 = arith.index_cast %swap3A_123 : i32 to index
    %swap3A_125 = arith.constant 64 : index
    %swap3A_126 = tpu.vector_load %arg11[%swap3A_124, %swap3A_125] {strides = array<i32>} : memref<16x128xf32, #tpu.memory_space<vmem>>, vector<1x16xf32>,
    %swap3A_127 = vector.shape_cast %swap3A_126 : vector<1x16xf32> to vector<16xf32>
    %swap3A_128 = vector.shape_cast %broadcast_in_dim3A_1 : vector<16xf32> to vector<1x16xf32>
    tpu.vector_store %arg11[%swap3A_124, %swap3A_125], %swap3A_128 {strides = array<i32>} : memref<16x128xf32, #tpu.memory_space<vmem>>, vector<1x16xf32>,
    %swap3A_129 = arith.constant 2 : i32
    %swap3A_130 = arith.index_cast %swap3A_129 : i32 to index
    %swap3A_131 = arith.constant 80 : index
    %swap3A_132 = tpu.vector_load %arg11[%swap3A_130, %swap3A_131] {strides = array<i32>} : memref<16x128xf32, #tpu.memory_space<vmem>>, vector<1x16xf32>,
    %swap3A_133 = vector.shape_cast %swap3A_132 : vector<1x16xf32> to vector<16xf32>
    %swap3A_134 = vector.shape_cast %broadcast_in_dim3A_1 : vector<16xf32> to vector<1x16xf32>
    tpu.vector_store %arg11[%swap3A_130, %swap3A_131], %swap3A_134 {strides = array<i32>} : memref<16x128xf32, #tpu.memory_space<vmem>>, vector<1x16xf32>,
    %swap3A_135 = arith.constant 2 : i32
    %swap3A_136 = arith.index_cast %swap3A_135 : i32 to index
    %swap3A_137 = arith.constant 96 : index
    %swap3A_138 = tpu.vector_load %arg11[%swap3A_136, %swap3A_137] {strides = array<i32>} : memref<16x128xf32, #tpu.memory_space<vmem>>, vector<1x16xf32>,
    %swap3A_139 = vector.shape_cast %swap3A_138 : vector<1x16xf32> to vector<16xf32>
    %swap3A_140 = vector.shape_cast %broadcast_in_dim3A_1 : vector<16xf32> to vector<1x16xf32>
    tpu.vector_store %arg11[%swap3A_136, %swap3A_137], %swap3A_140 {strides = array<i32>} : memref<16x128xf32, #tpu.memory_space<vmem>>, vector<1x16xf32>,
    %swap3A_141 = arith.constant 2 : i32
    %swap3A_142 = arith.index_cast %swap3A_141 : i32 to index
    %swap3A_143 = arith.constant 112 : index
    %swap3A_144 = tpu.vector_load %arg11[%swap3A_142, %swap3A_143] {strides = array<i32>} : memref<16x128xf32, #tpu.memory_space<vmem>>, vector<1x16xf32>,
    %swap3A_145 = vector.shape_cast %swap3A_144 : vector<1x16xf32> to vector<16xf32>
    %swap3A_146 = vector.shape_cast %broadcast_in_dim3A_1 : vector<16xf32> to vector<1x16xf32>
    tpu.vector_store %arg11[%swap3A_142, %swap3A_143], %swap3A_146 {strides = array<i32>} : memref<16x128xf32, #tpu.memory_space<vmem>>, vector<1x16xf32>,
    %swap3A_147 = arith.constant 3 : i32
    %swap3A_148 = arith.index_cast %swap3A_147 : i32 to index
    %swap3A_149 = arith.constant 0 : index
    %swap3A_150 = tpu.vector_load %arg11[%swap3A_148, %swap3A_149] {strides = array<i32>} : memref<16x128xf32, #tpu.memory_space<vmem>>, vector<1x16xf32>,
    %swap3A_151 = vector.shape_cast %swap3A_150 : vector<1x16xf32> to vector<16xf32>
    %swap3A_152 = vector.shape_cast %broadcast_in_dim3A_1 : vector<16xf32> to vector<1x16xf32>
    tpu.vector_store %arg11[%swap3A_148, %swap3A_149], %swap3A_152 {strides = array<i32>} : memref<16x128xf32, #tpu.memory_space<vmem>>, vector<1x16xf32>,
    %swap3A_153 = arith.constant 3 : i32
    %swap3A_154 = arith.index_cast %swap3A_153 : i32 to index
    %swap3A_155 = arith.constant 16 : index
    %swap3A_156 = tpu.vector_load %arg11[%swap3A_154, %swap3A_155] {strides = array<i32>} : memref<16x128xf32, #tpu.memory_space<vmem>>, vector<1x16xf32>,
    %swap3A_157 = vector.shape_cast %swap3A_156 : vector<1x16xf32> to vector<16xf32>
    %swap3A_158 = vector.shape_cast %broadcast_in_dim3A_1 : vector<16xf32> to vector<1x16xf32>
    tpu.vector_store %arg11[%swap3A_154, %swap3A_155], %swap3A_158 {strides = array<i32>} : memref<16x128xf32, #tpu.memory_space<vmem>>, vector<1x16xf32>,
    %swap3A_159 = arith.constant 3 : i32
    %swap3A_160 = arith.index_cast %swap3A_159 : i32 to index
    %swap3A_161 = arith.constant 32 : index
    %swap3A_162 = tpu.vector_load %arg11[%swap3A_160, %swap3A_161] {strides = array<i32>} : memref<16x128xf32, #tpu.memory_space<vmem>>, vector<1x16xf32>,
    %swap3A_163 = vector.shape_cast %swap3A_162 : vector<1x16xf32> to vector<16xf32>
    %swap3A_164 = vector.shape_cast %broadcast_in_dim3A_1 : vector<16xf32> to vector<1x16xf32>
    tpu.vector_store %arg11[%swap3A_160, %swap3A_161], %swap3A_164 {strides = array<i32>} : memref<16x128xf32, #tpu.memory_space<vmem>>, vector<1x16xf32>,
    %swap3A_165 = arith.constant 3 : i32
    %swap3A_166 = arith.index_cast %swap3A_165 : i32 to index
    %swap3A_167 = arith.constant 48 : index
    %swap3A_168 = tpu.vector_load %arg11[%swap3A_166, %swap3A_167] {strides = array<i32>} : memref<16x128xf32, #tpu.memory_space<vmem>>, vector<1x16xf32>,
    %swap3A_169 = vector.shape_cast %swap3A_168 : vector<1x16xf32> to vector<16xf32>
    %swap3A_170 = vector.shape_cast %broadcast_in_dim3A_1 : vector<16xf32> to vector<1x16xf32>
    tpu.vector_store %arg11[%swap3A_166, %swap3A_167], %swap3A_170 {strides = array<i32>} : memref<16x128xf32, #tpu.memory_space<vmem>>, vector<1x16xf32>,
    %swap3A_171 = arith.constant 3 : i32
    %swap3A_172 = arith.index_cast %swap3A_171 : i32 to index
    %swap3A_173 = arith.constant 64 : index
    %swap3A_174 = tpu.vector_load %arg11[%swap3A_172, %swap3A_173] {strides = array<i32>} : memref<16x128xf32, #tpu.memory_space<vmem>>, vector<1x16xf32>,
    %swap3A_175 = vector.shape_cast %swap3A_174 : vector<1x16xf32> to vector<16xf32>
    %swap3A_176 = vector.shape_cast %broadcast_in_dim3A_1 : vector<16xf32> to vector<1x16xf32>
    tpu.vector_store %arg11[%swap3A_172, %swap3A_173], %swap3A_176 {strides = array<i32>} : memref<16x128xf32, #tpu.memory_space<vmem>>, vector<1x16xf32>,
    %swap3A_177 = arith.constant 3 : i32
    %swap3A_178 = arith.index_cast %swap3A_177 : i32 to index
    %swap3A_179 = arith.constant 80 : index
    %swap3A_180 = tpu.vector_load %arg11[%swap3A_178, %swap3A_179] {strides = array<i32>} : memref<16x128xf32, #tpu.memory_space<vmem>>, vector<1x16xf32>,
    %swap3A_181 = vector.shape_cast %swap3A_180 : vector<1x16xf32> to vector<16xf32>
    %swap3A_182 = vector.shape_cast %broadcast_in_dim3A_1 : vector<16xf32> to vector<1x16xf32>
    tpu.vector_store %arg11[%swap3A_178, %swap3A_179], %swap3A_182 {strides = array<i32>} : memref<16x128xf32, #tpu.memory_space<vmem>>, vector<1x16xf32>,
    %swap3A_183 = arith.constant 3 : i32
    %swap3A_184 = arith.index_cast %swap3A_183 : i32 to index
    %swap3A_185 = arith.constant 96 : index
    %swap3A_186 = tpu.vector_load %arg11[%swap3A_184, %swap3A_185] {strides = array<i32>} : memref<16x128xf32, #tpu.memory_space<vmem>>, vector<1x16xf32>,
    %swap3A_187 = vector.shape_cast %swap3A_186 : vector<1x16xf32> to vector<16xf32>
    %swap3A_188 = vector.shape_cast %broadcast_in_dim3A_1 : vector<16xf32> to vector<1x16xf32>
    tpu.vector_store %arg11[%swap3A_184, %swap3A_185], %swap3A_188 {strides = array<i32>} : memref<16x128xf32, #tpu.memory_space<vmem>>, vector<1x16xf32>,
    %swap3A_189 = arith.constant 3 : i32
    %swap3A_190 = arith.index_cast %swap3A_189 : i32 to index
    %swap3A_191 = arith.constant 112 : index
    %swap3A_192 = tpu.vector_load %arg11[%swap3A_190, %swap3A_191] {strides = array<i32>} : memref<16x128xf32, #tpu.memory_space<vmem>>, vector<1x16xf32>,
    %swap3A_193 = vector.shape_cast %swap3A_192 : vector<1x16xf32> to vector<16xf32>
    %swap3A_194 = vector.shape_cast %broadcast_in_dim3A_1 : vector<16xf32> to vector<1x16xf32>
    tpu.vector_store %arg11[%swap3A_190, %swap3A_191], %swap3A_194 {strides = array<i32>} : memref<16x128xf32, #tpu.memory_space<vmem>>, vector<1x16xf32>,
    %swap3A_195 = arith.constant 4 : i32
    %swap3A_196 = arith.index_cast %swap3A_195 : i32 to index
    %swap3A_197 = arith.constant 0 : index
    %swap3A_198 = tpu.vector_load %arg11[%swap3A_196, %swap3A_197] {strides = array<i32>} : memref<16x128xf32, #tpu.memory_space<vmem>>, vector<1x16xf32>,
    %swap3A_199 = vector.shape_cast %swap3A_198 : vector<1x16xf32> to vector<16xf32>
    %swap3A_200 = vector.shape_cast %broadcast_in_dim3A_1 : vector<16xf32> to vector<1x16xf32>
    tpu.vector_store %arg11[%swap3A_196, %swap3A_197], %swap3A_200 {strides = array<i32>} : memref<16x128xf32, #tpu.memory_space<vmem>>, vector<1x16xf32>,
    %swap3A_201 = arith.constant 4 : i32
    %swap3A_202 = arith.index_cast %swap3A_201 : i32 to index
    %swap3A_203 = arith.constant 16 : index
    %swap3A_204 = tpu.vector_load %arg11[%swap3A_202, %swap3A_203] {strides = array<i32>} : memref<16x128xf32, #tpu.memory_space<vmem>>, vector<1x16xf32>,
    %swap3A_205 = vector.shape_cast %swap3A_204 : vector<1x16xf32> to vector<16xf32>
    %swap3A_206 = vector.shape_cast %broadcast_in_dim3A_1 : vector<16xf32> to vector<1x16xf32>
    tpu.vector_store %arg11[%swap3A_202, %swap3A_203], %swap3A_206 {strides = array<i32>} : memref<16x128xf32, #tpu.memory_space<vmem>>, vector<1x16xf32>,
    %swap3A_207 = arith.constant 4 : i32
    %swap3A_208 = arith.index_cast %swap3A_207 : i32 to index
    %swap3A_209 = arith.constant 32 : index
    %swap3A_210 = tpu.vector_load %arg11[%swap3A_208, %swap3A_209] {strides = array<i32>} : memref<16x128xf32, #tpu.memory_space<vmem>>, vector<1x16xf32>,
    %swap3A_211 = vector.shape_cast %swap3A_210 : vector<1x16xf32> to vector<16xf32>
    %swap3A_212 = vector.shape_cast %broadcast_in_dim3A_1 : vector<16xf32> to vector<1x16xf32>
    tpu.vector_store %arg11[%swap3A_208, %swap3A_209], %swap3A_212 {strides = array<i32>} : memref<16x128xf32, #tpu.memory_space<vmem>>, vector<1x16xf32>,
    %swap3A_213 = arith.constant 4 : i32
    %swap3A_214 = arith.index_cast %swap3A_213 : i32 to index
    %swap3A_215 = arith.constant 48 : index
    %swap3A_216 = tpu.vector_load %arg11[%swap3A_214, %swap3A_215] {strides = array<i32>} : memref<16x128xf32, #tpu.memory_space<vmem>>, vector<1x16xf32>,
    %swap3A_217 = vector.shape_cast %swap3A_216 : vector<1x16xf32> to vector<16xf32>
    %swap3A_218 = vector.shape_cast %broadcast_in_dim3A_1 : vector<16xf32> to vector<1x16xf32>
    tpu.vector_store %arg11[%swap3A_214, %swap3A_215], %swap3A_218 {strides = array<i32>} : memref<16x128xf32, #tpu.memory_space<vmem>>, vector<1x16xf32>,
    %swap3A_219 = arith.constant 4 : i32
    %swap3A_220 = arith.index_cast %swap3A_219 : i32 to index
    %swap3A_221 = arith.constant 64 : index
    %swap3A_222 = tpu.vector_load %arg11[%swap3A_220, %swap3A_221] {strides = array<i32>} : memref<16x128xf32, #tpu.memory_space<vmem>>, vector<1x16xf32>,
    %swap3A_223 = vector.shape_cast %swap3A_222 : vector<1x16xf32> to vector<16xf32>
    %swap3A_224 = vector.shape_cast %broadcast_in_dim3A_1 : vector<16xf32> to vector<1x16xf32>
    tpu.vector_store %arg11[%swap3A_220, %swap3A_221], %swap3A_224 {strides = array<i32>} : memref<16x128xf32, #tpu.memory_space<vmem>>, vector<1x16xf32>,
    %swap3A_225 = arith.constant 4 : i32
    %swap3A_226 = arith.index_cast %swap3A_225 : i32 to index
    %swap3A_227 = arith.constant 80 : index
    %swap3A_228 = tpu.vector_load %arg11[%swap3A_226, %swap3A_227] {strides = array<i32>} : memref<16x128xf32, #tpu.memory_space<vmem>>, vector<1x16xf32>,
    %swap3A_229 = vector.shape_cast %swap3A_228 : vector<1x16xf32> to vector<16xf32>
    %swap3A_230 = vector.shape_cast %broadcast_in_dim3A_1 : vector<16xf32> to vector<1x16xf32>
    tpu.vector_store %arg11[%swap3A_226, %swap3A_227], %swap3A_230 {strides = array<i32>} : memref<16x128xf32, #tpu.memory_space<vmem>>, vector<1x16xf32>,
    %swap3A_231 = arith.constant 4 : i32
    %swap3A_232 = arith.index_cast %swap3A_231 : i32 to index
    %swap3A_233 = arith.constant 96 : index
    %swap3A_234 = tpu.vector_load %arg11[%swap3A_232, %swap3A_233] {strides = array<i32>} : memref<16x128xf32, #tpu.memory_space<vmem>>, vector<1x16xf32>,
    %swap3A_235 = vector.shape_cast %swap3A_234 : vector<1x16xf32> to vector<16xf32>
    %swap3A_236 = vector.shape_cast %broadcast_in_dim3A_1 : vector<16xf32> to vector<1x16xf32>
    tpu.vector_store %arg11[%swap3A_232, %swap3A_233], %swap3A_236 {strides = array<i32>} : memref<16x128xf32, #tpu.memory_space<vmem>>, vector<1x16xf32>,
    %swap3A_237 = arith.constant 4 : i32
    %swap3A_238 = arith.index_cast %swap3A_237 : i32 to index
    %swap3A_239 = arith.constant 112 : index
    %swap3A_240 = tpu.vector_load %arg11[%swap3A_238, %swap3A_239] {strides = array<i32>} : memref<16x128xf32, #tpu.memory_space<vmem>>, vector<1x16xf32>,
    %swap3A_241 = vector.shape_cast %swap3A_240 : vector<1x16xf32> to vector<16xf32>
    %swap3A_242 = vector.shape_cast %broadcast_in_dim3A_1 : vector<16xf32> to vector<1x16xf32>
    tpu.vector_store %arg11[%swap3A_238, %swap3A_239], %swap3A_242 {strides = array<i32>} : memref<16x128xf32, #tpu.memory_space<vmem>>, vector<1x16xf32>,
    %swap3A_243 = arith.constant 5 : i32
    %swap3A_244 = arith.index_cast %swap3A_243 : i32 to index
    %swap3A_245 = arith.constant 0 : index
    %swap3A_246 = tpu.vector_load %arg11[%swap3A_244, %swap3A_245] {strides = array<i32>} : memref<16x128xf32, #tpu.memory_space<vmem>>, vector<1x16xf32>,
    %swap3A_247 = vector.shape_cast %swap3A_246 : vector<1x16xf32> to vector<16xf32>
    %swap3A_248 = vector.shape_cast %broadcast_in_dim3A_1 : vector<16xf32> to vector<1x16xf32>
    tpu.vector_store %arg11[%swap3A_244, %swap3A_245], %swap3A_248 {strides = array<i32>} : memref<16x128xf32, #tpu.memory_space<vmem>>, vector<1x16xf32>,
    %swap3A_249 = arith.constant 5 : i32
    %swap3A_250 = arith.index_cast %swap3A_249 : i32 to index
    %swap3A_251 = arith.constant 16 : index
    %swap3A_252 = tpu.vector_load %arg11[%swap3A_250, %swap3A_251] {strides = array<i32>} : memref<16x128xf32, #tpu.memory_space<vmem>>, vector<1x16xf32>,
    %swap3A_253 = vector.shape_cast %swap3A_252 : vector<1x16xf32> to vector<16xf32>
    %swap3A_254 = vector.shape_cast %broadcast_in_dim3A_1 : vector<16xf32> to vector<1x16xf32>
    tpu.vector_store %arg11[%swap3A_250, %swap3A_251], %swap3A_254 {strides = array<i32>} : memref<16x128xf32, #tpu.memory_space<vmem>>, vector<1x16xf32>,
    %swap3A_255 = arith.constant 5 : i32
    %swap3A_256 = arith.index_cast %swap3A_255 : i32 to index
    %swap3A_257 = arith.constant 32 : index
    %swap3A_258 = tpu.vector_load %arg11[%swap3A_256, %swap3A_257] {strides = array<i32>} : memref<16x128xf32, #tpu.memory_space<vmem>>, vector<1x16xf32>,
    %swap3A_259 = vector.shape_cast %swap3A_258 : vector<1x16xf32> to vector<16xf32>
    %swap3A_260 = vector.shape_cast %broadcast_in_dim3A_1 : vector<16xf32> to vector<1x16xf32>
    tpu.vector_store %arg11[%swap3A_256, %swap3A_257], %swap3A_260 {strides = array<i32>} : memref<16x128xf32, #tpu.memory_space<vmem>>, vector<1x16xf32>,
    %swap3A_261 = arith.constant 5 : i32
    %swap3A_262 = arith.index_cast %swap3A_261 : i32 to index
    %swap3A_263 = arith.constant 48 : index
    %swap3A_264 = tpu.vector_load %arg11[%swap3A_262, %swap3A_263] {strides = array<i32>} : memref<16x128xf32, #tpu.memory_space<vmem>>, vector<1x16xf32>,
    %swap3A_265 = vector.shape_cast %swap3A_264 : vector<1x16xf32> to vector<16xf32>
    %swap3A_266 = vector.shape_cast %broadcast_in_dim3A_1 : vector<16xf32> to vector<1x16xf32>
    tpu.vector_store %arg11[%swap3A_262, %swap3A_263], %swap3A_266 {strides = array<i32>} : memref<16x128xf32, #tpu.memory_space<vmem>>, vector<1x16xf32>,
    %swap3A_267 = arith.constant 5 : i32
    %swap3A_268 = arith.index_cast %swap3A_267 : i32 to index
    %swap3A_269 = arith.constant 64 : index
    %swap3A_270 = tpu.vector_load %arg11[%swap3A_268, %swap3A_269] {strides = array<i32>} : memref<16x128xf32, #tpu.memory_space<vmem>>, vector<1x16xf32>,
    %swap3A_271 = vector.shape_cast %swap3A_270 : vector<1x16xf32> to vector<16xf32>
    %swap3A_272 = vector.shape_cast %broadcast_in_dim3A_1 : vector<16xf32> to vector<1x16xf32>
    tpu.vector_store %arg11[%swap3A_268, %swap3A_269], %swap3A_272 {strides = array<i32>} : memref<16x128xf32, #tpu.memory_space<vmem>>, vector<1x16xf32>,
    %swap3A_273 = arith.constant 5 : i32
    %swap3A_274 = arith.index_cast %swap3A_273 : i32 to index
    %swap3A_275 = arith.constant 80 : index
    %swap3A_276 = tpu.vector_load %arg11[%swap3A_274, %swap3A_275] {strides = array<i32>} : memref<16x128xf32, #tpu.memory_space<vmem>>, vector<1x16xf32>,
    %swap3A_277 = vector.shape_cast %swap3A_276 : vector<1x16xf32> to vector<16xf32>
    %swap3A_278 = vector.shape_cast %broadcast_in_dim3A_1 : vector<16xf32> to vector<1x16xf32>
    tpu.vector_store %arg11[%swap3A_274, %swap3A_275], %swap3A_278 {strides = array<i32>} : memref<16x128xf32, #tpu.memory_space<vmem>>, vector<1x16xf32>,
    %swap3A_279 = arith.constant 5 : i32
    %swap3A_280 = arith.index_cast %swap3A_279 : i32 to index
    %swap3A_281 = arith.constant 96 : index
    %swap3A_282 = tpu.vector_load %arg11[%swap3A_280, %swap3A_281] {strides = array<i32>} : memref<16x128xf32, #tpu.memory_space<vmem>>, vector<1x16xf32>,
    %swap3A_283 = vector.shape_cast %swap3A_282 : vector<1x16xf32> to vector<16xf32>
    %swap3A_284 = vector.shape_cast %broadcast_in_dim3A_1 : vector<16xf32> to vector<1x16xf32>
    tpu.vector_store %arg11[%swap3A_280, %swap3A_281], %swap3A_284 {strides = array<i32>} : memref<16x128xf32, #tpu.memory_space<vmem>>, vector<1x16xf32>,
    %swap3A_285 = arith.constant 5 : i32
    %swap3A_286 = arith.index_cast %swap3A_285 : i32 to index
    %swap3A_287 = arith.constant 112 : index
    %swap3A_288 = tpu.vector_load %arg11[%swap3A_286, %swap3A_287] {strides = array<i32>} : memref<16x128xf32, #tpu.memory_space<vmem>>, vector<1x16xf32>,
    %swap3A_289 = vector.shape_cast %swap3A_288 : vector<1x16xf32> to vector<16xf32>
    %swap3A_290 = vector.shape_cast %broadcast_in_dim3A_1 : vector<16xf32> to vector<1x16xf32>
    tpu.vector_store %arg11[%swap3A_286, %swap3A_287], %swap3A_290 {strides = array<i32>} : memref<16x128xf32, #tpu.memory_space<vmem>>, vector<1x16xf32>,
    %swap3A_291 = arith.constant 6 : i32
    %swap3A_292 = arith.index_cast %swap3A_291 : i32 to index
    %swap3A_293 = arith.constant 0 : index
    %swap3A_294 = tpu.vector_load %arg11[%swap3A_292, %swap3A_293] {strides = array<i32>} : memref<16x128xf32, #tpu.memory_space<vmem>>, vector<1x16xf32>,
    %swap3A_295 = vector.shape_cast %swap3A_294 : vector<1x16xf32> to vector<16xf32>
    %swap3A_296 = vector.shape_cast %broadcast_in_dim3A_1 : vector<16xf32> to vector<1x16xf32>
    tpu.vector_store %arg11[%swap3A_292, %swap3A_293], %swap3A_296 {strides = array<i32>} : memref<16x128xf32, #tpu.memory_space<vmem>>, vector<1x16xf32>,
    %swap3A_297 = arith.constant 6 : i32
    %swap3A_298 = arith.index_cast %swap3A_297 : i32 to index
    %swap3A_299 = arith.constant 16 : index
    %swap3A_300 = tpu.vector_load %arg11[%swap3A_298, %swap3A_299] {strides = array<i32>} : memref<16x128xf32, #tpu.memory_space<vmem>>, vector<1x16xf32>,
    %swap3A_301 = vector.shape_cast %swap3A_300 : vector<1x16xf32> to vector<16xf32>
    %swap3A_302 = vector.shape_cast %broadcast_in_dim3A_1 : vector<16xf32> to vector<1x16xf32>
    tpu.vector_store %arg11[%swap3A_298, %swap3A_299], %swap3A_302 {strides = array<i32>} : memref<16x128xf32, #tpu.memory_space<vmem>>, vector<1x16xf32>,
    %swap3A_303 = arith.constant 6 : i32
    %swap3A_304 = arith.index_cast %swap3A_303 : i32 to index
    %swap3A_305 = arith.constant 32 : index
    %swap3A_306 = tpu.vector_load %arg11[%swap3A_304, %swap3A_305] {strides = array<i32>} : memref<16x128xf32, #tpu.memory_space<vmem>>, vector<1x16xf32>,
    %swap3A_307 = vector.shape_cast %swap3A_306 : vector<1x16xf32> to vector<16xf32>
    %swap3A_308 = vector.shape_cast %broadcast_in_dim3A_1 : vector<16xf32> to vector<1x16xf32>
    tpu.vector_store %arg11[%swap3A_304, %swap3A_305], %swap3A_308 {strides = array<i32>} : memref<16x128xf32, #tpu.memory_space<vmem>>, vector<1x16xf32>,
    %swap3A_309 = arith.constant 6 : i32
    %swap3A_310 = arith.index_cast %swap3A_309 : i32 to index
    %swap3A_311 = arith.constant 48 : index
    %swap3A_312 = tpu.vector_load %arg11[%swap3A_310, %swap3A_311] {strides = array<i32>} : memref<16x128xf32, #tpu.memory_space<vmem>>, vector<1x16xf32>,
    %swap3A_313 = vector.shape_cast %swap3A_312 : vector<1x16xf32> to vector<16xf32>
    %swap3A_314 = vector.shape_cast %broadcast_in_dim3A_1 : vector<16xf32> to vector<1x16xf32>
    tpu.vector_store %arg11[%swap3A_310, %swap3A_311], %swap3A_314 {strides = array<i32>} : memref<16x128xf32, #tpu.memory_space<vmem>>, vector<1x16xf32>,
    %swap3A_315 = arith.constant 6 : i32
    %swap3A_316 = arith.index_cast %swap3A_315 : i32 to index
    %swap3A_317 = arith.constant 64 : index
    %swap3A_318 = tpu.vector_load %arg11[%swap3A_316, %swap3A_317] {strides = array<i32>} : memref<16x128xf32, #tpu.memory_space<vmem>>, vector<1x16xf32>,
    %swap3A_319 = vector.shape_cast %swap3A_318 : vector<1x16xf32> to vector<16xf32>
    %swap3A_320 = vector.shape_cast %broadcast_in_dim3A_1 : vector<16xf32> to vector<1x16xf32>
    tpu.vector_store %arg11[%swap3A_316, %swap3A_317], %swap3A_320 {strides = array<i32>} : memref<16x128xf32, #tpu.memory_space<vmem>>, vector<1x16xf32>,
    %swap3A_321 = arith.constant 6 : i32
    %swap3A_322 = arith.index_cast %swap3A_321 : i32 to index
    %swap3A_323 = arith.constant 80 : index
    %swap3A_324 = tpu.vector_load %arg11[%swap3A_322, %swap3A_323] {strides = array<i32>} : memref<16x128xf32, #tpu.memory_space<vmem>>, vector<1x16xf32>,
    %swap3A_325 = vector.shape_cast %swap3A_324 : vector<1x16xf32> to vector<16xf32>
    %swap3A_326 = vector.shape_cast %broadcast_in_dim3A_1 : vector<16xf32> to vector<1x16xf32>
    tpu.vector_store %arg11[%swap3A_322, %swap3A_323], %swap3A_326 {strides = array<i32>} : memref<16x128xf32, #tpu.memory_space<vmem>>, vector<1x16xf32>,
    %swap3A_327 = arith.constant 6 : i32
    %swap3A_328 = arith.index_cast %swap3A_327 : i32 to index
    %swap3A_329 = arith.constant 96 : index
    %swap3A_330 = tpu.vector_load %arg11[%swap3A_328, %swap3A_329] {strides = array<i32>} : memref<16x128xf32, #tpu.memory_space<vmem>>, vector<1x16xf32>,
    %swap3A_331 = vector.shape_cast %swap3A_330 : vector<1x16xf32> to vector<16xf32>
    %swap3A_332 = vector.shape_cast %broadcast_in_dim3A_1 : vector<16xf32> to vector<1x16xf32>
    tpu.vector_store %arg11[%swap3A_328, %swap3A_329], %swap3A_332 {strides = array<i32>} : memref<16x128xf32, #tpu.memory_space<vmem>>, vector<1x16xf32>,
    %swap3A_333 = arith.constant 6 : i32
    %swap3A_334 = arith.index_cast %swap3A_333 : i32 to index
    %swap3A_335 = arith.constant 112 : index
    %swap3A_336 = tpu.vector_load %arg11[%swap3A_334, %swap3A_335] {strides = array<i32>} : memref<16x128xf32, #tpu.memory_space<vmem>>, vector<1x16xf32>,
    %swap3A_337 = vector.shape_cast %swap3A_336 : vector<1x16xf32> to vector<16xf32>
    %swap3A_338 = vector.shape_cast %broadcast_in_dim3A_1 : vector<16xf32> to vector<1x16xf32>
    tpu.vector_store %arg11[%swap3A_334, %swap3A_335], %swap3A_338 {strides = array<i32>} : memref<16x128xf32, #tpu.memory_space<vmem>>, vector<1x16xf32>,
    %swap3A_339 = arith.constant 7 : i32
    %swap3A_340 = arith.index_cast %swap3A_339 : i32 to index
    %swap3A_341 = arith.constant 0 : index
    %swap3A_342 = tpu.vector_load %arg11[%swap3A_340, %swap3A_341] {strides = array<i32>} : memref<16x128xf32, #tpu.memory_space<vmem>>, vector<1x16xf32>,
    %swap3A_343 = vector.shape_cast %swap3A_342 : vector<1x16xf32> to vector<16xf32>
    %swap3A_344 = vector.shape_cast %broadcast_in_dim3A_1 : vector<16xf32> to vector<1x16xf32>
    tpu.vector_store %arg11[%swap3A_340, %swap3A_341], %swap3A_344 {strides = array<i32>} : memref<16x128xf32, #tpu.memory_space<vmem>>, vector<1x16xf32>,
    %swap3A_345 = arith.constant 7 : i32
    %swap3A_346 = arith.index_cast %swap3A_345 : i32 to index
    %swap3A_347 = arith.constant 16 : index
    %swap3A_348 = tpu.vector_load %arg11[%swap3A_346, %swap3A_347] {strides = array<i32>} : memref<16x128xf32, #tpu.memory_space<vmem>>, vector<1x16xf32>,
    %swap3A_349 = vector.shape_cast %swap3A_348 : vector<1x16xf32> to vector<16xf32>
    %swap3A_350 = vector.shape_cast %broadcast_in_dim3A_1 : vector<16xf32> to vector<1x16xf32>
    tpu.vector_store %arg11[%swap3A_346, %swap3A_347], %swap3A_350 {strides = array<i32>} : memref<16x128xf32, #tpu.memory_space<vmem>>, vector<1x16xf32>,
    %swap3A_351 = arith.constant 7 : i32
    %swap3A_352 = arith.index_cast %swap3A_351 : i32 to index
    %swap3A_353 = arith.constant 32 : index
    %swap3A_354 = tpu.vector_load %arg11[%swap3A_352, %swap3A_353] {strides = array<i32>} : memref<16x128xf32, #tpu.memory_space<vmem>>, vector<1x16xf32>,
    %swap3A_355 = vector.shape_cast %swap3A_354 : vector<1x16xf32> to vector<16xf32>
    %swap3A_356 = vector.shape_cast %broadcast_in_dim3A_1 : vector<16xf32> to vector<1x16xf32>
    tpu.vector_store %arg11[%swap3A_352, %swap3A_353], %swap3A_356 {strides = array<i32>} : memref<16x128xf32, #tpu.memory_space<vmem>>, vector<1x16xf32>,
    %swap3A_357 = arith.constant 7 : i32
    %swap3A_358 = arith.index_cast %swap3A_357 : i32 to index
    %swap3A_359 = arith.constant 48 : index
    %swap3A_360 = tpu.vector_load %arg11[%swap3A_358, %swap3A_359] {strides = array<i32>} : memref<16x128xf32, #tpu.memory_space<vmem>>, vector<1x16xf32>,
    %swap3A_361 = vector.shape_cast %swap3A_360 : vector<1x16xf32> to vector<16xf32>
    %swap3A_362 = vector.shape_cast %broadcast_in_dim3A_1 : vector<16xf32> to vector<1x16xf32>
    tpu.vector_store %arg11[%swap3A_358, %swap3A_359], %swap3A_362 {strides = array<i32>} : memref<16x128xf32, #tpu.memory_space<vmem>>, vector<1x16xf32>,
    %swap3A_363 = arith.constant 7 : i32
    %swap3A_364 = arith.index_cast %swap3A_363 : i32 to index
    %swap3A_365 = arith.constant 64 : index
    %swap3A_366 = tpu.vector_load %arg11[%swap3A_364, %swap3A_365] {strides = array<i32>} : memref<16x128xf32, #tpu.memory_space<vmem>>, vector<1x16xf32>,
    %swap3A_367 = vector.shape_cast %swap3A_366 : vector<1x16xf32> to vector<16xf32>
    %swap3A_368 = vector.shape_cast %broadcast_in_dim3A_1 : vector<16xf32> to vector<1x16xf32>
    tpu.vector_store %arg11[%swap3A_364, %swap3A_365], %swap3A_368 {strides = array<i32>} : memref<16x128xf32, #tpu.memory_space<vmem>>, vector<1x16xf32>,
    %swap3A_369 = arith.constant 7 : i32
    %swap3A_370 = arith.index_cast %swap3A_369 : i32 to index
    %swap3A_371 = arith.constant 80 : index
    %swap3A_372 = tpu.vector_load %arg11[%swap3A_370, %swap3A_371] {strides = array<i32>} : memref<16x128xf32, #tpu.memory_space<vmem>>, vector<1x16xf32>,
    %swap3A_373 = vector.shape_cast %swap3A_372 : vector<1x16xf32> to vector<16xf32>
    %swap3A_374 = vector.shape_cast %broadcast_in_dim3A_1 : vector<16xf32> to vector<1x16xf32>
    tpu.vector_store %arg11[%swap3A_370, %swap3A_371], %swap3A_374 {strides = array<i32>} : memref<16x128xf32, #tpu.memory_space<vmem>>, vector<1x16xf32>,
    %swap3A_375 = arith.constant 7 : i32
    %swap3A_376 = arith.index_cast %swap3A_375 : i32 to index
    %swap3A_377 = arith.constant 96 : index
    %swap3A_378 = tpu.vector_load %arg11[%swap3A_376, %swap3A_377] {strides = array<i32>} : memref<16x128xf32, #tpu.memory_space<vmem>>, vector<1x16xf32>,
    %swap3A_379 = vector.shape_cast %swap3A_378 : vector<1x16xf32> to vector<16xf32>
    %swap3A_380 = vector.shape_cast %broadcast_in_dim3A_1 : vector<16xf32> to vector<1x16xf32>
    tpu.vector_store %arg11[%swap3A_376, %swap3A_377], %swap3A_380 {strides = array<i32>} : memref<16x128xf32, #tpu.memory_space<vmem>>, vector<1x16xf32>,
    %swap3A_381 = arith.constant 7 : i32
    %swap3A_382 = arith.index_cast %swap3A_381 : i32 to index
    %swap3A_383 = arith.constant 112 : index
    %swap3A_384 = tpu.vector_load %arg11[%swap3A_382, %swap3A_383] {strides = array<i32>} : memref<16x128xf32, #tpu.memory_space<vmem>>, vector<1x16xf32>,
    %swap3A_385 = vector.shape_cast %swap3A_384 : vector<1x16xf32> to vector<16xf32>
    %swap3A_386 = vector.shape_cast %broadcast_in_dim3A_1 : vector<16xf32> to vector<1x16xf32>
    tpu.vector_store %arg11[%swap3A_382, %swap3A_383], %swap3A_386 {strides = array<i32>} : memref<16x128xf32, #tpu.memory_space<vmem>>, vector<1x16xf32>,
    %swap3A_387 = arith.constant 8 : i32
    %swap3A_388 = arith.index_cast %swap3A_387 : i32 to index
    %swap3A_389 = arith.constant 0 : index
    %swap3A_390 = tpu.vector_load %arg11[%swap3A_388, %swap3A_389] {strides = array<i32>} : memref<16x128xf32, #tpu.memory_space<vmem>>, vector<1x16xf32>,
    %swap3A_391 = vector.shape_cast %swap3A_390 : vector<1x16xf32> to vector<16xf32>
    %swap3A_392 = vector.shape_cast %broadcast_in_dim3A_1 : vector<16xf32> to vector<1x16xf32>
    tpu.vector_store %arg11[%swap3A_388, %swap3A_389], %swap3A_392 {strides = array<i32>} : memref<16x128xf32, #tpu.memory_space<vmem>>, vector<1x16xf32>,
    %swap3A_393 = arith.constant 8 : i32
    %swap3A_394 = arith.index_cast %swap3A_393 : i32 to index
    %swap3A_395 = arith.constant 16 : index
    %swap3A_396 = tpu.vector_load %arg11[%swap3A_394, %swap3A_395] {strides = array<i32>} : memref<16x128xf32, #tpu.memory_space<vmem>>, vector<1x16xf32>,
    %swap3A_397 = vector.shape_cast %swap3A_396 : vector<1x16xf32> to vector<16xf32>
    %swap3A_398 = vector.shape_cast %broadcast_in_dim3A_1 : vector<16xf32> to vector<1x16xf32>
    tpu.vector_store %arg11[%swap3A_394, %swap3A_395], %swap3A_398 {strides = array<i32>} : memref<16x128xf32, #tpu.memory_space<vmem>>, vector<1x16xf32>,
    %swap3A_399 = arith.constant 8 : i32
    %swap3A_400 = arith.index_cast %swap3A_399 : i32 to index
    %swap3A_401 = arith.constant 32 : index
    %swap3A_402 = tpu.vector_load %arg11[%swap3A_400, %swap3A_401] {strides = array<i32>} : memref<16x128xf32, #tpu.memory_space<vmem>>, vector<1x16xf32>,
    %swap3A_403 = vector.shape_cast %swap3A_402 : vector<1x16xf32> to vector<16xf32>
    %swap3A_404 = vector.shape_cast %broadcast_in_dim3A_1 : vector<16xf32> to vector<1x16xf32>
    tpu.vector_store %arg11[%swap3A_400, %swap3A_401], %swap3A_404 {strides = array<i32>} : memref<16x128xf32, #tpu.memory_space<vmem>>, vector<1x16xf32>,
    %swap3A_405 = arith.constant 8 : i32
    %swap3A_406 = arith.index_cast %swap3A_405 : i32 to index
    %swap3A_407 = arith.constant 48 : index
    %swap3A_408 = tpu.vector_load %arg11[%swap3A_406, %swap3A_407] {strides = array<i32>} : memref<16x128xf32, #tpu.memory_space<vmem>>, vector<1x16xf32>,
    %swap3A_409 = vector.shape_cast %swap3A_408 : vector<1x16xf32> to vector<16xf32>
    %swap3A_410 = vector.shape_cast %broadcast_in_dim3A_1 : vector<16xf32> to vector<1x16xf32>
    tpu.vector_store %arg11[%swap3A_406, %swap3A_407], %swap3A_410 {strides = array<i32>} : memref<16x128xf32, #tpu.memory_space<vmem>>, vector<1x16xf32>,
    %swap3A_411 = arith.constant 8 : i32
    %swap3A_412 = arith.index_cast %swap3A_411 : i32 to index
    %swap3A_413 = arith.constant 64 : index
    %swap3A_414 = tpu.vector_load %arg11[%swap3A_412, %swap3A_413] {strides = array<i32>} : memref<16x128xf32, #tpu.memory_space<vmem>>, vector<1x16xf32>,
    %swap3A_415 = vector.shape_cast %swap3A_414 : vector<1x16xf32> to vector<16xf32>
    %swap3A_416 = vector.shape_cast %broadcast_in_dim3A_1 : vector<16xf32> to vector<1x16xf32>
    tpu.vector_store %arg11[%swap3A_412, %swap3A_413], %swap3A_416 {strides = array<i32>} : memref<16x128xf32, #tpu.memory_space<vmem>>, vector<1x16xf32>,
    %swap3A_417 = arith.constant 8 : i32
    %swap3A_418 = arith.index_cast %swap3A_417 : i32 to index
    %swap3A_419 = arith.constant 80 : index
    %swap3A_420 = tpu.vector_load %arg11[%swap3A_418, %swap3A_419] {strides = array<i32>} : memref<16x128xf32, #tpu.memory_space<vmem>>, vector<1x16xf32>,
    %swap3A_421 = vector.shape_cast %swap3A_420 : vector<1x16xf32> to vector<16xf32>
    %swap3A_422 = vector.shape_cast %broadcast_in_dim3A_1 : vector<16xf32> to vector<1x16xf32>
    tpu.vector_store %arg11[%swap3A_418, %swap3A_419], %swap3A_422 {strides = array<i32>} : memref<16x128xf32, #tpu.memory_space<vmem>>, vector<1x16xf32>,
    %swap3A_423 = arith.constant 8 : i32
    %swap3A_424 = arith.index_cast %swap3A_423 : i32 to index
    %swap3A_425 = arith.constant 96 : index
    %swap3A_426 = tpu.vector_load %arg11[%swap3A_424, %swap3A_425] {strides = array<i32>} : memref<16x128xf32, #tpu.memory_space<vmem>>, vector<1x16xf32>,
    %swap3A_427 = vector.shape_cast %swap3A_426 : vector<1x16xf32> to vector<16xf32>
    %swap3A_428 = vector.shape_cast %broadcast_in_dim3A_1 : vector<16xf32> to vector<1x16xf32>
    tpu.vector_store %arg11[%swap3A_424, %swap3A_425], %swap3A_428 {strides = array<i32>} : memref<16x128xf32, #tpu.memory_space<vmem>>, vector<1x16xf32>,
    %swap3A_429 = arith.constant 8 : i32
    %swap3A_430 = arith.index_cast %swap3A_429 : i32 to index
    %swap3A_431 = arith.constant 112 : index
    %swap3A_432 = tpu.vector_load %arg11[%swap3A_430, %swap3A_431] {strides = array<i32>} : memref<16x128xf32, #tpu.memory_space<vmem>>, vector<1x16xf32>,
    %swap3A_433 = vector.shape_cast %swap3A_432 : vector<1x16xf32> to vector<16xf32>
    %swap3A_434 = vector.shape_cast %broadcast_in_dim3A_1 : vector<16xf32> to vector<1x16xf32>
    tpu.vector_store %arg11[%swap3A_430, %swap3A_431], %swap3A_434 {strides = array<i32>} : memref<16x128xf32, #tpu.memory_space<vmem>>, vector<1x16xf32>,
    %swap3A_435 = arith.constant 9 : i32
    %swap3A_436 = arith.index_cast %swap3A_435 : i32 to index
    %swap3A_437 = arith.constant 0 : index
    %swap3A_438 = tpu.vector_load %arg11[%swap3A_436, %swap3A_437] {strides = array<i32>} : memref<16x128xf32, #tpu.memory_space<vmem>>, vector<1x16xf32>,
    %swap3A_439 = vector.shape_cast %swap3A_438 : vector<1x16xf32> to vector<16xf32>
    %swap3A_440 = vector.shape_cast %broadcast_in_dim3A_1 : vector<16xf32> to vector<1x16xf32>
    tpu.vector_store %arg11[%swap3A_436, %swap3A_437], %swap3A_440 {strides = array<i32>} : memref<16x128xf32, #tpu.memory_space<vmem>>, vector<1x16xf32>,
    %swap3A_441 = arith.constant 9 : i32
    %swap3A_442 = arith.index_cast %swap3A_441 : i32 to index
    %swap3A_443 = arith.constant 16 : index
    %swap3A_444 = tpu.vector_load %arg11[%swap3A_442, %swap3A_443] {strides = array<i32>} : memref<16x128xf32, #tpu.memory_space<vmem>>, vector<1x16xf32>,
    %swap3A_445 = vector.shape_cast %swap3A_444 : vector<1x16xf32> to vector<16xf32>
    %swap3A_446 = vector.shape_cast %broadcast_in_dim3A_1 : vector<16xf32> to vector<1x16xf32>
    tpu.vector_store %arg11[%swap3A_442, %swap3A_443], %swap3A_446 {strides = array<i32>} : memref<16x128xf32, #tpu.memory_space<vmem>>, vector<1x16xf32>,
    %swap3A_447 = arith.constant 9 : i32
    %swap3A_448 = arith.index_cast %swap3A_447 : i32 to index
    %swap3A_449 = arith.constant 32 : index
    %swap3A_450 = tpu.vector_load %arg11[%swap3A_448, %swap3A_449] {strides = array<i32>} : memref<16x128xf32, #tpu.memory_space<vmem>>, vector<1x16xf32>,
    %swap3A_451 = vector.shape_cast %swap3A_450 : vector<1x16xf32> to vector<16xf32>
    %swap3A_452 = vector.shape_cast %broadcast_in_dim3A_1 : vector<16xf32> to vector<1x16xf32>
    tpu.vector_store %arg11[%swap3A_448, %swap3A_449], %swap3A_452 {strides = array<i32>} : memref<16x128xf32, #tpu.memory_space<vmem>>, vector<1x16xf32>,
    %swap3A_453 = arith.constant 9 : i32
    %swap3A_454 = arith.index_cast %swap3A_453 : i32 to index
    %swap3A_455 = arith.constant 48 : index
    %swap3A_456 = tpu.vector_load %arg11[%swap3A_454, %swap3A_455] {strides = array<i32>} : memref<16x128xf32, #tpu.memory_space<vmem>>, vector<1x16xf32>,
    %swap3A_457 = vector.shape_cast %swap3A_456 : vector<1x16xf32> to vector<16xf32>
    %swap3A_458 = vector.shape_cast %broadcast_in_dim3A_1 : vector<16xf32> to vector<1x16xf32>
    tpu.vector_store %arg11[%swap3A_454, %swap3A_455], %swap3A_458 {strides = array<i32>} : memref<16x128xf32, #tpu.memory_space<vmem>>, vector<1x16xf32>,
    %swap3A_459 = arith.constant 9 : i32
    %swap3A_460 = arith.index_cast %swap3A_459 : i32 to index
    %swap3A_461 = arith.constant 64 : index
    %swap3A_462 = tpu.vector_load %arg11[%swap3A_460, %swap3A_461] {strides = array<i32>} : memref<16x128xf32, #tpu.memory_space<vmem>>, vector<1x16xf32>,
    %swap3A_463 = vector.shape_cast %swap3A_462 : vector<1x16xf32> to vector<16xf32>
    %swap3A_464 = vector.shape_cast %broadcast_in_dim3A_1 : vector<16xf32> to vector<1x16xf32>
    tpu.vector_store %arg11[%swap3A_460, %swap3A_461], %swap3A_464 {strides = array<i32>} : memref<16x128xf32, #tpu.memory_space<vmem>>, vector<1x16xf32>,
    %swap3A_465 = arith.constant 9 : i32
    %swap3A_466 = arith.index_cast %swap3A_465 : i32 to index
    %swap3A_467 = arith.constant 80 : index
    %swap3A_468 = tpu.vector_load %arg11[%swap3A_466, %swap3A_467] {strides = array<i32>} : memref<16x128xf32, #tpu.memory_space<vmem>>, vector<1x16xf32>,
    %swap3A_469 = vector.shape_cast %swap3A_468 : vector<1x16xf32> to vector<16xf32>
    %swap3A_470 = vector.shape_cast %broadcast_in_dim3A_1 : vector<16xf32> to vector<1x16xf32>
    tpu.vector_store %arg11[%swap3A_466, %swap3A_467], %swap3A_470 {strides = array<i32>} : memref<16x128xf32, #tpu.memory_space<vmem>>, vector<1x16xf32>,
    %swap3A_471 = arith.constant 9 : i32
    %swap3A_472 = arith.index_cast %swap3A_471 : i32 to index
    %swap3A_473 = arith.constant 96 : index
    %swap3A_474 = tpu.vector_load %arg11[%swap3A_472, %swap3A_473] {strides = array<i32>} : memref<16x128xf32, #tpu.memory_space<vmem>>, vector<1x16xf32>,
    %swap3A_475 = vector.shape_cast %swap3A_474 : vector<1x16xf32> to vector<16xf32>
    %swap3A_476 = vector.shape_cast %broadcast_in_dim3A_1 : vector<16xf32> to vector<1x16xf32>
    tpu.vector_store %arg11[%swap3A_472, %swap3A_473], %swap3A_476 {strides = array<i32>} : memref<16x128xf32, #tpu.memory_space<vmem>>, vector<1x16xf32>,
    %swap3A_477 = arith.constant 9 : i32
    %swap3A_478 = arith.index_cast %swap3A_477 : i32 to index
    %swap3A_479 = arith.constant 112 : index
    %swap3A_480 = tpu.vector_load %arg11[%swap3A_478, %swap3A_479] {strides = array<i32>} : memref<16x128xf32, #tpu.memory_space<vmem>>, vector<1x16xf32>,
    %swap3A_481 = vector.shape_cast %swap3A_480 : vector<1x16xf32> to vector<16xf32>
    %swap3A_482 = vector.shape_cast %broadcast_in_dim3A_1 : vector<16xf32> to vector<1x16xf32>
    tpu.vector_store %arg11[%swap3A_478, %swap3A_479], %swap3A_482 {strides = array<i32>} : memref<16x128xf32, #tpu.memory_space<vmem>>, vector<1x16xf32>,
    %swap3A_483 = arith.constant 10 : i32
    %swap3A_484 = arith.index_cast %swap3A_483 : i32 to index
    %swap3A_485 = arith.constant 0 : index
    %swap3A_486 = tpu.vector_load %arg11[%swap3A_484, %swap3A_485] {strides = array<i32>} : memref<16x128xf32, #tpu.memory_space<vmem>>, vector<1x16xf32>,
    %swap3A_487 = vector.shape_cast %swap3A_486 : vector<1x16xf32> to vector<16xf32>
    %swap3A_488 = vector.shape_cast %broadcast_in_dim3A_1 : vector<16xf32> to vector<1x16xf32>
    tpu.vector_store %arg11[%swap3A_484, %swap3A_485], %swap3A_488 {strides = array<i32>} : memref<16x128xf32, #tpu.memory_space<vmem>>, vector<1x16xf32>,
    %swap3A_489 = arith.constant 10 : i32
    %swap3A_490 = arith.index_cast %swap3A_489 : i32 to index
    %swap3A_491 = arith.constant 16 : index
    %swap3A_492 = tpu.vector_load %arg11[%swap3A_490, %swap3A_491] {strides = array<i32>} : memref<16x128xf32, #tpu.memory_space<vmem>>, vector<1x16xf32>,
    %swap3A_493 = vector.shape_cast %swap3A_492 : vector<1x16xf32> to vector<16xf32>
    %swap3A_494 = vector.shape_cast %broadcast_in_dim3A_1 : vector<16xf32> to vector<1x16xf32>
    tpu.vector_store %arg11[%swap3A_490, %swap3A_491], %swap3A_494 {strides = array<i32>} : memref<16x128xf32, #tpu.memory_space<vmem>>, vector<1x16xf32>,
    %swap3A_495 = arith.constant 10 : i32
    %swap3A_496 = arith.index_cast %swap3A_495 : i32 to index
    %swap3A_497 = arith.constant 32 : index
    %swap3A_498 = tpu.vector_load %arg11[%swap3A_496, %swap3A_497] {strides = array<i32>} : memref<16x128xf32, #tpu.memory_space<vmem>>, vector<1x16xf32>,
    %swap3A_499 = vector.shape_cast %swap3A_498 : vector<1x16xf32> to vector<16xf32>
    %swap3A_500 = vector.shape_cast %broadcast_in_dim3A_1 : vector<16xf32> to vector<1x16xf32>
    tpu.vector_store %arg11[%swap3A_496, %swap3A_497], %swap3A_500 {strides = array<i32>} : memref<16x128xf32, #tpu.memory_space<vmem>>, vector<1x16xf32>,
    %swap3A_501 = arith.constant 10 : i32
    %swap3A_502 = arith.index_cast %swap3A_501 : i32 to index
    %swap3A_503 = arith.constant 48 : index
    %swap3A_504 = tpu.vector_load %arg11[%swap3A_502, %swap3A_503] {strides = array<i32>} : memref<16x128xf32, #tpu.memory_space<vmem>>, vector<1x16xf32>,
    %swap3A_505 = vector.shape_cast %swap3A_504 : vector<1x16xf32> to vector<16xf32>
    %swap3A_506 = vector.shape_cast %broadcast_in_dim3A_1 : vector<16xf32> to vector<1x16xf32>
    tpu.vector_store %arg11[%swap3A_502, %swap3A_503], %swap3A_506 {strides = array<i32>} : memref<16x128xf32, #tpu.memory_space<vmem>>, vector<1x16xf32>,
    %swap3A_507 = arith.constant 10 : i32
    %swap3A_508 = arith.index_cast %swap3A_507 : i32 to index
    %swap3A_509 = arith.constant 64 : index
    %swap3A_510 = tpu.vector_load %arg11[%swap3A_508, %swap3A_509] {strides = array<i32>} : memref<16x128xf32, #tpu.memory_space<vmem>>, vector<1x16xf32>,
    %swap3A_511 = vector.shape_cast %swap3A_510 : vector<1x16xf32> to vector<16xf32>
    %swap3A_512 = vector.shape_cast %broadcast_in_dim3A_1 : vector<16xf32> to vector<1x16xf32>
    tpu.vector_store %arg11[%swap3A_508, %swap3A_509], %swap3A_512 {strides = array<i32>} : memref<16x128xf32, #tpu.memory_space<vmem>>, vector<1x16xf32>,
    %swap3A_513 = arith.constant 10 : i32
    %swap3A_514 = arith.index_cast %swap3A_513 : i32 to index
    %swap3A_515 = arith.constant 80 : index
    %swap3A_516 = tpu.vector_load %arg11[%swap3A_514, %swap3A_515] {strides = array<i32>} : memref<16x128xf32, #tpu.memory_space<vmem>>, vector<1x16xf32>,
    %swap3A_517 = vector.shape_cast %swap3A_516 : vector<1x16xf32> to vector<16xf32>
    %swap3A_518 = vector.shape_cast %broadcast_in_dim3A_1 : vector<16xf32> to vector<1x16xf32>
    tpu.vector_store %arg11[%swap3A_514, %swap3A_515], %swap3A_518 {strides = array<i32>} : memref<16x128xf32, #tpu.memory_space<vmem>>, vector<1x16xf32>,
    %swap3A_519 = arith.constant 10 : i32
    %swap3A_520 = arith.index_cast %swap3A_519 : i32 to index
    %swap3A_521 = arith.constant 96 : index
    %swap3A_522 = tpu.vector_load %arg11[%swap3A_520, %swap3A_521] {strides = array<i32>} : memref<16x128xf32, #tpu.memory_space<vmem>>, vector<1x16xf32>,
    %swap3A_523 = vector.shape_cast %swap3A_522 : vector<1x16xf32> to vector<16xf32>
    %swap3A_524 = vector.shape_cast %broadcast_in_dim3A_1 : vector<16xf32> to vector<1x16xf32>
    tpu.vector_store %arg11[%swap3A_520, %swap3A_521], %swap3A_524 {strides = array<i32>} : memref<16x128xf32, #tpu.memory_space<vmem>>, vector<1x16xf32>,
    %swap3A_525 = arith.constant 10 : i32
    %swap3A_526 = arith.index_cast %swap3A_525 : i32 to index
    %swap3A_527 = arith.constant 112 : index
    %swap3A_528 = tpu.vector_load %arg11[%swap3A_526, %swap3A_527] {strides = array<i32>} : memref<16x128xf32, #tpu.memory_space<vmem>>, vector<1x16xf32>,
    %swap3A_529 = vector.shape_cast %swap3A_528 : vector<1x16xf32> to vector<16xf32>
    %swap3A_530 = vector.shape_cast %broadcast_in_dim3A_1 : vector<16xf32> to vector<1x16xf32>
    tpu.vector_store %arg11[%swap3A_526, %swap3A_527], %swap3A_530 {strides = array<i32>} : memref<16x128xf32, #tpu.memory_space<vmem>>, vector<1x16xf32>,
    %swap3A_531 = arith.constant 11 : i32
    %swap3A_532 = arith.index_cast %swap3A_531 : i32 to index
    %swap3A_533 = arith.constant 0 : index
    %swap3A_534 = tpu.vector_load %arg11[%swap3A_532, %swap3A_533] {strides = array<i32>} : memref<16x128xf32, #tpu.memory_space<vmem>>, vector<1x16xf32>,
    %swap3A_535 = vector.shape_cast %swap3A_534 : vector<1x16xf32> to vector<16xf32>
    %swap3A_536 = vector.shape_cast %broadcast_in_dim3A_1 : vector<16xf32> to vector<1x16xf32>
    tpu.vector_store %arg11[%swap3A_532, %swap3A_533], %swap3A_536 {strides = array<i32>} : memref<16x128xf32, #tpu.memory_space<vmem>>, vector<1x16xf32>,
    %swap3A_537 = arith.constant 11 : i32
    %swap3A_538 = arith.index_cast %swap3A_537 : i32 to index
    %swap3A_539 = arith.constant 16 : index
    %swap3A_540 = tpu.vector_load %arg11[%swap3A_538, %swap3A_539] {strides = array<i32>} : memref<16x128xf32, #tpu.memory_space<vmem>>, vector<1x16xf32>,
    %swap3A_541 = vector.shape_cast %swap3A_540 : vector<1x16xf32> to vector<16xf32>
    %swap3A_542 = vector.shape_cast %broadcast_in_dim3A_1 : vector<16xf32> to vector<1x16xf32>
    tpu.vector_store %arg11[%swap3A_538, %swap3A_539], %swap3A_542 {strides = array<i32>} : memref<16x128xf32, #tpu.memory_space<vmem>>, vector<1x16xf32>,
    %swap3A_543 = arith.constant 11 : i32
    %swap3A_544 = arith.index_cast %swap3A_543 : i32 to index
    %swap3A_545 = arith.constant 32 : index
    %swap3A_546 = tpu.vector_load %arg11[%swap3A_544, %swap3A_545] {strides = array<i32>} : memref<16x128xf32, #tpu.memory_space<vmem>>, vector<1x16xf32>,
    %swap3A_547 = vector.shape_cast %swap3A_546 : vector<1x16xf32> to vector<16xf32>
    %swap3A_548 = vector.shape_cast %broadcast_in_dim3A_1 : vector<16xf32> to vector<1x16xf32>
    tpu.vector_store %arg11[%swap3A_544, %swap3A_545], %swap3A_548 {strides = array<i32>} : memref<16x128xf32, #tpu.memory_space<vmem>>, vector<1x16xf32>,
    %swap3A_549 = arith.constant 11 : i32
    %swap3A_550 = arith.index_cast %swap3A_549 : i32 to index
    %swap3A_551 = arith.constant 48 : index
    %swap3A_552 = tpu.vector_load %arg11[%swap3A_550, %swap3A_551] {strides = array<i32>} : memref<16x128xf32, #tpu.memory_space<vmem>>, vector<1x16xf32>,
    %swap3A_553 = vector.shape_cast %swap3A_552 : vector<1x16xf32> to vector<16xf32>
    %swap3A_554 = vector.shape_cast %broadcast_in_dim3A_1 : vector<16xf32> to vector<1x16xf32>
    tpu.vector_store %arg11[%swap3A_550, %swap3A_551], %swap3A_554 {strides = array<i32>} : memref<16x128xf32, #tpu.memory_space<vmem>>, vector<1x16xf32>,
    %swap3A_555 = arith.constant 11 : i32
    %swap3A_556 = arith.index_cast %swap3A_555 : i32 to index
    %swap3A_557 = arith.constant 64 : index
    %swap3A_558 = tpu.vector_load %arg11[%swap3A_556, %swap3A_557] {strides = array<i32>} : memref<16x128xf32, #tpu.memory_space<vmem>>, vector<1x16xf32>,
    %swap3A_559 = vector.shape_cast %swap3A_558 : vector<1x16xf32> to vector<16xf32>
    %swap3A_560 = vector.shape_cast %broadcast_in_dim3A_1 : vector<16xf32> to vector<1x16xf32>
    tpu.vector_store %arg11[%swap3A_556, %swap3A_557], %swap3A_560 {strides = array<i32>} : memref<16x128xf32, #tpu.memory_space<vmem>>, vector<1x16xf32>,
    %swap3A_561 = arith.constant 11 : i32
    %swap3A_562 = arith.index_cast %swap3A_561 : i32 to index
    %swap3A_563 = arith.constant 80 : index
    %swap3A_564 = tpu.vector_load %arg11[%swap3A_562, %swap3A_563] {strides = array<i32>} : memref<16x128xf32, #tpu.memory_space<vmem>>, vector<1x16xf32>,
    %swap3A_565 = vector.shape_cast %swap3A_564 : vector<1x16xf32> to vector<16xf32>
    %swap3A_566 = vector.shape_cast %broadcast_in_dim3A_1 : vector<16xf32> to vector<1x16xf32>
    tpu.vector_store %arg11[%swap3A_562, %swap3A_563], %swap3A_566 {strides = array<i32>} : memref<16x128xf32, #tpu.memory_space<vmem>>, vector<1x16xf32>,
    %swap3A_567 = arith.constant 11 : i32
    %swap3A_568 = arith.index_cast %swap3A_567 : i32 to index
    %swap3A_569 = arith.constant 96 : index
    %swap3A_570 = tpu.vector_load %arg11[%swap3A_568, %swap3A_569] {strides = array<i32>} : memref<16x128xf32, #tpu.memory_space<vmem>>, vector<1x16xf32>,
    %swap3A_571 = vector.shape_cast %swap3A_570 : vector<1x16xf32> to vector<16xf32>
    %swap3A_572 = vector.shape_cast %broadcast_in_dim3A_1 : vector<16xf32> to vector<1x16xf32>
    tpu.vector_store %arg11[%swap3A_568, %swap3A_569], %swap3A_572 {strides = array<i32>} : memref<16x128xf32, #tpu.memory_space<vmem>>, vector<1x16xf32>,
    %swap3A_573 = arith.constant 11 : i32
    %swap3A_574 = arith.index_cast %swap3A_573 : i32 to index
    %swap3A_575 = arith.constant 112 : index
    %swap3A_576 = tpu.vector_load %arg11[%swap3A_574, %swap3A_575] {strides = array<i32>} : memref<16x128xf32, #tpu.memory_space<vmem>>, vector<1x16xf32>,
    %swap3A_577 = vector.shape_cast %swap3A_576 : vector<1x16xf32> to vector<16xf32>
    %swap3A_578 = vector.shape_cast %broadcast_in_dim3A_1 : vector<16xf32> to vector<1x16xf32>
    tpu.vector_store %arg11[%swap3A_574, %swap3A_575], %swap3A_578 {strides = array<i32>} : memref<16x128xf32, #tpu.memory_space<vmem>>, vector<1x16xf32>,
    %swap3A_579 = arith.constant 12 : i32
    %swap3A_580 = arith.index_cast %swap3A_579 : i32 to index
    %swap3A_581 = arith.constant 0 : index
    %swap3A_582 = tpu.vector_load %arg11[%swap3A_580, %swap3A_581] {strides = array<i32>} : memref<16x128xf32, #tpu.memory_space<vmem>>, vector<1x16xf32>,
    %swap3A_583 = vector.shape_cast %swap3A_582 : vector<1x16xf32> to vector<16xf32>
    %swap3A_584 = vector.shape_cast %broadcast_in_dim3A_1 : vector<16xf32> to vector<1x16xf32>
    tpu.vector_store %arg11[%swap3A_580, %swap3A_581], %swap3A_584 {strides = array<i32>} : memref<16x128xf32, #tpu.memory_space<vmem>>, vector<1x16xf32>,
    %swap3A_585 = arith.constant 12 : i32
    %swap3A_586 = arith.index_cast %swap3A_585 : i32 to index
    %swap3A_587 = arith.constant 16 : index
    %swap3A_588 = tpu.vector_load %arg11[%swap3A_586, %swap3A_587] {strides = array<i32>} : memref<16x128xf32, #tpu.memory_space<vmem>>, vector<1x16xf32>,
    %swap3A_589 = vector.shape_cast %swap3A_588 : vector<1x16xf32> to vector<16xf32>
    %swap3A_590 = vector.shape_cast %broadcast_in_dim3A_1 : vector<16xf32> to vector<1x16xf32>
    tpu.vector_store %arg11[%swap3A_586, %swap3A_587], %swap3A_590 {strides = array<i32>} : memref<16x128xf32, #tpu.memory_space<vmem>>, vector<1x16xf32>,
    %swap3A_591 = arith.constant 12 : i32
    %swap3A_592 = arith.index_cast %swap3A_591 : i32 to index
    %swap3A_593 = arith.constant 32 : index
    %swap3A_594 = tpu.vector_load %arg11[%swap3A_592, %swap3A_593] {strides = array<i32>} : memref<16x128xf32, #tpu.memory_space<vmem>>, vector<1x16xf32>,
    %swap3A_595 = vector.shape_cast %swap3A_594 : vector<1x16xf32> to vector<16xf32>
    %swap3A_596 = vector.shape_cast %broadcast_in_dim3A_1 : vector<16xf32> to vector<1x16xf32>
    tpu.vector_store %arg11[%swap3A_592, %swap3A_593], %swap3A_596 {strides = array<i32>} : memref<16x128xf32, #tpu.memory_space<vmem>>, vector<1x16xf32>,
    %swap3A_597 = arith.constant 12 : i32
    %swap3A_598 = arith.index_cast %swap3A_597 : i32 to index
    %swap3A_599 = arith.constant 48 : index
    %swap3A_600 = tpu.vector_load %arg11[%swap3A_598, %swap3A_599] {strides = array<i32>} : memref<16x128xf32, #tpu.memory_space<vmem>>, vector<1x16xf32>,
    %swap3A_601 = vector.shape_cast %swap3A_600 : vector<1x16xf32> to vector<16xf32>
    %swap3A_602 = vector.shape_cast %broadcast_in_dim3A_1 : vector<16xf32> to vector<1x16xf32>
    tpu.vector_store %arg11[%swap3A_598, %swap3A_599], %swap3A_602 {strides = array<i32>} : memref<16x128xf32, #tpu.memory_space<vmem>>, vector<1x16xf32>,
    %swap3A_603 = arith.constant 12 : i32
    %swap3A_604 = arith.index_cast %swap3A_603 : i32 to index
    %swap3A_605 = arith.constant 64 : index
    %swap3A_606 = tpu.vector_load %arg11[%swap3A_604, %swap3A_605] {strides = array<i32>} : memref<16x128xf32, #tpu.memory_space<vmem>>, vector<1x16xf32>,
    %swap3A_607 = vector.shape_cast %swap3A_606 : vector<1x16xf32> to vector<16xf32>
    %swap3A_608 = vector.shape_cast %broadcast_in_dim3A_1 : vector<16xf32> to vector<1x16xf32>
    tpu.vector_store %arg11[%swap3A_604, %swap3A_605], %swap3A_608 {strides = array<i32>} : memref<16x128xf32, #tpu.memory_space<vmem>>, vector<1x16xf32>,
    %swap3A_609 = arith.constant 12 : i32
    %swap3A_610 = arith.index_cast %swap3A_609 : i32 to index
    %swap3A_611 = arith.constant 80 : index
    %swap3A_612 = tpu.vector_load %arg11[%swap3A_610, %swap3A_611] {strides = array<i32>} : memref<16x128xf32, #tpu.memory_space<vmem>>, vector<1x16xf32>,
    %swap3A_613 = vector.shape_cast %swap3A_612 : vector<1x16xf32> to vector<16xf32>
    %swap3A_614 = vector.shape_cast %broadcast_in_dim3A_1 : vector<16xf32> to vector<1x16xf32>
    tpu.vector_store %arg11[%swap3A_610, %swap3A_611], %swap3A_614 {strides = array<i32>} : memref<16x128xf32, #tpu.memory_space<vmem>>, vector<1x16xf32>,
    %swap3A_615 = arith.constant 12 : i32
    %swap3A_616 = arith.index_cast %swap3A_615 : i32 to index
    %swap3A_617 = arith.constant 96 : index
    %swap3A_618 = tpu.vector_load %arg11[%swap3A_616, %swap3A_617] {strides = array<i32>} : memref<16x128xf32, #tpu.memory_space<vmem>>, vector<1x16xf32>,
    %swap3A_619 = vector.shape_cast %swap3A_618 : vector<1x16xf32> to vector<16xf32>
    %swap3A_620 = vector.shape_cast %broadcast_in_dim3A_1 : vector<16xf32> to vector<1x16xf32>
    tpu.vector_store %arg11[%swap3A_616, %swap3A_617], %swap3A_620 {strides = array<i32>} : memref<16x128xf32, #tpu.memory_space<vmem>>, vector<1x16xf32>,
    %swap3A_621 = arith.constant 12 : i32
    %swap3A_622 = arith.index_cast %swap3A_621 : i32 to index
    %swap3A_623 = arith.constant 112 : index
    %swap3A_624 = tpu.vector_load %arg11[%swap3A_622, %swap3A_623] {strides = array<i32>} : memref<16x128xf32, #tpu.memory_space<vmem>>, vector<1x16xf32>,
    %swap3A_625 = vector.shape_cast %swap3A_624 : vector<1x16xf32> to vector<16xf32>
    %swap3A_626 = vector.shape_cast %broadcast_in_dim3A_1 : vector<16xf32> to vector<1x16xf32>
    tpu.vector_store %arg11[%swap3A_622, %swap3A_623], %swap3A_626 {strides = array<i32>} : memref<16x128xf32, #tpu.memory_space<vmem>>, vector<1x16xf32>,
    %swap3A_627 = arith.constant 13 : i32
    %swap3A_628 = arith.index_cast %swap3A_627 : i32 to index
    %swap3A_629 = arith.constant 0 : index
    %swap3A_630 = tpu.vector_load %arg11[%swap3A_628, %swap3A_629] {strides = array<i32>} : memref<16x128xf32, #tpu.memory_space<vmem>>, vector<1x16xf32>,
    %swap3A_631 = vector.shape_cast %swap3A_630 : vector<1x16xf32> to vector<16xf32>
    %swap3A_632 = vector.shape_cast %broadcast_in_dim3A_1 : vector<16xf32> to vector<1x16xf32>
    tpu.vector_store %arg11[%swap3A_628, %swap3A_629], %swap3A_632 {strides = array<i32>} : memref<16x128xf32, #tpu.memory_space<vmem>>, vector<1x16xf32>,
    %swap3A_633 = arith.constant 13 : i32
    %swap3A_634 = arith.index_cast %swap3A_633 : i32 to index
    %swap3A_635 = arith.constant 16 : index
    %swap3A_636 = tpu.vector_load %arg11[%swap3A_634, %swap3A_635] {strides = array<i32>} : memref<16x128xf32, #tpu.memory_space<vmem>>, vector<1x16xf32>,
    %swap3A_637 = vector.shape_cast %swap3A_636 : vector<1x16xf32> to vector<16xf32>
    %swap3A_638 = vector.shape_cast %broadcast_in_dim3A_1 : vector<16xf32> to vector<1x16xf32>
    tpu.vector_store %arg11[%swap3A_634, %swap3A_635], %swap3A_638 {strides = array<i32>} : memref<16x128xf32, #tpu.memory_space<vmem>>, vector<1x16xf32>,
    %swap3A_639 = arith.constant 13 : i32
    %swap3A_640 = arith.index_cast %swap3A_639 : i32 to index
    %swap3A_641 = arith.constant 32 : index
    %swap3A_642 = tpu.vector_load %arg11[%swap3A_640, %swap3A_641] {strides = array<i32>} : memref<16x128xf32, #tpu.memory_space<vmem>>, vector<1x16xf32>,
    %swap3A_643 = vector.shape_cast %swap3A_642 : vector<1x16xf32> to vector<16xf32>
    %swap3A_644 = vector.shape_cast %broadcast_in_dim3A_1 : vector<16xf32> to vector<1x16xf32>
    tpu.vector_store %arg11[%swap3A_640, %swap3A_641], %swap3A_644 {strides = array<i32>} : memref<16x128xf32, #tpu.memory_space<vmem>>, vector<1x16xf32>,
    %swap3A_645 = arith.constant 13 : i32
    %swap3A_646 = arith.index_cast %swap3A_645 : i32 to index
    %swap3A_647 = arith.constant 48 : index
    %swap3A_648 = tpu.vector_load %arg11[%swap3A_646, %swap3A_647] {strides = array<i32>} : memref<16x128xf32, #tpu.memory_space<vmem>>, vector<1x16xf32>,
    %swap3A_649 = vector.shape_cast %swap3A_648 : vector<1x16xf32> to vector<16xf32>
    %swap3A_650 = vector.shape_cast %broadcast_in_dim3A_1 : vector<16xf32> to vector<1x16xf32>
    tpu.vector_store %arg11[%swap3A_646, %swap3A_647], %swap3A_650 {strides = array<i32>} : memref<16x128xf32, #tpu.memory_space<vmem>>, vector<1x16xf32>,
    %swap3A_651 = arith.constant 13 : i32
    %swap3A_652 = arith.index_cast %swap3A_651 : i32 to index
    %swap3A_653 = arith.constant 64 : index
    %swap3A_654 = tpu.vector_load %arg11[%swap3A_652, %swap3A_653] {strides = array<i32>} : memref<16x128xf32, #tpu.memory_space<vmem>>, vector<1x16xf32>,
    %swap3A_655 = vector.shape_cast %swap3A_654 : vector<1x16xf32> to vector<16xf32>
    %swap3A_656 = vector.shape_cast %broadcast_in_dim3A_1 : vector<16xf32> to vector<1x16xf32>
    tpu.vector_store %arg11[%swap3A_652, %swap3A_653], %swap3A_656 {strides = array<i32>} : memref<16x128xf32, #tpu.memory_space<vmem>>, vector<1x16xf32>,
    %swap3A_657 = arith.constant 13 : i32
    %swap3A_658 = arith.index_cast %swap3A_657 : i32 to index
    %swap3A_659 = arith.constant 80 : index
    %swap3A_660 = tpu.vector_load %arg11[%swap3A_658, %swap3A_659] {strides = array<i32>} : memref<16x128xf32, #tpu.memory_space<vmem>>, vector<1x16xf32>,
    %swap3A_661 = vector.shape_cast %swap3A_660 : vector<1x16xf32> to vector<16xf32>
    %swap3A_662 = vector.shape_cast %broadcast_in_dim3A_1 : vector<16xf32> to vector<1x16xf32>
    tpu.vector_store %arg11[%swap3A_658, %swap3A_659], %swap3A_662 {strides = array<i32>} : memref<16x128xf32, #tpu.memory_space<vmem>>, vector<1x16xf32>,
    %swap3A_663 = arith.constant 13 : i32
    %swap3A_664 = arith.index_cast %swap3A_663 : i32 to index
    %swap3A_665 = arith.constant 96 : index
    %swap3A_666 = tpu.vector_load %arg11[%swap3A_664, %swap3A_665] {strides = array<i32>} : memref<16x128xf32, #tpu.memory_space<vmem>>, vector<1x16xf32>,
    %swap3A_667 = vector.shape_cast %swap3A_666 : vector<1x16xf32> to vector<16xf32>
    %swap3A_668 = vector.shape_cast %broadcast_in_dim3A_1 : vector<16xf32> to vector<1x16xf32>
    tpu.vector_store %arg11[%swap3A_664, %swap3A_665], %swap3A_668 {strides = array<i32>} : memref<16x128xf32, #tpu.memory_space<vmem>>, vector<1x16xf32>,
    %swap3A_669 = arith.constant 13 : i32
    %swap3A_670 = arith.index_cast %swap3A_669 : i32 to index
    %swap3A_671 = arith.constant 112 : index
    %swap3A_672 = tpu.vector_load %arg11[%swap3A_670, %swap3A_671] {strides = array<i32>} : memref<16x128xf32, #tpu.memory_space<vmem>>, vector<1x16xf32>,
    %swap3A_673 = vector.shape_cast %swap3A_672 : vector<1x16xf32> to vector<16xf32>
    %swap3A_674 = vector.shape_cast %broadcast_in_dim3A_1 : vector<16xf32> to vector<1x16xf32>
    tpu.vector_store %arg11[%swap3A_670, %swap3A_671], %swap3A_674 {strides = array<i32>} : memref<16x128xf32, #tpu.memory_space<vmem>>, vector<1x16xf32>,
    %swap3A_675 = arith.constant 14 : i32
    %swap3A_676 = arith.index_cast %swap3A_675 : i32 to index
    %swap3A_677 = arith.constant 0 : index
    %swap3A_678 = tpu.vector_load %arg11[%swap3A_676, %swap3A_677] {strides = array<i32>} : memref<16x128xf32, #tpu.memory_space<vmem>>, vector<1x16xf32>,
    %swap3A_679 = vector.shape_cast %swap3A_678 : vector<1x16xf32> to vector<16xf32>
    %swap3A_680 = vector.shape_cast %broadcast_in_dim3A_1 : vector<16xf32> to vector<1x16xf32>
    tpu.vector_store %arg11[%swap3A_676, %swap3A_677], %swap3A_680 {strides = array<i32>} : memref<16x128xf32, #tpu.memory_space<vmem>>, vector<1x16xf32>,
    %swap3A_681 = arith.constant 14 : i32
    %swap3A_682 = arith.index_cast %swap3A_681 : i32 to index
    %swap3A_683 = arith.constant 16 : index
    %swap3A_684 = tpu.vector_load %arg11[%swap3A_682, %swap3A_683] {strides = array<i32>} : memref<16x128xf32, #tpu.memory_space<vmem>>, vector<1x16xf32>,
    %swap3A_685 = vector.shape_cast %swap3A_684 : vector<1x16xf32> to vector<16xf32>
    %swap3A_686 = vector.shape_cast %broadcast_in_dim3A_1 : vector<16xf32> to vector<1x16xf32>
    tpu.vector_store %arg11[%swap3A_682, %swap3A_683], %swap3A_686 {strides = array<i32>} : memref<16x128xf32, #tpu.memory_space<vmem>>, vector<1x16xf32>,
    %swap3A_687 = arith.constant 14 : i32
    %swap3A_688 = arith.index_cast %swap3A_687 : i32 to index
    %swap3A_689 = arith.constant 32 : index
    %swap3A_690 = tpu.vector_load %arg11[%swap3A_688, %swap3A_689] {strides = array<i32>} : memref<16x128xf32, #tpu.memory_space<vmem>>, vector<1x16xf32>,
    %swap3A_691 = vector.shape_cast %swap3A_690 : vector<1x16xf32> to vector<16xf32>
    %swap3A_692 = vector.shape_cast %broadcast_in_dim3A_1 : vector<16xf32> to vector<1x16xf32>
    tpu.vector_store %arg11[%swap3A_688, %swap3A_689], %swap3A_692 {strides = array<i32>} : memref<16x128xf32, #tpu.memory_space<vmem>>, vector<1x16xf32>,
    %swap3A_693 = arith.constant 14 : i32
    %swap3A_694 = arith.index_cast %swap3A_693 : i32 to index
    %swap3A_695 = arith.constant 48 : index
    %swap3A_696 = tpu.vector_load %arg11[%swap3A_694, %swap3A_695] {strides = array<i32>} : memref<16x128xf32, #tpu.memory_space<vmem>>, vector<1x16xf32>,
    %swap3A_697 = vector.shape_cast %swap3A_696 : vector<1x16xf32> to vector<16xf32>
    %swap3A_698 = vector.shape_cast %broadcast_in_dim3A_1 : vector<16xf32> to vector<1x16xf32>
    tpu.vector_store %arg11[%swap3A_694, %swap3A_695], %swap3A_698 {strides = array<i32>} : memref<16x128xf32, #tpu.memory_space<vmem>>, vector<1x16xf32>,
    %swap3A_699 = arith.constant 14 : i32
    %swap3A_700 = arith.index_cast %swap3A_699 : i32 to index
    %swap3A_701 = arith.constant 64 : index
    %swap3A_702 = tpu.vector_load %arg11[%swap3A_700, %swap3A_701] {strides = array<i32>} : memref<16x128xf32, #tpu.memory_space<vmem>>, vector<1x16xf32>,
    %swap3A_703 = vector.shape_cast %swap3A_702 : vector<1x16xf32> to vector<16xf32>
    %swap3A_704 = vector.shape_cast %broadcast_in_dim3A_1 : vector<16xf32> to vector<1x16xf32>
    tpu.vector_store %arg11[%swap3A_700, %swap3A_701], %swap3A_704 {strides = array<i32>} : memref<16x128xf32, #tpu.memory_space<vmem>>, vector<1x16xf32>,
    %swap3A_705 = arith.constant 14 : i32
    %swap3A_706 = arith.index_cast %swap3A_705 : i32 to index
    %swap3A_707 = arith.constant 80 : index
    %swap3A_708 = tpu.vector_load %arg11[%swap3A_706, %swap3A_707] {strides = array<i32>} : memref<16x128xf32, #tpu.memory_space<vmem>>, vector<1x16xf32>,
    %swap3A_709 = vector.shape_cast %swap3A_708 : vector<1x16xf32> to vector<16xf32>
    %swap3A_710 = vector.shape_cast %broadcast_in_dim3A_1 : vector<16xf32> to vector<1x16xf32>
    tpu.vector_store %arg11[%swap3A_706, %swap3A_707], %swap3A_710 {strides = array<i32>} : memref<16x128xf32, #tpu.memory_space<vmem>>, vector<1x16xf32>,
    %swap3A_711 = arith.constant 14 : i32
    %swap3A_712 = arith.index_cast %swap3A_711 : i32 to index
    %swap3A_713 = arith.constant 96 : index
    %swap3A_714 = tpu.vector_load %arg11[%swap3A_712, %swap3A_713] {strides = array<i32>} : memref<16x128xf32, #tpu.memory_space<vmem>>, vector<1x16xf32>,
    %swap3A_715 = vector.shape_cast %swap3A_714 : vector<1x16xf32> to vector<16xf32>
    %swap3A_716 = vector.shape_cast %broadcast_in_dim3A_1 : vector<16xf32> to vector<1x16xf32>
    tpu.vector_store %arg11[%swap3A_712, %swap3A_713], %swap3A_716 {strides = array<i32>} : memref<16x128xf32, #tpu.memory_space<vmem>>, vector<1x16xf32>,
    %swap3A_717 = arith.constant 14 : i32
    %swap3A_718 = arith.index_cast %swap3A_717 : i32 to index
    %swap3A_719 = arith.constant 112 : index
    %swap3A_720 = tpu.vector_load %arg11[%swap3A_718, %swap3A_719] {strides = array<i32>} : memref<16x128xf32, #tpu.memory_space<vmem>>, vector<1x16xf32>,
    %swap3A_721 = vector.shape_cast %swap3A_720 : vector<1x16xf32> to vector<16xf32>
    %swap3A_722 = vector.shape_cast %broadcast_in_dim3A_1 : vector<16xf32> to vector<1x16xf32>
    tpu.vector_store %arg11[%swap3A_718, %swap3A_719], %swap3A_722 {strides = array<i32>} : memref<16x128xf32, #tpu.memory_space<vmem>>, vector<1x16xf32>,
    %swap3A_723 = arith.constant 15 : i32
    %swap3A_724 = arith.index_cast %swap3A_723 : i32 to index
    %swap3A_725 = arith.constant 0 : index
    %swap3A_726 = tpu.vector_load %arg11[%swap3A_724, %swap3A_725] {strides = array<i32>} : memref<16x128xf32, #tpu.memory_space<vmem>>, vector<1x16xf32>,
    %swap3A_727 = vector.shape_cast %swap3A_726 : vector<1x16xf32> to vector<16xf32>
    %swap3A_728 = vector.shape_cast %broadcast_in_dim3A_1 : vector<16xf32> to vector<1x16xf32>
    tpu.vector_store %arg11[%swap3A_724, %swap3A_725], %swap3A_728 {strides = array<i32>} : memref<16x128xf32, #tpu.memory_space<vmem>>, vector<1x16xf32>,
    %swap3A_729 = arith.constant 15 : i32
    %swap3A_730 = arith.index_cast %swap3A_729 : i32 to index
    %swap3A_731 = arith.constant 16 : index
    %swap3A_732 = tpu.vector_load %arg11[%swap3A_730, %swap3A_731] {strides = array<i32>} : memref<16x128xf32, #tpu.memory_space<vmem>>, vector<1x16xf32>,
    %swap3A_733 = vector.shape_cast %swap3A_732 : vector<1x16xf32> to vector<16xf32>
    %swap3A_734 = vector.shape_cast %broadcast_in_dim3A_1 : vector<16xf32> to vector<1x16xf32>
    tpu.vector_store %arg11[%swap3A_730, %swap3A_731], %swap3A_734 {strides = array<i32>} : memref<16x128xf32, #tpu.memory_space<vmem>>, vector<1x16xf32>,
    %swap3A_735 = arith.constant 15 : i32
    %swap3A_736 = arith.index_cast %swap3A_735 : i32 to index
    %swap3A_737 = arith.constant 32 : index
    %swap3A_738 = tpu.vector_load %arg11[%swap3A_736, %swap3A_737] {strides = array<i32>} : memref<16x128xf32, #tpu.memory_space<vmem>>, vector<1x16xf32>,
    %swap3A_739 = vector.shape_cast %swap3A_738 : vector<1x16xf32> to vector<16xf32>
    %swap3A_740 = vector.shape_cast %broadcast_in_dim3A_1 : vector<16xf32> to vector<1x16xf32>
    tpu.vector_store %arg11[%swap3A_736, %swap3A_737], %swap3A_740 {strides = array<i32>} : memref<16x128xf32, #tpu.memory_space<vmem>>, vector<1x16xf32>,
    %swap3A_741 = arith.constant 15 : i32
    %swap3A_742 = arith.index_cast %swap3A_741 : i32 to index
    %swap3A_743 = arith.constant 48 : index
    %swap3A_744 = tpu.vector_load %arg11[%swap3A_742, %swap3A_743] {strides = array<i32>} : memref<16x128xf32, #tpu.memory_space<vmem>>, vector<1x16xf32>,
    %swap3A_745 = vector.shape_cast %swap3A_744 : vector<1x16xf32> to vector<16xf32>
    %swap3A_746 = vector.shape_cast %broadcast_in_dim3A_1 : vector<16xf32> to vector<1x16xf32>
    tpu.vector_store %arg11[%swap3A_742, %swap3A_743], %swap3A_746 {strides = array<i32>} : memref<16x128xf32, #tpu.memory_space<vmem>>, vector<1x16xf32>,
    %swap3A_747 = arith.constant 15 : i32
    %swap3A_748 = arith.index_cast %swap3A_747 : i32 to index
    %swap3A_749 = arith.constant 64 : index
    %swap3A_750 = tpu.vector_load %arg11[%swap3A_748, %swap3A_749] {strides = array<i32>} : memref<16x128xf32, #tpu.memory_space<vmem>>, vector<1x16xf32>,
    %swap3A_751 = vector.shape_cast %swap3A_750 : vector<1x16xf32> to vector<16xf32>
    %swap3A_752 = vector.shape_cast %broadcast_in_dim3A_1 : vector<16xf32> to vector<1x16xf32>
    tpu.vector_store %arg11[%swap3A_748, %swap3A_749], %swap3A_752 {strides = array<i32>} : memref<16x128xf32, #tpu.memory_space<vmem>>, vector<1x16xf32>,
    %swap3A_753 = arith.constant 15 : i32
    %swap3A_754 = arith.index_cast %swap3A_753 : i32 to index
    %swap3A_755 = arith.constant 80 : index
    %swap3A_756 = tpu.vector_load %arg11[%swap3A_754, %swap3A_755] {strides = array<i32>} : memref<16x128xf32, #tpu.memory_space<vmem>>, vector<1x16xf32>,
    %swap3A_757 = vector.shape_cast %swap3A_756 : vector<1x16xf32> to vector<16xf32>
    %swap3A_758 = vector.shape_cast %broadcast_in_dim3A_1 : vector<16xf32> to vector<1x16xf32>
    tpu.vector_store %arg11[%swap3A_754, %swap3A_755], %swap3A_758 {strides = array<i32>} : memref<16x128xf32, #tpu.memory_space<vmem>>, vector<1x16xf32>,
    %swap3A_759 = arith.constant 15 : i32
    %swap3A_760 = arith.index_cast %swap3A_759 : i32 to index
    %swap3A_761 = arith.constant 96 : index
    %swap3A_762 = tpu.vector_load %arg11[%swap3A_760, %swap3A_761] {strides = array<i32>} : memref<16x128xf32, #tpu.memory_space<vmem>>, vector<1x16xf32>,
    %swap3A_763 = vector.shape_cast %swap3A_762 : vector<1x16xf32> to vector<16xf32>
    %swap3A_764 = vector.shape_cast %broadcast_in_dim3A_1 : vector<16xf32> to vector<1x16xf32>
    tpu.vector_store %arg11[%swap3A_760, %swap3A_761], %swap3A_764 {strides = array<i32>} : memref<16x128xf32, #tpu.memory_space<vmem>>, vector<1x16xf32>,
    %swap3A_765 = arith.constant 15 : i32
    %swap3A_766 = arith.index_cast %swap3A_765 : i32 to index
    %swap3A_767 = arith.constant 112 : index
    %swap3A_768 = tpu.vector_load %arg11[%swap3A_766, %swap3A_767] {strides = array<i32>} : memref<16x128xf32, #tpu.memory_space<vmem>>, vector<1x16xf32>,
    %swap3A_769 = vector.shape_cast %swap3A_768 : vector<1x16xf32> to vector<16xf32>
    %swap3A_770 = vector.shape_cast %broadcast_in_dim3A_1 : vector<16xf32> to vector<1x16xf32>
    tpu.vector_store %arg11[%swap3A_766, %swap3A_767], %swap3A_770 {strides = array<i32>} : memref<16x128xf32, #tpu.memory_space<vmem>>, vector<1x16xf32>,
    %swap3A_771 = arith.constant 0 : index
    %swap3A_772 = tpu.vector_load %arg10[%swap3A_771] {strides = array<i32>} : memref<128xf32, #tpu.memory_space<vmem>>, vector<16xf32>,
    %swap3A_773 = vector.shape_cast %swap3A_772 : vector<16xf32> to vector<16xf32>
    %swap3A_774 = vector.shape_cast %broadcast_in_dim3A_3 : vector<16xf32> to vector<16xf32>
    tpu.vector_store %arg10[%swap3A_771], %swap3A_774 {strides = array<i32>} : memref<128xf32, #tpu.memory_space<vmem>>, vector<16xf32>,
    %swap3A_775 = arith.constant 16 : index
    %swap3A_776 = tpu.vector_load %arg10[%swap3A_775] {strides = array<i32>} : memref<128xf32, #tpu.memory_space<vmem>>, vector<16xf32>,
    %swap3A_777 = vector.shape_cast %swap3A_776 : vector<16xf32> to vector<16xf32>
    %swap3A_778 = vector.shape_cast %broadcast_in_dim3A_3 : vector<16xf32> to vector<16xf32>
    tpu.vector_store %arg10[%swap3A_775], %swap3A_778 {strides = array<i32>} : memref<128xf32, #tpu.memory_space<vmem>>, vector<16xf32>,
    %swap3A_779 = arith.constant 32 : index
    %swap3A_780 = tpu.vector_load %arg10[%swap3A_779] {strides = array<i32>} : memref<128xf32, #tpu.memory_space<vmem>>, vector<16xf32>,
    %swap3A_781 = vector.shape_cast %swap3A_780 : vector<16xf32> to vector<16xf32>
    %swap3A_782 = vector.shape_cast %broadcast_in_dim3A_3 : vector<16xf32> to vector<16xf32>
    tpu.vector_store %arg10[%swap3A_779], %swap3A_782 {strides = array<i32>} : memref<128xf32, #tpu.memory_space<vmem>>, vector<16xf32>,
    %swap3A_783 = arith.constant 48 : index
    %swap3A_784 = tpu.vector_load %arg10[%swap3A_783] {strides = array<i32>} : memref<128xf32, #tpu.memory_space<vmem>>, vector<16xf32>,
    %swap3A_785 = vector.shape_cast %swap3A_784 : vector<16xf32> to vector<16xf32>
    %swap3A_786 = vector.shape_cast %broadcast_in_dim3A_3 : vector<16xf32> to vector<16xf32>
    tpu.vector_store %arg10[%swap3A_783], %swap3A_786 {strides = array<i32>} : memref<128xf32, #tpu.memory_space<vmem>>, vector<16xf32>,
    %swap3A_787 = arith.constant 64 : index
    %swap3A_788 = tpu.vector_load %arg10[%swap3A_787] {strides = array<i32>} : memref<128xf32, #tpu.memory_space<vmem>>, vector<16xf32>,
    %swap3A_789 = vector.shape_cast %swap3A_788 : vector<16xf32> to vector<16xf32>
    %swap3A_790 = vector.shape_cast %broadcast_in_dim3A_3 : vector<16xf32> to vector<16xf32>
    tpu.vector_store %arg10[%swap3A_787], %swap3A_790 {strides = array<i32>} : memref<128xf32, #tpu.memory_space<vmem>>, vector<16xf32>,
    %swap3A_791 = arith.constant 80 : index
    %swap3A_792 = tpu.vector_load %arg10[%swap3A_791] {strides = array<i32>} : memref<128xf32, #tpu.memory_space<vmem>>, vector<16xf32>,
    %swap3A_793 = vector.shape_cast %swap3A_792 : vector<16xf32> to vector<16xf32>
    %swap3A_794 = vector.shape_cast %broadcast_in_dim3A_3 : vector<16xf32> to vector<16xf32>
    tpu.vector_store %arg10[%swap3A_791], %swap3A_794 {strides = array<i32>} : memref<128xf32, #tpu.memory_space<vmem>>, vector<16xf32>,
    %swap3A_795 = arith.constant 96 : index
    %swap3A_796 = tpu.vector_load %arg10[%swap3A_795] {strides = array<i32>} : memref<128xf32, #tpu.memory_space<vmem>>, vector<16xf32>,
    %swap3A_797 = vector.shape_cast %swap3A_796 : vector<16xf32> to vector<16xf32>
    %swap3A_798 = vector.shape_cast %broadcast_in_dim3A_3 : vector<16xf32> to vector<16xf32>
    tpu.vector_store %arg10[%swap3A_795], %swap3A_798 {strides = array<i32>} : memref<128xf32, #tpu.memory_space<vmem>>, vector<16xf32>,
    %swap3A_799 = arith.constant 112 : index
    %swap3A_800 = tpu.vector_load %arg10[%swap3A_799] {strides = array<i32>} : memref<128xf32, #tpu.memory_space<vmem>>, vector<16xf32>,
    %swap3A_801 = vector.shape_cast %swap3A_800 : vector<16xf32> to vector<16xf32>
    %swap3A_802 = vector.shape_cast %broadcast_in_dim3A_3 : vector<16xf32> to vector<16xf32>
    tpu.vector_store %arg10[%swap3A_799], %swap3A_802 {strides = array<i32>} : memref<128xf32, #tpu.memory_space<vmem>>, vector<16xf32>,
    %swap3A_803 = arith.constant 0 : index
    %swap3A_804 = tpu.vector_load %arg12[%swap3A_803] {strides = array<i32>} : memref<640xf32, #tpu.memory_space<vmem>>, vector<16xf32>,
    %swap3A_805 = vector.shape_cast %swap3A_804 : vector<16xf32> to vector<16xf32>
    %swap3A_806 = vector.shape_cast %broadcast_in_dim3A_1 : vector<16xf32> to vector<16xf32>
    tpu.vector_store %arg12[%swap3A_803], %swap3A_806 {strides = array<i32>} : memref<640xf32, #tpu.memory_space<vmem>>, vector<16xf32>,
    %swap3A_807 = arith.constant 16 : index
    %swap3A_808 = tpu.vector_load %arg12[%swap3A_807] {strides = array<i32>} : memref<640xf32, #tpu.memory_space<vmem>>, vector<16xf32>,
    %swap3A_809 = vector.shape_cast %swap3A_808 : vector<16xf32> to vector<16xf32>
    %swap3A_810 = vector.shape_cast %broadcast_in_dim3A_1 : vector<16xf32> to vector<16xf32>
    tpu.vector_store %arg12[%swap3A_807], %swap3A_810 {strides = array<i32>} : memref<640xf32, #tpu.memory_space<vmem>>, vector<16xf32>,
    %swap3A_811 = arith.constant 32 : index
    %swap3A_812 = tpu.vector_load %arg12[%swap3A_811] {strides = array<i32>} : memref<640xf32, #tpu.memory_space<vmem>>, vector<16xf32>,
    %swap3A_813 = vector.shape_cast %swap3A_812 : vector<16xf32> to vector<16xf32>
    %swap3A_814 = vector.shape_cast %broadcast_in_dim3A_1 : vector<16xf32> to vector<16xf32>
    tpu.vector_store %arg12[%swap3A_811], %swap3A_814 {strides = array<i32>} : memref<640xf32, #tpu.memory_space<vmem>>, vector<16xf32>,
    %swap3A_815 = arith.constant 48 : index
    %swap3A_816 = tpu.vector_load %arg12[%swap3A_815] {strides = array<i32>} : memref<640xf32, #tpu.memory_space<vmem>>, vector<16xf32>,
    %swap3A_817 = vector.shape_cast %swap3A_816 : vector<16xf32> to vector<16xf32>
    %swap3A_818 = vector.shape_cast %broadcast_in_dim3A_1 : vector<16xf32> to vector<16xf32>
    tpu.vector_store %arg12[%swap3A_815], %swap3A_818 {strides = array<i32>} : memref<640xf32, #tpu.memory_space<vmem>>, vector<16xf32>,
    %swap3A_819 = arith.constant 64 : index
    %swap3A_820 = tpu.vector_load %arg12[%swap3A_819] {strides = array<i32>} : memref<640xf32, #tpu.memory_space<vmem>>, vector<16xf32>,
    %swap3A_821 = vector.shape_cast %swap3A_820 : vector<16xf32> to vector<16xf32>
    %swap3A_822 = vector.shape_cast %broadcast_in_dim3A_1 : vector<16xf32> to vector<16xf32>
    tpu.vector_store %arg12[%swap3A_819], %swap3A_822 {strides = array<i32>} : memref<640xf32, #tpu.memory_space<vmem>>, vector<16xf32>,
    %swap3A_823 = arith.constant 80 : index
    %swap3A_824 = tpu.vector_load %arg12[%swap3A_823] {strides = array<i32>} : memref<640xf32, #tpu.memory_space<vmem>>, vector<16xf32>,
    %swap3A_825 = vector.shape_cast %swap3A_824 : vector<16xf32> to vector<16xf32>
    %swap3A_826 = vector.shape_cast %broadcast_in_dim3A_1 : vector<16xf32> to vector<16xf32>
    tpu.vector_store %arg12[%swap3A_823], %swap3A_826 {strides = array<i32>} : memref<640xf32, #tpu.memory_space<vmem>>, vector<16xf32>,
    %swap3A_827 = arith.constant 96 : index
    %swap3A_828 = tpu.vector_load %arg12[%swap3A_827] {strides = array<i32>} : memref<640xf32, #tpu.memory_space<vmem>>, vector<16xf32>,
    %swap3A_829 = vector.shape_cast %swap3A_828 : vector<16xf32> to vector<16xf32>
    %swap3A_830 = vector.shape_cast %broadcast_in_dim3A_1 : vector<16xf32> to vector<16xf32>
    tpu.vector_store %arg12[%swap3A_827], %swap3A_830 {strides = array<i32>} : memref<640xf32, #tpu.memory_space<vmem>>, vector<16xf32>,
    %swap3A_831 = arith.constant 112 : index
    %swap3A_832 = tpu.vector_load %arg12[%swap3A_831] {strides = array<i32>} : memref<640xf32, #tpu.memory_space<vmem>>, vector<16xf32>,
    %swap3A_833 = vector.shape_cast %swap3A_832 : vector<16xf32> to vector<16xf32>
    %swap3A_834 = vector.shape_cast %broadcast_in_dim3A_1 : vector<16xf32> to vector<16xf32>
    tpu.vector_store %arg12[%swap3A_831], %swap3A_834 {strides = array<i32>} : memref<640xf32, #tpu.memory_space<vmem>>, vector<16xf32>,
    %swap3A_835 = arith.constant 128 : index
    %swap3A_836 = tpu.vector_load %arg12[%swap3A_835] {strides = array<i32>} : memref<640xf32, #tpu.memory_space<vmem>>, vector<16xf32>,
    %swap3A_837 = vector.shape_cast %swap3A_836 : vector<16xf32> to vector<16xf32>
    %swap3A_838 = vector.shape_cast %broadcast_in_dim3A_1 : vector<16xf32> to vector<16xf32>
    tpu.vector_store %arg12[%swap3A_835], %swap3A_838 {strides = array<i32>} : memref<640xf32, #tpu.memory_space<vmem>>, vector<16xf32>,
    %swap3A_839 = arith.constant 144 : index
    %swap3A_840 = tpu.vector_load %arg12[%swap3A_839] {strides = array<i32>} : memref<640xf32, #tpu.memory_space<vmem>>, vector<16xf32>,
    %swap3A_841 = vector.shape_cast %swap3A_840 : vector<16xf32> to vector<16xf32>
    %swap3A_842 = vector.shape_cast %broadcast_in_dim3A_1 : vector<16xf32> to vector<16xf32>
    tpu.vector_store %arg12[%swap3A_839], %swap3A_842 {strides = array<i32>} : memref<640xf32, #tpu.memory_space<vmem>>, vector<16xf32>,
    %swap3A_843 = arith.constant 160 : index
    %swap3A_844 = tpu.vector_load %arg12[%swap3A_843] {strides = array<i32>} : memref<640xf32, #tpu.memory_space<vmem>>, vector<16xf32>,
    %swap3A_845 = vector.shape_cast %swap3A_844 : vector<16xf32> to vector<16xf32>
    %swap3A_846 = vector.shape_cast %broadcast_in_dim3A_1 : vector<16xf32> to vector<16xf32>
    tpu.vector_store %arg12[%swap3A_843], %swap3A_846 {strides = array<i32>} : memref<640xf32, #tpu.memory_space<vmem>>, vector<16xf32>,
    %swap3A_847 = arith.constant 176 : index
    %swap3A_848 = tpu.vector_load %arg12[%swap3A_847] {strides = array<i32>} : memref<640xf32, #tpu.memory_space<vmem>>, vector<16xf32>,
    %swap3A_849 = vector.shape_cast %swap3A_848 : vector<16xf32> to vector<16xf32>
    %swap3A_850 = vector.shape_cast %broadcast_in_dim3A_1 : vector<16xf32> to vector<16xf32>
    tpu.vector_store %arg12[%swap3A_847], %swap3A_850 {strides = array<i32>} : memref<640xf32, #tpu.memory_space<vmem>>, vector<16xf32>,
    %swap3A_851 = arith.constant 192 : index
    %swap3A_852 = tpu.vector_load %arg12[%swap3A_851] {strides = array<i32>} : memref<640xf32, #tpu.memory_space<vmem>>, vector<16xf32>,
    %swap3A_853 = vector.shape_cast %swap3A_852 : vector<16xf32> to vector<16xf32>
    %swap3A_854 = vector.shape_cast %broadcast_in_dim3A_1 : vector<16xf32> to vector<16xf32>
    tpu.vector_store %arg12[%swap3A_851], %swap3A_854 {strides = array<i32>} : memref<640xf32, #tpu.memory_space<vmem>>, vector<16xf32>,
    %swap3A_855 = arith.constant 208 : index
    %swap3A_856 = tpu.vector_load %arg12[%swap3A_855] {strides = array<i32>} : memref<640xf32, #tpu.memory_space<vmem>>, vector<16xf32>,
    %swap3A_857 = vector.shape_cast %swap3A_856 : vector<16xf32> to vector<16xf32>
    %swap3A_858 = vector.shape_cast %broadcast_in_dim3A_1 : vector<16xf32> to vector<16xf32>
    tpu.vector_store %arg12[%swap3A_855], %swap3A_858 {strides = array<i32>} : memref<640xf32, #tpu.memory_space<vmem>>, vector<16xf32>,
    %swap3A_859 = arith.constant 224 : index
    %swap3A_860 = tpu.vector_load %arg12[%swap3A_859] {strides = array<i32>} : memref<640xf32, #tpu.memory_space<vmem>>, vector<16xf32>,
    %swap3A_861 = vector.shape_cast %swap3A_860 : vector<16xf32> to vector<16xf32>
    %swap3A_862 = vector.shape_cast %broadcast_in_dim3A_1 : vector<16xf32> to vector<16xf32>
    tpu.vector_store %arg12[%swap3A_859], %swap3A_862 {strides = array<i32>} : memref<640xf32, #tpu.memory_space<vmem>>, vector<16xf32>,
    %swap3A_863 = arith.constant 240 : index
    %swap3A_864 = tpu.vector_load %arg12[%swap3A_863] {strides = array<i32>} : memref<640xf32, #tpu.memory_space<vmem>>, vector<16xf32>,
    %swap3A_865 = vector.shape_cast %swap3A_864 : vector<16xf32> to vector<16xf32>
    %swap3A_866 = vector.shape_cast %broadcast_in_dim3A_1 : vector<16xf32> to vector<16xf32>
    tpu.vector_store %arg12[%swap3A_863], %swap3A_866 {strides = array<i32>} : memref<640xf32, #tpu.memory_space<vmem>>, vector<16xf32>,
    %swap3A_867 = arith.constant 256 : index
    %swap3A_868 = tpu.vector_load %arg12[%swap3A_867] {strides = array<i32>} : memref<640xf32, #tpu.memory_space<vmem>>, vector<16xf32>,
    %swap3A_869 = vector.shape_cast %swap3A_868 : vector<16xf32> to vector<16xf32>
    %swap3A_870 = vector.shape_cast %broadcast_in_dim3A_1 : vector<16xf32> to vector<16xf32>
    tpu.vector_store %arg12[%swap3A_867], %swap3A_870 {strides = array<i32>} : memref<640xf32, #tpu.memory_space<vmem>>, vector<16xf32>,
    %swap3A_871 = arith.constant 272 : index
    %swap3A_872 = tpu.vector_load %arg12[%swap3A_871] {strides = array<i32>} : memref<640xf32, #tpu.memory_space<vmem>>, vector<16xf32>,
    %swap3A_873 = vector.shape_cast %swap3A_872 : vector<16xf32> to vector<16xf32>
    %swap3A_874 = vector.shape_cast %broadcast_in_dim3A_1 : vector<16xf32> to vector<16xf32>
    tpu.vector_store %arg12[%swap3A_871], %swap3A_874 {strides = array<i32>} : memref<640xf32, #tpu.memory_space<vmem>>, vector<16xf32>,
    %swap3A_875 = arith.constant 288 : index
    %swap3A_876 = tpu.vector_load %arg12[%swap3A_875] {strides = array<i32>} : memref<640xf32, #tpu.memory_space<vmem>>, vector<16xf32>,
    %swap3A_877 = vector.shape_cast %swap3A_876 : vector<16xf32> to vector<16xf32>
    %swap3A_878 = vector.shape_cast %broadcast_in_dim3A_1 : vector<16xf32> to vector<16xf32>
    tpu.vector_store %arg12[%swap3A_875], %swap3A_878 {strides = array<i32>} : memref<640xf32, #tpu.memory_space<vmem>>, vector<16xf32>,
    %swap3A_879 = arith.constant 304 : index
    %swap3A_880 = tpu.vector_load %arg12[%swap3A_879] {strides = array<i32>} : memref<640xf32, #tpu.memory_space<vmem>>, vector<16xf32>,
    %swap3A_881 = vector.shape_cast %swap3A_880 : vector<16xf32> to vector<16xf32>
    %swap3A_882 = vector.shape_cast %broadcast_in_dim3A_1 : vector<16xf32> to vector<16xf32>
    tpu.vector_store %arg12[%swap3A_879], %swap3A_882 {strides = array<i32>} : memref<640xf32, #tpu.memory_space<vmem>>, vector<16xf32>,
    %swap3A_883 = arith.constant 320 : index
    %swap3A_884 = tpu.vector_load %arg12[%swap3A_883] {strides = array<i32>} : memref<640xf32, #tpu.memory_space<vmem>>, vector<16xf32>,
    %swap3A_885 = vector.shape_cast %swap3A_884 : vector<16xf32> to vector<16xf32>
    %swap3A_886 = vector.shape_cast %broadcast_in_dim3A_1 : vector<16xf32> to vector<16xf32>
    tpu.vector_store %arg12[%swap3A_883], %swap3A_886 {strides = array<i32>} : memref<640xf32, #tpu.memory_space<vmem>>, vector<16xf32>,
    %swap3A_887 = arith.constant 336 : index
    %swap3A_888 = tpu.vector_load %arg12[%swap3A_887] {strides = array<i32>} : memref<640xf32, #tpu.memory_space<vmem>>, vector<16xf32>,
    %swap3A_889 = vector.shape_cast %swap3A_888 : vector<16xf32> to vector<16xf32>
    %swap3A_890 = vector.shape_cast %broadcast_in_dim3A_1 : vector<16xf32> to vector<16xf32>
    tpu.vector_store %arg12[%swap3A_887], %swap3A_890 {strides = array<i32>} : memref<640xf32, #tpu.memory_space<vmem>>, vector<16xf32>,
    %swap3A_891 = arith.constant 352 : index
    %swap3A_892 = tpu.vector_load %arg12[%swap3A_891] {strides = array<i32>} : memref<640xf32, #tpu.memory_space<vmem>>, vector<16xf32>,
    %swap3A_893 = vector.shape_cast %swap3A_892 : vector<16xf32> to vector<16xf32>
    %swap3A_894 = vector.shape_cast %broadcast_in_dim3A_1 : vector<16xf32> to vector<16xf32>
    tpu.vector_store %arg12[%swap3A_891], %swap3A_894 {strides = array<i32>} : memref<640xf32, #tpu.memory_space<vmem>>, vector<16xf32>,
    %swap3A_895 = arith.constant 368 : index
    %swap3A_896 = tpu.vector_load %arg12[%swap3A_895] {strides = array<i32>} : memref<640xf32, #tpu.memory_space<vmem>>, vector<16xf32>,
    %swap3A_897 = vector.shape_cast %swap3A_896 : vector<16xf32> to vector<16xf32>
    %swap3A_898 = vector.shape_cast %broadcast_in_dim3A_1 : vector<16xf32> to vector<16xf32>
    tpu.vector_store %arg12[%swap3A_895], %swap3A_898 {strides = array<i32>} : memref<640xf32, #tpu.memory_space<vmem>>, vector<16xf32>,
    %swap3A_899 = arith.constant 384 : index
    %swap3A_900 = tpu.vector_load %arg12[%swap3A_899] {strides = array<i32>} : memref<640xf32, #tpu.memory_space<vmem>>, vector<16xf32>,
    %swap3A_901 = vector.shape_cast %swap3A_900 : vector<16xf32> to vector<16xf32>
    %swap3A_902 = vector.shape_cast %broadcast_in_dim3A_1 : vector<16xf32> to vector<16xf32>
    tpu.vector_store %arg12[%swap3A_899], %swap3A_902 {strides = array<i32>} : memref<640xf32, #tpu.memory_space<vmem>>, vector<16xf32>,
    %swap3A_903 = arith.constant 400 : index
    %swap3A_904 = tpu.vector_load %arg12[%swap3A_903] {strides = array<i32>} : memref<640xf32, #tpu.memory_space<vmem>>, vector<16xf32>,
    %swap3A_905 = vector.shape_cast %swap3A_904 : vector<16xf32> to vector<16xf32>
    %swap3A_906 = vector.shape_cast %broadcast_in_dim3A_1 : vector<16xf32> to vector<16xf32>
    tpu.vector_store %arg12[%swap3A_903], %swap3A_906 {strides = array<i32>} : memref<640xf32, #tpu.memory_space<vmem>>, vector<16xf32>,
    %swap3A_907 = arith.constant 416 : index
    %swap3A_908 = tpu.vector_load %arg12[%swap3A_907] {strides = array<i32>} : memref<640xf32, #tpu.memory_space<vmem>>, vector<16xf32>,
    %swap3A_909 = vector.shape_cast %swap3A_908 : vector<16xf32> to vector<16xf32>
    %swap3A_910 = vector.shape_cast %broadcast_in_dim3A_1 : vector<16xf32> to vector<16xf32>
    tpu.vector_store %arg12[%swap3A_907], %swap3A_910 {strides = array<i32>} : memref<640xf32, #tpu.memory_space<vmem>>, vector<16xf32>,
    %swap3A_911 = arith.constant 432 : index
    %swap3A_912 = tpu.vector_load %arg12[%swap3A_911] {strides = array<i32>} : memref<640xf32, #tpu.memory_space<vmem>>, vector<16xf32>,
    %swap3A_913 = vector.shape_cast %swap3A_912 : vector<16xf32> to vector<16xf32>
    %swap3A_914 = vector.shape_cast %broadcast_in_dim3A_1 : vector<16xf32> to vector<16xf32>
    tpu.vector_store %arg12[%swap3A_911], %swap3A_914 {strides = array<i32>} : memref<640xf32, #tpu.memory_space<vmem>>, vector<16xf32>,
    %swap3A_915 = arith.constant 448 : index
    %swap3A_916 = tpu.vector_load %arg12[%swap3A_915] {strides = array<i32>} : memref<640xf32, #tpu.memory_space<vmem>>, vector<16xf32>,
    %swap3A_917 = vector.shape_cast %swap3A_916 : vector<16xf32> to vector<16xf32>
    %swap3A_918 = vector.shape_cast %broadcast_in_dim3A_1 : vector<16xf32> to vector<16xf32>
    tpu.vector_store %arg12[%swap3A_915], %swap3A_918 {strides = array<i32>} : memref<640xf32, #tpu.memory_space<vmem>>, vector<16xf32>,
    %swap3A_919 = arith.constant 464 : index
    %swap3A_920 = tpu.vector_load %arg12[%swap3A_919] {strides = array<i32>} : memref<640xf32, #tpu.memory_space<vmem>>, vector<16xf32>,
    %swap3A_921 = vector.shape_cast %swap3A_920 : vector<16xf32> to vector<16xf32>
    %swap3A_922 = vector.shape_cast %broadcast_in_dim3A_1 : vector<16xf32> to vector<16xf32>
    tpu.vector_store %arg12[%swap3A_919], %swap3A_922 {strides = array<i32>} : memref<640xf32, #tpu.memory_space<vmem>>, vector<16xf32>,
    %swap3A_923 = arith.constant 480 : index
    %swap3A_924 = tpu.vector_load %arg12[%swap3A_923] {strides = array<i32>} : memref<640xf32, #tpu.memory_space<vmem>>, vector<16xf32>,
    %swap3A_925 = vector.shape_cast %swap3A_924 : vector<16xf32> to vector<16xf32>
    %swap3A_926 = vector.shape_cast %broadcast_in_dim3A_1 : vector<16xf32> to vector<16xf32>
    tpu.vector_store %arg12[%swap3A_923], %swap3A_926 {strides = array<i32>} : memref<640xf32, #tpu.memory_space<vmem>>, vector<16xf32>,
    %swap3A_927 = arith.constant 496 : index
    %swap3A_928 = tpu.vector_load %arg12[%swap3A_927] {strides = array<i32>} : memref<640xf32, #tpu.memory_space<vmem>>, vector<16xf32>,
    %swap3A_929 = vector.shape_cast %swap3A_928 : vector<16xf32> to vector<16xf32>
    %swap3A_930 = vector.shape_cast %broadcast_in_dim3A_1 : vector<16xf32> to vector<16xf32>
    tpu.vector_store %arg12[%swap3A_927], %swap3A_930 {strides = array<i32>} : memref<640xf32, #tpu.memory_space<vmem>>, vector<16xf32>,
    %swap3A_931 = arith.constant 512 : index
    %swap3A_932 = tpu.vector_load %arg12[%swap3A_931] {strides = array<i32>} : memref<640xf32, #tpu.memory_space<vmem>>, vector<16xf32>,
    %swap3A_933 = vector.shape_cast %swap3A_932 : vector<16xf32> to vector<16xf32>
    %swap3A_934 = vector.shape_cast %broadcast_in_dim3A_1 : vector<16xf32> to vector<16xf32>
    tpu.vector_store %arg12[%swap3A_931], %swap3A_934 {strides = array<i32>} : memref<640xf32, #tpu.memory_space<vmem>>, vector<16xf32>,
    %swap3A_935 = arith.constant 528 : index
    %swap3A_936 = tpu.vector_load %arg12[%swap3A_935] {strides = array<i32>} : memref<640xf32, #tpu.memory_space<vmem>>, vector<16xf32>,
    %swap3A_937 = vector.shape_cast %swap3A_936 : vector<16xf32> to vector<16xf32>
    %swap3A_938 = vector.shape_cast %broadcast_in_dim3A_1 : vector<16xf32> to vector<16xf32>
    tpu.vector_store %arg12[%swap3A_935], %swap3A_938 {strides = array<i32>} : memref<640xf32, #tpu.memory_space<vmem>>, vector<16xf32>,
    %swap3A_939 = arith.constant 544 : index
    %swap3A_940 = tpu.vector_load %arg12[%swap3A_939] {strides = array<i32>} : memref<640xf32, #tpu.memory_space<vmem>>, vector<16xf32>,
    %swap3A_941 = vector.shape_cast %swap3A_940 : vector<16xf32> to vector<16xf32>
    %swap3A_942 = vector.shape_cast %broadcast_in_dim3A_1 : vector<16xf32> to vector<16xf32>
    tpu.vector_store %arg12[%swap3A_939], %swap3A_942 {strides = array<i32>} : memref<640xf32, #tpu.memory_space<vmem>>, vector<16xf32>,
    %swap3A_943 = arith.constant 560 : index
    %swap3A_944 = tpu.vector_load %arg12[%swap3A_943] {strides = array<i32>} : memref<640xf32, #tpu.memory_space<vmem>>, vector<16xf32>,
    %swap3A_945 = vector.shape_cast %swap3A_944 : vector<16xf32> to vector<16xf32>
    %swap3A_946 = vector.shape_cast %broadcast_in_dim3A_1 : vector<16xf32> to vector<16xf32>
    tpu.vector_store %arg12[%swap3A_943], %swap3A_946 {strides = array<i32>} : memref<640xf32, #tpu.memory_space<vmem>>, vector<16xf32>,
    %swap3A_947 = arith.constant 576 : index
    %swap3A_948 = tpu.vector_load %arg12[%swap3A_947] {strides = array<i32>} : memref<640xf32, #tpu.memory_space<vmem>>, vector<16xf32>,
    %swap3A_949 = vector.shape_cast %swap3A_948 : vector<16xf32> to vector<16xf32>
    %swap3A_950 = vector.shape_cast %broadcast_in_dim3A_1 : vector<16xf32> to vector<16xf32>
    tpu.vector_store %arg12[%swap3A_947], %swap3A_950 {strides = array<i32>} : memref<640xf32, #tpu.memory_space<vmem>>, vector<16xf32>,
    %swap3A_951 = arith.constant 592 : index
    %swap3A_952 = tpu.vector_load %arg12[%swap3A_951] {strides = array<i32>} : memref<640xf32, #tpu.memory_space<vmem>>, vector<16xf32>,
    %swap3A_953 = vector.shape_cast %swap3A_952 : vector<16xf32> to vector<16xf32>
    %swap3A_954 = vector.shape_cast %broadcast_in_dim3A_1 : vector<16xf32> to vector<16xf32>
    tpu.vector_store %arg12[%swap3A_951], %swap3A_954 {strides = array<i32>} : memref<640xf32, #tpu.memory_space<vmem>>, vector<16xf32>,
    %swap3A_955 = arith.constant 608 : index
    %swap3A_956 = tpu.vector_load %arg12[%swap3A_955] {strides = array<i32>} : memref<640xf32, #tpu.memory_space<vmem>>, vector<16xf32>,
    %swap3A_957 = vector.shape_cast %swap3A_956 : vector<16xf32> to vector<16xf32>
    %swap3A_958 = vector.shape_cast %broadcast_in_dim3A_1 : vector<16xf32> to vector<16xf32>
    tpu.vector_store %arg12[%swap3A_955], %swap3A_958 {strides = array<i32>} : memref<640xf32, #tpu.memory_space<vmem>>, vector<16xf32>,
    %swap3A_959 = arith.constant 624 : index
    %swap3A_960 = tpu.vector_load %arg12[%swap3A_959] {strides = array<i32>} : memref<640xf32, #tpu.memory_space<vmem>>, vector<16xf32>,
    %swap3A_961 = vector.shape_cast %swap3A_960 : vector<16xf32> to vector<16xf32>
    %swap3A_962 = vector.shape_cast %broadcast_in_dim3A_1 : vector<16xf32> to vector<16xf32>
    tpu.vector_store %arg12[%swap3A_959], %swap3A_962 {strides = array<i32>} : memref<640xf32, #tpu.memory_space<vmem>>, vector<16xf32>,
    %mul3A_963 = arith.constant 640 : i32
    %mul3A_964 = arith.muli %arg1, %mul3A_963 : i32
    %mul3A_965 = arith.constant 80 : i32
    %mul3A_966 = arith.muli %add3A, %mul3A_965 : i32
    %add3A_967 = arith.constant 0 : i32
    %add3A_968 = arith.addi %mul3A_966, %add3A_967 : i32
    %run_scoped3A = arith.constant 0 : i32
    "tpu.region"() ({
      %run_scoped3A_1021 = tpu.sem_alloc : memref<!tpu.dma_semaphore, #tpu.memory_space<semaphore_mem>>
      %dma_start3A_1022 = arith.constant 0 : i32
      %dma_start3A_1023 = tpu.memref_slice %arg2[%run_scoped3A, %add3A_968, %dma_start3A_1022] : memref<2x2560x128xi32, #tpu.memory_space<hbm>> -> memref<1x40x128xi32, #tpu.memory_space<hbm>>
      %dma_start3A_1024 = tpu.memref_squeeze %dma_start3A_1023 : memref<1x40x128xi32, #tpu.memory_space<hbm>> -> memref<40x128xi32, #tpu.memory_space<hbm>>
      %dma_start3A_1025 = arith.constant 0 : i32
      %dma_start3A_1026 = tpu.memref_slice %arg2[%run_scoped3A, %add3A_968, %dma_start3A_1025] : memref<2x2560x128xi32, #tpu.memory_space<hbm>> -> memref<1x40x128xi32, #tpu.memory_space<hbm>>
      %dma_start3A_1027 = tpu.memref_squeeze %dma_start3A_1026 : memref<1x40x128xi32, #tpu.memory_space<hbm>> -> memref<40x128xi32, #tpu.memory_space<hbm>>
      tpu.enqueue_dma source(%dma_start3A_1027 : memref<40x128xi32, #tpu.memory_space<hbm>>) target(%arg6 : memref<40x128xi32, #tpu.memory_space<vmem>>) target_semaphore(%run_scoped3A_1021 : memref<!tpu.dma_semaphore, #tpu.memory_space<semaphore_mem>>)
      %dma_wait3A = arith.constant 0 : i32
      %dma_wait3A_1028 = tpu.memref_slice %arg2[%run_scoped3A, %add3A_968, %dma_wait3A] : memref<2x2560x128xi32, #tpu.memory_space<hbm>> -> memref<1x40x128xi32, #tpu.memory_space<hbm>>
      %dma_wait3A_1029 = tpu.memref_squeeze %dma_wait3A_1028 : memref<1x40x128xi32, #tpu.memory_space<hbm>> -> memref<40x128xi32, #tpu.memory_space<hbm>>
      %dma_wait3A_1030 = arith.constant 0 : i32
      %dma_wait3A_1031 = tpu.memref_slice %arg2[%run_scoped3A, %add3A_968, %dma_wait3A_1030] : memref<2x2560x128xi32, #tpu.memory_space<hbm>> -> memref<1x40x128xi32, #tpu.memory_space<hbm>>
      %dma_wait3A_1032 = tpu.memref_squeeze %dma_wait3A_1031 : memref<1x40x128xi32, #tpu.memory_space<hbm>> -> memref<40x128xi32, #tpu.memory_space<hbm>>
      tpu.wait_dma2 semaphore(%run_scoped3A_1021 : memref<!tpu.dma_semaphore, #tpu.memory_space<semaphore_mem>>) src(%dma_wait3A_1032 : memref<40x128xi32, #tpu.memory_space<hbm>>) dst(%arg6 : memref<40x128xi32, #tpu.memory_space<vmem>>)
      tpu.yield
    }) : () -> ()
    %run_scoped3A_969 = arith.constant 1 : i32
    "tpu.region"() ({
      %run_scoped3A_1021 = tpu.sem_alloc : memref<!tpu.dma_semaphore, #tpu.memory_space<semaphore_mem>>
      %dma_start3A_1022 = arith.constant 0 : i32
      %dma_start3A_1023 = tpu.memref_slice %arg2[%run_scoped3A_969, %add3A_968, %dma_start3A_1022] : memref<2x2560x128xi32, #tpu.memory_space<hbm>> -> memref<1x40x128xi32, #tpu.memory_space<hbm>>
      %dma_start3A_1024 = tpu.memref_squeeze %dma_start3A_1023 : memref<1x40x128xi32, #tpu.memory_space<hbm>> -> memref<40x128xi32, #tpu.memory_space<hbm>>
      %dma_start3A_1025 = arith.constant 0 : i32
      %dma_start3A_1026 = tpu.memref_slice %arg2[%run_scoped3A_969, %add3A_968, %dma_start3A_1025] : memref<2x2560x128xi32, #tpu.memory_space<hbm>> -> memref<1x40x128xi32, #tpu.memory_space<hbm>>
      %dma_start3A_1027 = tpu.memref_squeeze %dma_start3A_1026 : memref<1x40x128xi32, #tpu.memory_space<hbm>> -> memref<40x128xi32, #tpu.memory_space<hbm>>
      tpu.enqueue_dma source(%dma_start3A_1027 : memref<40x128xi32, #tpu.memory_space<hbm>>) target(%arg7 : memref<40x128xi32, #tpu.memory_space<vmem>>) target_semaphore(%run_scoped3A_1021 : memref<!tpu.dma_semaphore, #tpu.memory_space<semaphore_mem>>)
      %dma_wait3A = arith.constant 0 : i32
      %dma_wait3A_1028 = tpu.memref_slice %arg2[%run_scoped3A_969, %add3A_968, %dma_wait3A] : memref<2x2560x128xi32, #tpu.memory_space<hbm>> -> memref<1x40x128xi32, #tpu.memory_space<hbm>>
      %dma_wait3A_1029 = tpu.memref_squeeze %dma_wait3A_1028 : memref<1x40x128xi32, #tpu.memory_space<hbm>> -> memref<40x128xi32, #tpu.memory_space<hbm>>
      %dma_wait3A_1030 = arith.constant 0 : i32
      %dma_wait3A_1031 = tpu.memref_slice %arg2[%run_scoped3A_969, %add3A_968, %dma_wait3A_1030] : memref<2x2560x128xi32, #tpu.memory_space<hbm>> -> memref<1x40x128xi32, #tpu.memory_space<hbm>>
      %dma_wait3A_1032 = tpu.memref_squeeze %dma_wait3A_1031 : memref<1x40x128xi32, #tpu.memory_space<hbm>> -> memref<40x128xi32, #tpu.memory_space<hbm>>
      tpu.wait_dma2 semaphore(%run_scoped3A_1021 : memref<!tpu.dma_semaphore, #tpu.memory_space<semaphore_mem>>) src(%dma_wait3A_1032 : memref<40x128xi32, #tpu.memory_space<hbm>>) dst(%arg7 : memref<40x128xi32, #tpu.memory_space<vmem>>)
      tpu.yield
    }) : () -> ()
    %dma_start3A = arith.constant 0 : i32
    %dma_start3A_970 = arith.constant 0 : i32
    %dma_start3A_971 = tpu.memref_slice %arg6[%dma_start3A, %dma_start3A_970] : memref<40x128xi32, #tpu.memory_space<vmem>> -> memref<1x128xi32, #tpu.memory_space<vmem>>
    %dma_start3A_972 = tpu.memref_squeeze %dma_start3A_971 : memref<1x128xi32, #tpu.memory_space<vmem>> -> memref<128xi32, #tpu.memory_space<vmem>>
    %dma_start3A_973 = arith.constant 0 : i32
    %dma_start3A_974 = arith.constant 0 : i32
    %dma_start3A_975 = tpu.memref_slice %arg3[%dma_start3A_973, %dma_start3A_974] : memref<10000x128xf32, #tpu.memory_space<hbm>> -> memref<10000x128xf32, #tpu.memory_space<hbm>>
    tpu.enqueue_indirect_dma source(%dma_start3A_975 : memref<10000x128xf32, #tpu.memory_space<hbm>>) target(%arg8 : memref<128x128xf32, #tpu.memory_space<vmem>>) offsets(%dma_start3A_972 : memref<128xi32, #tpu.memory_space<vmem>>) semaphore(%arg15 : memref<!tpu.dma_semaphore, #tpu.memory_space<semaphore_mem>>)
    %dma_start3A_976 = arith.constant 1 : i32
    %dma_start3A_977 = arith.constant 0 : i32
    %dma_start3A_978 = tpu.memref_slice %arg6[%dma_start3A_976, %dma_start3A_977] : memref<40x128xi32, #tpu.memory_space<vmem>> -> memref<1x128xi32, #tpu.memory_space<vmem>>
    %dma_start3A_979 = tpu.memref_squeeze %dma_start3A_978 : memref<1x128xi32, #tpu.memory_space<vmem>> -> memref<128xi32, #tpu.memory_space<vmem>>
    %dma_start3A_980 = arith.constant 0 : i32
    %dma_start3A_981 = arith.constant 0 : i32
    %dma_start3A_982 = tpu.memref_slice %arg3[%dma_start3A_980, %dma_start3A_981] : memref<10000x128xf32, #tpu.memory_space<hbm>> -> memref<10000x128xf32, #tpu.memory_space<hbm>>
    tpu.enqueue_indirect_dma source(%dma_start3A_982 : memref<10000x128xf32, #tpu.memory_space<hbm>>) target(%arg9 : memref<128x128xf32, #tpu.memory_space<vmem>>) offsets(%dma_start3A_979 : memref<128xi32, #tpu.memory_space<vmem>>) semaphore(%arg16 : memref<!tpu.dma_semaphore, #tpu.memory_space<semaphore_mem>>)
    %scan3A = arith.constant 0 : i32
    %scan3A_983 = arith.constant 0 : i32
    %scan3A_984 = arith.constant 40 : i32
    %scan3A_985 = arith.addi %scan3A_983, %scan3A_984 : i32
    %scan3A_986 = arith.constant 1 : i32
    scf.for %scan3A_1021 = %scan3A_983 to %scan3A_985 step %scan3A_986  : i32 {
      %mul3A_1022 = arith.constant 16 : i32
      %mul3A_1023 = arith.muli %scan3A_1021, %mul3A_1022 : i32
      %add3A_1024 = arith.addi %mul3A_964, %mul3A_1023 : i32
      "tpu.region"() ({
        %run_scoped3A_1025 = tpu.sem_alloc : memref<!tpu.dma_semaphore, #tpu.memory_space<semaphore_mem>>
        %dma_start3A_1026 = arith.constant 0 : i32
        %dma_start3A_1027 = tpu.memref_slice %arg13[%add3A_1024, %dma_start3A_1026] : memref<10240x128xf32, #tpu.memory_space<vmem_shared>> -> memref<16x128xf32, #tpu.memory_space<vmem_shared>>
        %dma_start3A_1028 = arith.constant 0 : i32
        %dma_start3A_1029 = tpu.memref_slice %arg13[%add3A_1024, %dma_start3A_1028] : memref<10240x128xf32, #tpu.memory_space<vmem_shared>> -> memref<16x128xf32, #tpu.memory_space<vmem_shared>>
        tpu.enqueue_dma source(%arg11 : memref<16x128xf32, #tpu.memory_space<vmem>>) target(%dma_start3A_1029 : memref<16x128xf32, #tpu.memory_space<vmem_shared>>) target_semaphore(%run_scoped3A_1025 : memref<!tpu.dma_semaphore, #tpu.memory_space<semaphore_mem>>)
        %dma_wait3A = arith.constant 0 : i32
        %dma_wait3A_1030 = tpu.memref_slice %arg13[%add3A_1024, %dma_wait3A] : memref<10240x128xf32, #tpu.memory_space<vmem_shared>> -> memref<16x128xf32, #tpu.memory_space<vmem_shared>>
        %dma_wait3A_1031 = arith.constant 0 : i32
        %dma_wait3A_1032 = tpu.memref_slice %arg13[%add3A_1024, %dma_wait3A_1031] : memref<10240x128xf32, #tpu.memory_space<vmem_shared>> -> memref<16x128xf32, #tpu.memory_space<vmem_shared>>
        tpu.wait_dma2 semaphore(%run_scoped3A_1025 : memref<!tpu.dma_semaphore, #tpu.memory_space<semaphore_mem>>) src(%arg11 : memref<16x128xf32, #tpu.memory_space<vmem>>) dst(%dma_wait3A_1032 : memref<16x128xf32, #tpu.memory_space<vmem_shared>>)
        tpu.yield
      }) : () -> ()
    }
    %scan3A_987 = arith.constant 40 : i32
    "tpu.region"() ({
      %run_scoped3A_1021 = tpu.sem_alloc : memref<!tpu.dma_semaphore, #tpu.memory_space<semaphore_mem>>
      %dma_start3A_1022 = tpu.memref_slice %arg14[%mul3A_964] : memref<10240xf32, #tpu.memory_space<vmem_shared>> -> memref<640xf32, #tpu.memory_space<vmem_shared>>
      %dma_start3A_1023 = tpu.memref_slice %arg14[%mul3A_964] : memref<10240xf32, #tpu.memory_space<vmem_shared>> -> memref<640xf32, #tpu.memory_space<vmem_shared>>
      tpu.enqueue_dma source(%arg12 : memref<640xf32, #tpu.memory_space<vmem>>) target(%dma_start3A_1023 : memref<640xf32, #tpu.memory_space<vmem_shared>>) target_semaphore(%run_scoped3A_1021 : memref<!tpu.dma_semaphore, #tpu.memory_space<semaphore_mem>>)
      %dma_wait3A = tpu.memref_slice %arg14[%mul3A_964] : memref<10240xf32, #tpu.memory_space<vmem_shared>> -> memref<640xf32, #tpu.memory_space<vmem_shared>>
      %dma_wait3A_1024 = tpu.memref_slice %arg14[%mul3A_964] : memref<10240xf32, #tpu.memory_space<vmem_shared>> -> memref<640xf32, #tpu.memory_space<vmem_shared>>
      tpu.wait_dma2 semaphore(%run_scoped3A_1021 : memref<!tpu.dma_semaphore, #tpu.memory_space<semaphore_mem>>) src(%arg12 : memref<640xf32, #tpu.memory_space<vmem>>) dst(%dma_wait3A_1024 : memref<640xf32, #tpu.memory_space<vmem_shared>>)
      tpu.yield
    }) : () -> ()
    %barrier3A = arith.constant 0 : index
    tpu.barrier barrier_id(%barrier3A)
    %scan3A_988 = arith.constant 0 : i32
    %scan3A_989 = arith.constant 0 : i32
    %scan3A_990 = arith.constant 20 : i32
    %scan3A_991 = arith.addi %scan3A_989, %scan3A_990 : i32
    %scan3A_992 = arith.constant 1 : i32
    scf.for %scan3A_1021 = %scan3A_989 to %scan3A_991 step %scan3A_992  : i32 {
      %mul3A_1022 = arith.constant 2 : i32
      %mul3A_1023 = arith.muli %mul3A_1022, %scan3A_1021 : i32
      %dma_wait3A = arith.constant 0 : i32
      %dma_wait3A_1024 = arith.constant 0 : i32
      %dma_wait3A_1025 = tpu.memref_slice %arg6[%dma_wait3A, %dma_wait3A_1024] : memref<40x128xi32, #tpu.memory_space<vmem>> -> memref<1x128xi32, #tpu.memory_space<vmem>>
      %dma_wait3A_1026 = tpu.memref_squeeze %dma_wait3A_1025 : memref<1x128xi32, #tpu.memory_space<vmem>> -> memref<128xi32, #tpu.memory_space<vmem>>
      %dma_wait3A_1027 = arith.constant 0 : i32
      %dma_wait3A_1028 = arith.constant 0 : i32
      %dma_wait3A_1029 = tpu.memref_slice %arg3[%dma_wait3A_1027, %dma_wait3A_1028] : memref<10000x128xf32, #tpu.memory_space<hbm>> -> memref<10000x128xf32, #tpu.memory_space<hbm>>
      tpu.wait_indirect_dma semaphore(%arg15 : memref<!tpu.dma_semaphore, #tpu.memory_space<semaphore_mem>>) src(%dma_wait3A_1029 : memref<10000x128xf32, #tpu.memory_space<hbm>>) dst(%arg8 : memref<128x128xf32, #tpu.memory_space<vmem>>)
      "tpu.region"() ({
        %run_scoped3A_1046 = tpu.sem_alloc : memref<!tpu.dma_semaphore, #tpu.memory_space<semaphore_mem>>
        %dma_start3A_1047 = arith.constant 0 : i32
        %dma_start3A_1048 = tpu.memref_slice %arg7[%mul3A_1023, %dma_start3A_1047] : memref<40x128xi32, #tpu.memory_space<vmem>> -> memref<1x128xi32, #tpu.memory_space<vmem>>
        %dma_start3A_1049 = tpu.memref_squeeze %dma_start3A_1048 : memref<1x128xi32, #tpu.memory_space<vmem>> -> memref<128xi32, #tpu.memory_space<vmem>>
        %dma_start3A_1050 = arith.constant 0 : i32
        %dma_start3A_1051 = arith.constant 0 : i32
        %dma_start3A_1052 = tpu.memref_slice %arg13[%dma_start3A_1050, %dma_start3A_1051] : memref<10240x128xf32, #tpu.memory_space<vmem_shared>> -> memref<10240x128xf32, #tpu.memory_space<vmem_shared>>
        tpu.enqueue_indirect_dma source(%arg8 : memref<128x128xf32, #tpu.memory_space<vmem>>) target(%dma_start3A_1052 : memref<10240x128xf32, #tpu.memory_space<vmem_shared>>) offsets(%dma_start3A_1049 : memref<128xi32, #tpu.memory_space<vmem>>) semaphore(%run_scoped3A_1046 : memref<!tpu.dma_semaphore, #tpu.memory_space<semaphore_mem>>) {add = true}
        %dma_wait3A_1053 = arith.constant 0 : i32
        %dma_wait3A_1054 = tpu.memref_slice %arg7[%mul3A_1023, %dma_wait3A_1053] : memref<40x128xi32, #tpu.memory_space<vmem>> -> memref<1x128xi32, #tpu.memory_space<vmem>>
        %dma_wait3A_1055 = tpu.memref_squeeze %dma_wait3A_1054 : memref<1x128xi32, #tpu.memory_space<vmem>> -> memref<128xi32, #tpu.memory_space<vmem>>
        %dma_wait3A_1056 = arith.constant 0 : i32
        %dma_wait3A_1057 = arith.constant 0 : i32
        %dma_wait3A_1058 = tpu.memref_slice %arg13[%dma_wait3A_1056, %dma_wait3A_1057] : memref<10240x128xf32, #tpu.memory_space<vmem_shared>> -> memref<10240x128xf32, #tpu.memory_space<vmem_shared>>
        tpu.wait_indirect_dma semaphore(%run_scoped3A_1046 : memref<!tpu.dma_semaphore, #tpu.memory_space<semaphore_mem>>) src(%arg8 : memref<128x128xf32, #tpu.memory_space<vmem>>) dst(%dma_wait3A_1058 : memref<10240x128xf32, #tpu.memory_space<vmem_shared>>)
        tpu.yield
      }) : () -> ()
      "tpu.region"() ({
        %run_scoped3A_1046 = tpu.sem_alloc : memref<!tpu.dma_semaphore, #tpu.memory_space<semaphore_mem>>
        %dma_start3A_1047 = arith.constant 0 : i32
        %dma_start3A_1048 = tpu.memref_slice %arg7[%mul3A_1023, %dma_start3A_1047] : memref<40x128xi32, #tpu.memory_space<vmem>> -> memref<1x128xi32, #tpu.memory_space<vmem>>
        %dma_start3A_1049 = tpu.memref_squeeze %dma_start3A_1048 : memref<1x128xi32, #tpu.memory_space<vmem>> -> memref<128xi32, #tpu.memory_space<vmem>>
        %dma_start3A_1050 = arith.constant 0 : i32
        %dma_start3A_1051 = tpu.memref_slice %arg14[%dma_start3A_1050] : memref<10240xf32, #tpu.memory_space<vmem_shared>> -> memref<10240xf32, #tpu.memory_space<vmem_shared>>
        tpu.enqueue_indirect_dma source(%arg10 : memref<128xf32, #tpu.memory_space<vmem>>) target(%dma_start3A_1051 : memref<10240xf32, #tpu.memory_space<vmem_shared>>) offsets(%dma_start3A_1049 : memref<128xi32, #tpu.memory_space<vmem>>) semaphore(%run_scoped3A_1046 : memref<!tpu.dma_semaphore, #tpu.memory_space<semaphore_mem>>) {add = true}
        %dma_wait3A_1052 = arith.constant 0 : i32
        %dma_wait3A_1053 = tpu.memref_slice %arg7[%mul3A_1023, %dma_wait3A_1052] : memref<40x128xi32, #tpu.memory_space<vmem>> -> memref<1x128xi32, #tpu.memory_space<vmem>>
        %dma_wait3A_1054 = tpu.memref_squeeze %dma_wait3A_1053 : memref<1x128xi32, #tpu.memory_space<vmem>> -> memref<128xi32, #tpu.memory_space<vmem>>
        %dma_wait3A_1055 = arith.constant 0 : i32
        %dma_wait3A_1056 = tpu.memref_slice %arg14[%dma_wait3A_1055] : memref<10240xf32, #tpu.memory_space<vmem_shared>> -> memref<10240xf32, #tpu.memory_space<vmem_shared>>
        tpu.wait_indirect_dma semaphore(%run_scoped3A_1046 : memref<!tpu.dma_semaphore, #tpu.memory_space<semaphore_mem>>) src(%arg10 : memref<128xf32, #tpu.memory_space<vmem>>) dst(%dma_wait3A_1056 : memref<10240xf32, #tpu.memory_space<vmem_shared>>)
        tpu.yield
      }) : () -> ()
      %lt3A = arith.constant 19 : i32
      %lt3A_1030 = arith.cmpi slt, %scan3A_1021, %lt3A : i32
      %convert_element_type3A = arith.extui %lt3A_1030 : i1 to i32
      %cond3A = arith.constant 0 : i32
      %cond3A_1031 = arith.cmpi ne, %convert_element_type3A, %cond3A : i32
      scf.if %cond3A_1031 {
        %add3A_1046 = arith.constant 2 : i32
        %add3A_1047 = arith.addi %mul3A_1023, %add3A_1046 : i32
        %dma_start3A_1048 = arith.constant 0 : i32
        %dma_start3A_1049 = tpu.memref_slice %arg6[%add3A_1047, %dma_start3A_1048] : memref<40x128xi32, #tpu.memory_space<vmem>> -> memref<1x128xi32, #tpu.memory_space<vmem>>
        %dma_start3A_1050 = tpu.memref_squeeze %dma_start3A_1049 : memref<1x128xi32, #tpu.memory_space<vmem>> -> memref<128xi32, #tpu.memory_space<vmem>>
        %dma_start3A_1051 = arith.constant 0 : i32
        %dma_start3A_1052 = arith.constant 0 : i32
        %dma_start3A_1053 = tpu.memref_slice %arg3[%dma_start3A_1051, %dma_start3A_1052] : memref<10000x128xf32, #tpu.memory_space<hbm>> -> memref<10000x128xf32, #tpu.memory_space<hbm>>
        tpu.enqueue_indirect_dma source(%dma_start3A_1053 : memref<10000x128xf32, #tpu.memory_space<hbm>>) target(%arg8 : memref<128x128xf32, #tpu.memory_space<vmem>>) offsets(%dma_start3A_1050 : memref<128xi32, #tpu.memory_space<vmem>>) semaphore(%arg15 : memref<!tpu.dma_semaphore, #tpu.memory_space<semaphore_mem>>)
      } else {
      }
      %dma_wait3A_1032 = arith.constant 0 : i32
      %dma_wait3A_1033 = arith.constant 0 : i32
      %dma_wait3A_1034 = tpu.memref_slice %arg6[%dma_wait3A_1032, %dma_wait3A_1033] : memref<40x128xi32, #tpu.memory_space<vmem>> -> memref<1x128xi32, #tpu.memory_space<vmem>>
      %dma_wait3A_1035 = tpu.memref_squeeze %dma_wait3A_1034 : memref<1x128xi32, #tpu.memory_space<vmem>> -> memref<128xi32, #tpu.memory_space<vmem>>
      %dma_wait3A_1036 = arith.constant 0 : i32
      %dma_wait3A_1037 = arith.constant 0 : i32
      %dma_wait3A_1038 = tpu.memref_slice %arg3[%dma_wait3A_1036, %dma_wait3A_1037] : memref<10000x128xf32, #tpu.memory_space<hbm>> -> memref<10000x128xf32, #tpu.memory_space<hbm>>
      tpu.wait_indirect_dma semaphore(%arg16 : memref<!tpu.dma_semaphore, #tpu.memory_space<semaphore_mem>>) src(%dma_wait3A_1038 : memref<10000x128xf32, #tpu.memory_space<hbm>>) dst(%arg9 : memref<128x128xf32, #tpu.memory_space<vmem>>)
      %add3A_1039 = arith.constant 1 : i32
      %add3A_1040 = arith.addi %mul3A_1023, %add3A_1039 : i32
      "tpu.region"() ({
        %run_scoped3A_1046 = tpu.sem_alloc : memref<!tpu.dma_semaphore, #tpu.memory_space<semaphore_mem>>
        %dma_start3A_1047 = arith.constant 0 : i32
        %dma_start3A_1048 = tpu.memref_slice %arg7[%add3A_1040, %dma_start3A_1047] : memref<40x128xi32, #tpu.memory_space<vmem>> -> memref<1x128xi32, #tpu.memory_space<vmem>>
        %dma_start3A_1049 = tpu.memref_squeeze %dma_start3A_1048 : memref<1x128xi32, #tpu.memory_space<vmem>> -> memref<128xi32, #tpu.memory_space<vmem>>
        %dma_start3A_1050 = arith.constant 0 : i32
        %dma_start3A_1051 = arith.constant 0 : i32
        %dma_start3A_1052 = tpu.memref_slice %arg13[%dma_start3A_1050, %dma_start3A_1051] : memref<10240x128xf32, #tpu.memory_space<vmem_shared>> -> memref<10240x128xf32, #tpu.memory_space<vmem_shared>>
        tpu.enqueue_indirect_dma source(%arg9 : memref<128x128xf32, #tpu.memory_space<vmem>>) target(%dma_start3A_1052 : memref<10240x128xf32, #tpu.memory_space<vmem_shared>>) offsets(%dma_start3A_1049 : memref<128xi32, #tpu.memory_space<vmem>>) semaphore(%run_scoped3A_1046 : memref<!tpu.dma_semaphore, #tpu.memory_space<semaphore_mem>>) {add = true}
        %dma_wait3A_1053 = arith.constant 0 : i32
        %dma_wait3A_1054 = tpu.memref_slice %arg7[%add3A_1040, %dma_wait3A_1053] : memref<40x128xi32, #tpu.memory_space<vmem>> -> memref<1x128xi32, #tpu.memory_space<vmem>>
        %dma_wait3A_1055 = tpu.memref_squeeze %dma_wait3A_1054 : memref<1x128xi32, #tpu.memory_space<vmem>> -> memref<128xi32, #tpu.memory_space<vmem>>
        %dma_wait3A_1056 = arith.constant 0 : i32
        %dma_wait3A_1057 = arith.constant 0 : i32
        %dma_wait3A_1058 = tpu.memref_slice %arg13[%dma_wait3A_1056, %dma_wait3A_1057] : memref<10240x128xf32, #tpu.memory_space<vmem_shared>> -> memref<10240x128xf32, #tpu.memory_space<vmem_shared>>
        tpu.wait_indirect_dma semaphore(%run_scoped3A_1046 : memref<!tpu.dma_semaphore, #tpu.memory_space<semaphore_mem>>) src(%arg9 : memref<128x128xf32, #tpu.memory_space<vmem>>) dst(%dma_wait3A_1058 : memref<10240x128xf32, #tpu.memory_space<vmem_shared>>)
        tpu.yield
      }) : () -> ()
      "tpu.region"() ({
        %run_scoped3A_1046 = tpu.sem_alloc : memref<!tpu.dma_semaphore, #tpu.memory_space<semaphore_mem>>
        %dma_start3A_1047 = arith.constant 0 : i32
        %dma_start3A_1048 = tpu.memref_slice %arg7[%add3A_1040, %dma_start3A_1047] : memref<40x128xi32, #tpu.memory_space<vmem>> -> memref<1x128xi32, #tpu.memory_space<vmem>>
        %dma_start3A_1049 = tpu.memref_squeeze %dma_start3A_1048 : memref<1x128xi32, #tpu.memory_space<vmem>> -> memref<128xi32, #tpu.memory_space<vmem>>
        %dma_start3A_1050 = arith.constant 0 : i32
        %dma_start3A_1051 = tpu.memref_slice %arg14[%dma_start3A_1050] : memref<10240xf32, #tpu.memory_space<vmem_shared>> -> memref<10240xf32, #tpu.memory_space<vmem_shared>>
        tpu.enqueue_indirect_dma source(%arg10 : memref<128xf32, #tpu.memory_space<vmem>>) target(%dma_start3A_1051 : memref<10240xf32, #tpu.memory_space<vmem_shared>>) offsets(%dma_start3A_1049 : memref<128xi32, #tpu.memory_space<vmem>>) semaphore(%run_scoped3A_1046 : memref<!tpu.dma_semaphore, #tpu.memory_space<semaphore_mem>>) {add = true}
        %dma_wait3A_1052 = arith.constant 0 : i32
        %dma_wait3A_1053 = tpu.memref_slice %arg7[%add3A_1040, %dma_wait3A_1052] : memref<40x128xi32, #tpu.memory_space<vmem>> -> memref<1x128xi32, #tpu.memory_space<vmem>>
        %dma_wait3A_1054 = tpu.memref_squeeze %dma_wait3A_1053 : memref<1x128xi32, #tpu.memory_space<vmem>> -> memref<128xi32, #tpu.memory_space<vmem>>
        %dma_wait3A_1055 = arith.constant 0 : i32
        %dma_wait3A_1056 = tpu.memref_slice %arg14[%dma_wait3A_1055] : memref<10240xf32, #tpu.memory_space<vmem_shared>> -> memref<10240xf32, #tpu.memory_space<vmem_shared>>
        tpu.wait_indirect_dma semaphore(%run_scoped3A_1046 : memref<!tpu.dma_semaphore, #tpu.memory_space<semaphore_mem>>) src(%arg10 : memref<128xf32, #tpu.memory_space<vmem>>) dst(%dma_wait3A_1056 : memref<10240xf32, #tpu.memory_space<vmem_shared>>)
        tpu.yield
      }) : () -> ()
      %lt3A_1041 = arith.constant 19 : i32
      %lt3A_1042 = arith.cmpi slt, %scan3A_1021, %lt3A_1041 : i32
      %convert_element_type3A_1043 = arith.extui %lt3A_1042 : i1 to i32
      %cond3A_1044 = arith.constant 0 : i32
      %cond3A_1045 = arith.cmpi ne, %convert_element_type3A_1043, %cond3A_1044 : i32
      scf.if %cond3A_1045 {
        %add3A_1046 = arith.constant 3 : i32
        %add3A_1047 = arith.addi %mul3A_1023, %add3A_1046 : i32
        %dma_start3A_1048 = arith.constant 0 : i32
        %dma_start3A_1049 = tpu.memref_slice %arg6[%add3A_1047, %dma_start3A_1048] : memref<40x128xi32, #tpu.memory_space<vmem>> -> memref<1x128xi32, #tpu.memory_space<vmem>>
        %dma_start3A_1050 = tpu.memref_squeeze %dma_start3A_1049 : memref<1x128xi32, #tpu.memory_space<vmem>> -> memref<128xi32, #tpu.memory_space<vmem>>
        %dma_start3A_1051 = arith.constant 0 : i32
        %dma_start3A_1052 = arith.constant 0 : i32
        %dma_start3A_1053 = tpu.memref_slice %arg3[%dma_start3A_1051, %dma_start3A_1052] : memref<10000x128xf32, #tpu.memory_space<hbm>> -> memref<10000x128xf32, #tpu.memory_space<hbm>>
        tpu.enqueue_indirect_dma source(%dma_start3A_1053 : memref<10000x128xf32, #tpu.memory_space<hbm>>) target(%arg9 : memref<128x128xf32, #tpu.memory_space<vmem>>) offsets(%dma_start3A_1050 : memref<128xi32, #tpu.memory_space<vmem>>) semaphore(%arg16 : memref<!tpu.dma_semaphore, #tpu.memory_space<semaphore_mem>>)
      } else {
      }
    }
    %scan3A_993 = arith.constant 20 : i32
    %mul3A_994 = arith.constant 80 : i32
    %mul3A_995 = arith.muli %add3A, %mul3A_994 : i32
    %add3A_996 = arith.constant 40 : i32
    %add3A_997 = arith.addi %mul3A_995, %add3A_996 : i32
    %run_scoped3A_998 = arith.constant 0 : i32
    "tpu.region"() ({
      %run_scoped3A_1021 = tpu.sem_alloc : memref<!tpu.dma_semaphore, #tpu.memory_space<semaphore_mem>>
      %dma_start3A_1022 = arith.constant 0 : i32
      %dma_start3A_1023 = tpu.memref_slice %arg2[%run_scoped3A_998, %add3A_997, %dma_start3A_1022] : memref<2x2560x128xi32, #tpu.memory_space<hbm>> -> memref<1x40x128xi32, #tpu.memory_space<hbm>>
      %dma_start3A_1024 = tpu.memref_squeeze %dma_start3A_1023 : memref<1x40x128xi32, #tpu.memory_space<hbm>> -> memref<40x128xi32, #tpu.memory_space<hbm>>
      %dma_start3A_1025 = arith.constant 0 : i32
      %dma_start3A_1026 = tpu.memref_slice %arg2[%run_scoped3A_998, %add3A_997, %dma_start3A_1025] : memref<2x2560x128xi32, #tpu.memory_space<hbm>> -> memref<1x40x128xi32, #tpu.memory_space<hbm>>
      %dma_start3A_1027 = tpu.memref_squeeze %dma_start3A_1026 : memref<1x40x128xi32, #tpu.memory_space<hbm>> -> memref<40x128xi32, #tpu.memory_space<hbm>>
      tpu.enqueue_dma source(%dma_start3A_1027 : memref<40x128xi32, #tpu.memory_space<hbm>>) target(%arg6 : memref<40x128xi32, #tpu.memory_space<vmem>>) target_semaphore(%run_scoped3A_1021 : memref<!tpu.dma_semaphore, #tpu.memory_space<semaphore_mem>>)
      %dma_wait3A = arith.constant 0 : i32
      %dma_wait3A_1028 = tpu.memref_slice %arg2[%run_scoped3A_998, %add3A_997, %dma_wait3A] : memref<2x2560x128xi32, #tpu.memory_space<hbm>> -> memref<1x40x128xi32, #tpu.memory_space<hbm>>
      %dma_wait3A_1029 = tpu.memref_squeeze %dma_wait3A_1028 : memref<1x40x128xi32, #tpu.memory_space<hbm>> -> memref<40x128xi32, #tpu.memory_space<hbm>>
      %dma_wait3A_1030 = arith.constant 0 : i32
      %dma_wait3A_1031 = tpu.memref_slice %arg2[%run_scoped3A_998, %add3A_997, %dma_wait3A_1030] : memref<2x2560x128xi32, #tpu.memory_space<hbm>> -> memref<1x40x128xi32, #tpu.memory_space<hbm>>
      %dma_wait3A_1032 = tpu.memref_squeeze %dma_wait3A_1031 : memref<1x40x128xi32, #tpu.memory_space<hbm>> -> memref<40x128xi32, #tpu.memory_space<hbm>>
      tpu.wait_dma2 semaphore(%run_scoped3A_1021 : memref<!tpu.dma_semaphore, #tpu.memory_space<semaphore_mem>>) src(%dma_wait3A_1032 : memref<40x128xi32, #tpu.memory_space<hbm>>) dst(%arg6 : memref<40x128xi32, #tpu.memory_space<vmem>>)
      tpu.yield
    }) : () -> ()
    %run_scoped3A_999 = arith.constant 1 : i32
    "tpu.region"() ({
      %run_scoped3A_1021 = tpu.sem_alloc : memref<!tpu.dma_semaphore, #tpu.memory_space<semaphore_mem>>
      %dma_start3A_1022 = arith.constant 0 : i32
      %dma_start3A_1023 = tpu.memref_slice %arg2[%run_scoped3A_999, %add3A_997, %dma_start3A_1022] : memref<2x2560x128xi32, #tpu.memory_space<hbm>> -> memref<1x40x128xi32, #tpu.memory_space<hbm>>
      %dma_start3A_1024 = tpu.memref_squeeze %dma_start3A_1023 : memref<1x40x128xi32, #tpu.memory_space<hbm>> -> memref<40x128xi32, #tpu.memory_space<hbm>>
      %dma_start3A_1025 = arith.constant 0 : i32
      %dma_start3A_1026 = tpu.memref_slice %arg2[%run_scoped3A_999, %add3A_997, %dma_start3A_1025] : memref<2x2560x128xi32, #tpu.memory_space<hbm>> -> memref<1x40x128xi32, #tpu.memory_space<hbm>>
      %dma_start3A_1027 = tpu.memref_squeeze %dma_start3A_1026 : memref<1x40x128xi32, #tpu.memory_space<hbm>> -> memref<40x128xi32, #tpu.memory_space<hbm>>
      tpu.enqueue_dma source(%dma_start3A_1027 : memref<40x128xi32, #tpu.memory_space<hbm>>) target(%arg7 : memref<40x128xi32, #tpu.memory_space<vmem>>) target_semaphore(%run_scoped3A_1021 : memref<!tpu.dma_semaphore, #tpu.memory_space<semaphore_mem>>)
      %dma_wait3A = arith.constant 0 : i32
      %dma_wait3A_1028 = tpu.memref_slice %arg2[%run_scoped3A_999, %add3A_997, %dma_wait3A] : memref<2x2560x128xi32, #tpu.memory_space<hbm>> -> memref<1x40x128xi32, #tpu.memory_space<hbm>>
      %dma_wait3A_1029 = tpu.memref_squeeze %dma_wait3A_1028 : memref<1x40x128xi32, #tpu.memory_space<hbm>> -> memref<40x128xi32, #tpu.memory_space<hbm>>
      %dma_wait3A_1030 = arith.constant 0 : i32
      %dma_wait3A_1031 = tpu.memref_slice %arg2[%run_scoped3A_999, %add3A_997, %dma_wait3A_1030] : memref<2x2560x128xi32, #tpu.memory_space<hbm>> -> memref<1x40x128xi32, #tpu.memory_space<hbm>>
      %dma_wait3A_1032 = tpu.memref_squeeze %dma_wait3A_1031 : memref<1x40x128xi32, #tpu.memory_space<hbm>> -> memref<40x128xi32, #tpu.memory_space<hbm>>
      tpu.wait_dma2 semaphore(%run_scoped3A_1021 : memref<!tpu.dma_semaphore, #tpu.memory_space<semaphore_mem>>) src(%dma_wait3A_1032 : memref<40x128xi32, #tpu.memory_space<hbm>>) dst(%arg7 : memref<40x128xi32, #tpu.memory_space<vmem>>)
      tpu.yield
    }) : () -> ()
    %dma_start3A_1000 = arith.constant 0 : i32
    %dma_start3A_1001 = arith.constant 0 : i32
    %dma_start3A_1002 = tpu.memref_slice %arg6[%dma_start3A_1000, %dma_start3A_1001] : memref<40x128xi32, #tpu.memory_space<vmem>> -> memref<1x128xi32, #tpu.memory_space<vmem>>
    %dma_start3A_1003 = tpu.memref_squeeze %dma_start3A_1002 : memref<1x128xi32, #tpu.memory_space<vmem>> -> memref<128xi32, #tpu.memory_space<vmem>>
    %dma_start3A_1004 = arith.constant 0 : i32
    %dma_start3A_1005 = arith.constant 0 : i32
    %dma_start3A_1006 = tpu.memref_slice %arg3[%dma_start3A_1004, %dma_start3A_1005] : memref<10000x128xf32, #tpu.memory_space<hbm>> -> memref<10000x128xf32, #tpu.memory_space<hbm>>
    tpu.enqueue_indirect_dma source(%dma_start3A_1006 : memref<10000x128xf32, #tpu.memory_space<hbm>>) target(%arg8 : memref<128x128xf32, #tpu.memory_space<vmem>>) offsets(%dma_start3A_1003 : memref<128xi32, #tpu.memory_space<vmem>>) semaphore(%arg15 : memref<!tpu.dma_semaphore, #tpu.memory_space<semaphore_mem>>)
    %dma_start3A_1007 = arith.constant 1 : i32
    %dma_start3A_1008 = arith.constant 0 : i32
    %dma_start3A_1009 = tpu.memref_slice %arg6[%dma_start3A_1007, %dma_start3A_1008] : memref<40x128xi32, #tpu.memory_space<vmem>> -> memref<1x128xi32, #tpu.memory_space<vmem>>
    %dma_start3A_1010 = tpu.memref_squeeze %dma_start3A_1009 : memref<1x128xi32, #tpu.memory_space<vmem>> -> memref<128xi32, #tpu.memory_space<vmem>>
    %dma_start3A_1011 = arith.constant 0 : i32
    %dma_start3A_1012 = arith.constant 0 : i32
    %dma_start3A_1013 = tpu.memref_slice %arg3[%dma_start3A_1011, %dma_start3A_1012] : memref<10000x128xf32, #tpu.memory_space<hbm>> -> memref<10000x128xf32, #tpu.memory_space<hbm>>
    tpu.enqueue_indirect_dma source(%dma_start3A_1013 : memref<10000x128xf32, #tpu.memory_space<hbm>>) target(%arg9 : memref<128x128xf32, #tpu.memory_space<vmem>>) offsets(%dma_start3A_1010 : memref<128xi32, #tpu.memory_space<vmem>>) semaphore(%arg16 : memref<!tpu.dma_semaphore, #tpu.memory_space<semaphore_mem>>)
    %scan3A_1014 = arith.constant 0 : i32
    %scan3A_1015 = arith.constant 0 : i32
    %scan3A_1016 = arith.constant 20 : i32
    %scan3A_1017 = arith.addi %scan3A_1015, %scan3A_1016 : i32
    %scan3A_1018 = arith.constant 1 : i32
    scf.for %scan3A_1021 = %scan3A_1015 to %scan3A_1017 step %scan3A_1018  : i32 {
      %mul3A_1022 = arith.constant 2 : i32
      %mul3A_1023 = arith.muli %mul3A_1022, %scan3A_1021 : i32
      %dma_wait3A = arith.constant 0 : i32
      %dma_wait3A_1024 = arith.constant 0 : i32
      %dma_wait3A_1025 = tpu.memref_slice %arg6[%dma_wait3A, %dma_wait3A_1024] : memref<40x128xi32, #tpu.memory_space<vmem>> -> memref<1x128xi32, #tpu.memory_space<vmem>>
      %dma_wait3A_1026 = tpu.memref_squeeze %dma_wait3A_1025 : memref<1x128xi32, #tpu.memory_space<vmem>> -> memref<128xi32, #tpu.memory_space<vmem>>
      %dma_wait3A_1027 = arith.constant 0 : i32
      %dma_wait3A_1028 = arith.constant 0 : i32
      %dma_wait3A_1029 = tpu.memref_slice %arg3[%dma_wait3A_1027, %dma_wait3A_1028] : memref<10000x128xf32, #tpu.memory_space<hbm>> -> memref<10000x128xf32, #tpu.memory_space<hbm>>
      tpu.wait_indirect_dma semaphore(%arg15 : memref<!tpu.dma_semaphore, #tpu.memory_space<semaphore_mem>>) src(%dma_wait3A_1029 : memref<10000x128xf32, #tpu.memory_space<hbm>>) dst(%arg8 : memref<128x128xf32, #tpu.memory_space<vmem>>)
      "tpu.region"() ({
        %run_scoped3A_1046 = tpu.sem_alloc : memref<!tpu.dma_semaphore, #tpu.memory_space<semaphore_mem>>
        %dma_start3A_1047 = arith.constant 0 : i32
        %dma_start3A_1048 = tpu.memref_slice %arg7[%mul3A_1023, %dma_start3A_1047] : memref<40x128xi32, #tpu.memory_space<vmem>> -> memref<1x128xi32, #tpu.memory_space<vmem>>
        %dma_start3A_1049 = tpu.memref_squeeze %dma_start3A_1048 : memref<1x128xi32, #tpu.memory_space<vmem>> -> memref<128xi32, #tpu.memory_space<vmem>>
        %dma_start3A_1050 = arith.constant 0 : i32
        %dma_start3A_1051 = arith.constant 0 : i32
        %dma_start3A_1052 = tpu.memref_slice %arg13[%dma_start3A_1050, %dma_start3A_1051] : memref<10240x128xf32, #tpu.memory_space<vmem_shared>> -> memref<10240x128xf32, #tpu.memory_space<vmem_shared>>
        tpu.enqueue_indirect_dma source(%arg8 : memref<128x128xf32, #tpu.memory_space<vmem>>) target(%dma_start3A_1052 : memref<10240x128xf32, #tpu.memory_space<vmem_shared>>) offsets(%dma_start3A_1049 : memref<128xi32, #tpu.memory_space<vmem>>) semaphore(%run_scoped3A_1046 : memref<!tpu.dma_semaphore, #tpu.memory_space<semaphore_mem>>) {add = true}
        %dma_wait3A_1053 = arith.constant 0 : i32
        %dma_wait3A_1054 = tpu.memref_slice %arg7[%mul3A_1023, %dma_wait3A_1053] : memref<40x128xi32, #tpu.memory_space<vmem>> -> memref<1x128xi32, #tpu.memory_space<vmem>>
        %dma_wait3A_1055 = tpu.memref_squeeze %dma_wait3A_1054 : memref<1x128xi32, #tpu.memory_space<vmem>> -> memref<128xi32, #tpu.memory_space<vmem>>
        %dma_wait3A_1056 = arith.constant 0 : i32
        %dma_wait3A_1057 = arith.constant 0 : i32
        %dma_wait3A_1058 = tpu.memref_slice %arg13[%dma_wait3A_1056, %dma_wait3A_1057] : memref<10240x128xf32, #tpu.memory_space<vmem_shared>> -> memref<10240x128xf32, #tpu.memory_space<vmem_shared>>
        tpu.wait_indirect_dma semaphore(%run_scoped3A_1046 : memref<!tpu.dma_semaphore, #tpu.memory_space<semaphore_mem>>) src(%arg8 : memref<128x128xf32, #tpu.memory_space<vmem>>) dst(%dma_wait3A_1058 : memref<10240x128xf32, #tpu.memory_space<vmem_shared>>)
        tpu.yield
      }) : () -> ()
      "tpu.region"() ({
        %run_scoped3A_1046 = tpu.sem_alloc : memref<!tpu.dma_semaphore, #tpu.memory_space<semaphore_mem>>
        %dma_start3A_1047 = arith.constant 0 : i32
        %dma_start3A_1048 = tpu.memref_slice %arg7[%mul3A_1023, %dma_start3A_1047] : memref<40x128xi32, #tpu.memory_space<vmem>> -> memref<1x128xi32, #tpu.memory_space<vmem>>
        %dma_start3A_1049 = tpu.memref_squeeze %dma_start3A_1048 : memref<1x128xi32, #tpu.memory_space<vmem>> -> memref<128xi32, #tpu.memory_space<vmem>>
        %dma_start3A_1050 = arith.constant 0 : i32
        %dma_start3A_1051 = tpu.memref_slice %arg14[%dma_start3A_1050] : memref<10240xf32, #tpu.memory_space<vmem_shared>> -> memref<10240xf32, #tpu.memory_space<vmem_shared>>
        tpu.enqueue_indirect_dma source(%arg10 : memref<128xf32, #tpu.memory_space<vmem>>) target(%dma_start3A_1051 : memref<10240xf32, #tpu.memory_space<vmem_shared>>) offsets(%dma_start3A_1049 : memref<128xi32, #tpu.memory_space<vmem>>) semaphore(%run_scoped3A_1046 : memref<!tpu.dma_semaphore, #tpu.memory_space<semaphore_mem>>) {add = true}
        %dma_wait3A_1052 = arith.constant 0 : i32
        %dma_wait3A_1053 = tpu.memref_slice %arg7[%mul3A_1023, %dma_wait3A_1052] : memref<40x128xi32, #tpu.memory_space<vmem>> -> memref<1x128xi32, #tpu.memory_space<vmem>>
        %dma_wait3A_1054 = tpu.memref_squeeze %dma_wait3A_1053 : memref<1x128xi32, #tpu.memory_space<vmem>> -> memref<128xi32, #tpu.memory_space<vmem>>
        %dma_wait3A_1055 = arith.constant 0 : i32
        %dma_wait3A_1056 = tpu.memref_slice %arg14[%dma_wait3A_1055] : memref<10240xf32, #tpu.memory_space<vmem_shared>> -> memref<10240xf32, #tpu.memory_space<vmem_shared>>
        tpu.wait_indirect_dma semaphore(%run_scoped3A_1046 : memref<!tpu.dma_semaphore, #tpu.memory_space<semaphore_mem>>) src(%arg10 : memref<128xf32, #tpu.memory_space<vmem>>) dst(%dma_wait3A_1056 : memref<10240xf32, #tpu.memory_space<vmem_shared>>)
        tpu.yield
      }) : () -> ()
      %lt3A = arith.constant 19 : i32
      %lt3A_1030 = arith.cmpi slt, %scan3A_1021, %lt3A : i32
      %convert_element_type3A = arith.extui %lt3A_1030 : i1 to i32
      %cond3A = arith.constant 0 : i32
      %cond3A_1031 = arith.cmpi ne, %convert_element_type3A, %cond3A : i32
      scf.if %cond3A_1031 {
        %add3A_1046 = arith.constant 2 : i32
        %add3A_1047 = arith.addi %mul3A_1023, %add3A_1046 : i32
        %dma_start3A_1048 = arith.constant 0 : i32
        %dma_start3A_1049 = tpu.memref_slice %arg6[%add3A_1047, %dma_start3A_1048] : memref<40x128xi32, #tpu.memory_space<vmem>> -> memref<1x128xi32, #tpu.memory_space<vmem>>
        %dma_start3A_1050 = tpu.memref_squeeze %dma_start3A_1049 : memref<1x128xi32, #tpu.memory_space<vmem>> -> memref<128xi32, #tpu.memory_space<vmem>>
        %dma_start3A_1051 = arith.constant 0 : i32
        %dma_start3A_1052 = arith.constant 0 : i32
        %dma_start3A_1053 = tpu.memref_slice %arg3[%dma_start3A_1051, %dma_start3A_1052] : memref<10000x128xf32, #tpu.memory_space<hbm>> -> memref<10000x128xf32, #tpu.memory_space<hbm>>
        tpu.enqueue_indirect_dma source(%dma_start3A_1053 : memref<10000x128xf32, #tpu.memory_space<hbm>>) target(%arg8 : memref<128x128xf32, #tpu.memory_space<vmem>>) offsets(%dma_start3A_1050 : memref<128xi32, #tpu.memory_space<vmem>>) semaphore(%arg15 : memref<!tpu.dma_semaphore, #tpu.memory_space<semaphore_mem>>)
      } else {
      }
      %dma_wait3A_1032 = arith.constant 0 : i32
      %dma_wait3A_1033 = arith.constant 0 : i32
      %dma_wait3A_1034 = tpu.memref_slice %arg6[%dma_wait3A_1032, %dma_wait3A_1033] : memref<40x128xi32, #tpu.memory_space<vmem>> -> memref<1x128xi32, #tpu.memory_space<vmem>>
      %dma_wait3A_1035 = tpu.memref_squeeze %dma_wait3A_1034 : memref<1x128xi32, #tpu.memory_space<vmem>> -> memref<128xi32, #tpu.memory_space<vmem>>
      %dma_wait3A_1036 = arith.constant 0 : i32
      %dma_wait3A_1037 = arith.constant 0 : i32
      %dma_wait3A_1038 = tpu.memref_slice %arg3[%dma_wait3A_1036, %dma_wait3A_1037] : memref<10000x128xf32, #tpu.memory_space<hbm>> -> memref<10000x128xf32, #tpu.memory_space<hbm>>
      tpu.wait_indirect_dma semaphore(%arg16 : memref<!tpu.dma_semaphore, #tpu.memory_space<semaphore_mem>>) src(%dma_wait3A_1038 : memref<10000x128xf32, #tpu.memory_space<hbm>>) dst(%arg9 : memref<128x128xf32, #tpu.memory_space<vmem>>)
      %add3A_1039 = arith.constant 1 : i32
      %add3A_1040 = arith.addi %mul3A_1023, %add3A_1039 : i32
      "tpu.region"() ({
        %run_scoped3A_1046 = tpu.sem_alloc : memref<!tpu.dma_semaphore, #tpu.memory_space<semaphore_mem>>
        %dma_start3A_1047 = arith.constant 0 : i32
        %dma_start3A_1048 = tpu.memref_slice %arg7[%add3A_1040, %dma_start3A_1047] : memref<40x128xi32, #tpu.memory_space<vmem>> -> memref<1x128xi32, #tpu.memory_space<vmem>>
        %dma_start3A_1049 = tpu.memref_squeeze %dma_start3A_1048 : memref<1x128xi32, #tpu.memory_space<vmem>> -> memref<128xi32, #tpu.memory_space<vmem>>
        %dma_start3A_1050 = arith.constant 0 : i32
        %dma_start3A_1051 = arith.constant 0 : i32
        %dma_start3A_1052 = tpu.memref_slice %arg13[%dma_start3A_1050, %dma_start3A_1051] : memref<10240x128xf32, #tpu.memory_space<vmem_shared>> -> memref<10240x128xf32, #tpu.memory_space<vmem_shared>>
        tpu.enqueue_indirect_dma source(%arg9 : memref<128x128xf32, #tpu.memory_space<vmem>>) target(%dma_start3A_1052 : memref<10240x128xf32, #tpu.memory_space<vmem_shared>>) offsets(%dma_start3A_1049 : memref<128xi32, #tpu.memory_space<vmem>>) semaphore(%run_scoped3A_1046 : memref<!tpu.dma_semaphore, #tpu.memory_space<semaphore_mem>>) {add = true}
        %dma_wait3A_1053 = arith.constant 0 : i32
        %dma_wait3A_1054 = tpu.memref_slice %arg7[%add3A_1040, %dma_wait3A_1053] : memref<40x128xi32, #tpu.memory_space<vmem>> -> memref<1x128xi32, #tpu.memory_space<vmem>>
        %dma_wait3A_1055 = tpu.memref_squeeze %dma_wait3A_1054 : memref<1x128xi32, #tpu.memory_space<vmem>> -> memref<128xi32, #tpu.memory_space<vmem>>
        %dma_wait3A_1056 = arith.constant 0 : i32
        %dma_wait3A_1057 = arith.constant 0 : i32
        %dma_wait3A_1058 = tpu.memref_slice %arg13[%dma_wait3A_1056, %dma_wait3A_1057] : memref<10240x128xf32, #tpu.memory_space<vmem_shared>> -> memref<10240x128xf32, #tpu.memory_space<vmem_shared>>
        tpu.wait_indirect_dma semaphore(%run_scoped3A_1046 : memref<!tpu.dma_semaphore, #tpu.memory_space<semaphore_mem>>) src(%arg9 : memref<128x128xf32, #tpu.memory_space<vmem>>) dst(%dma_wait3A_1058 : memref<10240x128xf32, #tpu.memory_space<vmem_shared>>)
        tpu.yield
      }) : () -> ()
      "tpu.region"() ({
        %run_scoped3A_1046 = tpu.sem_alloc : memref<!tpu.dma_semaphore, #tpu.memory_space<semaphore_mem>>
        %dma_start3A_1047 = arith.constant 0 : i32
        %dma_start3A_1048 = tpu.memref_slice %arg7[%add3A_1040, %dma_start3A_1047] : memref<40x128xi32, #tpu.memory_space<vmem>> -> memref<1x128xi32, #tpu.memory_space<vmem>>
        %dma_start3A_1049 = tpu.memref_squeeze %dma_start3A_1048 : memref<1x128xi32, #tpu.memory_space<vmem>> -> memref<128xi32, #tpu.memory_space<vmem>>
        %dma_start3A_1050 = arith.constant 0 : i32
        %dma_start3A_1051 = tpu.memref_slice %arg14[%dma_start3A_1050] : memref<10240xf32, #tpu.memory_space<vmem_shared>> -> memref<10240xf32, #tpu.memory_space<vmem_shared>>
        tpu.enqueue_indirect_dma source(%arg10 : memref<128xf32, #tpu.memory_space<vmem>>) target(%dma_start3A_1051 : memref<10240xf32, #tpu.memory_space<vmem_shared>>) offsets(%dma_start3A_1049 : memref<128xi32, #tpu.memory_space<vmem>>) semaphore(%run_scoped3A_1046 : memref<!tpu.dma_semaphore, #tpu.memory_space<semaphore_mem>>) {add = true}
        %dma_wait3A_1052 = arith.constant 0 : i32
        %dma_wait3A_1053 = tpu.memref_slice %arg7[%add3A_1040, %dma_wait3A_1052] : memref<40x128xi32, #tpu.memory_space<vmem>> -> memref<1x128xi32, #tpu.memory_space<vmem>>
        %dma_wait3A_1054 = tpu.memref_squeeze %dma_wait3A_1053 : memref<1x128xi32, #tpu.memory_space<vmem>> -> memref<128xi32, #tpu.memory_space<vmem>>
        %dma_wait3A_1055 = arith.constant 0 : i32
        %dma_wait3A_1056 = tpu.memref_slice %arg14[%dma_wait3A_1055] : memref<10240xf32, #tpu.memory_space<vmem_shared>> -> memref<10240xf32, #tpu.memory_space<vmem_shared>>
        tpu.wait_indirect_dma semaphore(%run_scoped3A_1046 : memref<!tpu.dma_semaphore, #tpu.memory_space<semaphore_mem>>) src(%arg10 : memref<128xf32, #tpu.memory_space<vmem>>) dst(%dma_wait3A_1056 : memref<10240xf32, #tpu.memory_space<vmem_shared>>)
        tpu.yield
      }) : () -> ()
      %lt3A_1041 = arith.constant 19 : i32
      %lt3A_1042 = arith.cmpi slt, %scan3A_1021, %lt3A_1041 : i32
      %convert_element_type3A_1043 = arith.extui %lt3A_1042 : i1 to i32
      %cond3A_1044 = arith.constant 0 : i32
      %cond3A_1045 = arith.cmpi ne, %convert_element_type3A_1043, %cond3A_1044 : i32
      scf.if %cond3A_1045 {
        %add3A_1046 = arith.constant 3 : i32
        %add3A_1047 = arith.addi %mul3A_1023, %add3A_1046 : i32
        %dma_start3A_1048 = arith.constant 0 : i32
        %dma_start3A_1049 = tpu.memref_slice %arg6[%add3A_1047, %dma_start3A_1048] : memref<40x128xi32, #tpu.memory_space<vmem>> -> memref<1x128xi32, #tpu.memory_space<vmem>>
        %dma_start3A_1050 = tpu.memref_squeeze %dma_start3A_1049 : memref<1x128xi32, #tpu.memory_space<vmem>> -> memref<128xi32, #tpu.memory_space<vmem>>
        %dma_start3A_1051 = arith.constant 0 : i32
        %dma_start3A_1052 = arith.constant 0 : i32
        %dma_start3A_1053 = tpu.memref_slice %arg3[%dma_start3A_1051, %dma_start3A_1052] : memref<10000x128xf32, #tpu.memory_space<hbm>> -> memref<10000x128xf32, #tpu.memory_space<hbm>>
        tpu.enqueue_indirect_dma source(%dma_start3A_1053 : memref<10000x128xf32, #tpu.memory_space<hbm>>) target(%arg9 : memref<128x128xf32, #tpu.memory_space<vmem>>) offsets(%dma_start3A_1050 : memref<128xi32, #tpu.memory_space<vmem>>) semaphore(%arg16 : memref<!tpu.dma_semaphore, #tpu.memory_space<semaphore_mem>>)
      } else {
      }
    }
    %scan3A_1019 = arith.constant 20 : i32
    %barrier3A_1020 = arith.constant 0 : index
    tpu.barrier barrier_id(%barrier3A_1020)
    "tpu.region"() ({
      %run_scoped3A_1021 = tpu.sem_alloc : memref<!tpu.dma_semaphore, #tpu.memory_space<semaphore_mem>>
      %dma_start3A_1022 = arith.constant 0 : i32
      %dma_start3A_1023 = tpu.memref_slice %arg4[%arg0, %mul3A_964, %dma_start3A_1022] : memref<2x10240x128xf32, #tpu.memory_space<hbm>> -> memref<1x640x128xf32, #tpu.memory_space<hbm>>
      %dma_start3A_1024 = tpu.memref_squeeze %dma_start3A_1023 : memref<1x640x128xf32, #tpu.memory_space<hbm>> -> memref<640x128xf32, #tpu.memory_space<hbm>>
      %dma_start3A_1025 = arith.constant 0 : i32
      %dma_start3A_1026 = tpu.memref_slice %arg13[%mul3A_964, %dma_start3A_1025] : memref<10240x128xf32, #tpu.memory_space<vmem_shared>> -> memref<640x128xf32, #tpu.memory_space<vmem_shared>>
      tpu.enqueue_dma source(%dma_start3A_1026 : memref<640x128xf32, #tpu.memory_space<vmem_shared>>) target(%dma_start3A_1024 : memref<640x128xf32, #tpu.memory_space<hbm>>) target_semaphore(%run_scoped3A_1021 : memref<!tpu.dma_semaphore, #tpu.memory_space<semaphore_mem>>)
      %dma_wait3A = arith.constant 0 : i32
      %dma_wait3A_1027 = tpu.memref_slice %arg4[%arg0, %mul3A_964, %dma_wait3A] : memref<2x10240x128xf32, #tpu.memory_space<hbm>> -> memref<1x640x128xf32, #tpu.memory_space<hbm>>
      %dma_wait3A_1028 = tpu.memref_squeeze %dma_wait3A_1027 : memref<1x640x128xf32, #tpu.memory_space<hbm>> -> memref<640x128xf32, #tpu.memory_space<hbm>>
      %dma_wait3A_1029 = arith.constant 0 : i32
      %dma_wait3A_1030 = tpu.memref_slice %arg13[%mul3A_964, %dma_wait3A_1029] : memref<10240x128xf32, #tpu.memory_space<vmem_shared>> -> memref<640x128xf32, #tpu.memory_space<vmem_shared>>
      tpu.wait_dma2 semaphore(%run_scoped3A_1021 : memref<!tpu.dma_semaphore, #tpu.memory_space<semaphore_mem>>) src(%dma_wait3A_1030 : memref<640x128xf32, #tpu.memory_space<vmem_shared>>) dst(%dma_wait3A_1028 : memref<640x128xf32, #tpu.memory_space<hbm>>)
      tpu.yield
    }) : () -> ()
    "tpu.region"() ({
      %run_scoped3A_1021 = tpu.sem_alloc : memref<!tpu.dma_semaphore, #tpu.memory_space<semaphore_mem>>
      %dma_start3A_1022 = tpu.memref_slice %arg5[%arg0, %mul3A_964] : memref<2x10240xf32, #tpu.memory_space<hbm>> -> memref<1x640xf32, #tpu.memory_space<hbm>>
      %dma_start3A_1023 = tpu.memref_squeeze %dma_start3A_1022 : memref<1x640xf32, #tpu.memory_space<hbm>> -> memref<640xf32, #tpu.memory_space<hbm>>
      %dma_start3A_1024 = tpu.memref_slice %arg14[%mul3A_964] : memref<10240xf32, #tpu.memory_space<vmem_shared>> -> memref<640xf32, #tpu.memory_space<vmem_shared>>
      tpu.enqueue_dma source(%dma_start3A_1024 : memref<640xf32, #tpu.memory_space<vmem_shared>>) target(%dma_start3A_1023 : memref<640xf32, #tpu.memory_space<hbm>>) target_semaphore(%run_scoped3A_1021 : memref<!tpu.dma_semaphore, #tpu.memory_space<semaphore_mem>>)
      %dma_wait3A = tpu.memref_slice %arg5[%arg0, %mul3A_964] : memref<2x10240xf32, #tpu.memory_space<hbm>> -> memref<1x640xf32, #tpu.memory_space<hbm>>
      %dma_wait3A_1025 = tpu.memref_squeeze %dma_wait3A : memref<1x640xf32, #tpu.memory_space<hbm>> -> memref<640xf32, #tpu.memory_space<hbm>>
      %dma_wait3A_1026 = tpu.memref_slice %arg14[%mul3A_964] : memref<10240xf32, #tpu.memory_space<vmem_shared>> -> memref<640xf32, #tpu.memory_space<vmem_shared>>
      tpu.wait_dma2 semaphore(%run_scoped3A_1021 : memref<!tpu.dma_semaphore, #tpu.memory_space<semaphore_mem>>) src(%dma_wait3A_1026 : memref<640xf32, #tpu.memory_space<vmem_shared>>) dst(%dma_wait3A_1025 : memref<640xf32, #tpu.memory_space<hbm>>)
      tpu.yield
    }) : () -> ()
    return
  }
}

#map = affine_map<(d0, d1) -> (0, 0, 0)>
#map1 = affine_map<(d0, d1) -> (0, 0)>
module attributes {stable_mosaic.version = 14 : i64} {
  func.func @agg(%arg0: i32, %arg1: i32, %arg2: memref<2x2560x128xi32, #tpu.memory_space<hbm>>, %arg3: memref<10000x128xf32, #tpu.memory_space<hbm>>, %arg4: memref<2x10240x128xf32, #tpu.memory_space<hbm>>, %arg5: memref<40x128xi32, #tpu.memory_space<vmem>>, %arg6: memref<40x128xi32, #tpu.memory_space<vmem>>, %arg7: memref<128x128xf32, #tpu.memory_space<vmem>>, %arg8: memref<128x128xf32, #tpu.memory_space<vmem>>, %arg9: memref<128xf32, #tpu.memory_space<vmem>>, %arg10: memref<16x128xf32, #tpu.memory_space<vmem>>, %arg11: memref<640xf32, #tpu.memory_space<vmem>>, %arg12: memref<10240x128xf32, #tpu.memory_space<vmem_shared>>, %arg13: memref<10240xf32, #tpu.memory_space<vmem_shared>>, %arg14: memref<!tpu.dma_semaphore, #tpu.memory_space<semaphore_mem>>, %arg15: memref<!tpu.dma_semaphore, #tpu.memory_space<semaphore_mem>>) attributes {dimension_semantics = [#tpu.dimension_semantics<core_parallel>, #tpu.dimension_semantics<subcore_parallel>], iteration_bounds = array<i64: 2, 16>, scalar_prefetch = 0 : i64, scratch_operands = 11 : i64, tpu.core_type = #tpu.core_type<sc_vector_subcore>, window_params = [{transform_indices = #map}, {transform_indices = #map1}, {transform_indices = #map}]} {
    %mul3A = arith.constant 2 : i32
    %mul3A_0 = arith.muli %arg1, %mul3A : i32
    %add3A = arith.addi %mul3A_0, %arg0 : i32
    %broadcast_in_dim3A = arith.constant 0.000000e+00 : f32
    %broadcast_in_dim3A_1 = vector.broadcast %broadcast_in_dim3A : f32 to vector<16xf32>
    %broadcast_in_dim3A_2 = arith.constant 1.000000e+00 : f32
    %broadcast_in_dim3A_3 = vector.broadcast %broadcast_in_dim3A_2 : f32 to vector<16xf32>
    %swap3A = arith.constant 0 : i32
    %swap3A_4 = arith.index_cast %swap3A : i32 to index
    %swap3A_5 = arith.constant 0 : index
    %swap3A_6 = tpu.vector_load %arg10[%swap3A_4, %swap3A_5] {strides = array<i32>} : memref<16x128xf32, #tpu.memory_space<vmem>>, vector<1x16xf32>,
    %swap3A_7 = vector.shape_cast %swap3A_6 : vector<1x16xf32> to vector<16xf32>
    %swap3A_8 = vector.shape_cast %broadcast_in_dim3A_1 : vector<16xf32> to vector<1x16xf32>
    tpu.vector_store %arg10[%swap3A_4, %swap3A_5], %swap3A_8 {strides = array<i32>} : memref<16x128xf32, #tpu.memory_space<vmem>>, vector<1x16xf32>,
    %swap3A_9 = arith.constant 0 : i32
    %swap3A_10 = arith.index_cast %swap3A_9 : i32 to index
    %swap3A_11 = arith.constant 16 : index
    %swap3A_12 = tpu.vector_load %arg10[%swap3A_10, %swap3A_11] {strides = array<i32>} : memref<16x128xf32, #tpu.memory_space<vmem>>, vector<1x16xf32>,
    %swap3A_13 = vector.shape_cast %swap3A_12 : vector<1x16xf32> to vector<16xf32>
    %swap3A_14 = vector.shape_cast %broadcast_in_dim3A_1 : vector<16xf32> to vector<1x16xf32>
    tpu.vector_store %arg10[%swap3A_10, %swap3A_11], %swap3A_14 {strides = array<i32>} : memref<16x128xf32, #tpu.memory_space<vmem>>, vector<1x16xf32>,
    %swap3A_15 = arith.constant 0 : i32
    %swap3A_16 = arith.index_cast %swap3A_15 : i32 to index
    %swap3A_17 = arith.constant 32 : index
    %swap3A_18 = tpu.vector_load %arg10[%swap3A_16, %swap3A_17] {strides = array<i32>} : memref<16x128xf32, #tpu.memory_space<vmem>>, vector<1x16xf32>,
    %swap3A_19 = vector.shape_cast %swap3A_18 : vector<1x16xf32> to vector<16xf32>
    %swap3A_20 = vector.shape_cast %broadcast_in_dim3A_1 : vector<16xf32> to vector<1x16xf32>
    tpu.vector_store %arg10[%swap3A_16, %swap3A_17], %swap3A_20 {strides = array<i32>} : memref<16x128xf32, #tpu.memory_space<vmem>>, vector<1x16xf32>,
    %swap3A_21 = arith.constant 0 : i32
    %swap3A_22 = arith.index_cast %swap3A_21 : i32 to index
    %swap3A_23 = arith.constant 48 : index
    %swap3A_24 = tpu.vector_load %arg10[%swap3A_22, %swap3A_23] {strides = array<i32>} : memref<16x128xf32, #tpu.memory_space<vmem>>, vector<1x16xf32>,
    %swap3A_25 = vector.shape_cast %swap3A_24 : vector<1x16xf32> to vector<16xf32>
    %swap3A_26 = vector.shape_cast %broadcast_in_dim3A_1 : vector<16xf32> to vector<1x16xf32>
    tpu.vector_store %arg10[%swap3A_22, %swap3A_23], %swap3A_26 {strides = array<i32>} : memref<16x128xf32, #tpu.memory_space<vmem>>, vector<1x16xf32>,
    %swap3A_27 = arith.constant 0 : i32
    %swap3A_28 = arith.index_cast %swap3A_27 : i32 to index
    %swap3A_29 = arith.constant 64 : index
    %swap3A_30 = tpu.vector_load %arg10[%swap3A_28, %swap3A_29] {strides = array<i32>} : memref<16x128xf32, #tpu.memory_space<vmem>>, vector<1x16xf32>,
    %swap3A_31 = vector.shape_cast %swap3A_30 : vector<1x16xf32> to vector<16xf32>
    %swap3A_32 = vector.shape_cast %broadcast_in_dim3A_1 : vector<16xf32> to vector<1x16xf32>
    tpu.vector_store %arg10[%swap3A_28, %swap3A_29], %swap3A_32 {strides = array<i32>} : memref<16x128xf32, #tpu.memory_space<vmem>>, vector<1x16xf32>,
    %swap3A_33 = arith.constant 0 : i32
    %swap3A_34 = arith.index_cast %swap3A_33 : i32 to index
    %swap3A_35 = arith.constant 80 : index
    %swap3A_36 = tpu.vector_load %arg10[%swap3A_34, %swap3A_35] {strides = array<i32>} : memref<16x128xf32, #tpu.memory_space<vmem>>, vector<1x16xf32>,
    %swap3A_37 = vector.shape_cast %swap3A_36 : vector<1x16xf32> to vector<16xf32>
    %swap3A_38 = vector.shape_cast %broadcast_in_dim3A_1 : vector<16xf32> to vector<1x16xf32>
    tpu.vector_store %arg10[%swap3A_34, %swap3A_35], %swap3A_38 {strides = array<i32>} : memref<16x128xf32, #tpu.memory_space<vmem>>, vector<1x16xf32>,
    %swap3A_39 = arith.constant 0 : i32
    %swap3A_40 = arith.index_cast %swap3A_39 : i32 to index
    %swap3A_41 = arith.constant 96 : index
    %swap3A_42 = tpu.vector_load %arg10[%swap3A_40, %swap3A_41] {strides = array<i32>} : memref<16x128xf32, #tpu.memory_space<vmem>>, vector<1x16xf32>,
    %swap3A_43 = vector.shape_cast %swap3A_42 : vector<1x16xf32> to vector<16xf32>
    %swap3A_44 = vector.shape_cast %broadcast_in_dim3A_1 : vector<16xf32> to vector<1x16xf32>
    tpu.vector_store %arg10[%swap3A_40, %swap3A_41], %swap3A_44 {strides = array<i32>} : memref<16x128xf32, #tpu.memory_space<vmem>>, vector<1x16xf32>,
    %swap3A_45 = arith.constant 0 : i32
    %swap3A_46 = arith.index_cast %swap3A_45 : i32 to index
    %swap3A_47 = arith.constant 112 : index
    %swap3A_48 = tpu.vector_load %arg10[%swap3A_46, %swap3A_47] {strides = array<i32>} : memref<16x128xf32, #tpu.memory_space<vmem>>, vector<1x16xf32>,
    %swap3A_49 = vector.shape_cast %swap3A_48 : vector<1x16xf32> to vector<16xf32>
    %swap3A_50 = vector.shape_cast %broadcast_in_dim3A_1 : vector<16xf32> to vector<1x16xf32>
    tpu.vector_store %arg10[%swap3A_46, %swap3A_47], %swap3A_50 {strides = array<i32>} : memref<16x128xf32, #tpu.memory_space<vmem>>, vector<1x16xf32>,
    %swap3A_51 = arith.constant 1 : i32
    %swap3A_52 = arith.index_cast %swap3A_51 : i32 to index
    %swap3A_53 = arith.constant 0 : index
    %swap3A_54 = tpu.vector_load %arg10[%swap3A_52, %swap3A_53] {strides = array<i32>} : memref<16x128xf32, #tpu.memory_space<vmem>>, vector<1x16xf32>,
    %swap3A_55 = vector.shape_cast %swap3A_54 : vector<1x16xf32> to vector<16xf32>
    %swap3A_56 = vector.shape_cast %broadcast_in_dim3A_1 : vector<16xf32> to vector<1x16xf32>
    tpu.vector_store %arg10[%swap3A_52, %swap3A_53], %swap3A_56 {strides = array<i32>} : memref<16x128xf32, #tpu.memory_space<vmem>>, vector<1x16xf32>,
    %swap3A_57 = arith.constant 1 : i32
    %swap3A_58 = arith.index_cast %swap3A_57 : i32 to index
    %swap3A_59 = arith.constant 16 : index
    %swap3A_60 = tpu.vector_load %arg10[%swap3A_58, %swap3A_59] {strides = array<i32>} : memref<16x128xf32, #tpu.memory_space<vmem>>, vector<1x16xf32>,
    %swap3A_61 = vector.shape_cast %swap3A_60 : vector<1x16xf32> to vector<16xf32>
    %swap3A_62 = vector.shape_cast %broadcast_in_dim3A_1 : vector<16xf32> to vector<1x16xf32>
    tpu.vector_store %arg10[%swap3A_58, %swap3A_59], %swap3A_62 {strides = array<i32>} : memref<16x128xf32, #tpu.memory_space<vmem>>, vector<1x16xf32>,
    %swap3A_63 = arith.constant 1 : i32
    %swap3A_64 = arith.index_cast %swap3A_63 : i32 to index
    %swap3A_65 = arith.constant 32 : index
    %swap3A_66 = tpu.vector_load %arg10[%swap3A_64, %swap3A_65] {strides = array<i32>} : memref<16x128xf32, #tpu.memory_space<vmem>>, vector<1x16xf32>,
    %swap3A_67 = vector.shape_cast %swap3A_66 : vector<1x16xf32> to vector<16xf32>
    %swap3A_68 = vector.shape_cast %broadcast_in_dim3A_1 : vector<16xf32> to vector<1x16xf32>
    tpu.vector_store %arg10[%swap3A_64, %swap3A_65], %swap3A_68 {strides = array<i32>} : memref<16x128xf32, #tpu.memory_space<vmem>>, vector<1x16xf32>,
    %swap3A_69 = arith.constant 1 : i32
    %swap3A_70 = arith.index_cast %swap3A_69 : i32 to index
    %swap3A_71 = arith.constant 48 : index
    %swap3A_72 = tpu.vector_load %arg10[%swap3A_70, %swap3A_71] {strides = array<i32>} : memref<16x128xf32, #tpu.memory_space<vmem>>, vector<1x16xf32>,
    %swap3A_73 = vector.shape_cast %swap3A_72 : vector<1x16xf32> to vector<16xf32>
    %swap3A_74 = vector.shape_cast %broadcast_in_dim3A_1 : vector<16xf32> to vector<1x16xf32>
    tpu.vector_store %arg10[%swap3A_70, %swap3A_71], %swap3A_74 {strides = array<i32>} : memref<16x128xf32, #tpu.memory_space<vmem>>, vector<1x16xf32>,
    %swap3A_75 = arith.constant 1 : i32
    %swap3A_76 = arith.index_cast %swap3A_75 : i32 to index
    %swap3A_77 = arith.constant 64 : index
    %swap3A_78 = tpu.vector_load %arg10[%swap3A_76, %swap3A_77] {strides = array<i32>} : memref<16x128xf32, #tpu.memory_space<vmem>>, vector<1x16xf32>,
    %swap3A_79 = vector.shape_cast %swap3A_78 : vector<1x16xf32> to vector<16xf32>
    %swap3A_80 = vector.shape_cast %broadcast_in_dim3A_1 : vector<16xf32> to vector<1x16xf32>
    tpu.vector_store %arg10[%swap3A_76, %swap3A_77], %swap3A_80 {strides = array<i32>} : memref<16x128xf32, #tpu.memory_space<vmem>>, vector<1x16xf32>,
    %swap3A_81 = arith.constant 1 : i32
    %swap3A_82 = arith.index_cast %swap3A_81 : i32 to index
    %swap3A_83 = arith.constant 80 : index
    %swap3A_84 = tpu.vector_load %arg10[%swap3A_82, %swap3A_83] {strides = array<i32>} : memref<16x128xf32, #tpu.memory_space<vmem>>, vector<1x16xf32>,
    %swap3A_85 = vector.shape_cast %swap3A_84 : vector<1x16xf32> to vector<16xf32>
    %swap3A_86 = vector.shape_cast %broadcast_in_dim3A_1 : vector<16xf32> to vector<1x16xf32>
    tpu.vector_store %arg10[%swap3A_82, %swap3A_83], %swap3A_86 {strides = array<i32>} : memref<16x128xf32, #tpu.memory_space<vmem>>, vector<1x16xf32>,
    %swap3A_87 = arith.constant 1 : i32
    %swap3A_88 = arith.index_cast %swap3A_87 : i32 to index
    %swap3A_89 = arith.constant 96 : index
    %swap3A_90 = tpu.vector_load %arg10[%swap3A_88, %swap3A_89] {strides = array<i32>} : memref<16x128xf32, #tpu.memory_space<vmem>>, vector<1x16xf32>,
    %swap3A_91 = vector.shape_cast %swap3A_90 : vector<1x16xf32> to vector<16xf32>
    %swap3A_92 = vector.shape_cast %broadcast_in_dim3A_1 : vector<16xf32> to vector<1x16xf32>
    tpu.vector_store %arg10[%swap3A_88, %swap3A_89], %swap3A_92 {strides = array<i32>} : memref<16x128xf32, #tpu.memory_space<vmem>>, vector<1x16xf32>,
    %swap3A_93 = arith.constant 1 : i32
    %swap3A_94 = arith.index_cast %swap3A_93 : i32 to index
    %swap3A_95 = arith.constant 112 : index
    %swap3A_96 = tpu.vector_load %arg10[%swap3A_94, %swap3A_95] {strides = array<i32>} : memref<16x128xf32, #tpu.memory_space<vmem>>, vector<1x16xf32>,
    %swap3A_97 = vector.shape_cast %swap3A_96 : vector<1x16xf32> to vector<16xf32>
    %swap3A_98 = vector.shape_cast %broadcast_in_dim3A_1 : vector<16xf32> to vector<1x16xf32>
    tpu.vector_store %arg10[%swap3A_94, %swap3A_95], %swap3A_98 {strides = array<i32>} : memref<16x128xf32, #tpu.memory_space<vmem>>, vector<1x16xf32>,
    %swap3A_99 = arith.constant 2 : i32
    %swap3A_100 = arith.index_cast %swap3A_99 : i32 to index
    %swap3A_101 = arith.constant 0 : index
    %swap3A_102 = tpu.vector_load %arg10[%swap3A_100, %swap3A_101] {strides = array<i32>} : memref<16x128xf32, #tpu.memory_space<vmem>>, vector<1x16xf32>,
    %swap3A_103 = vector.shape_cast %swap3A_102 : vector<1x16xf32> to vector<16xf32>
    %swap3A_104 = vector.shape_cast %broadcast_in_dim3A_1 : vector<16xf32> to vector<1x16xf32>
    tpu.vector_store %arg10[%swap3A_100, %swap3A_101], %swap3A_104 {strides = array<i32>} : memref<16x128xf32, #tpu.memory_space<vmem>>, vector<1x16xf32>,
    %swap3A_105 = arith.constant 2 : i32
    %swap3A_106 = arith.index_cast %swap3A_105 : i32 to index
    %swap3A_107 = arith.constant 16 : index
    %swap3A_108 = tpu.vector_load %arg10[%swap3A_106, %swap3A_107] {strides = array<i32>} : memref<16x128xf32, #tpu.memory_space<vmem>>, vector<1x16xf32>,
    %swap3A_109 = vector.shape_cast %swap3A_108 : vector<1x16xf32> to vector<16xf32>
    %swap3A_110 = vector.shape_cast %broadcast_in_dim3A_1 : vector<16xf32> to vector<1x16xf32>
    tpu.vector_store %arg10[%swap3A_106, %swap3A_107], %swap3A_110 {strides = array<i32>} : memref<16x128xf32, #tpu.memory_space<vmem>>, vector<1x16xf32>,
    %swap3A_111 = arith.constant 2 : i32
    %swap3A_112 = arith.index_cast %swap3A_111 : i32 to index
    %swap3A_113 = arith.constant 32 : index
    %swap3A_114 = tpu.vector_load %arg10[%swap3A_112, %swap3A_113] {strides = array<i32>} : memref<16x128xf32, #tpu.memory_space<vmem>>, vector<1x16xf32>,
    %swap3A_115 = vector.shape_cast %swap3A_114 : vector<1x16xf32> to vector<16xf32>
    %swap3A_116 = vector.shape_cast %broadcast_in_dim3A_1 : vector<16xf32> to vector<1x16xf32>
    tpu.vector_store %arg10[%swap3A_112, %swap3A_113], %swap3A_116 {strides = array<i32>} : memref<16x128xf32, #tpu.memory_space<vmem>>, vector<1x16xf32>,
    %swap3A_117 = arith.constant 2 : i32
    %swap3A_118 = arith.index_cast %swap3A_117 : i32 to index
    %swap3A_119 = arith.constant 48 : index
    %swap3A_120 = tpu.vector_load %arg10[%swap3A_118, %swap3A_119] {strides = array<i32>} : memref<16x128xf32, #tpu.memory_space<vmem>>, vector<1x16xf32>,
    %swap3A_121 = vector.shape_cast %swap3A_120 : vector<1x16xf32> to vector<16xf32>
    %swap3A_122 = vector.shape_cast %broadcast_in_dim3A_1 : vector<16xf32> to vector<1x16xf32>
    tpu.vector_store %arg10[%swap3A_118, %swap3A_119], %swap3A_122 {strides = array<i32>} : memref<16x128xf32, #tpu.memory_space<vmem>>, vector<1x16xf32>,
    %swap3A_123 = arith.constant 2 : i32
    %swap3A_124 = arith.index_cast %swap3A_123 : i32 to index
    %swap3A_125 = arith.constant 64 : index
    %swap3A_126 = tpu.vector_load %arg10[%swap3A_124, %swap3A_125] {strides = array<i32>} : memref<16x128xf32, #tpu.memory_space<vmem>>, vector<1x16xf32>,
    %swap3A_127 = vector.shape_cast %swap3A_126 : vector<1x16xf32> to vector<16xf32>
    %swap3A_128 = vector.shape_cast %broadcast_in_dim3A_1 : vector<16xf32> to vector<1x16xf32>
    tpu.vector_store %arg10[%swap3A_124, %swap3A_125], %swap3A_128 {strides = array<i32>} : memref<16x128xf32, #tpu.memory_space<vmem>>, vector<1x16xf32>,
    %swap3A_129 = arith.constant 2 : i32
    %swap3A_130 = arith.index_cast %swap3A_129 : i32 to index
    %swap3A_131 = arith.constant 80 : index
    %swap3A_132 = tpu.vector_load %arg10[%swap3A_130, %swap3A_131] {strides = array<i32>} : memref<16x128xf32, #tpu.memory_space<vmem>>, vector<1x16xf32>,
    %swap3A_133 = vector.shape_cast %swap3A_132 : vector<1x16xf32> to vector<16xf32>
    %swap3A_134 = vector.shape_cast %broadcast_in_dim3A_1 : vector<16xf32> to vector<1x16xf32>
    tpu.vector_store %arg10[%swap3A_130, %swap3A_131], %swap3A_134 {strides = array<i32>} : memref<16x128xf32, #tpu.memory_space<vmem>>, vector<1x16xf32>,
    %swap3A_135 = arith.constant 2 : i32
    %swap3A_136 = arith.index_cast %swap3A_135 : i32 to index
    %swap3A_137 = arith.constant 96 : index
    %swap3A_138 = tpu.vector_load %arg10[%swap3A_136, %swap3A_137] {strides = array<i32>} : memref<16x128xf32, #tpu.memory_space<vmem>>, vector<1x16xf32>,
    %swap3A_139 = vector.shape_cast %swap3A_138 : vector<1x16xf32> to vector<16xf32>
    %swap3A_140 = vector.shape_cast %broadcast_in_dim3A_1 : vector<16xf32> to vector<1x16xf32>
    tpu.vector_store %arg10[%swap3A_136, %swap3A_137], %swap3A_140 {strides = array<i32>} : memref<16x128xf32, #tpu.memory_space<vmem>>, vector<1x16xf32>,
    %swap3A_141 = arith.constant 2 : i32
    %swap3A_142 = arith.index_cast %swap3A_141 : i32 to index
    %swap3A_143 = arith.constant 112 : index
    %swap3A_144 = tpu.vector_load %arg10[%swap3A_142, %swap3A_143] {strides = array<i32>} : memref<16x128xf32, #tpu.memory_space<vmem>>, vector<1x16xf32>,
    %swap3A_145 = vector.shape_cast %swap3A_144 : vector<1x16xf32> to vector<16xf32>
    %swap3A_146 = vector.shape_cast %broadcast_in_dim3A_1 : vector<16xf32> to vector<1x16xf32>
    tpu.vector_store %arg10[%swap3A_142, %swap3A_143], %swap3A_146 {strides = array<i32>} : memref<16x128xf32, #tpu.memory_space<vmem>>, vector<1x16xf32>,
    %swap3A_147 = arith.constant 3 : i32
    %swap3A_148 = arith.index_cast %swap3A_147 : i32 to index
    %swap3A_149 = arith.constant 0 : index
    %swap3A_150 = tpu.vector_load %arg10[%swap3A_148, %swap3A_149] {strides = array<i32>} : memref<16x128xf32, #tpu.memory_space<vmem>>, vector<1x16xf32>,
    %swap3A_151 = vector.shape_cast %swap3A_150 : vector<1x16xf32> to vector<16xf32>
    %swap3A_152 = vector.shape_cast %broadcast_in_dim3A_1 : vector<16xf32> to vector<1x16xf32>
    tpu.vector_store %arg10[%swap3A_148, %swap3A_149], %swap3A_152 {strides = array<i32>} : memref<16x128xf32, #tpu.memory_space<vmem>>, vector<1x16xf32>,
    %swap3A_153 = arith.constant 3 : i32
    %swap3A_154 = arith.index_cast %swap3A_153 : i32 to index
    %swap3A_155 = arith.constant 16 : index
    %swap3A_156 = tpu.vector_load %arg10[%swap3A_154, %swap3A_155] {strides = array<i32>} : memref<16x128xf32, #tpu.memory_space<vmem>>, vector<1x16xf32>,
    %swap3A_157 = vector.shape_cast %swap3A_156 : vector<1x16xf32> to vector<16xf32>
    %swap3A_158 = vector.shape_cast %broadcast_in_dim3A_1 : vector<16xf32> to vector<1x16xf32>
    tpu.vector_store %arg10[%swap3A_154, %swap3A_155], %swap3A_158 {strides = array<i32>} : memref<16x128xf32, #tpu.memory_space<vmem>>, vector<1x16xf32>,
    %swap3A_159 = arith.constant 3 : i32
    %swap3A_160 = arith.index_cast %swap3A_159 : i32 to index
    %swap3A_161 = arith.constant 32 : index
    %swap3A_162 = tpu.vector_load %arg10[%swap3A_160, %swap3A_161] {strides = array<i32>} : memref<16x128xf32, #tpu.memory_space<vmem>>, vector<1x16xf32>,
    %swap3A_163 = vector.shape_cast %swap3A_162 : vector<1x16xf32> to vector<16xf32>
    %swap3A_164 = vector.shape_cast %broadcast_in_dim3A_1 : vector<16xf32> to vector<1x16xf32>
    tpu.vector_store %arg10[%swap3A_160, %swap3A_161], %swap3A_164 {strides = array<i32>} : memref<16x128xf32, #tpu.memory_space<vmem>>, vector<1x16xf32>,
    %swap3A_165 = arith.constant 3 : i32
    %swap3A_166 = arith.index_cast %swap3A_165 : i32 to index
    %swap3A_167 = arith.constant 48 : index
    %swap3A_168 = tpu.vector_load %arg10[%swap3A_166, %swap3A_167] {strides = array<i32>} : memref<16x128xf32, #tpu.memory_space<vmem>>, vector<1x16xf32>,
    %swap3A_169 = vector.shape_cast %swap3A_168 : vector<1x16xf32> to vector<16xf32>
    %swap3A_170 = vector.shape_cast %broadcast_in_dim3A_1 : vector<16xf32> to vector<1x16xf32>
    tpu.vector_store %arg10[%swap3A_166, %swap3A_167], %swap3A_170 {strides = array<i32>} : memref<16x128xf32, #tpu.memory_space<vmem>>, vector<1x16xf32>,
    %swap3A_171 = arith.constant 3 : i32
    %swap3A_172 = arith.index_cast %swap3A_171 : i32 to index
    %swap3A_173 = arith.constant 64 : index
    %swap3A_174 = tpu.vector_load %arg10[%swap3A_172, %swap3A_173] {strides = array<i32>} : memref<16x128xf32, #tpu.memory_space<vmem>>, vector<1x16xf32>,
    %swap3A_175 = vector.shape_cast %swap3A_174 : vector<1x16xf32> to vector<16xf32>
    %swap3A_176 = vector.shape_cast %broadcast_in_dim3A_1 : vector<16xf32> to vector<1x16xf32>
    tpu.vector_store %arg10[%swap3A_172, %swap3A_173], %swap3A_176 {strides = array<i32>} : memref<16x128xf32, #tpu.memory_space<vmem>>, vector<1x16xf32>,
    %swap3A_177 = arith.constant 3 : i32
    %swap3A_178 = arith.index_cast %swap3A_177 : i32 to index
    %swap3A_179 = arith.constant 80 : index
    %swap3A_180 = tpu.vector_load %arg10[%swap3A_178, %swap3A_179] {strides = array<i32>} : memref<16x128xf32, #tpu.memory_space<vmem>>, vector<1x16xf32>,
    %swap3A_181 = vector.shape_cast %swap3A_180 : vector<1x16xf32> to vector<16xf32>
    %swap3A_182 = vector.shape_cast %broadcast_in_dim3A_1 : vector<16xf32> to vector<1x16xf32>
    tpu.vector_store %arg10[%swap3A_178, %swap3A_179], %swap3A_182 {strides = array<i32>} : memref<16x128xf32, #tpu.memory_space<vmem>>, vector<1x16xf32>,
    %swap3A_183 = arith.constant 3 : i32
    %swap3A_184 = arith.index_cast %swap3A_183 : i32 to index
    %swap3A_185 = arith.constant 96 : index
    %swap3A_186 = tpu.vector_load %arg10[%swap3A_184, %swap3A_185] {strides = array<i32>} : memref<16x128xf32, #tpu.memory_space<vmem>>, vector<1x16xf32>,
    %swap3A_187 = vector.shape_cast %swap3A_186 : vector<1x16xf32> to vector<16xf32>
    %swap3A_188 = vector.shape_cast %broadcast_in_dim3A_1 : vector<16xf32> to vector<1x16xf32>
    tpu.vector_store %arg10[%swap3A_184, %swap3A_185], %swap3A_188 {strides = array<i32>} : memref<16x128xf32, #tpu.memory_space<vmem>>, vector<1x16xf32>,
    %swap3A_189 = arith.constant 3 : i32
    %swap3A_190 = arith.index_cast %swap3A_189 : i32 to index
    %swap3A_191 = arith.constant 112 : index
    %swap3A_192 = tpu.vector_load %arg10[%swap3A_190, %swap3A_191] {strides = array<i32>} : memref<16x128xf32, #tpu.memory_space<vmem>>, vector<1x16xf32>,
    %swap3A_193 = vector.shape_cast %swap3A_192 : vector<1x16xf32> to vector<16xf32>
    %swap3A_194 = vector.shape_cast %broadcast_in_dim3A_1 : vector<16xf32> to vector<1x16xf32>
    tpu.vector_store %arg10[%swap3A_190, %swap3A_191], %swap3A_194 {strides = array<i32>} : memref<16x128xf32, #tpu.memory_space<vmem>>, vector<1x16xf32>,
    %swap3A_195 = arith.constant 4 : i32
    %swap3A_196 = arith.index_cast %swap3A_195 : i32 to index
    %swap3A_197 = arith.constant 0 : index
    %swap3A_198 = tpu.vector_load %arg10[%swap3A_196, %swap3A_197] {strides = array<i32>} : memref<16x128xf32, #tpu.memory_space<vmem>>, vector<1x16xf32>,
    %swap3A_199 = vector.shape_cast %swap3A_198 : vector<1x16xf32> to vector<16xf32>
    %swap3A_200 = vector.shape_cast %broadcast_in_dim3A_1 : vector<16xf32> to vector<1x16xf32>
    tpu.vector_store %arg10[%swap3A_196, %swap3A_197], %swap3A_200 {strides = array<i32>} : memref<16x128xf32, #tpu.memory_space<vmem>>, vector<1x16xf32>,
    %swap3A_201 = arith.constant 4 : i32
    %swap3A_202 = arith.index_cast %swap3A_201 : i32 to index
    %swap3A_203 = arith.constant 16 : index
    %swap3A_204 = tpu.vector_load %arg10[%swap3A_202, %swap3A_203] {strides = array<i32>} : memref<16x128xf32, #tpu.memory_space<vmem>>, vector<1x16xf32>,
    %swap3A_205 = vector.shape_cast %swap3A_204 : vector<1x16xf32> to vector<16xf32>
    %swap3A_206 = vector.shape_cast %broadcast_in_dim3A_1 : vector<16xf32> to vector<1x16xf32>
    tpu.vector_store %arg10[%swap3A_202, %swap3A_203], %swap3A_206 {strides = array<i32>} : memref<16x128xf32, #tpu.memory_space<vmem>>, vector<1x16xf32>,
    %swap3A_207 = arith.constant 4 : i32
    %swap3A_208 = arith.index_cast %swap3A_207 : i32 to index
    %swap3A_209 = arith.constant 32 : index
    %swap3A_210 = tpu.vector_load %arg10[%swap3A_208, %swap3A_209] {strides = array<i32>} : memref<16x128xf32, #tpu.memory_space<vmem>>, vector<1x16xf32>,
    %swap3A_211 = vector.shape_cast %swap3A_210 : vector<1x16xf32> to vector<16xf32>
    %swap3A_212 = vector.shape_cast %broadcast_in_dim3A_1 : vector<16xf32> to vector<1x16xf32>
    tpu.vector_store %arg10[%swap3A_208, %swap3A_209], %swap3A_212 {strides = array<i32>} : memref<16x128xf32, #tpu.memory_space<vmem>>, vector<1x16xf32>,
    %swap3A_213 = arith.constant 4 : i32
    %swap3A_214 = arith.index_cast %swap3A_213 : i32 to index
    %swap3A_215 = arith.constant 48 : index
    %swap3A_216 = tpu.vector_load %arg10[%swap3A_214, %swap3A_215] {strides = array<i32>} : memref<16x128xf32, #tpu.memory_space<vmem>>, vector<1x16xf32>,
    %swap3A_217 = vector.shape_cast %swap3A_216 : vector<1x16xf32> to vector<16xf32>
    %swap3A_218 = vector.shape_cast %broadcast_in_dim3A_1 : vector<16xf32> to vector<1x16xf32>
    tpu.vector_store %arg10[%swap3A_214, %swap3A_215], %swap3A_218 {strides = array<i32>} : memref<16x128xf32, #tpu.memory_space<vmem>>, vector<1x16xf32>,
    %swap3A_219 = arith.constant 4 : i32
    %swap3A_220 = arith.index_cast %swap3A_219 : i32 to index
    %swap3A_221 = arith.constant 64 : index
    %swap3A_222 = tpu.vector_load %arg10[%swap3A_220, %swap3A_221] {strides = array<i32>} : memref<16x128xf32, #tpu.memory_space<vmem>>, vector<1x16xf32>,
    %swap3A_223 = vector.shape_cast %swap3A_222 : vector<1x16xf32> to vector<16xf32>
    %swap3A_224 = vector.shape_cast %broadcast_in_dim3A_1 : vector<16xf32> to vector<1x16xf32>
    tpu.vector_store %arg10[%swap3A_220, %swap3A_221], %swap3A_224 {strides = array<i32>} : memref<16x128xf32, #tpu.memory_space<vmem>>, vector<1x16xf32>,
    %swap3A_225 = arith.constant 4 : i32
    %swap3A_226 = arith.index_cast %swap3A_225 : i32 to index
    %swap3A_227 = arith.constant 80 : index
    %swap3A_228 = tpu.vector_load %arg10[%swap3A_226, %swap3A_227] {strides = array<i32>} : memref<16x128xf32, #tpu.memory_space<vmem>>, vector<1x16xf32>,
    %swap3A_229 = vector.shape_cast %swap3A_228 : vector<1x16xf32> to vector<16xf32>
    %swap3A_230 = vector.shape_cast %broadcast_in_dim3A_1 : vector<16xf32> to vector<1x16xf32>
    tpu.vector_store %arg10[%swap3A_226, %swap3A_227], %swap3A_230 {strides = array<i32>} : memref<16x128xf32, #tpu.memory_space<vmem>>, vector<1x16xf32>,
    %swap3A_231 = arith.constant 4 : i32
    %swap3A_232 = arith.index_cast %swap3A_231 : i32 to index
    %swap3A_233 = arith.constant 96 : index
    %swap3A_234 = tpu.vector_load %arg10[%swap3A_232, %swap3A_233] {strides = array<i32>} : memref<16x128xf32, #tpu.memory_space<vmem>>, vector<1x16xf32>,
    %swap3A_235 = vector.shape_cast %swap3A_234 : vector<1x16xf32> to vector<16xf32>
    %swap3A_236 = vector.shape_cast %broadcast_in_dim3A_1 : vector<16xf32> to vector<1x16xf32>
    tpu.vector_store %arg10[%swap3A_232, %swap3A_233], %swap3A_236 {strides = array<i32>} : memref<16x128xf32, #tpu.memory_space<vmem>>, vector<1x16xf32>,
    %swap3A_237 = arith.constant 4 : i32
    %swap3A_238 = arith.index_cast %swap3A_237 : i32 to index
    %swap3A_239 = arith.constant 112 : index
    %swap3A_240 = tpu.vector_load %arg10[%swap3A_238, %swap3A_239] {strides = array<i32>} : memref<16x128xf32, #tpu.memory_space<vmem>>, vector<1x16xf32>,
    %swap3A_241 = vector.shape_cast %swap3A_240 : vector<1x16xf32> to vector<16xf32>
    %swap3A_242 = vector.shape_cast %broadcast_in_dim3A_1 : vector<16xf32> to vector<1x16xf32>
    tpu.vector_store %arg10[%swap3A_238, %swap3A_239], %swap3A_242 {strides = array<i32>} : memref<16x128xf32, #tpu.memory_space<vmem>>, vector<1x16xf32>,
    %swap3A_243 = arith.constant 5 : i32
    %swap3A_244 = arith.index_cast %swap3A_243 : i32 to index
    %swap3A_245 = arith.constant 0 : index
    %swap3A_246 = tpu.vector_load %arg10[%swap3A_244, %swap3A_245] {strides = array<i32>} : memref<16x128xf32, #tpu.memory_space<vmem>>, vector<1x16xf32>,
    %swap3A_247 = vector.shape_cast %swap3A_246 : vector<1x16xf32> to vector<16xf32>
    %swap3A_248 = vector.shape_cast %broadcast_in_dim3A_1 : vector<16xf32> to vector<1x16xf32>
    tpu.vector_store %arg10[%swap3A_244, %swap3A_245], %swap3A_248 {strides = array<i32>} : memref<16x128xf32, #tpu.memory_space<vmem>>, vector<1x16xf32>,
    %swap3A_249 = arith.constant 5 : i32
    %swap3A_250 = arith.index_cast %swap3A_249 : i32 to index
    %swap3A_251 = arith.constant 16 : index
    %swap3A_252 = tpu.vector_load %arg10[%swap3A_250, %swap3A_251] {strides = array<i32>} : memref<16x128xf32, #tpu.memory_space<vmem>>, vector<1x16xf32>,
    %swap3A_253 = vector.shape_cast %swap3A_252 : vector<1x16xf32> to vector<16xf32>
    %swap3A_254 = vector.shape_cast %broadcast_in_dim3A_1 : vector<16xf32> to vector<1x16xf32>
    tpu.vector_store %arg10[%swap3A_250, %swap3A_251], %swap3A_254 {strides = array<i32>} : memref<16x128xf32, #tpu.memory_space<vmem>>, vector<1x16xf32>,
    %swap3A_255 = arith.constant 5 : i32
    %swap3A_256 = arith.index_cast %swap3A_255 : i32 to index
    %swap3A_257 = arith.constant 32 : index
    %swap3A_258 = tpu.vector_load %arg10[%swap3A_256, %swap3A_257] {strides = array<i32>} : memref<16x128xf32, #tpu.memory_space<vmem>>, vector<1x16xf32>,
    %swap3A_259 = vector.shape_cast %swap3A_258 : vector<1x16xf32> to vector<16xf32>
    %swap3A_260 = vector.shape_cast %broadcast_in_dim3A_1 : vector<16xf32> to vector<1x16xf32>
    tpu.vector_store %arg10[%swap3A_256, %swap3A_257], %swap3A_260 {strides = array<i32>} : memref<16x128xf32, #tpu.memory_space<vmem>>, vector<1x16xf32>,
    %swap3A_261 = arith.constant 5 : i32
    %swap3A_262 = arith.index_cast %swap3A_261 : i32 to index
    %swap3A_263 = arith.constant 48 : index
    %swap3A_264 = tpu.vector_load %arg10[%swap3A_262, %swap3A_263] {strides = array<i32>} : memref<16x128xf32, #tpu.memory_space<vmem>>, vector<1x16xf32>,
    %swap3A_265 = vector.shape_cast %swap3A_264 : vector<1x16xf32> to vector<16xf32>
    %swap3A_266 = vector.shape_cast %broadcast_in_dim3A_1 : vector<16xf32> to vector<1x16xf32>
    tpu.vector_store %arg10[%swap3A_262, %swap3A_263], %swap3A_266 {strides = array<i32>} : memref<16x128xf32, #tpu.memory_space<vmem>>, vector<1x16xf32>,
    %swap3A_267 = arith.constant 5 : i32
    %swap3A_268 = arith.index_cast %swap3A_267 : i32 to index
    %swap3A_269 = arith.constant 64 : index
    %swap3A_270 = tpu.vector_load %arg10[%swap3A_268, %swap3A_269] {strides = array<i32>} : memref<16x128xf32, #tpu.memory_space<vmem>>, vector<1x16xf32>,
    %swap3A_271 = vector.shape_cast %swap3A_270 : vector<1x16xf32> to vector<16xf32>
    %swap3A_272 = vector.shape_cast %broadcast_in_dim3A_1 : vector<16xf32> to vector<1x16xf32>
    tpu.vector_store %arg10[%swap3A_268, %swap3A_269], %swap3A_272 {strides = array<i32>} : memref<16x128xf32, #tpu.memory_space<vmem>>, vector<1x16xf32>,
    %swap3A_273 = arith.constant 5 : i32
    %swap3A_274 = arith.index_cast %swap3A_273 : i32 to index
    %swap3A_275 = arith.constant 80 : index
    %swap3A_276 = tpu.vector_load %arg10[%swap3A_274, %swap3A_275] {strides = array<i32>} : memref<16x128xf32, #tpu.memory_space<vmem>>, vector<1x16xf32>,
    %swap3A_277 = vector.shape_cast %swap3A_276 : vector<1x16xf32> to vector<16xf32>
    %swap3A_278 = vector.shape_cast %broadcast_in_dim3A_1 : vector<16xf32> to vector<1x16xf32>
    tpu.vector_store %arg10[%swap3A_274, %swap3A_275], %swap3A_278 {strides = array<i32>} : memref<16x128xf32, #tpu.memory_space<vmem>>, vector<1x16xf32>,
    %swap3A_279 = arith.constant 5 : i32
    %swap3A_280 = arith.index_cast %swap3A_279 : i32 to index
    %swap3A_281 = arith.constant 96 : index
    %swap3A_282 = tpu.vector_load %arg10[%swap3A_280, %swap3A_281] {strides = array<i32>} : memref<16x128xf32, #tpu.memory_space<vmem>>, vector<1x16xf32>,
    %swap3A_283 = vector.shape_cast %swap3A_282 : vector<1x16xf32> to vector<16xf32>
    %swap3A_284 = vector.shape_cast %broadcast_in_dim3A_1 : vector<16xf32> to vector<1x16xf32>
    tpu.vector_store %arg10[%swap3A_280, %swap3A_281], %swap3A_284 {strides = array<i32>} : memref<16x128xf32, #tpu.memory_space<vmem>>, vector<1x16xf32>,
    %swap3A_285 = arith.constant 5 : i32
    %swap3A_286 = arith.index_cast %swap3A_285 : i32 to index
    %swap3A_287 = arith.constant 112 : index
    %swap3A_288 = tpu.vector_load %arg10[%swap3A_286, %swap3A_287] {strides = array<i32>} : memref<16x128xf32, #tpu.memory_space<vmem>>, vector<1x16xf32>,
    %swap3A_289 = vector.shape_cast %swap3A_288 : vector<1x16xf32> to vector<16xf32>
    %swap3A_290 = vector.shape_cast %broadcast_in_dim3A_1 : vector<16xf32> to vector<1x16xf32>
    tpu.vector_store %arg10[%swap3A_286, %swap3A_287], %swap3A_290 {strides = array<i32>} : memref<16x128xf32, #tpu.memory_space<vmem>>, vector<1x16xf32>,
    %swap3A_291 = arith.constant 6 : i32
    %swap3A_292 = arith.index_cast %swap3A_291 : i32 to index
    %swap3A_293 = arith.constant 0 : index
    %swap3A_294 = tpu.vector_load %arg10[%swap3A_292, %swap3A_293] {strides = array<i32>} : memref<16x128xf32, #tpu.memory_space<vmem>>, vector<1x16xf32>,
    %swap3A_295 = vector.shape_cast %swap3A_294 : vector<1x16xf32> to vector<16xf32>
    %swap3A_296 = vector.shape_cast %broadcast_in_dim3A_1 : vector<16xf32> to vector<1x16xf32>
    tpu.vector_store %arg10[%swap3A_292, %swap3A_293], %swap3A_296 {strides = array<i32>} : memref<16x128xf32, #tpu.memory_space<vmem>>, vector<1x16xf32>,
    %swap3A_297 = arith.constant 6 : i32
    %swap3A_298 = arith.index_cast %swap3A_297 : i32 to index
    %swap3A_299 = arith.constant 16 : index
    %swap3A_300 = tpu.vector_load %arg10[%swap3A_298, %swap3A_299] {strides = array<i32>} : memref<16x128xf32, #tpu.memory_space<vmem>>, vector<1x16xf32>,
    %swap3A_301 = vector.shape_cast %swap3A_300 : vector<1x16xf32> to vector<16xf32>
    %swap3A_302 = vector.shape_cast %broadcast_in_dim3A_1 : vector<16xf32> to vector<1x16xf32>
    tpu.vector_store %arg10[%swap3A_298, %swap3A_299], %swap3A_302 {strides = array<i32>} : memref<16x128xf32, #tpu.memory_space<vmem>>, vector<1x16xf32>,
    %swap3A_303 = arith.constant 6 : i32
    %swap3A_304 = arith.index_cast %swap3A_303 : i32 to index
    %swap3A_305 = arith.constant 32 : index
    %swap3A_306 = tpu.vector_load %arg10[%swap3A_304, %swap3A_305] {strides = array<i32>} : memref<16x128xf32, #tpu.memory_space<vmem>>, vector<1x16xf32>,
    %swap3A_307 = vector.shape_cast %swap3A_306 : vector<1x16xf32> to vector<16xf32>
    %swap3A_308 = vector.shape_cast %broadcast_in_dim3A_1 : vector<16xf32> to vector<1x16xf32>
    tpu.vector_store %arg10[%swap3A_304, %swap3A_305], %swap3A_308 {strides = array<i32>} : memref<16x128xf32, #tpu.memory_space<vmem>>, vector<1x16xf32>,
    %swap3A_309 = arith.constant 6 : i32
    %swap3A_310 = arith.index_cast %swap3A_309 : i32 to index
    %swap3A_311 = arith.constant 48 : index
    %swap3A_312 = tpu.vector_load %arg10[%swap3A_310, %swap3A_311] {strides = array<i32>} : memref<16x128xf32, #tpu.memory_space<vmem>>, vector<1x16xf32>,
    %swap3A_313 = vector.shape_cast %swap3A_312 : vector<1x16xf32> to vector<16xf32>
    %swap3A_314 = vector.shape_cast %broadcast_in_dim3A_1 : vector<16xf32> to vector<1x16xf32>
    tpu.vector_store %arg10[%swap3A_310, %swap3A_311], %swap3A_314 {strides = array<i32>} : memref<16x128xf32, #tpu.memory_space<vmem>>, vector<1x16xf32>,
    %swap3A_315 = arith.constant 6 : i32
    %swap3A_316 = arith.index_cast %swap3A_315 : i32 to index
    %swap3A_317 = arith.constant 64 : index
    %swap3A_318 = tpu.vector_load %arg10[%swap3A_316, %swap3A_317] {strides = array<i32>} : memref<16x128xf32, #tpu.memory_space<vmem>>, vector<1x16xf32>,
    %swap3A_319 = vector.shape_cast %swap3A_318 : vector<1x16xf32> to vector<16xf32>
    %swap3A_320 = vector.shape_cast %broadcast_in_dim3A_1 : vector<16xf32> to vector<1x16xf32>
    tpu.vector_store %arg10[%swap3A_316, %swap3A_317], %swap3A_320 {strides = array<i32>} : memref<16x128xf32, #tpu.memory_space<vmem>>, vector<1x16xf32>,
    %swap3A_321 = arith.constant 6 : i32
    %swap3A_322 = arith.index_cast %swap3A_321 : i32 to index
    %swap3A_323 = arith.constant 80 : index
    %swap3A_324 = tpu.vector_load %arg10[%swap3A_322, %swap3A_323] {strides = array<i32>} : memref<16x128xf32, #tpu.memory_space<vmem>>, vector<1x16xf32>,
    %swap3A_325 = vector.shape_cast %swap3A_324 : vector<1x16xf32> to vector<16xf32>
    %swap3A_326 = vector.shape_cast %broadcast_in_dim3A_1 : vector<16xf32> to vector<1x16xf32>
    tpu.vector_store %arg10[%swap3A_322, %swap3A_323], %swap3A_326 {strides = array<i32>} : memref<16x128xf32, #tpu.memory_space<vmem>>, vector<1x16xf32>,
    %swap3A_327 = arith.constant 6 : i32
    %swap3A_328 = arith.index_cast %swap3A_327 : i32 to index
    %swap3A_329 = arith.constant 96 : index
    %swap3A_330 = tpu.vector_load %arg10[%swap3A_328, %swap3A_329] {strides = array<i32>} : memref<16x128xf32, #tpu.memory_space<vmem>>, vector<1x16xf32>,
    %swap3A_331 = vector.shape_cast %swap3A_330 : vector<1x16xf32> to vector<16xf32>
    %swap3A_332 = vector.shape_cast %broadcast_in_dim3A_1 : vector<16xf32> to vector<1x16xf32>
    tpu.vector_store %arg10[%swap3A_328, %swap3A_329], %swap3A_332 {strides = array<i32>} : memref<16x128xf32, #tpu.memory_space<vmem>>, vector<1x16xf32>,
    %swap3A_333 = arith.constant 6 : i32
    %swap3A_334 = arith.index_cast %swap3A_333 : i32 to index
    %swap3A_335 = arith.constant 112 : index
    %swap3A_336 = tpu.vector_load %arg10[%swap3A_334, %swap3A_335] {strides = array<i32>} : memref<16x128xf32, #tpu.memory_space<vmem>>, vector<1x16xf32>,
    %swap3A_337 = vector.shape_cast %swap3A_336 : vector<1x16xf32> to vector<16xf32>
    %swap3A_338 = vector.shape_cast %broadcast_in_dim3A_1 : vector<16xf32> to vector<1x16xf32>
    tpu.vector_store %arg10[%swap3A_334, %swap3A_335], %swap3A_338 {strides = array<i32>} : memref<16x128xf32, #tpu.memory_space<vmem>>, vector<1x16xf32>,
    %swap3A_339 = arith.constant 7 : i32
    %swap3A_340 = arith.index_cast %swap3A_339 : i32 to index
    %swap3A_341 = arith.constant 0 : index
    %swap3A_342 = tpu.vector_load %arg10[%swap3A_340, %swap3A_341] {strides = array<i32>} : memref<16x128xf32, #tpu.memory_space<vmem>>, vector<1x16xf32>,
    %swap3A_343 = vector.shape_cast %swap3A_342 : vector<1x16xf32> to vector<16xf32>
    %swap3A_344 = vector.shape_cast %broadcast_in_dim3A_1 : vector<16xf32> to vector<1x16xf32>
    tpu.vector_store %arg10[%swap3A_340, %swap3A_341], %swap3A_344 {strides = array<i32>} : memref<16x128xf32, #tpu.memory_space<vmem>>, vector<1x16xf32>,
    %swap3A_345 = arith.constant 7 : i32
    %swap3A_346 = arith.index_cast %swap3A_345 : i32 to index
    %swap3A_347 = arith.constant 16 : index
    %swap3A_348 = tpu.vector_load %arg10[%swap3A_346, %swap3A_347] {strides = array<i32>} : memref<16x128xf32, #tpu.memory_space<vmem>>, vector<1x16xf32>,
    %swap3A_349 = vector.shape_cast %swap3A_348 : vector<1x16xf32> to vector<16xf32>
    %swap3A_350 = vector.shape_cast %broadcast_in_dim3A_1 : vector<16xf32> to vector<1x16xf32>
    tpu.vector_store %arg10[%swap3A_346, %swap3A_347], %swap3A_350 {strides = array<i32>} : memref<16x128xf32, #tpu.memory_space<vmem>>, vector<1x16xf32>,
    %swap3A_351 = arith.constant 7 : i32
    %swap3A_352 = arith.index_cast %swap3A_351 : i32 to index
    %swap3A_353 = arith.constant 32 : index
    %swap3A_354 = tpu.vector_load %arg10[%swap3A_352, %swap3A_353] {strides = array<i32>} : memref<16x128xf32, #tpu.memory_space<vmem>>, vector<1x16xf32>,
    %swap3A_355 = vector.shape_cast %swap3A_354 : vector<1x16xf32> to vector<16xf32>
    %swap3A_356 = vector.shape_cast %broadcast_in_dim3A_1 : vector<16xf32> to vector<1x16xf32>
    tpu.vector_store %arg10[%swap3A_352, %swap3A_353], %swap3A_356 {strides = array<i32>} : memref<16x128xf32, #tpu.memory_space<vmem>>, vector<1x16xf32>,
    %swap3A_357 = arith.constant 7 : i32
    %swap3A_358 = arith.index_cast %swap3A_357 : i32 to index
    %swap3A_359 = arith.constant 48 : index
    %swap3A_360 = tpu.vector_load %arg10[%swap3A_358, %swap3A_359] {strides = array<i32>} : memref<16x128xf32, #tpu.memory_space<vmem>>, vector<1x16xf32>,
    %swap3A_361 = vector.shape_cast %swap3A_360 : vector<1x16xf32> to vector<16xf32>
    %swap3A_362 = vector.shape_cast %broadcast_in_dim3A_1 : vector<16xf32> to vector<1x16xf32>
    tpu.vector_store %arg10[%swap3A_358, %swap3A_359], %swap3A_362 {strides = array<i32>} : memref<16x128xf32, #tpu.memory_space<vmem>>, vector<1x16xf32>,
    %swap3A_363 = arith.constant 7 : i32
    %swap3A_364 = arith.index_cast %swap3A_363 : i32 to index
    %swap3A_365 = arith.constant 64 : index
    %swap3A_366 = tpu.vector_load %arg10[%swap3A_364, %swap3A_365] {strides = array<i32>} : memref<16x128xf32, #tpu.memory_space<vmem>>, vector<1x16xf32>,
    %swap3A_367 = vector.shape_cast %swap3A_366 : vector<1x16xf32> to vector<16xf32>
    %swap3A_368 = vector.shape_cast %broadcast_in_dim3A_1 : vector<16xf32> to vector<1x16xf32>
    tpu.vector_store %arg10[%swap3A_364, %swap3A_365], %swap3A_368 {strides = array<i32>} : memref<16x128xf32, #tpu.memory_space<vmem>>, vector<1x16xf32>,
    %swap3A_369 = arith.constant 7 : i32
    %swap3A_370 = arith.index_cast %swap3A_369 : i32 to index
    %swap3A_371 = arith.constant 80 : index
    %swap3A_372 = tpu.vector_load %arg10[%swap3A_370, %swap3A_371] {strides = array<i32>} : memref<16x128xf32, #tpu.memory_space<vmem>>, vector<1x16xf32>,
    %swap3A_373 = vector.shape_cast %swap3A_372 : vector<1x16xf32> to vector<16xf32>
    %swap3A_374 = vector.shape_cast %broadcast_in_dim3A_1 : vector<16xf32> to vector<1x16xf32>
    tpu.vector_store %arg10[%swap3A_370, %swap3A_371], %swap3A_374 {strides = array<i32>} : memref<16x128xf32, #tpu.memory_space<vmem>>, vector<1x16xf32>,
    %swap3A_375 = arith.constant 7 : i32
    %swap3A_376 = arith.index_cast %swap3A_375 : i32 to index
    %swap3A_377 = arith.constant 96 : index
    %swap3A_378 = tpu.vector_load %arg10[%swap3A_376, %swap3A_377] {strides = array<i32>} : memref<16x128xf32, #tpu.memory_space<vmem>>, vector<1x16xf32>,
    %swap3A_379 = vector.shape_cast %swap3A_378 : vector<1x16xf32> to vector<16xf32>
    %swap3A_380 = vector.shape_cast %broadcast_in_dim3A_1 : vector<16xf32> to vector<1x16xf32>
    tpu.vector_store %arg10[%swap3A_376, %swap3A_377], %swap3A_380 {strides = array<i32>} : memref<16x128xf32, #tpu.memory_space<vmem>>, vector<1x16xf32>,
    %swap3A_381 = arith.constant 7 : i32
    %swap3A_382 = arith.index_cast %swap3A_381 : i32 to index
    %swap3A_383 = arith.constant 112 : index
    %swap3A_384 = tpu.vector_load %arg10[%swap3A_382, %swap3A_383] {strides = array<i32>} : memref<16x128xf32, #tpu.memory_space<vmem>>, vector<1x16xf32>,
    %swap3A_385 = vector.shape_cast %swap3A_384 : vector<1x16xf32> to vector<16xf32>
    %swap3A_386 = vector.shape_cast %broadcast_in_dim3A_1 : vector<16xf32> to vector<1x16xf32>
    tpu.vector_store %arg10[%swap3A_382, %swap3A_383], %swap3A_386 {strides = array<i32>} : memref<16x128xf32, #tpu.memory_space<vmem>>, vector<1x16xf32>,
    %swap3A_387 = arith.constant 8 : i32
    %swap3A_388 = arith.index_cast %swap3A_387 : i32 to index
    %swap3A_389 = arith.constant 0 : index
    %swap3A_390 = tpu.vector_load %arg10[%swap3A_388, %swap3A_389] {strides = array<i32>} : memref<16x128xf32, #tpu.memory_space<vmem>>, vector<1x16xf32>,
    %swap3A_391 = vector.shape_cast %swap3A_390 : vector<1x16xf32> to vector<16xf32>
    %swap3A_392 = vector.shape_cast %broadcast_in_dim3A_1 : vector<16xf32> to vector<1x16xf32>
    tpu.vector_store %arg10[%swap3A_388, %swap3A_389], %swap3A_392 {strides = array<i32>} : memref<16x128xf32, #tpu.memory_space<vmem>>, vector<1x16xf32>,
    %swap3A_393 = arith.constant 8 : i32
    %swap3A_394 = arith.index_cast %swap3A_393 : i32 to index
    %swap3A_395 = arith.constant 16 : index
    %swap3A_396 = tpu.vector_load %arg10[%swap3A_394, %swap3A_395] {strides = array<i32>} : memref<16x128xf32, #tpu.memory_space<vmem>>, vector<1x16xf32>,
    %swap3A_397 = vector.shape_cast %swap3A_396 : vector<1x16xf32> to vector<16xf32>
    %swap3A_398 = vector.shape_cast %broadcast_in_dim3A_1 : vector<16xf32> to vector<1x16xf32>
    tpu.vector_store %arg10[%swap3A_394, %swap3A_395], %swap3A_398 {strides = array<i32>} : memref<16x128xf32, #tpu.memory_space<vmem>>, vector<1x16xf32>,
    %swap3A_399 = arith.constant 8 : i32
    %swap3A_400 = arith.index_cast %swap3A_399 : i32 to index
    %swap3A_401 = arith.constant 32 : index
    %swap3A_402 = tpu.vector_load %arg10[%swap3A_400, %swap3A_401] {strides = array<i32>} : memref<16x128xf32, #tpu.memory_space<vmem>>, vector<1x16xf32>,
    %swap3A_403 = vector.shape_cast %swap3A_402 : vector<1x16xf32> to vector<16xf32>
    %swap3A_404 = vector.shape_cast %broadcast_in_dim3A_1 : vector<16xf32> to vector<1x16xf32>
    tpu.vector_store %arg10[%swap3A_400, %swap3A_401], %swap3A_404 {strides = array<i32>} : memref<16x128xf32, #tpu.memory_space<vmem>>, vector<1x16xf32>,
    %swap3A_405 = arith.constant 8 : i32
    %swap3A_406 = arith.index_cast %swap3A_405 : i32 to index
    %swap3A_407 = arith.constant 48 : index
    %swap3A_408 = tpu.vector_load %arg10[%swap3A_406, %swap3A_407] {strides = array<i32>} : memref<16x128xf32, #tpu.memory_space<vmem>>, vector<1x16xf32>,
    %swap3A_409 = vector.shape_cast %swap3A_408 : vector<1x16xf32> to vector<16xf32>
    %swap3A_410 = vector.shape_cast %broadcast_in_dim3A_1 : vector<16xf32> to vector<1x16xf32>
    tpu.vector_store %arg10[%swap3A_406, %swap3A_407], %swap3A_410 {strides = array<i32>} : memref<16x128xf32, #tpu.memory_space<vmem>>, vector<1x16xf32>,
    %swap3A_411 = arith.constant 8 : i32
    %swap3A_412 = arith.index_cast %swap3A_411 : i32 to index
    %swap3A_413 = arith.constant 64 : index
    %swap3A_414 = tpu.vector_load %arg10[%swap3A_412, %swap3A_413] {strides = array<i32>} : memref<16x128xf32, #tpu.memory_space<vmem>>, vector<1x16xf32>,
    %swap3A_415 = vector.shape_cast %swap3A_414 : vector<1x16xf32> to vector<16xf32>
    %swap3A_416 = vector.shape_cast %broadcast_in_dim3A_1 : vector<16xf32> to vector<1x16xf32>
    tpu.vector_store %arg10[%swap3A_412, %swap3A_413], %swap3A_416 {strides = array<i32>} : memref<16x128xf32, #tpu.memory_space<vmem>>, vector<1x16xf32>,
    %swap3A_417 = arith.constant 8 : i32
    %swap3A_418 = arith.index_cast %swap3A_417 : i32 to index
    %swap3A_419 = arith.constant 80 : index
    %swap3A_420 = tpu.vector_load %arg10[%swap3A_418, %swap3A_419] {strides = array<i32>} : memref<16x128xf32, #tpu.memory_space<vmem>>, vector<1x16xf32>,
    %swap3A_421 = vector.shape_cast %swap3A_420 : vector<1x16xf32> to vector<16xf32>
    %swap3A_422 = vector.shape_cast %broadcast_in_dim3A_1 : vector<16xf32> to vector<1x16xf32>
    tpu.vector_store %arg10[%swap3A_418, %swap3A_419], %swap3A_422 {strides = array<i32>} : memref<16x128xf32, #tpu.memory_space<vmem>>, vector<1x16xf32>,
    %swap3A_423 = arith.constant 8 : i32
    %swap3A_424 = arith.index_cast %swap3A_423 : i32 to index
    %swap3A_425 = arith.constant 96 : index
    %swap3A_426 = tpu.vector_load %arg10[%swap3A_424, %swap3A_425] {strides = array<i32>} : memref<16x128xf32, #tpu.memory_space<vmem>>, vector<1x16xf32>,
    %swap3A_427 = vector.shape_cast %swap3A_426 : vector<1x16xf32> to vector<16xf32>
    %swap3A_428 = vector.shape_cast %broadcast_in_dim3A_1 : vector<16xf32> to vector<1x16xf32>
    tpu.vector_store %arg10[%swap3A_424, %swap3A_425], %swap3A_428 {strides = array<i32>} : memref<16x128xf32, #tpu.memory_space<vmem>>, vector<1x16xf32>,
    %swap3A_429 = arith.constant 8 : i32
    %swap3A_430 = arith.index_cast %swap3A_429 : i32 to index
    %swap3A_431 = arith.constant 112 : index
    %swap3A_432 = tpu.vector_load %arg10[%swap3A_430, %swap3A_431] {strides = array<i32>} : memref<16x128xf32, #tpu.memory_space<vmem>>, vector<1x16xf32>,
    %swap3A_433 = vector.shape_cast %swap3A_432 : vector<1x16xf32> to vector<16xf32>
    %swap3A_434 = vector.shape_cast %broadcast_in_dim3A_1 : vector<16xf32> to vector<1x16xf32>
    tpu.vector_store %arg10[%swap3A_430, %swap3A_431], %swap3A_434 {strides = array<i32>} : memref<16x128xf32, #tpu.memory_space<vmem>>, vector<1x16xf32>,
    %swap3A_435 = arith.constant 9 : i32
    %swap3A_436 = arith.index_cast %swap3A_435 : i32 to index
    %swap3A_437 = arith.constant 0 : index
    %swap3A_438 = tpu.vector_load %arg10[%swap3A_436, %swap3A_437] {strides = array<i32>} : memref<16x128xf32, #tpu.memory_space<vmem>>, vector<1x16xf32>,
    %swap3A_439 = vector.shape_cast %swap3A_438 : vector<1x16xf32> to vector<16xf32>
    %swap3A_440 = vector.shape_cast %broadcast_in_dim3A_1 : vector<16xf32> to vector<1x16xf32>
    tpu.vector_store %arg10[%swap3A_436, %swap3A_437], %swap3A_440 {strides = array<i32>} : memref<16x128xf32, #tpu.memory_space<vmem>>, vector<1x16xf32>,
    %swap3A_441 = arith.constant 9 : i32
    %swap3A_442 = arith.index_cast %swap3A_441 : i32 to index
    %swap3A_443 = arith.constant 16 : index
    %swap3A_444 = tpu.vector_load %arg10[%swap3A_442, %swap3A_443] {strides = array<i32>} : memref<16x128xf32, #tpu.memory_space<vmem>>, vector<1x16xf32>,
    %swap3A_445 = vector.shape_cast %swap3A_444 : vector<1x16xf32> to vector<16xf32>
    %swap3A_446 = vector.shape_cast %broadcast_in_dim3A_1 : vector<16xf32> to vector<1x16xf32>
    tpu.vector_store %arg10[%swap3A_442, %swap3A_443], %swap3A_446 {strides = array<i32>} : memref<16x128xf32, #tpu.memory_space<vmem>>, vector<1x16xf32>,
    %swap3A_447 = arith.constant 9 : i32
    %swap3A_448 = arith.index_cast %swap3A_447 : i32 to index
    %swap3A_449 = arith.constant 32 : index
    %swap3A_450 = tpu.vector_load %arg10[%swap3A_448, %swap3A_449] {strides = array<i32>} : memref<16x128xf32, #tpu.memory_space<vmem>>, vector<1x16xf32>,
    %swap3A_451 = vector.shape_cast %swap3A_450 : vector<1x16xf32> to vector<16xf32>
    %swap3A_452 = vector.shape_cast %broadcast_in_dim3A_1 : vector<16xf32> to vector<1x16xf32>
    tpu.vector_store %arg10[%swap3A_448, %swap3A_449], %swap3A_452 {strides = array<i32>} : memref<16x128xf32, #tpu.memory_space<vmem>>, vector<1x16xf32>,
    %swap3A_453 = arith.constant 9 : i32
    %swap3A_454 = arith.index_cast %swap3A_453 : i32 to index
    %swap3A_455 = arith.constant 48 : index
    %swap3A_456 = tpu.vector_load %arg10[%swap3A_454, %swap3A_455] {strides = array<i32>} : memref<16x128xf32, #tpu.memory_space<vmem>>, vector<1x16xf32>,
    %swap3A_457 = vector.shape_cast %swap3A_456 : vector<1x16xf32> to vector<16xf32>
    %swap3A_458 = vector.shape_cast %broadcast_in_dim3A_1 : vector<16xf32> to vector<1x16xf32>
    tpu.vector_store %arg10[%swap3A_454, %swap3A_455], %swap3A_458 {strides = array<i32>} : memref<16x128xf32, #tpu.memory_space<vmem>>, vector<1x16xf32>,
    %swap3A_459 = arith.constant 9 : i32
    %swap3A_460 = arith.index_cast %swap3A_459 : i32 to index
    %swap3A_461 = arith.constant 64 : index
    %swap3A_462 = tpu.vector_load %arg10[%swap3A_460, %swap3A_461] {strides = array<i32>} : memref<16x128xf32, #tpu.memory_space<vmem>>, vector<1x16xf32>,
    %swap3A_463 = vector.shape_cast %swap3A_462 : vector<1x16xf32> to vector<16xf32>
    %swap3A_464 = vector.shape_cast %broadcast_in_dim3A_1 : vector<16xf32> to vector<1x16xf32>
    tpu.vector_store %arg10[%swap3A_460, %swap3A_461], %swap3A_464 {strides = array<i32>} : memref<16x128xf32, #tpu.memory_space<vmem>>, vector<1x16xf32>,
    %swap3A_465 = arith.constant 9 : i32
    %swap3A_466 = arith.index_cast %swap3A_465 : i32 to index
    %swap3A_467 = arith.constant 80 : index
    %swap3A_468 = tpu.vector_load %arg10[%swap3A_466, %swap3A_467] {strides = array<i32>} : memref<16x128xf32, #tpu.memory_space<vmem>>, vector<1x16xf32>,
    %swap3A_469 = vector.shape_cast %swap3A_468 : vector<1x16xf32> to vector<16xf32>
    %swap3A_470 = vector.shape_cast %broadcast_in_dim3A_1 : vector<16xf32> to vector<1x16xf32>
    tpu.vector_store %arg10[%swap3A_466, %swap3A_467], %swap3A_470 {strides = array<i32>} : memref<16x128xf32, #tpu.memory_space<vmem>>, vector<1x16xf32>,
    %swap3A_471 = arith.constant 9 : i32
    %swap3A_472 = arith.index_cast %swap3A_471 : i32 to index
    %swap3A_473 = arith.constant 96 : index
    %swap3A_474 = tpu.vector_load %arg10[%swap3A_472, %swap3A_473] {strides = array<i32>} : memref<16x128xf32, #tpu.memory_space<vmem>>, vector<1x16xf32>,
    %swap3A_475 = vector.shape_cast %swap3A_474 : vector<1x16xf32> to vector<16xf32>
    %swap3A_476 = vector.shape_cast %broadcast_in_dim3A_1 : vector<16xf32> to vector<1x16xf32>
    tpu.vector_store %arg10[%swap3A_472, %swap3A_473], %swap3A_476 {strides = array<i32>} : memref<16x128xf32, #tpu.memory_space<vmem>>, vector<1x16xf32>,
    %swap3A_477 = arith.constant 9 : i32
    %swap3A_478 = arith.index_cast %swap3A_477 : i32 to index
    %swap3A_479 = arith.constant 112 : index
    %swap3A_480 = tpu.vector_load %arg10[%swap3A_478, %swap3A_479] {strides = array<i32>} : memref<16x128xf32, #tpu.memory_space<vmem>>, vector<1x16xf32>,
    %swap3A_481 = vector.shape_cast %swap3A_480 : vector<1x16xf32> to vector<16xf32>
    %swap3A_482 = vector.shape_cast %broadcast_in_dim3A_1 : vector<16xf32> to vector<1x16xf32>
    tpu.vector_store %arg10[%swap3A_478, %swap3A_479], %swap3A_482 {strides = array<i32>} : memref<16x128xf32, #tpu.memory_space<vmem>>, vector<1x16xf32>,
    %swap3A_483 = arith.constant 10 : i32
    %swap3A_484 = arith.index_cast %swap3A_483 : i32 to index
    %swap3A_485 = arith.constant 0 : index
    %swap3A_486 = tpu.vector_load %arg10[%swap3A_484, %swap3A_485] {strides = array<i32>} : memref<16x128xf32, #tpu.memory_space<vmem>>, vector<1x16xf32>,
    %swap3A_487 = vector.shape_cast %swap3A_486 : vector<1x16xf32> to vector<16xf32>
    %swap3A_488 = vector.shape_cast %broadcast_in_dim3A_1 : vector<16xf32> to vector<1x16xf32>
    tpu.vector_store %arg10[%swap3A_484, %swap3A_485], %swap3A_488 {strides = array<i32>} : memref<16x128xf32, #tpu.memory_space<vmem>>, vector<1x16xf32>,
    %swap3A_489 = arith.constant 10 : i32
    %swap3A_490 = arith.index_cast %swap3A_489 : i32 to index
    %swap3A_491 = arith.constant 16 : index
    %swap3A_492 = tpu.vector_load %arg10[%swap3A_490, %swap3A_491] {strides = array<i32>} : memref<16x128xf32, #tpu.memory_space<vmem>>, vector<1x16xf32>,
    %swap3A_493 = vector.shape_cast %swap3A_492 : vector<1x16xf32> to vector<16xf32>
    %swap3A_494 = vector.shape_cast %broadcast_in_dim3A_1 : vector<16xf32> to vector<1x16xf32>
    tpu.vector_store %arg10[%swap3A_490, %swap3A_491], %swap3A_494 {strides = array<i32>} : memref<16x128xf32, #tpu.memory_space<vmem>>, vector<1x16xf32>,
    %swap3A_495 = arith.constant 10 : i32
    %swap3A_496 = arith.index_cast %swap3A_495 : i32 to index
    %swap3A_497 = arith.constant 32 : index
    %swap3A_498 = tpu.vector_load %arg10[%swap3A_496, %swap3A_497] {strides = array<i32>} : memref<16x128xf32, #tpu.memory_space<vmem>>, vector<1x16xf32>,
    %swap3A_499 = vector.shape_cast %swap3A_498 : vector<1x16xf32> to vector<16xf32>
    %swap3A_500 = vector.shape_cast %broadcast_in_dim3A_1 : vector<16xf32> to vector<1x16xf32>
    tpu.vector_store %arg10[%swap3A_496, %swap3A_497], %swap3A_500 {strides = array<i32>} : memref<16x128xf32, #tpu.memory_space<vmem>>, vector<1x16xf32>,
    %swap3A_501 = arith.constant 10 : i32
    %swap3A_502 = arith.index_cast %swap3A_501 : i32 to index
    %swap3A_503 = arith.constant 48 : index
    %swap3A_504 = tpu.vector_load %arg10[%swap3A_502, %swap3A_503] {strides = array<i32>} : memref<16x128xf32, #tpu.memory_space<vmem>>, vector<1x16xf32>,
    %swap3A_505 = vector.shape_cast %swap3A_504 : vector<1x16xf32> to vector<16xf32>
    %swap3A_506 = vector.shape_cast %broadcast_in_dim3A_1 : vector<16xf32> to vector<1x16xf32>
    tpu.vector_store %arg10[%swap3A_502, %swap3A_503], %swap3A_506 {strides = array<i32>} : memref<16x128xf32, #tpu.memory_space<vmem>>, vector<1x16xf32>,
    %swap3A_507 = arith.constant 10 : i32
    %swap3A_508 = arith.index_cast %swap3A_507 : i32 to index
    %swap3A_509 = arith.constant 64 : index
    %swap3A_510 = tpu.vector_load %arg10[%swap3A_508, %swap3A_509] {strides = array<i32>} : memref<16x128xf32, #tpu.memory_space<vmem>>, vector<1x16xf32>,
    %swap3A_511 = vector.shape_cast %swap3A_510 : vector<1x16xf32> to vector<16xf32>
    %swap3A_512 = vector.shape_cast %broadcast_in_dim3A_1 : vector<16xf32> to vector<1x16xf32>
    tpu.vector_store %arg10[%swap3A_508, %swap3A_509], %swap3A_512 {strides = array<i32>} : memref<16x128xf32, #tpu.memory_space<vmem>>, vector<1x16xf32>,
    %swap3A_513 = arith.constant 10 : i32
    %swap3A_514 = arith.index_cast %swap3A_513 : i32 to index
    %swap3A_515 = arith.constant 80 : index
    %swap3A_516 = tpu.vector_load %arg10[%swap3A_514, %swap3A_515] {strides = array<i32>} : memref<16x128xf32, #tpu.memory_space<vmem>>, vector<1x16xf32>,
    %swap3A_517 = vector.shape_cast %swap3A_516 : vector<1x16xf32> to vector<16xf32>
    %swap3A_518 = vector.shape_cast %broadcast_in_dim3A_1 : vector<16xf32> to vector<1x16xf32>
    tpu.vector_store %arg10[%swap3A_514, %swap3A_515], %swap3A_518 {strides = array<i32>} : memref<16x128xf32, #tpu.memory_space<vmem>>, vector<1x16xf32>,
    %swap3A_519 = arith.constant 10 : i32
    %swap3A_520 = arith.index_cast %swap3A_519 : i32 to index
    %swap3A_521 = arith.constant 96 : index
    %swap3A_522 = tpu.vector_load %arg10[%swap3A_520, %swap3A_521] {strides = array<i32>} : memref<16x128xf32, #tpu.memory_space<vmem>>, vector<1x16xf32>,
    %swap3A_523 = vector.shape_cast %swap3A_522 : vector<1x16xf32> to vector<16xf32>
    %swap3A_524 = vector.shape_cast %broadcast_in_dim3A_1 : vector<16xf32> to vector<1x16xf32>
    tpu.vector_store %arg10[%swap3A_520, %swap3A_521], %swap3A_524 {strides = array<i32>} : memref<16x128xf32, #tpu.memory_space<vmem>>, vector<1x16xf32>,
    %swap3A_525 = arith.constant 10 : i32
    %swap3A_526 = arith.index_cast %swap3A_525 : i32 to index
    %swap3A_527 = arith.constant 112 : index
    %swap3A_528 = tpu.vector_load %arg10[%swap3A_526, %swap3A_527] {strides = array<i32>} : memref<16x128xf32, #tpu.memory_space<vmem>>, vector<1x16xf32>,
    %swap3A_529 = vector.shape_cast %swap3A_528 : vector<1x16xf32> to vector<16xf32>
    %swap3A_530 = vector.shape_cast %broadcast_in_dim3A_1 : vector<16xf32> to vector<1x16xf32>
    tpu.vector_store %arg10[%swap3A_526, %swap3A_527], %swap3A_530 {strides = array<i32>} : memref<16x128xf32, #tpu.memory_space<vmem>>, vector<1x16xf32>,
    %swap3A_531 = arith.constant 11 : i32
    %swap3A_532 = arith.index_cast %swap3A_531 : i32 to index
    %swap3A_533 = arith.constant 0 : index
    %swap3A_534 = tpu.vector_load %arg10[%swap3A_532, %swap3A_533] {strides = array<i32>} : memref<16x128xf32, #tpu.memory_space<vmem>>, vector<1x16xf32>,
    %swap3A_535 = vector.shape_cast %swap3A_534 : vector<1x16xf32> to vector<16xf32>
    %swap3A_536 = vector.shape_cast %broadcast_in_dim3A_1 : vector<16xf32> to vector<1x16xf32>
    tpu.vector_store %arg10[%swap3A_532, %swap3A_533], %swap3A_536 {strides = array<i32>} : memref<16x128xf32, #tpu.memory_space<vmem>>, vector<1x16xf32>,
    %swap3A_537 = arith.constant 11 : i32
    %swap3A_538 = arith.index_cast %swap3A_537 : i32 to index
    %swap3A_539 = arith.constant 16 : index
    %swap3A_540 = tpu.vector_load %arg10[%swap3A_538, %swap3A_539] {strides = array<i32>} : memref<16x128xf32, #tpu.memory_space<vmem>>, vector<1x16xf32>,
    %swap3A_541 = vector.shape_cast %swap3A_540 : vector<1x16xf32> to vector<16xf32>
    %swap3A_542 = vector.shape_cast %broadcast_in_dim3A_1 : vector<16xf32> to vector<1x16xf32>
    tpu.vector_store %arg10[%swap3A_538, %swap3A_539], %swap3A_542 {strides = array<i32>} : memref<16x128xf32, #tpu.memory_space<vmem>>, vector<1x16xf32>,
    %swap3A_543 = arith.constant 11 : i32
    %swap3A_544 = arith.index_cast %swap3A_543 : i32 to index
    %swap3A_545 = arith.constant 32 : index
    %swap3A_546 = tpu.vector_load %arg10[%swap3A_544, %swap3A_545] {strides = array<i32>} : memref<16x128xf32, #tpu.memory_space<vmem>>, vector<1x16xf32>,
    %swap3A_547 = vector.shape_cast %swap3A_546 : vector<1x16xf32> to vector<16xf32>
    %swap3A_548 = vector.shape_cast %broadcast_in_dim3A_1 : vector<16xf32> to vector<1x16xf32>
    tpu.vector_store %arg10[%swap3A_544, %swap3A_545], %swap3A_548 {strides = array<i32>} : memref<16x128xf32, #tpu.memory_space<vmem>>, vector<1x16xf32>,
    %swap3A_549 = arith.constant 11 : i32
    %swap3A_550 = arith.index_cast %swap3A_549 : i32 to index
    %swap3A_551 = arith.constant 48 : index
    %swap3A_552 = tpu.vector_load %arg10[%swap3A_550, %swap3A_551] {strides = array<i32>} : memref<16x128xf32, #tpu.memory_space<vmem>>, vector<1x16xf32>,
    %swap3A_553 = vector.shape_cast %swap3A_552 : vector<1x16xf32> to vector<16xf32>
    %swap3A_554 = vector.shape_cast %broadcast_in_dim3A_1 : vector<16xf32> to vector<1x16xf32>
    tpu.vector_store %arg10[%swap3A_550, %swap3A_551], %swap3A_554 {strides = array<i32>} : memref<16x128xf32, #tpu.memory_space<vmem>>, vector<1x16xf32>,
    %swap3A_555 = arith.constant 11 : i32
    %swap3A_556 = arith.index_cast %swap3A_555 : i32 to index
    %swap3A_557 = arith.constant 64 : index
    %swap3A_558 = tpu.vector_load %arg10[%swap3A_556, %swap3A_557] {strides = array<i32>} : memref<16x128xf32, #tpu.memory_space<vmem>>, vector<1x16xf32>,
    %swap3A_559 = vector.shape_cast %swap3A_558 : vector<1x16xf32> to vector<16xf32>
    %swap3A_560 = vector.shape_cast %broadcast_in_dim3A_1 : vector<16xf32> to vector<1x16xf32>
    tpu.vector_store %arg10[%swap3A_556, %swap3A_557], %swap3A_560 {strides = array<i32>} : memref<16x128xf32, #tpu.memory_space<vmem>>, vector<1x16xf32>,
    %swap3A_561 = arith.constant 11 : i32
    %swap3A_562 = arith.index_cast %swap3A_561 : i32 to index
    %swap3A_563 = arith.constant 80 : index
    %swap3A_564 = tpu.vector_load %arg10[%swap3A_562, %swap3A_563] {strides = array<i32>} : memref<16x128xf32, #tpu.memory_space<vmem>>, vector<1x16xf32>,
    %swap3A_565 = vector.shape_cast %swap3A_564 : vector<1x16xf32> to vector<16xf32>
    %swap3A_566 = vector.shape_cast %broadcast_in_dim3A_1 : vector<16xf32> to vector<1x16xf32>
    tpu.vector_store %arg10[%swap3A_562, %swap3A_563], %swap3A_566 {strides = array<i32>} : memref<16x128xf32, #tpu.memory_space<vmem>>, vector<1x16xf32>,
    %swap3A_567 = arith.constant 11 : i32
    %swap3A_568 = arith.index_cast %swap3A_567 : i32 to index
    %swap3A_569 = arith.constant 96 : index
    %swap3A_570 = tpu.vector_load %arg10[%swap3A_568, %swap3A_569] {strides = array<i32>} : memref<16x128xf32, #tpu.memory_space<vmem>>, vector<1x16xf32>,
    %swap3A_571 = vector.shape_cast %swap3A_570 : vector<1x16xf32> to vector<16xf32>
    %swap3A_572 = vector.shape_cast %broadcast_in_dim3A_1 : vector<16xf32> to vector<1x16xf32>
    tpu.vector_store %arg10[%swap3A_568, %swap3A_569], %swap3A_572 {strides = array<i32>} : memref<16x128xf32, #tpu.memory_space<vmem>>, vector<1x16xf32>,
    %swap3A_573 = arith.constant 11 : i32
    %swap3A_574 = arith.index_cast %swap3A_573 : i32 to index
    %swap3A_575 = arith.constant 112 : index
    %swap3A_576 = tpu.vector_load %arg10[%swap3A_574, %swap3A_575] {strides = array<i32>} : memref<16x128xf32, #tpu.memory_space<vmem>>, vector<1x16xf32>,
    %swap3A_577 = vector.shape_cast %swap3A_576 : vector<1x16xf32> to vector<16xf32>
    %swap3A_578 = vector.shape_cast %broadcast_in_dim3A_1 : vector<16xf32> to vector<1x16xf32>
    tpu.vector_store %arg10[%swap3A_574, %swap3A_575], %swap3A_578 {strides = array<i32>} : memref<16x128xf32, #tpu.memory_space<vmem>>, vector<1x16xf32>,
    %swap3A_579 = arith.constant 12 : i32
    %swap3A_580 = arith.index_cast %swap3A_579 : i32 to index
    %swap3A_581 = arith.constant 0 : index
    %swap3A_582 = tpu.vector_load %arg10[%swap3A_580, %swap3A_581] {strides = array<i32>} : memref<16x128xf32, #tpu.memory_space<vmem>>, vector<1x16xf32>,
    %swap3A_583 = vector.shape_cast %swap3A_582 : vector<1x16xf32> to vector<16xf32>
    %swap3A_584 = vector.shape_cast %broadcast_in_dim3A_1 : vector<16xf32> to vector<1x16xf32>
    tpu.vector_store %arg10[%swap3A_580, %swap3A_581], %swap3A_584 {strides = array<i32>} : memref<16x128xf32, #tpu.memory_space<vmem>>, vector<1x16xf32>,
    %swap3A_585 = arith.constant 12 : i32
    %swap3A_586 = arith.index_cast %swap3A_585 : i32 to index
    %swap3A_587 = arith.constant 16 : index
    %swap3A_588 = tpu.vector_load %arg10[%swap3A_586, %swap3A_587] {strides = array<i32>} : memref<16x128xf32, #tpu.memory_space<vmem>>, vector<1x16xf32>,
    %swap3A_589 = vector.shape_cast %swap3A_588 : vector<1x16xf32> to vector<16xf32>
    %swap3A_590 = vector.shape_cast %broadcast_in_dim3A_1 : vector<16xf32> to vector<1x16xf32>
    tpu.vector_store %arg10[%swap3A_586, %swap3A_587], %swap3A_590 {strides = array<i32>} : memref<16x128xf32, #tpu.memory_space<vmem>>, vector<1x16xf32>,
    %swap3A_591 = arith.constant 12 : i32
    %swap3A_592 = arith.index_cast %swap3A_591 : i32 to index
    %swap3A_593 = arith.constant 32 : index
    %swap3A_594 = tpu.vector_load %arg10[%swap3A_592, %swap3A_593] {strides = array<i32>} : memref<16x128xf32, #tpu.memory_space<vmem>>, vector<1x16xf32>,
    %swap3A_595 = vector.shape_cast %swap3A_594 : vector<1x16xf32> to vector<16xf32>
    %swap3A_596 = vector.shape_cast %broadcast_in_dim3A_1 : vector<16xf32> to vector<1x16xf32>
    tpu.vector_store %arg10[%swap3A_592, %swap3A_593], %swap3A_596 {strides = array<i32>} : memref<16x128xf32, #tpu.memory_space<vmem>>, vector<1x16xf32>,
    %swap3A_597 = arith.constant 12 : i32
    %swap3A_598 = arith.index_cast %swap3A_597 : i32 to index
    %swap3A_599 = arith.constant 48 : index
    %swap3A_600 = tpu.vector_load %arg10[%swap3A_598, %swap3A_599] {strides = array<i32>} : memref<16x128xf32, #tpu.memory_space<vmem>>, vector<1x16xf32>,
    %swap3A_601 = vector.shape_cast %swap3A_600 : vector<1x16xf32> to vector<16xf32>
    %swap3A_602 = vector.shape_cast %broadcast_in_dim3A_1 : vector<16xf32> to vector<1x16xf32>
    tpu.vector_store %arg10[%swap3A_598, %swap3A_599], %swap3A_602 {strides = array<i32>} : memref<16x128xf32, #tpu.memory_space<vmem>>, vector<1x16xf32>,
    %swap3A_603 = arith.constant 12 : i32
    %swap3A_604 = arith.index_cast %swap3A_603 : i32 to index
    %swap3A_605 = arith.constant 64 : index
    %swap3A_606 = tpu.vector_load %arg10[%swap3A_604, %swap3A_605] {strides = array<i32>} : memref<16x128xf32, #tpu.memory_space<vmem>>, vector<1x16xf32>,
    %swap3A_607 = vector.shape_cast %swap3A_606 : vector<1x16xf32> to vector<16xf32>
    %swap3A_608 = vector.shape_cast %broadcast_in_dim3A_1 : vector<16xf32> to vector<1x16xf32>
    tpu.vector_store %arg10[%swap3A_604, %swap3A_605], %swap3A_608 {strides = array<i32>} : memref<16x128xf32, #tpu.memory_space<vmem>>, vector<1x16xf32>,
    %swap3A_609 = arith.constant 12 : i32
    %swap3A_610 = arith.index_cast %swap3A_609 : i32 to index
    %swap3A_611 = arith.constant 80 : index
    %swap3A_612 = tpu.vector_load %arg10[%swap3A_610, %swap3A_611] {strides = array<i32>} : memref<16x128xf32, #tpu.memory_space<vmem>>, vector<1x16xf32>,
    %swap3A_613 = vector.shape_cast %swap3A_612 : vector<1x16xf32> to vector<16xf32>
    %swap3A_614 = vector.shape_cast %broadcast_in_dim3A_1 : vector<16xf32> to vector<1x16xf32>
    tpu.vector_store %arg10[%swap3A_610, %swap3A_611], %swap3A_614 {strides = array<i32>} : memref<16x128xf32, #tpu.memory_space<vmem>>, vector<1x16xf32>,
    %swap3A_615 = arith.constant 12 : i32
    %swap3A_616 = arith.index_cast %swap3A_615 : i32 to index
    %swap3A_617 = arith.constant 96 : index
    %swap3A_618 = tpu.vector_load %arg10[%swap3A_616, %swap3A_617] {strides = array<i32>} : memref<16x128xf32, #tpu.memory_space<vmem>>, vector<1x16xf32>,
    %swap3A_619 = vector.shape_cast %swap3A_618 : vector<1x16xf32> to vector<16xf32>
    %swap3A_620 = vector.shape_cast %broadcast_in_dim3A_1 : vector<16xf32> to vector<1x16xf32>
    tpu.vector_store %arg10[%swap3A_616, %swap3A_617], %swap3A_620 {strides = array<i32>} : memref<16x128xf32, #tpu.memory_space<vmem>>, vector<1x16xf32>,
    %swap3A_621 = arith.constant 12 : i32
    %swap3A_622 = arith.index_cast %swap3A_621 : i32 to index
    %swap3A_623 = arith.constant 112 : index
    %swap3A_624 = tpu.vector_load %arg10[%swap3A_622, %swap3A_623] {strides = array<i32>} : memref<16x128xf32, #tpu.memory_space<vmem>>, vector<1x16xf32>,
    %swap3A_625 = vector.shape_cast %swap3A_624 : vector<1x16xf32> to vector<16xf32>
    %swap3A_626 = vector.shape_cast %broadcast_in_dim3A_1 : vector<16xf32> to vector<1x16xf32>
    tpu.vector_store %arg10[%swap3A_622, %swap3A_623], %swap3A_626 {strides = array<i32>} : memref<16x128xf32, #tpu.memory_space<vmem>>, vector<1x16xf32>,
    %swap3A_627 = arith.constant 13 : i32
    %swap3A_628 = arith.index_cast %swap3A_627 : i32 to index
    %swap3A_629 = arith.constant 0 : index
    %swap3A_630 = tpu.vector_load %arg10[%swap3A_628, %swap3A_629] {strides = array<i32>} : memref<16x128xf32, #tpu.memory_space<vmem>>, vector<1x16xf32>,
    %swap3A_631 = vector.shape_cast %swap3A_630 : vector<1x16xf32> to vector<16xf32>
    %swap3A_632 = vector.shape_cast %broadcast_in_dim3A_1 : vector<16xf32> to vector<1x16xf32>
    tpu.vector_store %arg10[%swap3A_628, %swap3A_629], %swap3A_632 {strides = array<i32>} : memref<16x128xf32, #tpu.memory_space<vmem>>, vector<1x16xf32>,
    %swap3A_633 = arith.constant 13 : i32
    %swap3A_634 = arith.index_cast %swap3A_633 : i32 to index
    %swap3A_635 = arith.constant 16 : index
    %swap3A_636 = tpu.vector_load %arg10[%swap3A_634, %swap3A_635] {strides = array<i32>} : memref<16x128xf32, #tpu.memory_space<vmem>>, vector<1x16xf32>,
    %swap3A_637 = vector.shape_cast %swap3A_636 : vector<1x16xf32> to vector<16xf32>
    %swap3A_638 = vector.shape_cast %broadcast_in_dim3A_1 : vector<16xf32> to vector<1x16xf32>
    tpu.vector_store %arg10[%swap3A_634, %swap3A_635], %swap3A_638 {strides = array<i32>} : memref<16x128xf32, #tpu.memory_space<vmem>>, vector<1x16xf32>,
    %swap3A_639 = arith.constant 13 : i32
    %swap3A_640 = arith.index_cast %swap3A_639 : i32 to index
    %swap3A_641 = arith.constant 32 : index
    %swap3A_642 = tpu.vector_load %arg10[%swap3A_640, %swap3A_641] {strides = array<i32>} : memref<16x128xf32, #tpu.memory_space<vmem>>, vector<1x16xf32>,
    %swap3A_643 = vector.shape_cast %swap3A_642 : vector<1x16xf32> to vector<16xf32>
    %swap3A_644 = vector.shape_cast %broadcast_in_dim3A_1 : vector<16xf32> to vector<1x16xf32>
    tpu.vector_store %arg10[%swap3A_640, %swap3A_641], %swap3A_644 {strides = array<i32>} : memref<16x128xf32, #tpu.memory_space<vmem>>, vector<1x16xf32>,
    %swap3A_645 = arith.constant 13 : i32
    %swap3A_646 = arith.index_cast %swap3A_645 : i32 to index
    %swap3A_647 = arith.constant 48 : index
    %swap3A_648 = tpu.vector_load %arg10[%swap3A_646, %swap3A_647] {strides = array<i32>} : memref<16x128xf32, #tpu.memory_space<vmem>>, vector<1x16xf32>,
    %swap3A_649 = vector.shape_cast %swap3A_648 : vector<1x16xf32> to vector<16xf32>
    %swap3A_650 = vector.shape_cast %broadcast_in_dim3A_1 : vector<16xf32> to vector<1x16xf32>
    tpu.vector_store %arg10[%swap3A_646, %swap3A_647], %swap3A_650 {strides = array<i32>} : memref<16x128xf32, #tpu.memory_space<vmem>>, vector<1x16xf32>,
    %swap3A_651 = arith.constant 13 : i32
    %swap3A_652 = arith.index_cast %swap3A_651 : i32 to index
    %swap3A_653 = arith.constant 64 : index
    %swap3A_654 = tpu.vector_load %arg10[%swap3A_652, %swap3A_653] {strides = array<i32>} : memref<16x128xf32, #tpu.memory_space<vmem>>, vector<1x16xf32>,
    %swap3A_655 = vector.shape_cast %swap3A_654 : vector<1x16xf32> to vector<16xf32>
    %swap3A_656 = vector.shape_cast %broadcast_in_dim3A_1 : vector<16xf32> to vector<1x16xf32>
    tpu.vector_store %arg10[%swap3A_652, %swap3A_653], %swap3A_656 {strides = array<i32>} : memref<16x128xf32, #tpu.memory_space<vmem>>, vector<1x16xf32>,
    %swap3A_657 = arith.constant 13 : i32
    %swap3A_658 = arith.index_cast %swap3A_657 : i32 to index
    %swap3A_659 = arith.constant 80 : index
    %swap3A_660 = tpu.vector_load %arg10[%swap3A_658, %swap3A_659] {strides = array<i32>} : memref<16x128xf32, #tpu.memory_space<vmem>>, vector<1x16xf32>,
    %swap3A_661 = vector.shape_cast %swap3A_660 : vector<1x16xf32> to vector<16xf32>
    %swap3A_662 = vector.shape_cast %broadcast_in_dim3A_1 : vector<16xf32> to vector<1x16xf32>
    tpu.vector_store %arg10[%swap3A_658, %swap3A_659], %swap3A_662 {strides = array<i32>} : memref<16x128xf32, #tpu.memory_space<vmem>>, vector<1x16xf32>,
    %swap3A_663 = arith.constant 13 : i32
    %swap3A_664 = arith.index_cast %swap3A_663 : i32 to index
    %swap3A_665 = arith.constant 96 : index
    %swap3A_666 = tpu.vector_load %arg10[%swap3A_664, %swap3A_665] {strides = array<i32>} : memref<16x128xf32, #tpu.memory_space<vmem>>, vector<1x16xf32>,
    %swap3A_667 = vector.shape_cast %swap3A_666 : vector<1x16xf32> to vector<16xf32>
    %swap3A_668 = vector.shape_cast %broadcast_in_dim3A_1 : vector<16xf32> to vector<1x16xf32>
    tpu.vector_store %arg10[%swap3A_664, %swap3A_665], %swap3A_668 {strides = array<i32>} : memref<16x128xf32, #tpu.memory_space<vmem>>, vector<1x16xf32>,
    %swap3A_669 = arith.constant 13 : i32
    %swap3A_670 = arith.index_cast %swap3A_669 : i32 to index
    %swap3A_671 = arith.constant 112 : index
    %swap3A_672 = tpu.vector_load %arg10[%swap3A_670, %swap3A_671] {strides = array<i32>} : memref<16x128xf32, #tpu.memory_space<vmem>>, vector<1x16xf32>,
    %swap3A_673 = vector.shape_cast %swap3A_672 : vector<1x16xf32> to vector<16xf32>
    %swap3A_674 = vector.shape_cast %broadcast_in_dim3A_1 : vector<16xf32> to vector<1x16xf32>
    tpu.vector_store %arg10[%swap3A_670, %swap3A_671], %swap3A_674 {strides = array<i32>} : memref<16x128xf32, #tpu.memory_space<vmem>>, vector<1x16xf32>,
    %swap3A_675 = arith.constant 14 : i32
    %swap3A_676 = arith.index_cast %swap3A_675 : i32 to index
    %swap3A_677 = arith.constant 0 : index
    %swap3A_678 = tpu.vector_load %arg10[%swap3A_676, %swap3A_677] {strides = array<i32>} : memref<16x128xf32, #tpu.memory_space<vmem>>, vector<1x16xf32>,
    %swap3A_679 = vector.shape_cast %swap3A_678 : vector<1x16xf32> to vector<16xf32>
    %swap3A_680 = vector.shape_cast %broadcast_in_dim3A_1 : vector<16xf32> to vector<1x16xf32>
    tpu.vector_store %arg10[%swap3A_676, %swap3A_677], %swap3A_680 {strides = array<i32>} : memref<16x128xf32, #tpu.memory_space<vmem>>, vector<1x16xf32>,
    %swap3A_681 = arith.constant 14 : i32
    %swap3A_682 = arith.index_cast %swap3A_681 : i32 to index
    %swap3A_683 = arith.constant 16 : index
    %swap3A_684 = tpu.vector_load %arg10[%swap3A_682, %swap3A_683] {strides = array<i32>} : memref<16x128xf32, #tpu.memory_space<vmem>>, vector<1x16xf32>,
    %swap3A_685 = vector.shape_cast %swap3A_684 : vector<1x16xf32> to vector<16xf32>
    %swap3A_686 = vector.shape_cast %broadcast_in_dim3A_1 : vector<16xf32> to vector<1x16xf32>
    tpu.vector_store %arg10[%swap3A_682, %swap3A_683], %swap3A_686 {strides = array<i32>} : memref<16x128xf32, #tpu.memory_space<vmem>>, vector<1x16xf32>,
    %swap3A_687 = arith.constant 14 : i32
    %swap3A_688 = arith.index_cast %swap3A_687 : i32 to index
    %swap3A_689 = arith.constant 32 : index
    %swap3A_690 = tpu.vector_load %arg10[%swap3A_688, %swap3A_689] {strides = array<i32>} : memref<16x128xf32, #tpu.memory_space<vmem>>, vector<1x16xf32>,
    %swap3A_691 = vector.shape_cast %swap3A_690 : vector<1x16xf32> to vector<16xf32>
    %swap3A_692 = vector.shape_cast %broadcast_in_dim3A_1 : vector<16xf32> to vector<1x16xf32>
    tpu.vector_store %arg10[%swap3A_688, %swap3A_689], %swap3A_692 {strides = array<i32>} : memref<16x128xf32, #tpu.memory_space<vmem>>, vector<1x16xf32>,
    %swap3A_693 = arith.constant 14 : i32
    %swap3A_694 = arith.index_cast %swap3A_693 : i32 to index
    %swap3A_695 = arith.constant 48 : index
    %swap3A_696 = tpu.vector_load %arg10[%swap3A_694, %swap3A_695] {strides = array<i32>} : memref<16x128xf32, #tpu.memory_space<vmem>>, vector<1x16xf32>,
    %swap3A_697 = vector.shape_cast %swap3A_696 : vector<1x16xf32> to vector<16xf32>
    %swap3A_698 = vector.shape_cast %broadcast_in_dim3A_1 : vector<16xf32> to vector<1x16xf32>
    tpu.vector_store %arg10[%swap3A_694, %swap3A_695], %swap3A_698 {strides = array<i32>} : memref<16x128xf32, #tpu.memory_space<vmem>>, vector<1x16xf32>,
    %swap3A_699 = arith.constant 14 : i32
    %swap3A_700 = arith.index_cast %swap3A_699 : i32 to index
    %swap3A_701 = arith.constant 64 : index
    %swap3A_702 = tpu.vector_load %arg10[%swap3A_700, %swap3A_701] {strides = array<i32>} : memref<16x128xf32, #tpu.memory_space<vmem>>, vector<1x16xf32>,
    %swap3A_703 = vector.shape_cast %swap3A_702 : vector<1x16xf32> to vector<16xf32>
    %swap3A_704 = vector.shape_cast %broadcast_in_dim3A_1 : vector<16xf32> to vector<1x16xf32>
    tpu.vector_store %arg10[%swap3A_700, %swap3A_701], %swap3A_704 {strides = array<i32>} : memref<16x128xf32, #tpu.memory_space<vmem>>, vector<1x16xf32>,
    %swap3A_705 = arith.constant 14 : i32
    %swap3A_706 = arith.index_cast %swap3A_705 : i32 to index
    %swap3A_707 = arith.constant 80 : index
    %swap3A_708 = tpu.vector_load %arg10[%swap3A_706, %swap3A_707] {strides = array<i32>} : memref<16x128xf32, #tpu.memory_space<vmem>>, vector<1x16xf32>,
    %swap3A_709 = vector.shape_cast %swap3A_708 : vector<1x16xf32> to vector<16xf32>
    %swap3A_710 = vector.shape_cast %broadcast_in_dim3A_1 : vector<16xf32> to vector<1x16xf32>
    tpu.vector_store %arg10[%swap3A_706, %swap3A_707], %swap3A_710 {strides = array<i32>} : memref<16x128xf32, #tpu.memory_space<vmem>>, vector<1x16xf32>,
    %swap3A_711 = arith.constant 14 : i32
    %swap3A_712 = arith.index_cast %swap3A_711 : i32 to index
    %swap3A_713 = arith.constant 96 : index
    %swap3A_714 = tpu.vector_load %arg10[%swap3A_712, %swap3A_713] {strides = array<i32>} : memref<16x128xf32, #tpu.memory_space<vmem>>, vector<1x16xf32>,
    %swap3A_715 = vector.shape_cast %swap3A_714 : vector<1x16xf32> to vector<16xf32>
    %swap3A_716 = vector.shape_cast %broadcast_in_dim3A_1 : vector<16xf32> to vector<1x16xf32>
    tpu.vector_store %arg10[%swap3A_712, %swap3A_713], %swap3A_716 {strides = array<i32>} : memref<16x128xf32, #tpu.memory_space<vmem>>, vector<1x16xf32>,
    %swap3A_717 = arith.constant 14 : i32
    %swap3A_718 = arith.index_cast %swap3A_717 : i32 to index
    %swap3A_719 = arith.constant 112 : index
    %swap3A_720 = tpu.vector_load %arg10[%swap3A_718, %swap3A_719] {strides = array<i32>} : memref<16x128xf32, #tpu.memory_space<vmem>>, vector<1x16xf32>,
    %swap3A_721 = vector.shape_cast %swap3A_720 : vector<1x16xf32> to vector<16xf32>
    %swap3A_722 = vector.shape_cast %broadcast_in_dim3A_1 : vector<16xf32> to vector<1x16xf32>
    tpu.vector_store %arg10[%swap3A_718, %swap3A_719], %swap3A_722 {strides = array<i32>} : memref<16x128xf32, #tpu.memory_space<vmem>>, vector<1x16xf32>,
    %swap3A_723 = arith.constant 15 : i32
    %swap3A_724 = arith.index_cast %swap3A_723 : i32 to index
    %swap3A_725 = arith.constant 0 : index
    %swap3A_726 = tpu.vector_load %arg10[%swap3A_724, %swap3A_725] {strides = array<i32>} : memref<16x128xf32, #tpu.memory_space<vmem>>, vector<1x16xf32>,
    %swap3A_727 = vector.shape_cast %swap3A_726 : vector<1x16xf32> to vector<16xf32>
    %swap3A_728 = vector.shape_cast %broadcast_in_dim3A_1 : vector<16xf32> to vector<1x16xf32>
    tpu.vector_store %arg10[%swap3A_724, %swap3A_725], %swap3A_728 {strides = array<i32>} : memref<16x128xf32, #tpu.memory_space<vmem>>, vector<1x16xf32>,
    %swap3A_729 = arith.constant 15 : i32
    %swap3A_730 = arith.index_cast %swap3A_729 : i32 to index
    %swap3A_731 = arith.constant 16 : index
    %swap3A_732 = tpu.vector_load %arg10[%swap3A_730, %swap3A_731] {strides = array<i32>} : memref<16x128xf32, #tpu.memory_space<vmem>>, vector<1x16xf32>,
    %swap3A_733 = vector.shape_cast %swap3A_732 : vector<1x16xf32> to vector<16xf32>
    %swap3A_734 = vector.shape_cast %broadcast_in_dim3A_1 : vector<16xf32> to vector<1x16xf32>
    tpu.vector_store %arg10[%swap3A_730, %swap3A_731], %swap3A_734 {strides = array<i32>} : memref<16x128xf32, #tpu.memory_space<vmem>>, vector<1x16xf32>,
    %swap3A_735 = arith.constant 15 : i32
    %swap3A_736 = arith.index_cast %swap3A_735 : i32 to index
    %swap3A_737 = arith.constant 32 : index
    %swap3A_738 = tpu.vector_load %arg10[%swap3A_736, %swap3A_737] {strides = array<i32>} : memref<16x128xf32, #tpu.memory_space<vmem>>, vector<1x16xf32>,
    %swap3A_739 = vector.shape_cast %swap3A_738 : vector<1x16xf32> to vector<16xf32>
    %swap3A_740 = vector.shape_cast %broadcast_in_dim3A_1 : vector<16xf32> to vector<1x16xf32>
    tpu.vector_store %arg10[%swap3A_736, %swap3A_737], %swap3A_740 {strides = array<i32>} : memref<16x128xf32, #tpu.memory_space<vmem>>, vector<1x16xf32>,
    %swap3A_741 = arith.constant 15 : i32
    %swap3A_742 = arith.index_cast %swap3A_741 : i32 to index
    %swap3A_743 = arith.constant 48 : index
    %swap3A_744 = tpu.vector_load %arg10[%swap3A_742, %swap3A_743] {strides = array<i32>} : memref<16x128xf32, #tpu.memory_space<vmem>>, vector<1x16xf32>,
    %swap3A_745 = vector.shape_cast %swap3A_744 : vector<1x16xf32> to vector<16xf32>
    %swap3A_746 = vector.shape_cast %broadcast_in_dim3A_1 : vector<16xf32> to vector<1x16xf32>
    tpu.vector_store %arg10[%swap3A_742, %swap3A_743], %swap3A_746 {strides = array<i32>} : memref<16x128xf32, #tpu.memory_space<vmem>>, vector<1x16xf32>,
    %swap3A_747 = arith.constant 15 : i32
    %swap3A_748 = arith.index_cast %swap3A_747 : i32 to index
    %swap3A_749 = arith.constant 64 : index
    %swap3A_750 = tpu.vector_load %arg10[%swap3A_748, %swap3A_749] {strides = array<i32>} : memref<16x128xf32, #tpu.memory_space<vmem>>, vector<1x16xf32>,
    %swap3A_751 = vector.shape_cast %swap3A_750 : vector<1x16xf32> to vector<16xf32>
    %swap3A_752 = vector.shape_cast %broadcast_in_dim3A_1 : vector<16xf32> to vector<1x16xf32>
    tpu.vector_store %arg10[%swap3A_748, %swap3A_749], %swap3A_752 {strides = array<i32>} : memref<16x128xf32, #tpu.memory_space<vmem>>, vector<1x16xf32>,
    %swap3A_753 = arith.constant 15 : i32
    %swap3A_754 = arith.index_cast %swap3A_753 : i32 to index
    %swap3A_755 = arith.constant 80 : index
    %swap3A_756 = tpu.vector_load %arg10[%swap3A_754, %swap3A_755] {strides = array<i32>} : memref<16x128xf32, #tpu.memory_space<vmem>>, vector<1x16xf32>,
    %swap3A_757 = vector.shape_cast %swap3A_756 : vector<1x16xf32> to vector<16xf32>
    %swap3A_758 = vector.shape_cast %broadcast_in_dim3A_1 : vector<16xf32> to vector<1x16xf32>
    tpu.vector_store %arg10[%swap3A_754, %swap3A_755], %swap3A_758 {strides = array<i32>} : memref<16x128xf32, #tpu.memory_space<vmem>>, vector<1x16xf32>,
    %swap3A_759 = arith.constant 15 : i32
    %swap3A_760 = arith.index_cast %swap3A_759 : i32 to index
    %swap3A_761 = arith.constant 96 : index
    %swap3A_762 = tpu.vector_load %arg10[%swap3A_760, %swap3A_761] {strides = array<i32>} : memref<16x128xf32, #tpu.memory_space<vmem>>, vector<1x16xf32>,
    %swap3A_763 = vector.shape_cast %swap3A_762 : vector<1x16xf32> to vector<16xf32>
    %swap3A_764 = vector.shape_cast %broadcast_in_dim3A_1 : vector<16xf32> to vector<1x16xf32>
    tpu.vector_store %arg10[%swap3A_760, %swap3A_761], %swap3A_764 {strides = array<i32>} : memref<16x128xf32, #tpu.memory_space<vmem>>, vector<1x16xf32>,
    %swap3A_765 = arith.constant 15 : i32
    %swap3A_766 = arith.index_cast %swap3A_765 : i32 to index
    %swap3A_767 = arith.constant 112 : index
    %swap3A_768 = tpu.vector_load %arg10[%swap3A_766, %swap3A_767] {strides = array<i32>} : memref<16x128xf32, #tpu.memory_space<vmem>>, vector<1x16xf32>,
    %swap3A_769 = vector.shape_cast %swap3A_768 : vector<1x16xf32> to vector<16xf32>
    %swap3A_770 = vector.shape_cast %broadcast_in_dim3A_1 : vector<16xf32> to vector<1x16xf32>
    tpu.vector_store %arg10[%swap3A_766, %swap3A_767], %swap3A_770 {strides = array<i32>} : memref<16x128xf32, #tpu.memory_space<vmem>>, vector<1x16xf32>,
    %mul3A_771 = arith.constant 640 : i32
    %mul3A_772 = arith.muli %arg1, %mul3A_771 : i32
    %mul3A_773 = arith.constant 80 : i32
    %mul3A_774 = arith.muli %add3A, %mul3A_773 : i32
    %add3A_775 = arith.constant 0 : i32
    %add3A_776 = arith.addi %mul3A_774, %add3A_775 : i32
    %run_scoped3A = arith.constant 0 : i32
    "tpu.region"() ({
      %run_scoped3A_829 = tpu.sem_alloc : memref<!tpu.dma_semaphore, #tpu.memory_space<semaphore_mem>>
      %dma_start3A_830 = arith.constant 0 : i32
      %dma_start3A_831 = tpu.memref_slice %arg2[%run_scoped3A, %add3A_776, %dma_start3A_830] : memref<2x2560x128xi32, #tpu.memory_space<hbm>> -> memref<1x40x128xi32, #tpu.memory_space<hbm>>
      %dma_start3A_832 = tpu.memref_squeeze %dma_start3A_831 : memref<1x40x128xi32, #tpu.memory_space<hbm>> -> memref<40x128xi32, #tpu.memory_space<hbm>>
      %dma_start3A_833 = arith.constant 0 : i32
      %dma_start3A_834 = tpu.memref_slice %arg2[%run_scoped3A, %add3A_776, %dma_start3A_833] : memref<2x2560x128xi32, #tpu.memory_space<hbm>> -> memref<1x40x128xi32, #tpu.memory_space<hbm>>
      %dma_start3A_835 = tpu.memref_squeeze %dma_start3A_834 : memref<1x40x128xi32, #tpu.memory_space<hbm>> -> memref<40x128xi32, #tpu.memory_space<hbm>>
      tpu.enqueue_dma source(%dma_start3A_835 : memref<40x128xi32, #tpu.memory_space<hbm>>) target(%arg5 : memref<40x128xi32, #tpu.memory_space<vmem>>) target_semaphore(%run_scoped3A_829 : memref<!tpu.dma_semaphore, #tpu.memory_space<semaphore_mem>>)
      %dma_wait3A = arith.constant 0 : i32
      %dma_wait3A_836 = tpu.memref_slice %arg2[%run_scoped3A, %add3A_776, %dma_wait3A] : memref<2x2560x128xi32, #tpu.memory_space<hbm>> -> memref<1x40x128xi32, #tpu.memory_space<hbm>>
      %dma_wait3A_837 = tpu.memref_squeeze %dma_wait3A_836 : memref<1x40x128xi32, #tpu.memory_space<hbm>> -> memref<40x128xi32, #tpu.memory_space<hbm>>
      %dma_wait3A_838 = arith.constant 0 : i32
      %dma_wait3A_839 = tpu.memref_slice %arg2[%run_scoped3A, %add3A_776, %dma_wait3A_838] : memref<2x2560x128xi32, #tpu.memory_space<hbm>> -> memref<1x40x128xi32, #tpu.memory_space<hbm>>
      %dma_wait3A_840 = tpu.memref_squeeze %dma_wait3A_839 : memref<1x40x128xi32, #tpu.memory_space<hbm>> -> memref<40x128xi32, #tpu.memory_space<hbm>>
      tpu.wait_dma2 semaphore(%run_scoped3A_829 : memref<!tpu.dma_semaphore, #tpu.memory_space<semaphore_mem>>) src(%dma_wait3A_840 : memref<40x128xi32, #tpu.memory_space<hbm>>) dst(%arg5 : memref<40x128xi32, #tpu.memory_space<vmem>>)
      tpu.yield
    }) : () -> ()
    %run_scoped3A_777 = arith.constant 1 : i32
    "tpu.region"() ({
      %run_scoped3A_829 = tpu.sem_alloc : memref<!tpu.dma_semaphore, #tpu.memory_space<semaphore_mem>>
      %dma_start3A_830 = arith.constant 0 : i32
      %dma_start3A_831 = tpu.memref_slice %arg2[%run_scoped3A_777, %add3A_776, %dma_start3A_830] : memref<2x2560x128xi32, #tpu.memory_space<hbm>> -> memref<1x40x128xi32, #tpu.memory_space<hbm>>
      %dma_start3A_832 = tpu.memref_squeeze %dma_start3A_831 : memref<1x40x128xi32, #tpu.memory_space<hbm>> -> memref<40x128xi32, #tpu.memory_space<hbm>>
      %dma_start3A_833 = arith.constant 0 : i32
      %dma_start3A_834 = tpu.memref_slice %arg2[%run_scoped3A_777, %add3A_776, %dma_start3A_833] : memref<2x2560x128xi32, #tpu.memory_space<hbm>> -> memref<1x40x128xi32, #tpu.memory_space<hbm>>
      %dma_start3A_835 = tpu.memref_squeeze %dma_start3A_834 : memref<1x40x128xi32, #tpu.memory_space<hbm>> -> memref<40x128xi32, #tpu.memory_space<hbm>>
      tpu.enqueue_dma source(%dma_start3A_835 : memref<40x128xi32, #tpu.memory_space<hbm>>) target(%arg6 : memref<40x128xi32, #tpu.memory_space<vmem>>) target_semaphore(%run_scoped3A_829 : memref<!tpu.dma_semaphore, #tpu.memory_space<semaphore_mem>>)
      %dma_wait3A = arith.constant 0 : i32
      %dma_wait3A_836 = tpu.memref_slice %arg2[%run_scoped3A_777, %add3A_776, %dma_wait3A] : memref<2x2560x128xi32, #tpu.memory_space<hbm>> -> memref<1x40x128xi32, #tpu.memory_space<hbm>>
      %dma_wait3A_837 = tpu.memref_squeeze %dma_wait3A_836 : memref<1x40x128xi32, #tpu.memory_space<hbm>> -> memref<40x128xi32, #tpu.memory_space<hbm>>
      %dma_wait3A_838 = arith.constant 0 : i32
      %dma_wait3A_839 = tpu.memref_slice %arg2[%run_scoped3A_777, %add3A_776, %dma_wait3A_838] : memref<2x2560x128xi32, #tpu.memory_space<hbm>> -> memref<1x40x128xi32, #tpu.memory_space<hbm>>
      %dma_wait3A_840 = tpu.memref_squeeze %dma_wait3A_839 : memref<1x40x128xi32, #tpu.memory_space<hbm>> -> memref<40x128xi32, #tpu.memory_space<hbm>>
      tpu.wait_dma2 semaphore(%run_scoped3A_829 : memref<!tpu.dma_semaphore, #tpu.memory_space<semaphore_mem>>) src(%dma_wait3A_840 : memref<40x128xi32, #tpu.memory_space<hbm>>) dst(%arg6 : memref<40x128xi32, #tpu.memory_space<vmem>>)
      tpu.yield
    }) : () -> ()
    %dma_start3A = arith.constant 0 : i32
    %dma_start3A_778 = arith.constant 0 : i32
    %dma_start3A_779 = tpu.memref_slice %arg5[%dma_start3A, %dma_start3A_778] : memref<40x128xi32, #tpu.memory_space<vmem>> -> memref<1x128xi32, #tpu.memory_space<vmem>>
    %dma_start3A_780 = tpu.memref_squeeze %dma_start3A_779 : memref<1x128xi32, #tpu.memory_space<vmem>> -> memref<128xi32, #tpu.memory_space<vmem>>
    %dma_start3A_781 = arith.constant 0 : i32
    %dma_start3A_782 = arith.constant 0 : i32
    %dma_start3A_783 = tpu.memref_slice %arg3[%dma_start3A_781, %dma_start3A_782] : memref<10000x128xf32, #tpu.memory_space<hbm>> -> memref<10000x128xf32, #tpu.memory_space<hbm>>
    tpu.enqueue_indirect_dma source(%dma_start3A_783 : memref<10000x128xf32, #tpu.memory_space<hbm>>) target(%arg7 : memref<128x128xf32, #tpu.memory_space<vmem>>) offsets(%dma_start3A_780 : memref<128xi32, #tpu.memory_space<vmem>>) semaphore(%arg14 : memref<!tpu.dma_semaphore, #tpu.memory_space<semaphore_mem>>)
    %dma_start3A_784 = arith.constant 1 : i32
    %dma_start3A_785 = arith.constant 0 : i32
    %dma_start3A_786 = tpu.memref_slice %arg5[%dma_start3A_784, %dma_start3A_785] : memref<40x128xi32, #tpu.memory_space<vmem>> -> memref<1x128xi32, #tpu.memory_space<vmem>>
    %dma_start3A_787 = tpu.memref_squeeze %dma_start3A_786 : memref<1x128xi32, #tpu.memory_space<vmem>> -> memref<128xi32, #tpu.memory_space<vmem>>
    %dma_start3A_788 = arith.constant 0 : i32
    %dma_start3A_789 = arith.constant 0 : i32
    %dma_start3A_790 = tpu.memref_slice %arg3[%dma_start3A_788, %dma_start3A_789] : memref<10000x128xf32, #tpu.memory_space<hbm>> -> memref<10000x128xf32, #tpu.memory_space<hbm>>
    tpu.enqueue_indirect_dma source(%dma_start3A_790 : memref<10000x128xf32, #tpu.memory_space<hbm>>) target(%arg8 : memref<128x128xf32, #tpu.memory_space<vmem>>) offsets(%dma_start3A_787 : memref<128xi32, #tpu.memory_space<vmem>>) semaphore(%arg15 : memref<!tpu.dma_semaphore, #tpu.memory_space<semaphore_mem>>)
    %scan3A = arith.constant 0 : i32
    %scan3A_791 = arith.constant 0 : i32
    %scan3A_792 = arith.constant 40 : i32
    %scan3A_793 = arith.addi %scan3A_791, %scan3A_792 : i32
    %scan3A_794 = arith.constant 1 : i32
    scf.for %scan3A_829 = %scan3A_791 to %scan3A_793 step %scan3A_794  : i32 {
      %mul3A_830 = arith.constant 16 : i32
      %mul3A_831 = arith.muli %scan3A_829, %mul3A_830 : i32
      %add3A_832 = arith.addi %mul3A_772, %mul3A_831 : i32
      "tpu.region"() ({
        %run_scoped3A_833 = tpu.sem_alloc : memref<!tpu.dma_semaphore, #tpu.memory_space<semaphore_mem>>
        %dma_start3A_834 = arith.constant 0 : i32
        %dma_start3A_835 = tpu.memref_slice %arg12[%add3A_832, %dma_start3A_834] : memref<10240x128xf32, #tpu.memory_space<vmem_shared>> -> memref<16x128xf32, #tpu.memory_space<vmem_shared>>
        %dma_start3A_836 = arith.constant 0 : i32
        %dma_start3A_837 = tpu.memref_slice %arg12[%add3A_832, %dma_start3A_836] : memref<10240x128xf32, #tpu.memory_space<vmem_shared>> -> memref<16x128xf32, #tpu.memory_space<vmem_shared>>
        tpu.enqueue_dma source(%arg10 : memref<16x128xf32, #tpu.memory_space<vmem>>) target(%dma_start3A_837 : memref<16x128xf32, #tpu.memory_space<vmem_shared>>) target_semaphore(%run_scoped3A_833 : memref<!tpu.dma_semaphore, #tpu.memory_space<semaphore_mem>>)
        %dma_wait3A = arith.constant 0 : i32
        %dma_wait3A_838 = tpu.memref_slice %arg12[%add3A_832, %dma_wait3A] : memref<10240x128xf32, #tpu.memory_space<vmem_shared>> -> memref<16x128xf32, #tpu.memory_space<vmem_shared>>
        %dma_wait3A_839 = arith.constant 0 : i32
        %dma_wait3A_840 = tpu.memref_slice %arg12[%add3A_832, %dma_wait3A_839] : memref<10240x128xf32, #tpu.memory_space<vmem_shared>> -> memref<16x128xf32, #tpu.memory_space<vmem_shared>>
        tpu.wait_dma2 semaphore(%run_scoped3A_833 : memref<!tpu.dma_semaphore, #tpu.memory_space<semaphore_mem>>) src(%arg10 : memref<16x128xf32, #tpu.memory_space<vmem>>) dst(%dma_wait3A_840 : memref<16x128xf32, #tpu.memory_space<vmem_shared>>)
        tpu.yield
      }) : () -> ()
    }
    %scan3A_795 = arith.constant 40 : i32
    %barrier3A = arith.constant 0 : index
    tpu.barrier barrier_id(%barrier3A)
    %scan3A_796 = arith.constant 0 : i32
    %scan3A_797 = arith.constant 0 : i32
    %scan3A_798 = arith.constant 20 : i32
    %scan3A_799 = arith.addi %scan3A_797, %scan3A_798 : i32
    %scan3A_800 = arith.constant 1 : i32
    scf.for %scan3A_829 = %scan3A_797 to %scan3A_799 step %scan3A_800  : i32 {
      %mul3A_830 = arith.constant 2 : i32
      %mul3A_831 = arith.muli %mul3A_830, %scan3A_829 : i32
      %dma_wait3A = arith.constant 0 : i32
      %dma_wait3A_832 = arith.constant 0 : i32
      %dma_wait3A_833 = tpu.memref_slice %arg5[%dma_wait3A, %dma_wait3A_832] : memref<40x128xi32, #tpu.memory_space<vmem>> -> memref<1x128xi32, #tpu.memory_space<vmem>>
      %dma_wait3A_834 = tpu.memref_squeeze %dma_wait3A_833 : memref<1x128xi32, #tpu.memory_space<vmem>> -> memref<128xi32, #tpu.memory_space<vmem>>
      %dma_wait3A_835 = arith.constant 0 : i32
      %dma_wait3A_836 = arith.constant 0 : i32
      %dma_wait3A_837 = tpu.memref_slice %arg3[%dma_wait3A_835, %dma_wait3A_836] : memref<10000x128xf32, #tpu.memory_space<hbm>> -> memref<10000x128xf32, #tpu.memory_space<hbm>>
      tpu.wait_indirect_dma semaphore(%arg14 : memref<!tpu.dma_semaphore, #tpu.memory_space<semaphore_mem>>) src(%dma_wait3A_837 : memref<10000x128xf32, #tpu.memory_space<hbm>>) dst(%arg7 : memref<128x128xf32, #tpu.memory_space<vmem>>)
      "tpu.region"() ({
        %run_scoped3A_854 = tpu.sem_alloc : memref<!tpu.dma_semaphore, #tpu.memory_space<semaphore_mem>>
        %dma_start3A_855 = arith.constant 0 : i32
        %dma_start3A_856 = tpu.memref_slice %arg6[%mul3A_831, %dma_start3A_855] : memref<40x128xi32, #tpu.memory_space<vmem>> -> memref<1x128xi32, #tpu.memory_space<vmem>>
        %dma_start3A_857 = tpu.memref_squeeze %dma_start3A_856 : memref<1x128xi32, #tpu.memory_space<vmem>> -> memref<128xi32, #tpu.memory_space<vmem>>
        %dma_start3A_858 = arith.constant 0 : i32
        %dma_start3A_859 = arith.constant 0 : i32
        %dma_start3A_860 = tpu.memref_slice %arg12[%dma_start3A_858, %dma_start3A_859] : memref<10240x128xf32, #tpu.memory_space<vmem_shared>> -> memref<10240x128xf32, #tpu.memory_space<vmem_shared>>
        tpu.enqueue_indirect_dma source(%arg7 : memref<128x128xf32, #tpu.memory_space<vmem>>) target(%dma_start3A_860 : memref<10240x128xf32, #tpu.memory_space<vmem_shared>>) offsets(%dma_start3A_857 : memref<128xi32, #tpu.memory_space<vmem>>) semaphore(%run_scoped3A_854 : memref<!tpu.dma_semaphore, #tpu.memory_space<semaphore_mem>>) {add = true}
        %dma_wait3A_861 = arith.constant 0 : i32
        %dma_wait3A_862 = tpu.memref_slice %arg6[%mul3A_831, %dma_wait3A_861] : memref<40x128xi32, #tpu.memory_space<vmem>> -> memref<1x128xi32, #tpu.memory_space<vmem>>
        %dma_wait3A_863 = tpu.memref_squeeze %dma_wait3A_862 : memref<1x128xi32, #tpu.memory_space<vmem>> -> memref<128xi32, #tpu.memory_space<vmem>>
        %dma_wait3A_864 = arith.constant 0 : i32
        %dma_wait3A_865 = arith.constant 0 : i32
        %dma_wait3A_866 = tpu.memref_slice %arg12[%dma_wait3A_864, %dma_wait3A_865] : memref<10240x128xf32, #tpu.memory_space<vmem_shared>> -> memref<10240x128xf32, #tpu.memory_space<vmem_shared>>
        tpu.wait_indirect_dma semaphore(%run_scoped3A_854 : memref<!tpu.dma_semaphore, #tpu.memory_space<semaphore_mem>>) src(%arg7 : memref<128x128xf32, #tpu.memory_space<vmem>>) dst(%dma_wait3A_866 : memref<10240x128xf32, #tpu.memory_space<vmem_shared>>)
        tpu.yield
      }) : () -> ()
      %lt3A = arith.constant 19 : i32
      %lt3A_838 = arith.cmpi slt, %scan3A_829, %lt3A : i32
      %convert_element_type3A = arith.extui %lt3A_838 : i1 to i32
      %cond3A = arith.constant 0 : i32
      %cond3A_839 = arith.cmpi ne, %convert_element_type3A, %cond3A : i32
      scf.if %cond3A_839 {
        %add3A_854 = arith.constant 2 : i32
        %add3A_855 = arith.addi %mul3A_831, %add3A_854 : i32
        %dma_start3A_856 = arith.constant 0 : i32
        %dma_start3A_857 = tpu.memref_slice %arg5[%add3A_855, %dma_start3A_856] : memref<40x128xi32, #tpu.memory_space<vmem>> -> memref<1x128xi32, #tpu.memory_space<vmem>>
        %dma_start3A_858 = tpu.memref_squeeze %dma_start3A_857 : memref<1x128xi32, #tpu.memory_space<vmem>> -> memref<128xi32, #tpu.memory_space<vmem>>
        %dma_start3A_859 = arith.constant 0 : i32
        %dma_start3A_860 = arith.constant 0 : i32
        %dma_start3A_861 = tpu.memref_slice %arg3[%dma_start3A_859, %dma_start3A_860] : memref<10000x128xf32, #tpu.memory_space<hbm>> -> memref<10000x128xf32, #tpu.memory_space<hbm>>
        tpu.enqueue_indirect_dma source(%dma_start3A_861 : memref<10000x128xf32, #tpu.memory_space<hbm>>) target(%arg7 : memref<128x128xf32, #tpu.memory_space<vmem>>) offsets(%dma_start3A_858 : memref<128xi32, #tpu.memory_space<vmem>>) semaphore(%arg14 : memref<!tpu.dma_semaphore, #tpu.memory_space<semaphore_mem>>)
      } else {
      }
      %dma_wait3A_840 = arith.constant 0 : i32
      %dma_wait3A_841 = arith.constant 0 : i32
      %dma_wait3A_842 = tpu.memref_slice %arg5[%dma_wait3A_840, %dma_wait3A_841] : memref<40x128xi32, #tpu.memory_space<vmem>> -> memref<1x128xi32, #tpu.memory_space<vmem>>
      %dma_wait3A_843 = tpu.memref_squeeze %dma_wait3A_842 : memref<1x128xi32, #tpu.memory_space<vmem>> -> memref<128xi32, #tpu.memory_space<vmem>>
      %dma_wait3A_844 = arith.constant 0 : i32
      %dma_wait3A_845 = arith.constant 0 : i32
      %dma_wait3A_846 = tpu.memref_slice %arg3[%dma_wait3A_844, %dma_wait3A_845] : memref<10000x128xf32, #tpu.memory_space<hbm>> -> memref<10000x128xf32, #tpu.memory_space<hbm>>
      tpu.wait_indirect_dma semaphore(%arg15 : memref<!tpu.dma_semaphore, #tpu.memory_space<semaphore_mem>>) src(%dma_wait3A_846 : memref<10000x128xf32, #tpu.memory_space<hbm>>) dst(%arg8 : memref<128x128xf32, #tpu.memory_space<vmem>>)
      %add3A_847 = arith.constant 1 : i32
      %add3A_848 = arith.addi %mul3A_831, %add3A_847 : i32
      "tpu.region"() ({
        %run_scoped3A_854 = tpu.sem_alloc : memref<!tpu.dma_semaphore, #tpu.memory_space<semaphore_mem>>
        %dma_start3A_855 = arith.constant 0 : i32
        %dma_start3A_856 = tpu.memref_slice %arg6[%add3A_848, %dma_start3A_855] : memref<40x128xi32, #tpu.memory_space<vmem>> -> memref<1x128xi32, #tpu.memory_space<vmem>>
        %dma_start3A_857 = tpu.memref_squeeze %dma_start3A_856 : memref<1x128xi32, #tpu.memory_space<vmem>> -> memref<128xi32, #tpu.memory_space<vmem>>
        %dma_start3A_858 = arith.constant 0 : i32
        %dma_start3A_859 = arith.constant 0 : i32
        %dma_start3A_860 = tpu.memref_slice %arg12[%dma_start3A_858, %dma_start3A_859] : memref<10240x128xf32, #tpu.memory_space<vmem_shared>> -> memref<10240x128xf32, #tpu.memory_space<vmem_shared>>
        tpu.enqueue_indirect_dma source(%arg8 : memref<128x128xf32, #tpu.memory_space<vmem>>) target(%dma_start3A_860 : memref<10240x128xf32, #tpu.memory_space<vmem_shared>>) offsets(%dma_start3A_857 : memref<128xi32, #tpu.memory_space<vmem>>) semaphore(%run_scoped3A_854 : memref<!tpu.dma_semaphore, #tpu.memory_space<semaphore_mem>>) {add = true}
        %dma_wait3A_861 = arith.constant 0 : i32
        %dma_wait3A_862 = tpu.memref_slice %arg6[%add3A_848, %dma_wait3A_861] : memref<40x128xi32, #tpu.memory_space<vmem>> -> memref<1x128xi32, #tpu.memory_space<vmem>>
        %dma_wait3A_863 = tpu.memref_squeeze %dma_wait3A_862 : memref<1x128xi32, #tpu.memory_space<vmem>> -> memref<128xi32, #tpu.memory_space<vmem>>
        %dma_wait3A_864 = arith.constant 0 : i32
        %dma_wait3A_865 = arith.constant 0 : i32
        %dma_wait3A_866 = tpu.memref_slice %arg12[%dma_wait3A_864, %dma_wait3A_865] : memref<10240x128xf32, #tpu.memory_space<vmem_shared>> -> memref<10240x128xf32, #tpu.memory_space<vmem_shared>>
        tpu.wait_indirect_dma semaphore(%run_scoped3A_854 : memref<!tpu.dma_semaphore, #tpu.memory_space<semaphore_mem>>) src(%arg8 : memref<128x128xf32, #tpu.memory_space<vmem>>) dst(%dma_wait3A_866 : memref<10240x128xf32, #tpu.memory_space<vmem_shared>>)
        tpu.yield
      }) : () -> ()
      %lt3A_849 = arith.constant 19 : i32
      %lt3A_850 = arith.cmpi slt, %scan3A_829, %lt3A_849 : i32
      %convert_element_type3A_851 = arith.extui %lt3A_850 : i1 to i32
      %cond3A_852 = arith.constant 0 : i32
      %cond3A_853 = arith.cmpi ne, %convert_element_type3A_851, %cond3A_852 : i32
      scf.if %cond3A_853 {
        %add3A_854 = arith.constant 3 : i32
        %add3A_855 = arith.addi %mul3A_831, %add3A_854 : i32
        %dma_start3A_856 = arith.constant 0 : i32
        %dma_start3A_857 = tpu.memref_slice %arg5[%add3A_855, %dma_start3A_856] : memref<40x128xi32, #tpu.memory_space<vmem>> -> memref<1x128xi32, #tpu.memory_space<vmem>>
        %dma_start3A_858 = tpu.memref_squeeze %dma_start3A_857 : memref<1x128xi32, #tpu.memory_space<vmem>> -> memref<128xi32, #tpu.memory_space<vmem>>
        %dma_start3A_859 = arith.constant 0 : i32
        %dma_start3A_860 = arith.constant 0 : i32
        %dma_start3A_861 = tpu.memref_slice %arg3[%dma_start3A_859, %dma_start3A_860] : memref<10000x128xf32, #tpu.memory_space<hbm>> -> memref<10000x128xf32, #tpu.memory_space<hbm>>
        tpu.enqueue_indirect_dma source(%dma_start3A_861 : memref<10000x128xf32, #tpu.memory_space<hbm>>) target(%arg8 : memref<128x128xf32, #tpu.memory_space<vmem>>) offsets(%dma_start3A_858 : memref<128xi32, #tpu.memory_space<vmem>>) semaphore(%arg15 : memref<!tpu.dma_semaphore, #tpu.memory_space<semaphore_mem>>)
      } else {
      }
    }
    %scan3A_801 = arith.constant 20 : i32
    %mul3A_802 = arith.constant 80 : i32
    %mul3A_803 = arith.muli %add3A, %mul3A_802 : i32
    %add3A_804 = arith.constant 40 : i32
    %add3A_805 = arith.addi %mul3A_803, %add3A_804 : i32
    %run_scoped3A_806 = arith.constant 0 : i32
    "tpu.region"() ({
      %run_scoped3A_829 = tpu.sem_alloc : memref<!tpu.dma_semaphore, #tpu.memory_space<semaphore_mem>>
      %dma_start3A_830 = arith.constant 0 : i32
      %dma_start3A_831 = tpu.memref_slice %arg2[%run_scoped3A_806, %add3A_805, %dma_start3A_830] : memref<2x2560x128xi32, #tpu.memory_space<hbm>> -> memref<1x40x128xi32, #tpu.memory_space<hbm>>
      %dma_start3A_832 = tpu.memref_squeeze %dma_start3A_831 : memref<1x40x128xi32, #tpu.memory_space<hbm>> -> memref<40x128xi32, #tpu.memory_space<hbm>>
      %dma_start3A_833 = arith.constant 0 : i32
      %dma_start3A_834 = tpu.memref_slice %arg2[%run_scoped3A_806, %add3A_805, %dma_start3A_833] : memref<2x2560x128xi32, #tpu.memory_space<hbm>> -> memref<1x40x128xi32, #tpu.memory_space<hbm>>
      %dma_start3A_835 = tpu.memref_squeeze %dma_start3A_834 : memref<1x40x128xi32, #tpu.memory_space<hbm>> -> memref<40x128xi32, #tpu.memory_space<hbm>>
      tpu.enqueue_dma source(%dma_start3A_835 : memref<40x128xi32, #tpu.memory_space<hbm>>) target(%arg5 : memref<40x128xi32, #tpu.memory_space<vmem>>) target_semaphore(%run_scoped3A_829 : memref<!tpu.dma_semaphore, #tpu.memory_space<semaphore_mem>>)
      %dma_wait3A = arith.constant 0 : i32
      %dma_wait3A_836 = tpu.memref_slice %arg2[%run_scoped3A_806, %add3A_805, %dma_wait3A] : memref<2x2560x128xi32, #tpu.memory_space<hbm>> -> memref<1x40x128xi32, #tpu.memory_space<hbm>>
      %dma_wait3A_837 = tpu.memref_squeeze %dma_wait3A_836 : memref<1x40x128xi32, #tpu.memory_space<hbm>> -> memref<40x128xi32, #tpu.memory_space<hbm>>
      %dma_wait3A_838 = arith.constant 0 : i32
      %dma_wait3A_839 = tpu.memref_slice %arg2[%run_scoped3A_806, %add3A_805, %dma_wait3A_838] : memref<2x2560x128xi32, #tpu.memory_space<hbm>> -> memref<1x40x128xi32, #tpu.memory_space<hbm>>
      %dma_wait3A_840 = tpu.memref_squeeze %dma_wait3A_839 : memref<1x40x128xi32, #tpu.memory_space<hbm>> -> memref<40x128xi32, #tpu.memory_space<hbm>>
      tpu.wait_dma2 semaphore(%run_scoped3A_829 : memref<!tpu.dma_semaphore, #tpu.memory_space<semaphore_mem>>) src(%dma_wait3A_840 : memref<40x128xi32, #tpu.memory_space<hbm>>) dst(%arg5 : memref<40x128xi32, #tpu.memory_space<vmem>>)
      tpu.yield
    }) : () -> ()
    %run_scoped3A_807 = arith.constant 1 : i32
    "tpu.region"() ({
      %run_scoped3A_829 = tpu.sem_alloc : memref<!tpu.dma_semaphore, #tpu.memory_space<semaphore_mem>>
      %dma_start3A_830 = arith.constant 0 : i32
      %dma_start3A_831 = tpu.memref_slice %arg2[%run_scoped3A_807, %add3A_805, %dma_start3A_830] : memref<2x2560x128xi32, #tpu.memory_space<hbm>> -> memref<1x40x128xi32, #tpu.memory_space<hbm>>
      %dma_start3A_832 = tpu.memref_squeeze %dma_start3A_831 : memref<1x40x128xi32, #tpu.memory_space<hbm>> -> memref<40x128xi32, #tpu.memory_space<hbm>>
      %dma_start3A_833 = arith.constant 0 : i32
      %dma_start3A_834 = tpu.memref_slice %arg2[%run_scoped3A_807, %add3A_805, %dma_start3A_833] : memref<2x2560x128xi32, #tpu.memory_space<hbm>> -> memref<1x40x128xi32, #tpu.memory_space<hbm>>
      %dma_start3A_835 = tpu.memref_squeeze %dma_start3A_834 : memref<1x40x128xi32, #tpu.memory_space<hbm>> -> memref<40x128xi32, #tpu.memory_space<hbm>>
      tpu.enqueue_dma source(%dma_start3A_835 : memref<40x128xi32, #tpu.memory_space<hbm>>) target(%arg6 : memref<40x128xi32, #tpu.memory_space<vmem>>) target_semaphore(%run_scoped3A_829 : memref<!tpu.dma_semaphore, #tpu.memory_space<semaphore_mem>>)
      %dma_wait3A = arith.constant 0 : i32
      %dma_wait3A_836 = tpu.memref_slice %arg2[%run_scoped3A_807, %add3A_805, %dma_wait3A] : memref<2x2560x128xi32, #tpu.memory_space<hbm>> -> memref<1x40x128xi32, #tpu.memory_space<hbm>>
      %dma_wait3A_837 = tpu.memref_squeeze %dma_wait3A_836 : memref<1x40x128xi32, #tpu.memory_space<hbm>> -> memref<40x128xi32, #tpu.memory_space<hbm>>
      %dma_wait3A_838 = arith.constant 0 : i32
      %dma_wait3A_839 = tpu.memref_slice %arg2[%run_scoped3A_807, %add3A_805, %dma_wait3A_838] : memref<2x2560x128xi32, #tpu.memory_space<hbm>> -> memref<1x40x128xi32, #tpu.memory_space<hbm>>
      %dma_wait3A_840 = tpu.memref_squeeze %dma_wait3A_839 : memref<1x40x128xi32, #tpu.memory_space<hbm>> -> memref<40x128xi32, #tpu.memory_space<hbm>>
      tpu.wait_dma2 semaphore(%run_scoped3A_829 : memref<!tpu.dma_semaphore, #tpu.memory_space<semaphore_mem>>) src(%dma_wait3A_840 : memref<40x128xi32, #tpu.memory_space<hbm>>) dst(%arg6 : memref<40x128xi32, #tpu.memory_space<vmem>>)
      tpu.yield
    }) : () -> ()
    %dma_start3A_808 = arith.constant 0 : i32
    %dma_start3A_809 = arith.constant 0 : i32
    %dma_start3A_810 = tpu.memref_slice %arg5[%dma_start3A_808, %dma_start3A_809] : memref<40x128xi32, #tpu.memory_space<vmem>> -> memref<1x128xi32, #tpu.memory_space<vmem>>
    %dma_start3A_811 = tpu.memref_squeeze %dma_start3A_810 : memref<1x128xi32, #tpu.memory_space<vmem>> -> memref<128xi32, #tpu.memory_space<vmem>>
    %dma_start3A_812 = arith.constant 0 : i32
    %dma_start3A_813 = arith.constant 0 : i32
    %dma_start3A_814 = tpu.memref_slice %arg3[%dma_start3A_812, %dma_start3A_813] : memref<10000x128xf32, #tpu.memory_space<hbm>> -> memref<10000x128xf32, #tpu.memory_space<hbm>>
    tpu.enqueue_indirect_dma source(%dma_start3A_814 : memref<10000x128xf32, #tpu.memory_space<hbm>>) target(%arg7 : memref<128x128xf32, #tpu.memory_space<vmem>>) offsets(%dma_start3A_811 : memref<128xi32, #tpu.memory_space<vmem>>) semaphore(%arg14 : memref<!tpu.dma_semaphore, #tpu.memory_space<semaphore_mem>>)
    %dma_start3A_815 = arith.constant 1 : i32
    %dma_start3A_816 = arith.constant 0 : i32
    %dma_start3A_817 = tpu.memref_slice %arg5[%dma_start3A_815, %dma_start3A_816] : memref<40x128xi32, #tpu.memory_space<vmem>> -> memref<1x128xi32, #tpu.memory_space<vmem>>
    %dma_start3A_818 = tpu.memref_squeeze %dma_start3A_817 : memref<1x128xi32, #tpu.memory_space<vmem>> -> memref<128xi32, #tpu.memory_space<vmem>>
    %dma_start3A_819 = arith.constant 0 : i32
    %dma_start3A_820 = arith.constant 0 : i32
    %dma_start3A_821 = tpu.memref_slice %arg3[%dma_start3A_819, %dma_start3A_820] : memref<10000x128xf32, #tpu.memory_space<hbm>> -> memref<10000x128xf32, #tpu.memory_space<hbm>>
    tpu.enqueue_indirect_dma source(%dma_start3A_821 : memref<10000x128xf32, #tpu.memory_space<hbm>>) target(%arg8 : memref<128x128xf32, #tpu.memory_space<vmem>>) offsets(%dma_start3A_818 : memref<128xi32, #tpu.memory_space<vmem>>) semaphore(%arg15 : memref<!tpu.dma_semaphore, #tpu.memory_space<semaphore_mem>>)
    %scan3A_822 = arith.constant 0 : i32
    %scan3A_823 = arith.constant 0 : i32
    %scan3A_824 = arith.constant 20 : i32
    %scan3A_825 = arith.addi %scan3A_823, %scan3A_824 : i32
    %scan3A_826 = arith.constant 1 : i32
    scf.for %scan3A_829 = %scan3A_823 to %scan3A_825 step %scan3A_826  : i32 {
      %mul3A_830 = arith.constant 2 : i32
      %mul3A_831 = arith.muli %mul3A_830, %scan3A_829 : i32
      %dma_wait3A = arith.constant 0 : i32
      %dma_wait3A_832 = arith.constant 0 : i32
      %dma_wait3A_833 = tpu.memref_slice %arg5[%dma_wait3A, %dma_wait3A_832] : memref<40x128xi32, #tpu.memory_space<vmem>> -> memref<1x128xi32, #tpu.memory_space<vmem>>
      %dma_wait3A_834 = tpu.memref_squeeze %dma_wait3A_833 : memref<1x128xi32, #tpu.memory_space<vmem>> -> memref<128xi32, #tpu.memory_space<vmem>>
      %dma_wait3A_835 = arith.constant 0 : i32
      %dma_wait3A_836 = arith.constant 0 : i32
      %dma_wait3A_837 = tpu.memref_slice %arg3[%dma_wait3A_835, %dma_wait3A_836] : memref<10000x128xf32, #tpu.memory_space<hbm>> -> memref<10000x128xf32, #tpu.memory_space<hbm>>
      tpu.wait_indirect_dma semaphore(%arg14 : memref<!tpu.dma_semaphore, #tpu.memory_space<semaphore_mem>>) src(%dma_wait3A_837 : memref<10000x128xf32, #tpu.memory_space<hbm>>) dst(%arg7 : memref<128x128xf32, #tpu.memory_space<vmem>>)
      "tpu.region"() ({
        %run_scoped3A_854 = tpu.sem_alloc : memref<!tpu.dma_semaphore, #tpu.memory_space<semaphore_mem>>
        %dma_start3A_855 = arith.constant 0 : i32
        %dma_start3A_856 = tpu.memref_slice %arg6[%mul3A_831, %dma_start3A_855] : memref<40x128xi32, #tpu.memory_space<vmem>> -> memref<1x128xi32, #tpu.memory_space<vmem>>
        %dma_start3A_857 = tpu.memref_squeeze %dma_start3A_856 : memref<1x128xi32, #tpu.memory_space<vmem>> -> memref<128xi32, #tpu.memory_space<vmem>>
        %dma_start3A_858 = arith.constant 0 : i32
        %dma_start3A_859 = arith.constant 0 : i32
        %dma_start3A_860 = tpu.memref_slice %arg12[%dma_start3A_858, %dma_start3A_859] : memref<10240x128xf32, #tpu.memory_space<vmem_shared>> -> memref<10240x128xf32, #tpu.memory_space<vmem_shared>>
        tpu.enqueue_indirect_dma source(%arg7 : memref<128x128xf32, #tpu.memory_space<vmem>>) target(%dma_start3A_860 : memref<10240x128xf32, #tpu.memory_space<vmem_shared>>) offsets(%dma_start3A_857 : memref<128xi32, #tpu.memory_space<vmem>>) semaphore(%run_scoped3A_854 : memref<!tpu.dma_semaphore, #tpu.memory_space<semaphore_mem>>) {add = true}
        %dma_wait3A_861 = arith.constant 0 : i32
        %dma_wait3A_862 = tpu.memref_slice %arg6[%mul3A_831, %dma_wait3A_861] : memref<40x128xi32, #tpu.memory_space<vmem>> -> memref<1x128xi32, #tpu.memory_space<vmem>>
        %dma_wait3A_863 = tpu.memref_squeeze %dma_wait3A_862 : memref<1x128xi32, #tpu.memory_space<vmem>> -> memref<128xi32, #tpu.memory_space<vmem>>
        %dma_wait3A_864 = arith.constant 0 : i32
        %dma_wait3A_865 = arith.constant 0 : i32
        %dma_wait3A_866 = tpu.memref_slice %arg12[%dma_wait3A_864, %dma_wait3A_865] : memref<10240x128xf32, #tpu.memory_space<vmem_shared>> -> memref<10240x128xf32, #tpu.memory_space<vmem_shared>>
        tpu.wait_indirect_dma semaphore(%run_scoped3A_854 : memref<!tpu.dma_semaphore, #tpu.memory_space<semaphore_mem>>) src(%arg7 : memref<128x128xf32, #tpu.memory_space<vmem>>) dst(%dma_wait3A_866 : memref<10240x128xf32, #tpu.memory_space<vmem_shared>>)
        tpu.yield
      }) : () -> ()
      %lt3A = arith.constant 19 : i32
      %lt3A_838 = arith.cmpi slt, %scan3A_829, %lt3A : i32
      %convert_element_type3A = arith.extui %lt3A_838 : i1 to i32
      %cond3A = arith.constant 0 : i32
      %cond3A_839 = arith.cmpi ne, %convert_element_type3A, %cond3A : i32
      scf.if %cond3A_839 {
        %add3A_854 = arith.constant 2 : i32
        %add3A_855 = arith.addi %mul3A_831, %add3A_854 : i32
        %dma_start3A_856 = arith.constant 0 : i32
        %dma_start3A_857 = tpu.memref_slice %arg5[%add3A_855, %dma_start3A_856] : memref<40x128xi32, #tpu.memory_space<vmem>> -> memref<1x128xi32, #tpu.memory_space<vmem>>
        %dma_start3A_858 = tpu.memref_squeeze %dma_start3A_857 : memref<1x128xi32, #tpu.memory_space<vmem>> -> memref<128xi32, #tpu.memory_space<vmem>>
        %dma_start3A_859 = arith.constant 0 : i32
        %dma_start3A_860 = arith.constant 0 : i32
        %dma_start3A_861 = tpu.memref_slice %arg3[%dma_start3A_859, %dma_start3A_860] : memref<10000x128xf32, #tpu.memory_space<hbm>> -> memref<10000x128xf32, #tpu.memory_space<hbm>>
        tpu.enqueue_indirect_dma source(%dma_start3A_861 : memref<10000x128xf32, #tpu.memory_space<hbm>>) target(%arg7 : memref<128x128xf32, #tpu.memory_space<vmem>>) offsets(%dma_start3A_858 : memref<128xi32, #tpu.memory_space<vmem>>) semaphore(%arg14 : memref<!tpu.dma_semaphore, #tpu.memory_space<semaphore_mem>>)
      } else {
      }
      %dma_wait3A_840 = arith.constant 0 : i32
      %dma_wait3A_841 = arith.constant 0 : i32
      %dma_wait3A_842 = tpu.memref_slice %arg5[%dma_wait3A_840, %dma_wait3A_841] : memref<40x128xi32, #tpu.memory_space<vmem>> -> memref<1x128xi32, #tpu.memory_space<vmem>>
      %dma_wait3A_843 = tpu.memref_squeeze %dma_wait3A_842 : memref<1x128xi32, #tpu.memory_space<vmem>> -> memref<128xi32, #tpu.memory_space<vmem>>
      %dma_wait3A_844 = arith.constant 0 : i32
      %dma_wait3A_845 = arith.constant 0 : i32
      %dma_wait3A_846 = tpu.memref_slice %arg3[%dma_wait3A_844, %dma_wait3A_845] : memref<10000x128xf32, #tpu.memory_space<hbm>> -> memref<10000x128xf32, #tpu.memory_space<hbm>>
      tpu.wait_indirect_dma semaphore(%arg15 : memref<!tpu.dma_semaphore, #tpu.memory_space<semaphore_mem>>) src(%dma_wait3A_846 : memref<10000x128xf32, #tpu.memory_space<hbm>>) dst(%arg8 : memref<128x128xf32, #tpu.memory_space<vmem>>)
      %add3A_847 = arith.constant 1 : i32
      %add3A_848 = arith.addi %mul3A_831, %add3A_847 : i32
      "tpu.region"() ({
        %run_scoped3A_854 = tpu.sem_alloc : memref<!tpu.dma_semaphore, #tpu.memory_space<semaphore_mem>>
        %dma_start3A_855 = arith.constant 0 : i32
        %dma_start3A_856 = tpu.memref_slice %arg6[%add3A_848, %dma_start3A_855] : memref<40x128xi32, #tpu.memory_space<vmem>> -> memref<1x128xi32, #tpu.memory_space<vmem>>
        %dma_start3A_857 = tpu.memref_squeeze %dma_start3A_856 : memref<1x128xi32, #tpu.memory_space<vmem>> -> memref<128xi32, #tpu.memory_space<vmem>>
        %dma_start3A_858 = arith.constant 0 : i32
        %dma_start3A_859 = arith.constant 0 : i32
        %dma_start3A_860 = tpu.memref_slice %arg12[%dma_start3A_858, %dma_start3A_859] : memref<10240x128xf32, #tpu.memory_space<vmem_shared>> -> memref<10240x128xf32, #tpu.memory_space<vmem_shared>>
        tpu.enqueue_indirect_dma source(%arg8 : memref<128x128xf32, #tpu.memory_space<vmem>>) target(%dma_start3A_860 : memref<10240x128xf32, #tpu.memory_space<vmem_shared>>) offsets(%dma_start3A_857 : memref<128xi32, #tpu.memory_space<vmem>>) semaphore(%run_scoped3A_854 : memref<!tpu.dma_semaphore, #tpu.memory_space<semaphore_mem>>) {add = true}
        %dma_wait3A_861 = arith.constant 0 : i32
        %dma_wait3A_862 = tpu.memref_slice %arg6[%add3A_848, %dma_wait3A_861] : memref<40x128xi32, #tpu.memory_space<vmem>> -> memref<1x128xi32, #tpu.memory_space<vmem>>
        %dma_wait3A_863 = tpu.memref_squeeze %dma_wait3A_862 : memref<1x128xi32, #tpu.memory_space<vmem>> -> memref<128xi32, #tpu.memory_space<vmem>>
        %dma_wait3A_864 = arith.constant 0 : i32
        %dma_wait3A_865 = arith.constant 0 : i32
        %dma_wait3A_866 = tpu.memref_slice %arg12[%dma_wait3A_864, %dma_wait3A_865] : memref<10240x128xf32, #tpu.memory_space<vmem_shared>> -> memref<10240x128xf32, #tpu.memory_space<vmem_shared>>
        tpu.wait_indirect_dma semaphore(%run_scoped3A_854 : memref<!tpu.dma_semaphore, #tpu.memory_space<semaphore_mem>>) src(%arg8 : memref<128x128xf32, #tpu.memory_space<vmem>>) dst(%dma_wait3A_866 : memref<10240x128xf32, #tpu.memory_space<vmem_shared>>)
        tpu.yield
      }) : () -> ()
      %lt3A_849 = arith.constant 19 : i32
      %lt3A_850 = arith.cmpi slt, %scan3A_829, %lt3A_849 : i32
      %convert_element_type3A_851 = arith.extui %lt3A_850 : i1 to i32
      %cond3A_852 = arith.constant 0 : i32
      %cond3A_853 = arith.cmpi ne, %convert_element_type3A_851, %cond3A_852 : i32
      scf.if %cond3A_853 {
        %add3A_854 = arith.constant 3 : i32
        %add3A_855 = arith.addi %mul3A_831, %add3A_854 : i32
        %dma_start3A_856 = arith.constant 0 : i32
        %dma_start3A_857 = tpu.memref_slice %arg5[%add3A_855, %dma_start3A_856] : memref<40x128xi32, #tpu.memory_space<vmem>> -> memref<1x128xi32, #tpu.memory_space<vmem>>
        %dma_start3A_858 = tpu.memref_squeeze %dma_start3A_857 : memref<1x128xi32, #tpu.memory_space<vmem>> -> memref<128xi32, #tpu.memory_space<vmem>>
        %dma_start3A_859 = arith.constant 0 : i32
        %dma_start3A_860 = arith.constant 0 : i32
        %dma_start3A_861 = tpu.memref_slice %arg3[%dma_start3A_859, %dma_start3A_860] : memref<10000x128xf32, #tpu.memory_space<hbm>> -> memref<10000x128xf32, #tpu.memory_space<hbm>>
        tpu.enqueue_indirect_dma source(%dma_start3A_861 : memref<10000x128xf32, #tpu.memory_space<hbm>>) target(%arg8 : memref<128x128xf32, #tpu.memory_space<vmem>>) offsets(%dma_start3A_858 : memref<128xi32, #tpu.memory_space<vmem>>) semaphore(%arg15 : memref<!tpu.dma_semaphore, #tpu.memory_space<semaphore_mem>>)
      } else {
      }
    }
    %scan3A_827 = arith.constant 20 : i32
    %barrier3A_828 = arith.constant 0 : index
    tpu.barrier barrier_id(%barrier3A_828)
    "tpu.region"() ({
      %run_scoped3A_829 = tpu.sem_alloc : memref<!tpu.dma_semaphore, #tpu.memory_space<semaphore_mem>>
      %dma_start3A_830 = arith.constant 0 : i32
      %dma_start3A_831 = tpu.memref_slice %arg4[%arg0, %mul3A_772, %dma_start3A_830] : memref<2x10240x128xf32, #tpu.memory_space<hbm>> -> memref<1x640x128xf32, #tpu.memory_space<hbm>>
      %dma_start3A_832 = tpu.memref_squeeze %dma_start3A_831 : memref<1x640x128xf32, #tpu.memory_space<hbm>> -> memref<640x128xf32, #tpu.memory_space<hbm>>
      %dma_start3A_833 = arith.constant 0 : i32
      %dma_start3A_834 = tpu.memref_slice %arg12[%mul3A_772, %dma_start3A_833] : memref<10240x128xf32, #tpu.memory_space<vmem_shared>> -> memref<640x128xf32, #tpu.memory_space<vmem_shared>>
      tpu.enqueue_dma source(%dma_start3A_834 : memref<640x128xf32, #tpu.memory_space<vmem_shared>>) target(%dma_start3A_832 : memref<640x128xf32, #tpu.memory_space<hbm>>) target_semaphore(%run_scoped3A_829 : memref<!tpu.dma_semaphore, #tpu.memory_space<semaphore_mem>>)
      %dma_wait3A = arith.constant 0 : i32
      %dma_wait3A_835 = tpu.memref_slice %arg4[%arg0, %mul3A_772, %dma_wait3A] : memref<2x10240x128xf32, #tpu.memory_space<hbm>> -> memref<1x640x128xf32, #tpu.memory_space<hbm>>
      %dma_wait3A_836 = tpu.memref_squeeze %dma_wait3A_835 : memref<1x640x128xf32, #tpu.memory_space<hbm>> -> memref<640x128xf32, #tpu.memory_space<hbm>>
      %dma_wait3A_837 = arith.constant 0 : i32
      %dma_wait3A_838 = tpu.memref_slice %arg12[%mul3A_772, %dma_wait3A_837] : memref<10240x128xf32, #tpu.memory_space<vmem_shared>> -> memref<640x128xf32, #tpu.memory_space<vmem_shared>>
      tpu.wait_dma2 semaphore(%run_scoped3A_829 : memref<!tpu.dma_semaphore, #tpu.memory_space<semaphore_mem>>) src(%dma_wait3A_838 : memref<640x128xf32, #tpu.memory_space<vmem_shared>>) dst(%dma_wait3A_836 : memref<640x128xf32, #tpu.memory_space<hbm>>)
      tpu.yield
    }) : () -> ()
    return
  }
}

module attributes {stable_mosaic.version = 14 : i64} {
  func.func @_self_body(%arg0: i32, %arg1: memref<2000x128xf32, #tpu.memory_space<vmem>>, %arg2: memref<128x128xf32, #tpu.memory_space<vmem>>, %arg3: memref<1x128xf32, #tpu.memory_space<vmem>>, %arg4: memref<2000x128xf32, #tpu.memory_space<vmem>>) attributes {dimension_semantics = [#tpu.dimension_semantics<arbitrary>], iteration_bounds = array<i64: 5>, scalar_prefetch = 0 : i64, scratch_operands = 0 : i64, tpu.core_type = #tpu.core_type<tc>, window_params = [{transform_indices = @transform_0, window_bounds = array<i64: 2000, 128>}, {pipeline_mode = #tpu.pipeline_mode<synchronous>, transform_indices = @transform_1, window_bounds = array<i64: 128, 128>}, {pipeline_mode = #tpu.pipeline_mode<synchronous>, transform_indices = @transform_2, window_bounds = array<i64: 1, 128>}, {transform_indices = @transform_3, window_bounds = array<i64: 2000, 128>}]} {
    %get3A = arith.constant 0 : index
    %get3A_0 = arith.constant 0 : index
    %get3A_1 = vector.load %arg1[%get3A, %get3A_0] : memref<2000x128xf32, #tpu.memory_space<vmem>>, vector<2000x128xf32>
    %get3A_2 = arith.constant 0 : index
    %get3A_3 = arith.constant 0 : index
    %get3A_4 = vector.load %arg2[%get3A_2, %get3A_3] : memref<128x128xf32, #tpu.memory_space<vmem>>, vector<128x128xf32>
    %dot_general3A = arith.constant dense<0.000000e+00> : vector<2000x128xf32>
    %dot_general3A_5 = tpu.matmul %get3A_1, %get3A_4, %dot_general3A {dimension_numbers = #tpu.dot_dimension_numbers<[1], [1], [0], [0], [0, 0, 1, 0], [], []>, transpose_lhs_hint = false} : vector<2000x128xf32>, vector<128x128xf32>, vector<2000x128xf32> -> vector<2000x128xf32>
    %get3A_6 = arith.constant 0 : index
    %get3A_7 = arith.constant 0 : index
    %get3A_8 = vector.load %arg3[%get3A_6, %get3A_7] : memref<1x128xf32, #tpu.memory_space<vmem>>, vector<1x128xf32>
    %add3A = vector.broadcast %get3A_8 : vector<1x128xf32> to vector<2000x128xf32>
    %add3A_9 = arith.addf %dot_general3A_5, %add3A : vector<2000x128xf32>
    %swap3A = arith.constant 0 : index
    %swap3A_10 = arith.constant 0 : index
    %swap3A_11 = vector.load %arg4[%swap3A, %swap3A_10] : memref<2000x128xf32, #tpu.memory_space<vmem>>, vector<2000x128xf32>
    tpu.vector_store %arg4[%swap3A, %swap3A_10], %add3A_9 {strides = array<i32>} : memref<2000x128xf32, #tpu.memory_space<vmem>>, vector<2000x128xf32>,
    return
  }
  func.func @transform_0(%arg0: i32) -> (i32, i32) {
    %c0_i32 = arith.constant 0 : i32
    %c0_i32_0 = arith.constant 0 : i32
    return %arg0, %c0_i32 : i32, i32
  }
  func.func @transform_1(%arg0: i32) -> (i32, i32) {
    %c0_i32 = arith.constant 0 : i32
    %c0_i32_0 = arith.constant 0 : i32
    %c0_i32_1 = arith.constant 0 : i32
    return %c0_i32, %c0_i32_0 : i32, i32
  }
  func.func @transform_2(%arg0: i32) -> (i32, i32) {
    %c0_i32 = arith.constant 0 : i32
    %c0_i32_0 = arith.constant 0 : i32
    %c0_i32_1 = arith.constant 0 : i32
    return %c0_i32, %c0_i32_0 : i32, i32
  }
  func.func @transform_3(%arg0: i32) -> (i32, i32) {
    %c0_i32 = arith.constant 0 : i32
    %c0_i32_0 = arith.constant 0 : i32
    return %arg0, %c0_i32 : i32, i32
  }
}

module attributes {stable_mosaic.version = 14 : i64} {
  func.func @_combine_body(%arg0: i32, %arg1: memref<2x2000x128xf32, #tpu.memory_space<vmem>>, %arg2: memref<2x2000x1xf32, #tpu.memory_space<vmem>>, %arg3: memref<2000x128xf32, #tpu.memory_space<vmem>>, %arg4: memref<128x128xf32, #tpu.memory_space<vmem>>, %arg5: memref<2000x128xf32, #tpu.memory_space<vmem>>) attributes {dimension_semantics = [#tpu.dimension_semantics<arbitrary>], iteration_bounds = array<i64: 5>, scalar_prefetch = 0 : i64, scratch_operands = 0 : i64, tpu.core_type = #tpu.core_type<tc>, window_params = [{transform_indices = @transform_0, window_bounds = array<i64: 2, 2000, 128>}, {transform_indices = @transform_1, window_bounds = array<i64: 2, 2000, 1>}, {transform_indices = @transform_2, window_bounds = array<i64: 2000, 128>}, {pipeline_mode = #tpu.pipeline_mode<synchronous>, transform_indices = @transform_3, window_bounds = array<i64: 128, 128>}, {transform_indices = @transform_4, window_bounds = array<i64: 2000, 128>}]} {
    %get3A = arith.constant 0 : index
    %get3A_0 = arith.constant 0 : index
    %get3A_1 = arith.constant 0 : index
    %get3A_2 = vector.load %arg2[%get3A, %get3A_0, %get3A_1] : memref<2x2000x1xf32, #tpu.memory_space<vmem>>, vector<1x2000x1xf32>
    %get3A_3 = vector.shape_cast %get3A_2 : vector<1x2000x1xf32> to vector<2000x1xf32>
    %get3A_4 = arith.constant 1 : index
    %get3A_5 = arith.constant 0 : index
    %get3A_6 = arith.constant 0 : index
    %get3A_7 = vector.load %arg2[%get3A_4, %get3A_5, %get3A_6] : memref<2x2000x1xf32, #tpu.memory_space<vmem>>, vector<1x2000x1xf32>
    %get3A_8 = vector.shape_cast %get3A_7 : vector<1x2000x1xf32> to vector<2000x1xf32>
    %add3A = arith.addf %get3A_3, %get3A_8 : vector<2000x1xf32>
    %max3A = arith.constant 1.000000e+00 : f32
    %max3A_9 = vector.broadcast %max3A : f32 to vector<2000x1xf32>
    %max3A_10 = arith.maximumf %add3A, %max3A_9 : vector<2000x1xf32>
    %div3A = arith.constant 1.000000e+00 : f32
    %div3A_11 = vector.broadcast %div3A : f32 to vector<2000x1xf32>
    %div3A_12 = arith.divf %div3A_11, %max3A_10 : vector<2000x1xf32>
    %get3A_13 = arith.constant 0 : index
    %get3A_14 = arith.constant 0 : index
    %get3A_15 = arith.constant 0 : index
    %get3A_16 = vector.load %arg1[%get3A_13, %get3A_14, %get3A_15] : memref<2x2000x128xf32, #tpu.memory_space<vmem>>, vector<1x2000x128xf32>
    %get3A_17 = vector.shape_cast %get3A_16 : vector<1x2000x128xf32> to vector<2000x128xf32>
    %get3A_18 = arith.constant 1 : index
    %get3A_19 = arith.constant 0 : index
    %get3A_20 = arith.constant 0 : index
    %get3A_21 = vector.load %arg1[%get3A_18, %get3A_19, %get3A_20] : memref<2x2000x128xf32, #tpu.memory_space<vmem>>, vector<1x2000x128xf32>
    %get3A_22 = vector.shape_cast %get3A_21 : vector<1x2000x128xf32> to vector<2000x128xf32>
    %add3A_23 = arith.addf %get3A_17, %get3A_22 : vector<2000x128xf32>
    %mul3A = vector.broadcast %div3A_12 : vector<2000x1xf32> to vector<2000x128xf32>
    %mul3A_24 = arith.mulf %add3A_23, %mul3A : vector<2000x128xf32>
    %get3A_25 = arith.constant 0 : index
    %get3A_26 = arith.constant 0 : index
    %get3A_27 = vector.load %arg4[%get3A_25, %get3A_26] : memref<128x128xf32, #tpu.memory_space<vmem>>, vector<128x128xf32>
    %dot_general3A = arith.constant dense<0.000000e+00> : vector<2000x128xf32>
    %dot_general3A_28 = tpu.matmul %mul3A_24, %get3A_27, %dot_general3A {dimension_numbers = #tpu.dot_dimension_numbers<[1], [1], [0], [0], [0, 0, 1, 0], [], []>, transpose_lhs_hint = false} : vector<2000x128xf32>, vector<128x128xf32>, vector<2000x128xf32> -> vector<2000x128xf32>
    %get3A_29 = arith.constant 0 : index
    %get3A_30 = arith.constant 0 : index
    %get3A_31 = vector.load %arg3[%get3A_29, %get3A_30] : memref<2000x128xf32, #tpu.memory_space<vmem>>, vector<2000x128xf32>
    %add3A_32 = arith.addf %dot_general3A_28, %get3A_31 : vector<2000x128xf32>
    %max3A_33 = arith.constant 0.000000e+00 : f32
    %max3A_34 = vector.broadcast %max3A_33 : f32 to vector<2000x128xf32>
    %max3A_35 = arith.maximumf %add3A_32, %max3A_34 : vector<2000x128xf32>
    %swap3A = arith.constant 0 : index
    %swap3A_36 = arith.constant 0 : index
    %swap3A_37 = vector.load %arg5[%swap3A, %swap3A_36] : memref<2000x128xf32, #tpu.memory_space<vmem>>, vector<2000x128xf32>
    tpu.vector_store %arg5[%swap3A, %swap3A_36], %max3A_35 {strides = array<i32>} : memref<2000x128xf32, #tpu.memory_space<vmem>>, vector<2000x128xf32>,
    return
  }
  func.func @transform_0(%arg0: i32) -> (i32, i32, i32) {
    %c0_i32 = arith.constant 0 : i32
    %c0_i32_0 = arith.constant 0 : i32
    %c0_i32_1 = arith.constant 0 : i32
    return %c0_i32, %arg0, %c0_i32_0 : i32, i32, i32
  }
  func.func @transform_1(%arg0: i32) -> (i32, i32, i32) {
    %c0_i32 = arith.constant 0 : i32
    %c0_i32_0 = arith.constant 0 : i32
    %c0_i32_1 = arith.constant 0 : i32
    return %c0_i32, %arg0, %c0_i32_0 : i32, i32, i32
  }
  func.func @transform_2(%arg0: i32) -> (i32, i32) {
    %c0_i32 = arith.constant 0 : i32
    %c0_i32_0 = arith.constant 0 : i32
    return %arg0, %c0_i32 : i32, i32
  }
  func.func @transform_3(%arg0: i32) -> (i32, i32) {
    %c0_i32 = arith.constant 0 : i32
    %c0_i32_0 = arith.constant 0 : i32
    %c0_i32_1 = arith.constant 0 : i32
    return %c0_i32, %c0_i32_0 : i32, i32
  }
  func.func @transform_4(%arg0: i32) -> (i32, i32) {
    %c0_i32 = arith.constant 0 : i32
    %c0_i32_0 = arith.constant 0 : i32
    return %arg0, %c0_i32 : i32, i32
  }
}

module attributes {stable_mosaic.version = 14 : i64} {
  func.func @_combine_body(%arg0: i32, %arg1: memref<2x2000x128xf32, #tpu.memory_space<vmem>>, %arg2: memref<2x2000x1xf32, #tpu.memory_space<vmem>>, %arg3: memref<2000x128xf32, #tpu.memory_space<vmem>>, %arg4: memref<128x128xf32, #tpu.memory_space<vmem>>, %arg5: memref<2000x128xf32, #tpu.memory_space<vmem>>) attributes {dimension_semantics = [#tpu.dimension_semantics<arbitrary>], iteration_bounds = array<i64: 5>, scalar_prefetch = 0 : i64, scratch_operands = 0 : i64, tpu.core_type = #tpu.core_type<tc>, window_params = [{transform_indices = @transform_0, window_bounds = array<i64: 2, 2000, 128>}, {transform_indices = @transform_1, window_bounds = array<i64: 2, 2000, 1>}, {transform_indices = @transform_2, window_bounds = array<i64: 2000, 128>}, {pipeline_mode = #tpu.pipeline_mode<synchronous>, transform_indices = @transform_3, window_bounds = array<i64: 128, 128>}, {transform_indices = @transform_4, window_bounds = array<i64: 2000, 128>}]} {
    %get3A = arith.constant 0 : index
    %get3A_0 = arith.constant 0 : index
    %get3A_1 = arith.constant 0 : index
    %get3A_2 = vector.load %arg2[%get3A, %get3A_0, %get3A_1] : memref<2x2000x1xf32, #tpu.memory_space<vmem>>, vector<1x2000x1xf32>
    %get3A_3 = vector.shape_cast %get3A_2 : vector<1x2000x1xf32> to vector<2000x1xf32>
    %get3A_4 = arith.constant 1 : index
    %get3A_5 = arith.constant 0 : index
    %get3A_6 = arith.constant 0 : index
    %get3A_7 = vector.load %arg2[%get3A_4, %get3A_5, %get3A_6] : memref<2x2000x1xf32, #tpu.memory_space<vmem>>, vector<1x2000x1xf32>
    %get3A_8 = vector.shape_cast %get3A_7 : vector<1x2000x1xf32> to vector<2000x1xf32>
    %add3A = arith.addf %get3A_3, %get3A_8 : vector<2000x1xf32>
    %max3A = arith.constant 1.000000e+00 : f32
    %max3A_9 = vector.broadcast %max3A : f32 to vector<2000x1xf32>
    %max3A_10 = arith.maximumf %add3A, %max3A_9 : vector<2000x1xf32>
    %div3A = arith.constant 1.000000e+00 : f32
    %div3A_11 = vector.broadcast %div3A : f32 to vector<2000x1xf32>
    %div3A_12 = arith.divf %div3A_11, %max3A_10 : vector<2000x1xf32>
    %get3A_13 = arith.constant 0 : index
    %get3A_14 = arith.constant 0 : index
    %get3A_15 = arith.constant 0 : index
    %get3A_16 = vector.load %arg1[%get3A_13, %get3A_14, %get3A_15] : memref<2x2000x128xf32, #tpu.memory_space<vmem>>, vector<1x2000x128xf32>
    %get3A_17 = vector.shape_cast %get3A_16 : vector<1x2000x128xf32> to vector<2000x128xf32>
    %get3A_18 = arith.constant 1 : index
    %get3A_19 = arith.constant 0 : index
    %get3A_20 = arith.constant 0 : index
    %get3A_21 = vector.load %arg1[%get3A_18, %get3A_19, %get3A_20] : memref<2x2000x128xf32, #tpu.memory_space<vmem>>, vector<1x2000x128xf32>
    %get3A_22 = vector.shape_cast %get3A_21 : vector<1x2000x128xf32> to vector<2000x128xf32>
    %add3A_23 = arith.addf %get3A_17, %get3A_22 : vector<2000x128xf32>
    %mul3A = vector.broadcast %div3A_12 : vector<2000x1xf32> to vector<2000x128xf32>
    %mul3A_24 = arith.mulf %add3A_23, %mul3A : vector<2000x128xf32>
    %get3A_25 = arith.constant 0 : index
    %get3A_26 = arith.constant 0 : index
    %get3A_27 = vector.load %arg4[%get3A_25, %get3A_26] : memref<128x128xf32, #tpu.memory_space<vmem>>, vector<128x128xf32>
    %dot_general3A = arith.constant dense<0.000000e+00> : vector<2000x128xf32>
    %dot_general3A_28 = tpu.matmul %mul3A_24, %get3A_27, %dot_general3A {dimension_numbers = #tpu.dot_dimension_numbers<[1], [1], [0], [0], [0, 0, 1, 0], [], []>, transpose_lhs_hint = false} : vector<2000x128xf32>, vector<128x128xf32>, vector<2000x128xf32> -> vector<2000x128xf32>
    %get3A_29 = arith.constant 0 : index
    %get3A_30 = arith.constant 0 : index
    %get3A_31 = vector.load %arg3[%get3A_29, %get3A_30] : memref<2000x128xf32, #tpu.memory_space<vmem>>, vector<2000x128xf32>
    %add3A_32 = arith.addf %dot_general3A_28, %get3A_31 : vector<2000x128xf32>
    %swap3A = arith.constant 0 : index
    %swap3A_33 = arith.constant 0 : index
    %swap3A_34 = vector.load %arg5[%swap3A, %swap3A_33] : memref<2000x128xf32, #tpu.memory_space<vmem>>, vector<2000x128xf32>
    tpu.vector_store %arg5[%swap3A, %swap3A_33], %add3A_32 {strides = array<i32>} : memref<2000x128xf32, #tpu.memory_space<vmem>>, vector<2000x128xf32>,
    return
  }
  func.func @transform_0(%arg0: i32) -> (i32, i32, i32) {
    %c0_i32 = arith.constant 0 : i32
    %c0_i32_0 = arith.constant 0 : i32
    %c0_i32_1 = arith.constant 0 : i32
    return %c0_i32, %arg0, %c0_i32_0 : i32, i32, i32
  }
  func.func @transform_1(%arg0: i32) -> (i32, i32, i32) {
    %c0_i32 = arith.constant 0 : i32
    %c0_i32_0 = arith.constant 0 : i32
    %c0_i32_1 = arith.constant 0 : i32
    return %c0_i32, %arg0, %c0_i32_0 : i32, i32, i32
  }
  func.func @transform_2(%arg0: i32) -> (i32, i32) {
    %c0_i32 = arith.constant 0 : i32
    %c0_i32_0 = arith.constant 0 : i32
    return %arg0, %c0_i32 : i32, i32
  }
  func.func @transform_3(%arg0: i32) -> (i32, i32) {
    %c0_i32 = arith.constant 0 : i32
    %c0_i32_0 = arith.constant 0 : i32
    %c0_i32_1 = arith.constant 0 : i32
    return %c0_i32, %c0_i32_0 : i32, i32
  }
  func.func @transform_4(%arg0: i32) -> (i32, i32) {
    %c0_i32 = arith.constant 0 : i32
    %c0_i32_0 = arith.constant 0 : i32
    return %arg0, %c0_i32 : i32, i32
  }
}

</mosaic_0001>

<sc_bundles>
// kernel: kernel.11.cloned.1.call-start
scs
__scs_entry_jumppad:
0x0: {  	(pc) =	sbr.rel $0x88, $3  }
0x1: {  	(tag) =	ssettag $0x0;
	lr =	simm.s32 $0x1  }
0x2: {  	[smem:$0x3F99] =	sst lr;
	_ =	strace $0xD0000000  }
0x3: {  	_ = 	snop  }
0x4: {  	_ = 	snop  }
0x5: {  	_ = 	snop  }
0x6: {  	_ = 	snop  }
0x7: {  	_ = 	snop  }
__scs_overlays_trampoline_lowered:
0x8: {  	[smem:$0x3FA8] =	sst s0  }
0x9: {  	[smem:$0x3FA9] =	sst s1  }
0xa: {  	[smem:$0x3FAA] =	sst s2  }
0xb: {  	[smem:$0x3FAB] =	sst s3  }
0xc: {  	[smem:$0x3FAC] =	sst s4  }
0xd: {  	[smem:$0x3FAD] =	sst s5  }
0xe: {  	[smem:$0x3FAE] =	sst s6  }
0xf: {  	[smem:$0x3FAF] =	sst s7  }
0x10: {  	[smem:$0x3FB0] =	sst s8  }
0x11: {  	[smem:$0x3FB1] =	sst s9;
	s0 =	simm.s32 @!p0 $0x0  }
0x12: {  	s1 =	sld [smem:$0x3F97];
	s0 =	simm.s32 @p0 $0x1  }
0x13: {  	[smem:$0x3FB2] =	sst s0;
	s0 =	simm.s32 @!p1 $0x0  }
0x14: {  	s2 =	sld [smem:$0x3F96];
	s0 =	simm.s32 @p1 $0x1  }
0x15: {  	[smem:$0x3FB3] =	sst s0;
	s0 =	simm.s32 @!p2 $0x0  }
0x16: {  	s3 =	sld [smem:$0x3FDB];
	s0 =	simm.s32 @p2 $0x1  }
0x17: {  	s4 =	simm.s32 $0x1BF5;
	[smem:$0x3FB5] =	sst s0  }
0x18: {  	s0 =	sld [smem:$0x3F98];
	_ =	swait.ge [sflag:s4], $0x0  }
0x19: {  	s7 =	sld [smem:$0x3F99]  }
0x1a: {  	s8 =	sadd.s32 $0xFFFFE003, lr  }
0x1b: {  	s9 =	sadd.s32 $0xFFFFFEF7, lr;
	s5 =	simm.s32 $0xFFFFFFFF;
	p2 =	slt.u32 s8, $0xFFFFF086  }
0x1c: {  	p1 =	slt.u32 s9, $0xF7A;
	s5 =	simm.s32 @!p2 $0x0  }
0x1d: {  	s5 =	simm.s32 @p1 $0x1;
	p0 =	seq.s32 s7, s2  }
0x1e: {  	s7 =	smul.u32 @!p0 $0xF7A, s2;
	p2 =	seq.s32 @!p0 s5, $0x0  }
0x1f: {  	s9 =	smul.u32 $0xF7A, s1;
	s8 =	simm.s32 @!p0 $0x1BF5;
	p2 =	por !p2, p0  }
0x20: {  	[sflag:s8] =	ssyncset.s32 @!p0 $0xFFFFF086;
	s6 =	sadd.s32 @!p0 s3, s7;
	s7 =	simm.s32 @!p0 $0x108  }
0x21: {  	s3 =	sadd.s32 s3, s9;
	s6 =	sadd.s32 @!p0 $0x88, s6;
	s7 =	simm.s32 @p2 $0x1082  }
0x22: {  	[simem:s7], [sflag:s8] =	dma.local @!p0 [hbm:s6], $0xF7A  }
0x23: {  	s9 =	sor.u32 $0xD0000000, s2;
	s6 =	simm.s32 $0x108;
	_ =	swait.ge @!p0 [sflag:s8], $0x0  }
0x24: {  	s3 =	sadd.s32 $0x88, s3;
	s6 =	simm.s32 @!p1 $0x1082;
	[sflag:s4] =	ssyncset.s32 $0xFFFFF086  }
0x25: {  	[simem:s6], [sflag:s4] =	dma.local [hbm:s3], $0xF7A  }
0x26: {  	[smem:$0x3F99] =	sst s1;
	(tag) =	ssettag s2;
	_ =	strace s9  }
0x27: {  	s1 =	sld [smem:$0x3FA9]  }
0x28: {  	s2 =	sld [smem:$0x3FAA]  }
0x29: {  	s4 =	sld [smem:$0x3FAC]  }
0x2a: {  	p0 =	seq.s32 s5, $0x0;
	s5 =	sld [smem:$0x3FAD]  }
0x2b: {  	s6 =	sld [smem:$0x3FAE]  }
0x2c: {  	s7 =	sld [smem:$0x3FAF]  }
0x2d: {  	s3 =	simm.s32 $0x108;
	s8 =	sld [smem:$0x3FB0]  }
0x2e: {  	s3 =	simm.s32 @!p0 $0x1082;
	s9 =	sld [smem:$0x3FB1]  }
0x2f: {  	lr =	sadd.s32 s0, s3;
	s0 =	sld [smem:$0x3FA8]  }
0x30: {  	s3 =	sld [smem:$0x3FAB]  }
0x31: {  	[smem:$0x3FB4] =	sst s10  }
0x32: {  	s10 =	sld [smem:$0x3FB2];
	_ =	sdelay $0x3  }
0x33: {  	p0 =	seq.s32 s10, $0x1;
	s10 =	sld [smem:$0x3FB4];
	_ =	sdelay $0x3  }
0x34: {  	[smem:$0x3FB4] =	sst s10  }
0x35: {  	s10 =	sld [smem:$0x3FB3];
	_ =	sdelay $0x3  }
0x36: {  	p1 =	seq.s32 s10, $0x1;
	s10 =	sld [smem:$0x3FB4];
	_ =	sdelay $0x3  }
0x37: {  	[smem:$0x3FB4] =	sst s10  }
0x38: {  	s10 =	sld [smem:$0x3FB5]  }
0x39: {  	_ = 	snop;
	(pc) =	sbr.ind lr, $3  }
0x3a: {  	_ = 	snop  }
0x3b: {  	_ = 	snop  }
0x3c: {  	p2 =	seq.s32 s10, $0x1;
	s10 =	sld [smem:$0x3FB4]  }
0x3d: {  	_ =	shalt  }
0x3e: {  	_ =	shalt  }
0x3f: {  	_ =	shalt  }
0x40: {  	_ =	shalt  }
0x41: {  	_ =	shalt  }
0x42: {  	_ =	shalt  }
0x43: {  	_ =	shalt  }
0x44: {  	_ =	shalt  }
0x45: {  	_ =	shalt  }
0x46: {  	_ =	shalt  }
0x47: {  	_ =	shalt  }
0x48: {  	_ =	shalt  }
0x49: {  	_ =	shalt  }
0x4a: {  	_ =	shalt  }
0x4b: {  	_ =	shalt  }
0x4c: {  	_ =	shalt  }
0x4d: {  	_ =	shalt  }
0x4e: {  	_ =	shalt  }
0x4f: {  	_ =	shalt  }
0x50: {  	_ =	shalt  }
0x51: {  	_ =	shalt  }
0x52: {  	_ =	shalt  }
0x53: {  	_ =	shalt  }
0x54: {  	_ =	shalt  }
0x55: {  	_ =	shalt  }
0x56: {  	_ =	shalt  }
0x57: {  	_ =	shalt  }
0x58: {  	_ =	shalt  }
0x59: {  	_ =	shalt  }
0x5a: {  	_ =	shalt  }
0x5b: {  	_ =	shalt  }
0x5c: {  	_ =	shalt  }
0x5d: {  	_ =	shalt  }
0x5e: {  	_ =	shalt  }
0x5f: {  	_ =	shalt  }
0x60: {  	_ =	shalt  }
0x61: {  	_ =	shalt  }
0x62: {  	_ =	shalt  }
0x63: {  	_ =	shalt  }
0x64: {  	_ =	shalt  }
0x65: {  	_ =	shalt  }
0x66: {  	_ =	shalt  }
0x67: {  	_ =	shalt  }
0x68: {  	_ =	shalt  }
0x69: {  	_ =	shalt  }
0x6a: {  	_ =	shalt  }
0x6b: {  	_ =	shalt  }
0x6c: {  	_ =	shalt  }
0x6d: {  	_ =	shalt  }
0x6e: {  	_ =	shalt  }
0x6f: {  	_ =	shalt  }
0x70: {  	_ =	shalt  }
0x71: {  	_ =	shalt  }
0x72: {  	_ =	shalt  }
0x73: {  	_ =	shalt  }
0x74: {  	_ =	shalt  }
0x75: {  	_ =	shalt  }
0x76: {  	_ =	shalt  }
0x77: {  	_ =	shalt  }
0x78: {  	_ =	shalt  }
0x79: {  	_ =	shalt  }
0x7a: {  	_ =	shalt  }
0x7b: {  	_ =	shalt  }
0x7c: {  	_ =	shalt  }
0x7d: {  	_ =	shalt  }
0x7e: {  	_ =	shalt  }
0x7f: {  	_ =	shalt  }
0x80: {  	_ =	shalt  }
0x81: {  	_ =	shalt  }
0x82: {  	_ =	shalt  }
0x83: {  	_ =	shalt  }
0x84: {  	_ =	shalt  }
0x85: {  	_ =	shalt  }
0x86: {  	_ =	shalt  }
0x87: {  	_ =	shalt  }
.Lfunc_end0:
.L_simem_size_0:
called_computation.1_lowered:
.L_overlay_start_0:
0x88: {  	s2 =	sld [smem:$0x3FD9]  }
0x89: {  	s3 =	sld [smem:$0x3FFE];
	_ =	sdelay $0x1  }
0x8a: {  	s1 =	srdreg.scid  }
0x8b: {  	s0 =	sand.u32 $0x1, s1  }
0x8c: {  	s17 =	sshll.u32 s0, $0xA;
	s2 =	sadd.s32 s3, s2  }
0x8d: {  	s2 =	sadd.s32 s2, s17  }
0x8e: {  	[smem:$0x3FC0] =	sst s2  }
0x8f: {  	_ = 	snop  }
0x90: {  	s2 =	sld [smem:$0x3FD0];
	(tm) =	ssettm $0x1  }
0x91: {  	s18 =	sld [smem:$0x3FFB];
	_ =	sdelay $0x3  }
0x92: {  	_ =	strace s18  }
0x93: {  	s3 =	sld [smem:$0x3FFC];
	_ =	sdelay $0x3  }
0x94: {  	_ =	strace s3  }
0x95: {  	s3 =	sld [smem:$0x3FFD];
	_ =	sdelay $0x3  }
0x96: {  	_ =	strace s3  }
0x97: {  	_ =	strace $0x8FFFFFFF  }
0x98: {  	s19 =	sld [smem:$0x3FDB];
	_ =	sdelay $0x1  }
0x99: {  	s4 =	simm.s32 $_scs_section_size  }
0x9a: {  	s5 =	simm.s32 $_size__tile_overlayer_lowered;
	s6 =	simm.s32 $_tile_overlayer_lowered  }
0x9b: {  	s22 =	simm.s32 $0x1BFF;
	s21 =	sshll.u32 s6, $0x1;
	s3 =	sadd.s32 s4, s19  }
0x9c: {  	s7 =	simm.s32 $0x0;
	s20 =	sshll.u32 s5, $0x1;
	s5 =	sadd.s32 s21, s3  }
0x9d: {  	[timem:s7], [sflag:s22] =	dma.local [hbm:s5], s20  }
0x9e: {  	_ =	swait.ge [sflag:s22], s20  }
0x9f: {  	s4 =	ssub.s32 $0x0, s20;
	[sflag:s22] =	ssyncset.done $0x0  }
0xa0: {  	[sflag:s22] =	ssyncadd.s32 s4;
	_ =	sdelay $0x1  }
0xa1: {  	s23 =	simm.s32 $0x1B8B  }
0xa2: {  	_ =	swait.ge [sflag:s23], $0x1  }
0xa3: {  	[sflag:s23] =	ssyncset.done $0x0  }
0xa4: {  	s25 =	simm.s32 $0x1B8E;
	s24 =	sld [smem:$0x3FFE];
	[sflag:s23] =	ssyncadd.s32 $0xFFFFFFFF  }
0xa5: {  	s26 =	simm.s32 $execute0_lowered;
	[smem:$0x3FD2] =	sst s25  }
0xa6: {  	s5 =	sshll.u32 s26, $0x1;
	_ =	strace $0x80000049;
	[dreg:$0x1] =	wrdreg $0xFFFFFFFF  }
0xa7: {  	s28 =	simm.s32 $_size_execute0_lowered;
	s3 =	sadd.s32 s3, s5;
	[dreg:$0x0] =	wrdreg $0x0  }
0xa8: {  	s5 =	sshll.u32 s28, $0x1;
	[dreg:$0x2] =	wrdreg s3  }
0xa9: {  	[dreg:$0x3] =	wrdreg s5  }
0xaa: {  	[dreg:$0x4] =	wrdreg $0xC0  }
0xab: {  	_ =	task [dreg:s7], $0x5FFFF  }
0xac: {  	[dreg:$0x1] =	wrdreg $0xFFFFFFFF  }
0xad: {  	[dreg:$0x0] =	wrdreg $0x60  }
0xae: {  	[dreg:$0x2] =	wrdreg s24  }
0xaf: {  	[dreg:$0x3] =	wrdreg s2  }
0xb0: {  	[dreg:$0x4] =	wrdreg $0xB0000  }
0xb1: {  	[dreg:$0x5] =	wrdreg $0x9  }
0xb2: {  	_ =	task.clear_ibuf [dreg:s7], $0x6FFFF;
	_ =	strace $0x90000049  }
0xb3: {  	s29 =	simm.s32 $0x9;
	_ =	strace $0x8000004B  }
0xb4: {  	_ =	swait.ge [sflag:s29], $0x1  }
0xb5: {  	[sflag:s29] =	ssyncadd.s32 $0xFFFFFFFF  }
0xb6: {  	_ =	strace $0x9000004B  }
0xb7: {  	_ =	sfence  }
0xb8: {  	s30 =	sld [smem:$0x0];
	_ =	sdelay $0x2  }
0xb9: {  	s31 =	sshll.u32 s1, $0xD;
	s1 =	sshrl.u32 s1, $0x2  }
0xba: {  	s3 =	sand.u32 $0x4000, s31;
	s1 =	sadd.s32 s1, s30  }
0xbb: {  	s0 =	sor.u32 s3, s0;
	s1 =	sshll.u32 s1, $0x11  }
0xbc: {  	s0 =	sor.u32 s1, s0  }
0xbd: {  	s0 =	sadd.s32 $0x8F2B, s0  }
0xbe: {  	[sflag:s0] =	ssyncadd.remote.s32 $0x1  }
0xbf: {  	_ =	sfence.sel $0xFFFF  }
0xc0: {  	[dreg:$0x0] =	wrdreg $0xFFFFFFFF;
	(pc) =	sbr.abs _section_cstart, $3  }
0xc1: {  	[dreg:$0x1] =	wrdreg $0xFFFFFFFF  }
0xc2: {  	_ =	task.clear_ibuf [dreg:s7], $0x2FFFF;
	_ =	strace $0x9FFFFFFF  }
0xc3: {  	(tm) =	ssettm $0x7FFFFFFF  }
tec
execute0_lowered:
.L_overlay_start_1:
0x0: {  	(tag) =	ssettag $0x1  }
0x1: {  	s1 =	srdreg.scid;
	s5 =	rddreg [dreg:$0x0]  }
0x2: {  	s0 =	stileid.u32;
	s2 =	rddreg [dreg:$0x1]  }
0x3: {  	s3 =	rddreg [dreg:$0x2];
	s4 =	simm.s32 $0x0;
	s13 =	simm.s32 $0x1400  }
0x4: {  	s14 =	simm.s32 $0x80;
	s15 =	simm.s32 $0x2800;
	s16 =	simm.s32 $0x6800  }
0x5: {  	s17 =	simm.s32 $0xA800;
	s18 =	simm.s32 $0x1;
	s19 =	simm.s32 $0x2  }
0x6: {  	s20 =	simm.s32 $0x2700;
	s21 =	simm.s32 $0x2780;
	s24 =	simm.s32 $0x0  }
0x7: {  	s6 =	sand.u32 $0x1, s1;
	s26 =	sshll.u32 s0, $0x1;
	s9 =	smul.u32 $0x14000, s0  }
0x8: {  	[smem:$0x7FF] =	sst s4;
	s28 =	smul.u32 $0x50000, s0;
	s22 =	sshll.u32 s0, $0x6  }
0x9: {  	s1 =	sor.u32 s6, s26;
	s8 =	smul.u32 $0x140000, s6;
	s6 =	ssub.s32 $0x2, s6  }
0xa: {  	s22 =	sor.u32 $0x1C03, s22;
	s7 =	smul.u32 $0x2800, s1;
	s1 =	rddreg [dreg:$0x3]  }
0xb: {  	_ =	strace $0x8000004A;
	s30 =	sshrl.u32 s6, $0x1;
	s8 =	sadd.s32 s9, s8  }
0xc: {  	s31 =	sshrl.u32 s28, $0x2;
	s7 =	sshrl.u32 s7, $0x3;
	s29 =	sshrl.u32 s8, $0x3  }
0xd: {  	s12 =	ssub.s32 s6, s30;
	s10 =	sadd.s32 s7, s5;
	s11 =	sadd.s32 s29, s5  }
0xe: {  	s7 =	sadd.s32 s31, s3;
	s5 =	sadd.s32 $0x2800, s10;
	s6 =	sadd.s32 $0xC800, s10  }
0xf: {  	s8 =	sadd.s32 $0x2A80, s10;
	s9 =	sadd.s32 $0xCA80, s10;
	s10 =	sadd.s32 $0x16800, s11  }
0x10: {  	v0 =	vimm.f32 $0.0e+00;
	s11 =	smax.u32 s12, $0x1;
	s12 =	simm.s32 $0x3;
	s23 =	sshrl.u32 s7, $0x3  }
.LBB2_1:
0x11: {  	[tilespmem:$0xA800] =	vst v0  }
0x12: {  	[tilespmem:$0xA810] =	vst v0  }
0x13: {  	[tilespmem:$0xA820] =	vst v0  }
0x14: {  	[tilespmem:$0xA830] =	vst v0  }
0x15: {  	[tilespmem:$0xA840] =	vst v0  }
0x16: {  	[tilespmem:$0xA850] =	vst v0  }
0x17: {  	[tilespmem:$0xA860] =	vst v0  }
0x18: {  	[tilespmem:$0xA870] =	vst v0  }
0x19: {  	[tilespmem:$0xA880] =	vst v0  }
0x1a: {  	[tilespmem:$0xA890] =	vst v0  }
0x1b: {  	[tilespmem:$0xA8A0] =	vst v0  }
0x1c: {  	[tilespmem:$0xA8B0] =	vst v0  }
0x1d: {  	[tilespmem:$0xA8C0] =	vst v0  }
0x1e: {  	[tilespmem:$0xA8D0] =	vst v0  }
0x1f: {  	[tilespmem:$0xA8E0] =	vst v0  }
0x20: {  	[tilespmem:$0xA8F0] =	vst v0  }
0x21: {  	[tilespmem:$0xA900] =	vst v0  }
0x22: {  	[tilespmem:$0xA910] =	vst v0  }
0x23: {  	[tilespmem:$0xA920] =	vst v0  }
0x24: {  	[tilespmem:$0xA930] =	vst v0  }
0x25: {  	[tilespmem:$0xA940] =	vst v0  }
0x26: {  	[tilespmem:$0xA950] =	vst v0  }
0x27: {  	[tilespmem:$0xA960] =	vst v0  }
0x28: {  	[tilespmem:$0xA970] =	vst v0  }
0x29: {  	[tilespmem:$0xA980] =	vst v0  }
0x2a: {  	[tilespmem:$0xA990] =	vst v0  }
0x2b: {  	[tilespmem:$0xA9A0] =	vst v0  }
0x2c: {  	[tilespmem:$0xA9B0] =	vst v0  }
0x2d: {  	[tilespmem:$0xA9C0] =	vst v0  }
0x2e: {  	[tilespmem:$0xA9D0] =	vst v0  }
0x2f: {  	[tilespmem:$0xA9E0] =	vst v0  }
0x30: {  	[tilespmem:$0xA9F0] =	vst v0  }
0x31: {  	[tilespmem:$0xAA00] =	vst v0  }
0x32: {  	[tilespmem:$0xAA10] =	vst v0  }
0x33: {  	[tilespmem:$0xAA20] =	vst v0  }
0x34: {  	[tilespmem:$0xAA30] =	vst v0  }
0x35: {  	[tilespmem:$0xAA40] =	vst v0  }
0x36: {  	[tilespmem:$0xAA50] =	vst v0  }
0x37: {  	[tilespmem:$0xAA60] =	vst v0  }
0x38: {  	[tilespmem:$0xAA70] =	vst v0  }
0x39: {  	[tilespmem:$0xAA80] =	vst v0  }
0x3a: {  	[tilespmem:$0xAA90] =	vst v0  }
0x3b: {  	[tilespmem:$0xAAA0] =	vst v0  }
0x3c: {  	[tilespmem:$0xAAB0] =	vst v0  }
0x3d: {  	[tilespmem:$0xAAC0] =	vst v0  }
0x3e: {  	[tilespmem:$0xAAD0] =	vst v0  }
0x3f: {  	[tilespmem:$0xAAE0] =	vst v0  }
0x40: {  	[tilespmem:$0xAAF0] =	vst v0  }
0x41: {  	[tilespmem:$0xAB00] =	vst v0  }
0x42: {  	[tilespmem:$0xAB10] =	vst v0  }
0x43: {  	[tilespmem:$0xAB20] =	vst v0  }
0x44: {  	[tilespmem:$0xAB30] =	vst v0  }
0x45: {  	[tilespmem:$0xAB40] =	vst v0  }
0x46: {  	[tilespmem:$0xAB50] =	vst v0  }
0x47: {  	[tilespmem:$0xAB60] =	vst v0  }
0x48: {  	[tilespmem:$0xAB70] =	vst v0  }
0x49: {  	[tilespmem:$0xAB80] =	vst v0  }
0x4a: {  	[tilespmem:$0xAB90] =	vst v0  }
0x4b: {  	[tilespmem:$0xABA0] =	vst v0  }
0x4c: {  	[tilespmem:$0xABB0] =	vst v0  }
0x4d: {  	[tilespmem:$0xABC0] =	vst v0  }
0x4e: {  	[tilespmem:$0xABD0] =	vst v0  }
0x4f: {  	[tilespmem:$0xABE0] =	vst v0  }
0x50: {  	[tilespmem:$0xABF0] =	vst v0  }
0x51: {  	[tilespmem:$0xAC00] =	vst v0  }
0x52: {  	[tilespmem:$0xAC10] =	vst v0  }
0x53: {  	[tilespmem:$0xAC20] =	vst v0  }
0x54: {  	[tilespmem:$0xAC30] =	vst v0  }
0x55: {  	[tilespmem:$0xAC40] =	vst v0  }
0x56: {  	[tilespmem:$0xAC50] =	vst v0  }
0x57: {  	[tilespmem:$0xAC60] =	vst v0  }
0x58: {  	[tilespmem:$0xAC70] =	vst v0  }
0x59: {  	[tilespmem:$0xAC80] =	vst v0  }
0x5a: {  	[tilespmem:$0xAC90] =	vst v0  }
0x5b: {  	[tilespmem:$0xACA0] =	vst v0  }
0x5c: {  	[tilespmem:$0xACB0] =	vst v0  }
0x5d: {  	[tilespmem:$0xACC0] =	vst v0  }
0x5e: {  	[tilespmem:$0xACD0] =	vst v0  }
0x5f: {  	[tilespmem:$0xACE0] =	vst v0  }
0x60: {  	[tilespmem:$0xACF0] =	vst v0  }
0x61: {  	[tilespmem:$0xAD00] =	vst v0  }
0x62: {  	[tilespmem:$0xAD10] =	vst v0  }
0x63: {  	[tilespmem:$0xAD20] =	vst v0  }
0x64: {  	[tilespmem:$0xAD30] =	vst v0  }
0x65: {  	[tilespmem:$0xAD40] =	vst v0  }
0x66: {  	[tilespmem:$0xAD50] =	vst v0  }
0x67: {  	[tilespmem:$0xAD60] =	vst v0  }
0x68: {  	[tilespmem:$0xAD70] =	vst v0  }
0x69: {  	[tilespmem:$0xAD80] =	vst v0  }
0x6a: {  	[tilespmem:$0xAD90] =	vst v0  }
0x6b: {  	[tilespmem:$0xADA0] =	vst v0  }
0x6c: {  	[tilespmem:$0xADB0] =	vst v0  }
0x6d: {  	[tilespmem:$0xADC0] =	vst v0  }
0x6e: {  	[tilespmem:$0xADD0] =	vst v0  }
0x6f: {  	[tilespmem:$0xADE0] =	vst v0  }
0x70: {  	[tilespmem:$0xADF0] =	vst v0  }
0x71: {  	[tilespmem:$0xAE00] =	vst v0  }
0x72: {  	[tilespmem:$0xAE10] =	vst v0  }
0x73: {  	[tilespmem:$0xAE20] =	vst v0  }
0x74: {  	[tilespmem:$0xAE30] =	vst v0  }
0x75: {  	[tilespmem:$0xAE40] =	vst v0  }
0x76: {  	[tilespmem:$0xAE50] =	vst v0  }
0x77: {  	[tilespmem:$0xAE60] =	vst v0  }
0x78: {  	[tilespmem:$0xAE70] =	vst v0  }
0x79: {  	[tilespmem:$0xAE80] =	vst v0  }
0x7a: {  	[tilespmem:$0xAE90] =	vst v0  }
0x7b: {  	[tilespmem:$0xAEA0] =	vst v0  }
0x7c: {  	[tilespmem:$0xAEB0] =	vst v0  }
0x7d: {  	[tilespmem:$0xAEC0] =	vst v0  }
0x7e: {  	[tilespmem:$0xAED0] =	vst v0  }
0x7f: {  	[tilespmem:$0xAEE0] =	vst v0  }
0x80: {  	[tilespmem:$0xAEF0] =	vst v0  }
0x81: {  	[tilespmem:$0xAF00] =	vst v0  }
0x82: {  	[tilespmem:$0xAF10] =	vst v0  }
0x83: {  	[tilespmem:$0xAF20] =	vst v0  }
0x84: {  	[tilespmem:$0xAF30] =	vst v0  }
0x85: {  	[tilespmem:$0xAF40] =	vst v0  }
0x86: {  	[tilespmem:$0xAF50] =	vst v0  }
0x87: {  	[tilespmem:$0xAF60] =	vst v0  }
0x88: {  	[tilespmem:$0xAF70] =	vst v0  }
0x89: {  	[tilespmem:$0xAF80] =	vst v0  }
0x8a: {  	[tilespmem:$0xAF90] =	vst v0  }
0x8b: {  	[tilespmem:$0xAFA0] =	vst v0  }
0x8c: {  	[tilespmem:$0xAFB0] =	vst v0  }
0x8d: {  	[tilespmem:$0xAFC0] =	vst v0  }
0x8e: {  	[tilespmem:$0xAFD0] =	vst v0  }
0x8f: {  	[tilespmem:$0xAFE0] =	vst v0  }
0x90: {  	[tilespmem:$0xAFF0] =	vst v0  }
0x91: {  	[tilespmem:s4], [sflag:$0x3] =	stream.linear.gather [hbm4b:s5+s4], $0x1400, $0x38;
	[tilespmem:$0x1F000] =	vst v63  }
0x92: {  	_ =	swait.ge [sflag:s12], $0x1400  }
0x93: {  	[sflag:s12] =	ssyncset.done $0x0  }
0x94: {  	[sflag:s12] =	ssyncadd.s32 $0xFFFFEC00  }
0x95: {  	[tilespmem:s13], [sflag:$0x3] =	stream.linear.gather [hbm4b:s6+s4], $0x1400, $0x38;
	[tilespmem:$0x1F000] =	vst v63  }
0x96: {  	_ =	swait.ge [sflag:s12], $0x1400  }
0x97: {  	[sflag:s12] =	ssyncset.done $0x0  }
0x98: {  	[sflag:s12] =	ssyncadd.s32 $0xFFFFEC00  }
0x99: {  	[tilespmem:s15], [sflag:$0x1] =	stream.indirect.gather [hbm4b:s2+s14], $0x80, s4, s14, $0xb8;
	[tilespmem:$0x1F000] =	vst v63  }
0x9a: {  	_ = 	snop  }
0x9b: {  	[tilespmem:s16], [sflag:$0x2] =	stream.indirect.gather [hbm4b:s2+s14], $0x80, s14, s14, $0xb8;
	[tilespmem:$0x1F000] =	vst v63  }
0x9c: {  	s25 =	sadd.s32 $0x0, s7  }
0x9d: {  	[spmem:s25] =	stream.linear.scatter [tilespmem:s17], [sflag:$0x3], $0x800, $0x38;
	[tilespmem:$0x1F000] =	vst v63  }
0x9e: {  	s25 =	simm.s32 $0x2000;
	_ =	swait.ge [sflag:s12], $0x800  }
.LBB2_2:
0x9f: {  	s26 =	sshra.s32 s25, $0x2;
	[sflag:s12] =	ssyncset.done $0x0;
	p0 =	sne.s32 s25, $0x4E000  }
.Ltmp0:
0xa0: {  	s26 =	sadd.s32 s26, s7;
	[sflag:s12] =	ssyncadd.s32 $0xFFFFF800;
	(pc) =	sbr.rel @p0 .LBB2_2-.Ltmp0, $3  }
0xa1: {  	[spmem:s26] =	stream.linear.scatter [tilespmem:s17], [sflag:$0x3], $0x800, $0x38;
	[tilespmem:$0x1F000] =	vst v63  }
0xa2: {  	s25 =	sadd.s32 $0x2000, s25;
	_ =	sdelay $0x1  }
0xa3: {  	_ =	swait.ge [sflag:s12], $0x800  }
0xa4: {  	[sflag:s12] =	ssyncset.done $0x0  }
0xa5: {  	[sflag:s12] =	ssyncadd.s32 $0xFFFFF800  }
0xa6: {  	[bflag:$0x0] =	sbarrier.arrive $0xFFFF  }
0xa7: {  	_ =	swait.ge [sflag:s18], $0x4000  }
0xa8: {  	[sflag:s18] =	ssyncset.done $0x0  }
0xa9: {  	s25 =	simm.s32 $0x1400;
	[sflag:s18] =	ssyncadd.s32 $0xFFFFC000  }
0xaa: {  	[spmem:s3] =	stream.indirect.scatter.add.f32 [tilespmem:s15], [sflag:$0x3], $0x80, s25, s14, $0xb8;
	[tilespmem:$0x1F000] =	vst v63  }
0xab: {  	_ =	swait.ge [sflag:s12], $0x4000  }
0xac: {  	[sflag:s12] =	ssyncset.done $0x0  }
0xad: {  	s30 =	simm.s32 $0x100;
	[sflag:s12] =	ssyncadd.s32 $0xFFFFC000  }
0xae: {  	[tilespmem:s15], [sflag:$0x1] =	stream.indirect.gather [hbm4b:s2+s14], $0x80, s30, s14, $0xb8;
	[tilespmem:$0x1F000] =	vst v63  }
0xaf: {  	_ =	swait.ge [sflag:s19], $0x4000  }
0xb0: {  	[sflag:s19] =	ssyncset.done $0x0  }
0xb1: {  	s31 =	simm.s32 $0x1480;
	[sflag:s19] =	ssyncadd.s32 $0xFFFFC000  }
0xb2: {  	[spmem:s3] =	stream.indirect.scatter.add.f32 [tilespmem:s16], [sflag:$0x3], $0x80, s31, s14, $0xb8;
	[tilespmem:$0x1F000] =	vst v63  }
0xb3: {  	_ =	swait.ge [sflag:s12], $0x4000  }
0xb4: {  	[sflag:s12] =	ssyncset.done $0x0  }
0xb5: {  	s26 =	simm.s32 $0x180;
	s25 =	simm.s32 $0x400;
	[sflag:s12] =	ssyncadd.s32 $0xFFFFC000  }
.LBB2_4:
0xb6: {  	[tilespmem:s16], [sflag:$0x2] =	stream.indirect.gather [hbm4b:s2+s14], $0x80, s26, s14, $0xb8;
	[tilespmem:$0x1F000] =	vst v63  }
0xb7: {  	s26 =	smov.u32 s25  }
0xb8: {  	p0 =	sne.s32 s25, $0x4800;
	s25 =	sadd.s32 $0x400, s25;
	_ =	swait.ge [sflag:s18], $0x4000  }
0xb9: {  	s26 =	sshra.s32 s26, $0x2;
	[sflag:s18] =	ssyncset.done $0x0  }
0xba: {  	s28 =	sadd.s32 $0x1400, s26;
	[sflag:s18] =	ssyncadd.s32 $0xFFFFC000  }
0xbb: {  	[spmem:s3] =	stream.indirect.scatter.add.f32 [tilespmem:s15], [sflag:$0x3], $0x80, s28, s14, $0xb8;
	[tilespmem:$0x1F000] =	vst v63  }
0xbc: {  	_ =	swait.ge [sflag:s12], $0x4000  }
0xbd: {  	[sflag:s12] =	ssyncset.done $0x0  }
0xbe: {  	s28 =	sadd.s32 $0x100, s26;
	[sflag:s12] =	ssyncadd.s32 $0xFFFFC000  }
0xbf: {  	[tilespmem:s15], [sflag:$0x1] =	stream.indirect.gather [hbm4b:s2+s14], $0x80, s28, s14, $0xb8;
	[tilespmem:$0x1F000] =	vst v63  }
0xc0: {  	_ =	swait.ge [sflag:s19], $0x4000  }
0xc1: {  	[sflag:s19] =	ssyncset.done $0x0  }
.Ltmp1:
0xc2: {  	s28 =	sadd.s32 $0x1480, s26;
	[sflag:s19] =	ssyncadd.s32 $0xFFFFC000;
	(pc) =	sbr.rel @p0 .LBB2_4-.Ltmp1, $4  }
0xc3: {  	[spmem:s3] =	stream.indirect.scatter.add.f32 [tilespmem:s16], [sflag:$0x3], $0x80, s28, s14, $0xb8;
	[tilespmem:$0x1F000] =	vst v63  }
0xc4: {  	_ =	swait.ge [sflag:s12], $0x4000  }
0xc5: {  	[sflag:s12] =	ssyncset.done $0x0  }
0xc6: {  	s26 =	sadd.s32 $0x180, s26;
	[sflag:s12] =	ssyncadd.s32 $0xFFFFC000  }
0xc7: {  	[tilespmem:s16], [sflag:$0x2] =	stream.indirect.gather [hbm4b:s2+s14], $0x80, s26, s14, $0xb8;
	[tilespmem:$0x1F000] =	vst v63  }
0xc8: {  	_ =	swait.ge [sflag:s18], $0x4000  }
0xc9: {  	[sflag:s18] =	ssyncset.done $0x0  }
0xca: {  	[sflag:s18] =	ssyncadd.s32 $0xFFFFC000  }
0xcb: {  	[spmem:s3] =	stream.indirect.scatter.add.f32 [tilespmem:s15], [sflag:$0x3], $0x80, s20, s14, $0xb8;
	[tilespmem:$0x1F000] =	vst v63  }
0xcc: {  	_ =	swait.ge [sflag:s12], $0x4000  }
0xcd: {  	[sflag:s12] =	ssyncset.done $0x0  }
0xce: {  	[sflag:s12] =	ssyncadd.s32 $0xFFFFC000  }
0xcf: {  	_ =	swait.ge [sflag:s19], $0x4000  }
0xd0: {  	[sflag:s19] =	ssyncset.done $0x0  }
0xd1: {  	[sflag:s19] =	ssyncadd.s32 $0xFFFFC000  }
0xd2: {  	[spmem:s3] =	stream.indirect.scatter.add.f32 [tilespmem:s16], [sflag:$0x3], $0x80, s21, s14, $0xb8;
	[tilespmem:$0x1F000] =	vst v63  }
0xd3: {  	_ =	swait.ge [sflag:s12], $0x4000  }
0xd4: {  	[sflag:s12] =	ssyncset.done $0x0  }
0xd5: {  	s25 =	simm.s32 $0x0;
	[sflag:s12] =	ssyncadd.s32 $0xFFFFC000  }
0xd6: {  	[tilespmem:s25], [sflag:$0x3] =	stream.linear.gather [hbm4b:s8+s25], $0x1400, $0x38;
	[tilespmem:$0x1F000] =	vst v63  }
0xd7: {  	_ =	swait.ge [sflag:s12], $0x1400  }
0xd8: {  	[sflag:s12] =	ssyncset.done $0x0  }
0xd9: {  	[sflag:s12] =	ssyncadd.s32 $0xFFFFEC00  }
0xda: {  	[tilespmem:s13], [sflag:$0x3] =	stream.linear.gather [hbm4b:s9+s25], $0x1400, $0x38;
	[tilespmem:$0x1F000] =	vst v63  }
0xdb: {  	_ =	swait.ge [sflag:s12], $0x1400  }
0xdc: {  	[sflag:s12] =	ssyncset.done $0x0  }
0xdd: {  	[sflag:s12] =	ssyncadd.s32 $0xFFFFEC00  }
0xde: {  	[tilespmem:s15], [sflag:$0x1] =	stream.indirect.gather [hbm4b:s2+s14], $0x80, s25, s14, $0xb8;
	[tilespmem:$0x1F000] =	vst v63  }
0xdf: {  	_ = 	snop  }
0xe0: {  	[tilespmem:s16], [sflag:$0x2] =	stream.indirect.gather [hbm4b:s2+s14], $0x80, s14, s14, $0xb8;
	[tilespmem:$0x1F000] =	vst v63  }
0xe1: {  	_ =	swait.ge [sflag:s18], $0x4000  }
0xe2: {  	[sflag:s18] =	ssyncset.done $0x0  }
0xe3: {  	s29 =	simm.s32 $0x1400;
	[sflag:s18] =	ssyncadd.s32 $0xFFFFC000  }
0xe4: {  	[spmem:s3] =	stream.indirect.scatter.add.f32 [tilespmem:s15], [sflag:$0x3], $0x80, s29, s14, $0xb8;
	[tilespmem:$0x1F000] =	vst v63  }
0xe5: {  	_ =	swait.ge [sflag:s12], $0x4000  }
0xe6: {  	[sflag:s12] =	ssyncset.done $0x0  }
0xe7: {  	s30 =	simm.s32 $0x100;
	[sflag:s12] =	ssyncadd.s32 $0xFFFFC000  }
0xe8: {  	[tilespmem:s15], [sflag:$0x1] =	stream.indirect.gather [hbm4b:s2+s14], $0x80, s30, s14, $0xb8;
	[tilespmem:$0x1F000] =	vst v63  }
0xe9: {  	_ =	swait.ge [sflag:s19], $0x4000  }
0xea: {  	[sflag:s19] =	ssyncset.done $0x0  }
0xeb: {  	s31 =	simm.s32 $0x1480;
	[sflag:s19] =	ssyncadd.s32 $0xFFFFC000  }
0xec: {  	[spmem:s3] =	stream.indirect.scatter.add.f32 [tilespmem:s16], [sflag:$0x3], $0x80, s31, s14, $0xb8;
	[tilespmem:$0x1F000] =	vst v63  }
0xed: {  	_ =	swait.ge [sflag:s12], $0x4000  }
0xee: {  	[sflag:s12] =	ssyncset.done $0x0  }
0xef: {  	s26 =	simm.s32 $0x180;
	s25 =	simm.s32 $0x400;
	[sflag:s12] =	ssyncadd.s32 $0xFFFFC000  }
.LBB2_6:
0xf0: {  	[tilespmem:s16], [sflag:$0x2] =	stream.indirect.gather [hbm4b:s2+s14], $0x80, s26, s14, $0xb8;
	[tilespmem:$0x1F000] =	vst v63  }
0xf1: {  	s26 =	smov.u32 s25  }
0xf2: {  	p0 =	sne.s32 s25, $0x4800;
	s25 =	sadd.s32 $0x400, s25;
	_ =	swait.ge [sflag:s18], $0x4000  }
0xf3: {  	s26 =	sshra.s32 s26, $0x2;
	[sflag:s18] =	ssyncset.done $0x0  }
0xf4: {  	s28 =	sadd.s32 $0x1400, s26;
	[sflag:s18] =	ssyncadd.s32 $0xFFFFC000  }
0xf5: {  	[spmem:s3] =	stream.indirect.scatter.add.f32 [tilespmem:s15], [sflag:$0x3], $0x80, s28, s14, $0xb8;
	[tilespmem:$0x1F000] =	vst v63  }
0xf6: {  	_ =	swait.ge [sflag:s12], $0x4000  }
0xf7: {  	[sflag:s12] =	ssyncset.done $0x0  }
0xf8: {  	s28 =	sadd.s32 $0x100, s26;
	[sflag:s12] =	ssyncadd.s32 $0xFFFFC000  }
0xf9: {  	[tilespmem:s15], [sflag:$0x1] =	stream.indirect.gather [hbm4b:s2+s14], $0x80, s28, s14, $0xb8;
	[tilespmem:$0x1F000] =	vst v63  }
0xfa: {  	_ =	swait.ge [sflag:s19], $0x4000  }
0xfb: {  	[sflag:s19] =	ssyncset.done $0x0  }
.Ltmp2:
0xfc: {  	s28 =	sadd.s32 $0x1480, s26;
	[sflag:s19] =	ssyncadd.s32 $0xFFFFC000;
	(pc) =	sbr.rel @p0 .LBB2_6-.Ltmp2, $4  }
0xfd: {  	[spmem:s3] =	stream.indirect.scatter.add.f32 [tilespmem:s16], [sflag:$0x3], $0x80, s28, s14, $0xb8;
	[tilespmem:$0x1F000] =	vst v63  }
0xfe: {  	_ =	swait.ge [sflag:s12], $0x4000  }
0xff: {  	[sflag:s12] =	ssyncset.done $0x0  }
0x100: {  	s26 =	sadd.s32 $0x180, s26;
	[sflag:s12] =	ssyncadd.s32 $0xFFFFC000  }
0x101: {  	[tilespmem:s16], [sflag:$0x2] =	stream.indirect.gather [hbm4b:s2+s14], $0x80, s26, s14, $0xb8;
	[tilespmem:$0x1F000] =	vst v63  }
0x102: {  	_ =	swait.ge [sflag:s18], $0x4000  }
0x103: {  	[sflag:s18] =	ssyncset.done $0x0  }
0x104: {  	[sflag:s18] =	ssyncadd.s32 $0xFFFFC000  }
0x105: {  	[spmem:s3] =	stream.indirect.scatter.add.f32 [tilespmem:s15], [sflag:$0x3], $0x80, s20, s14, $0xb8;
	[tilespmem:$0x1F000] =	vst v63  }
0x106: {  	_ =	swait.ge [sflag:s12], $0x4000  }
0x107: {  	[sflag:s12] =	ssyncset.done $0x0  }
0x108: {  	[sflag:s12] =	ssyncadd.s32 $0xFFFFC000  }
0x109: {  	_ =	swait.ge [sflag:s19], $0x4000  }
0x10a: {  	[sflag:s19] =	ssyncset.done $0x0  }
0x10b: {  	[sflag:s19] =	ssyncadd.s32 $0xFFFFC000  }
0x10c: {  	[spmem:s3] =	stream.indirect.scatter.add.f32 [tilespmem:s16], [sflag:$0x3], $0x80, s21, s14, $0xb8;
	[tilespmem:$0x1F000] =	vst v63  }
0x10d: {  	_ =	swait.ge [sflag:s12], $0x4000  }
0x10e: {  	s24 =	sadd.s32 $0x1, s24;
	[sflag:s12] =	ssyncset.done $0x0  }
0x10f: {  	p0 =	sne.s32 s24, s11;
	[sflag:s12] =	ssyncadd.s32 $0xFFFFC000  }
.Ltmp3:
0x110: {  	[bflag:$0x0] =	sbarrier.arrive $0xFFFF;
	(pc) =	sbr.rel @p0 .LBB2_1-.Ltmp3, $4  }
0x111: {  	[hbm:s10], [sflag:s22] =	dma.local [spmem:s23], $0x2800  }
0x112: {  	_ =	swait.ge [sflag:s12], $0x2800  }
0x113: {  	[sflag:s12] =	ssyncset.done $0x0  }
0x114: {  	[sflag:s12] =	ssyncadd.s32 $0xFFFFD800  }
0x115: {  	_ =	sfence.sel $0x180000  }
0x116: {  	[bflag:$0x0] =	sbarrier.arrive $0xFFFF  }
0x117: {  	p0 =	sne.s32 s0, $0x0;
	_ =	strace $0x9000004A  }
0x118: {  	s0 =	sadd.s32 @!p0 $0x100000, s1;
	[bflag:$0x2] =	sbarrier.arrive $0xFFFF  }
0x119: {  	[sflag:s0] =	ssyncadd.tile.s32 @!p0 $0x1;
	_ =	shalt  }
.Lfunc_end2:
_tile_overlayer_lowered:
.L_overlay_start_2:
0x11a: {  	(tag) =	ssettag $0x2  }
0x11b: {  	s0 =	rddreg [dreg:$0x0];
	s2 =	stileid.u32  }
0x11c: {  	s1 =	rddreg [dreg:$0x1];
	p0 =	sne.s32 s2, $0x0  }
0x11d: {  	s3 =	rddreg [dreg:$0x2];
	[bflag:$0x3] =	sbarrier.arrive $0xFFFF;
	s2 =	simm.s32 @!p0 $0x1C03  }
0x11e: {  	[timem:s3], [sflag:s2] =	dma.local @!p0 [hbm:s0], s1  }
0x11f: {  	s0 =	simm.s32 @!p0 $0x3  }
0x120: {  	_ =	swait.ge @!p0 [sflag:s0], s1  }
0x121: {  	s1 =	ssub.s32 @!p0 $0x0, s1;
	[sflag:s0] =	ssyncset.done @!p0 $0x0  }
0x122: {  	[sflag:s0] =	ssyncadd.s32 @!p0 s1  }
0x123: {  	[bflag:$0x3] =	sbarrier.arrive $0xFFFF  }
0x124: {  	_ =	shalt  }

// kernel: kernel.8.cloned.1.call-start
scs
__scs_entry_jumppad:
0x0: {  	(pc) =	sbr.rel $0x88, $3  }
0x1: {  	(tag) =	ssettag $0x0;
	lr =	simm.s32 $0x1  }
0x2: {  	[smem:$0x3F99] =	sst lr;
	_ =	strace $0xD0000000  }
0x3: {  	_ = 	snop  }
0x4: {  	_ = 	snop  }
0x5: {  	_ = 	snop  }
0x6: {  	_ = 	snop  }
0x7: {  	_ = 	snop  }
__scs_overlays_trampoline_lowered:
0x8: {  	[smem:$0x3FA8] =	sst s0  }
0x9: {  	[smem:$0x3FA9] =	sst s1  }
0xa: {  	[smem:$0x3FAA] =	sst s2  }
0xb: {  	[smem:$0x3FAB] =	sst s3  }
0xc: {  	[smem:$0x3FAC] =	sst s4  }
0xd: {  	[smem:$0x3FAD] =	sst s5  }
0xe: {  	[smem:$0x3FAE] =	sst s6  }
0xf: {  	[smem:$0x3FAF] =	sst s7  }
0x10: {  	[smem:$0x3FB0] =	sst s8  }
0x11: {  	[smem:$0x3FB1] =	sst s9;
	s0 =	simm.s32 @!p0 $0x0  }
0x12: {  	s1 =	sld [smem:$0x3F97];
	s0 =	simm.s32 @p0 $0x1  }
0x13: {  	[smem:$0x3FB2] =	sst s0;
	s0 =	simm.s32 @!p1 $0x0  }
0x14: {  	s2 =	sld [smem:$0x3F96];
	s0 =	simm.s32 @p1 $0x1  }
0x15: {  	[smem:$0x3FB3] =	sst s0;
	s0 =	simm.s32 @!p2 $0x0  }
0x16: {  	s3 =	sld [smem:$0x3FDB];
	s0 =	simm.s32 @p2 $0x1  }
0x17: {  	s4 =	simm.s32 $0x1BF5;
	[smem:$0x3FB5] =	sst s0  }
0x18: {  	s0 =	sld [smem:$0x3F98];
	_ =	swait.ge [sflag:s4], $0x0  }
0x19: {  	s7 =	sld [smem:$0x3F99]  }
0x1a: {  	s8 =	sadd.s32 $0xFFFFE003, lr  }
0x1b: {  	s9 =	sadd.s32 $0xFFFFFEF7, lr;
	s5 =	simm.s32 $0xFFFFFFFF;
	p2 =	slt.u32 s8, $0xFFFFF086  }
0x1c: {  	p1 =	slt.u32 s9, $0xF7A;
	s5 =	simm.s32 @!p2 $0x0  }
0x1d: {  	s5 =	simm.s32 @p1 $0x1;
	p0 =	seq.s32 s7, s2  }
0x1e: {  	s7 =	smul.u32 @!p0 $0xF7A, s2;
	p2 =	seq.s32 @!p0 s5, $0x0  }
0x1f: {  	s9 =	smul.u32 $0xF7A, s1;
	s8 =	simm.s32 @!p0 $0x1BF5;
	p2 =	por !p2, p0  }
0x20: {  	[sflag:s8] =	ssyncset.s32 @!p0 $0xFFFFF086;
	s6 =	sadd.s32 @!p0 s3, s7;
	s7 =	simm.s32 @!p0 $0x108  }
0x21: {  	s3 =	sadd.s32 s3, s9;
	s6 =	sadd.s32 @!p0 $0x88, s6;
	s7 =	simm.s32 @p2 $0x1082  }
0x22: {  	[simem:s7], [sflag:s8] =	dma.local @!p0 [hbm:s6], $0xF7A  }
0x23: {  	s9 =	sor.u32 $0xD0000000, s2;
	s6 =	simm.s32 $0x108;
	_ =	swait.ge @!p0 [sflag:s8], $0x0  }
0x24: {  	s3 =	sadd.s32 $0x88, s3;
	s6 =	simm.s32 @!p1 $0x1082;
	[sflag:s4] =	ssyncset.s32 $0xFFFFF086  }
0x25: {  	[simem:s6], [sflag:s4] =	dma.local [hbm:s3], $0xF7A  }
0x26: {  	[smem:$0x3F99] =	sst s1;
	(tag) =	ssettag s2;
	_ =	strace s9  }
0x27: {  	s1 =	sld [smem:$0x3FA9]  }
0x28: {  	s2 =	sld [smem:$0x3FAA]  }
0x29: {  	s4 =	sld [smem:$0x3FAC]  }
0x2a: {  	p0 =	seq.s32 s5, $0x0;
	s5 =	sld [smem:$0x3FAD]  }
0x2b: {  	s6 =	sld [smem:$0x3FAE]  }
0x2c: {  	s7 =	sld [smem:$0x3FAF]  }
0x2d: {  	s3 =	simm.s32 $0x108;
	s8 =	sld [smem:$0x3FB0]  }
0x2e: {  	s3 =	simm.s32 @!p0 $0x1082;
	s9 =	sld [smem:$0x3FB1]  }
0x2f: {  	lr =	sadd.s32 s0, s3;
	s0 =	sld [smem:$0x3FA8]  }
0x30: {  	s3 =	sld [smem:$0x3FAB]  }
0x31: {  	[smem:$0x3FB4] =	sst s10  }
0x32: {  	s10 =	sld [smem:$0x3FB2];
	_ =	sdelay $0x3  }
0x33: {  	p0 =	seq.s32 s10, $0x1;
	s10 =	sld [smem:$0x3FB4];
	_ =	sdelay $0x3  }
0x34: {  	[smem:$0x3FB4] =	sst s10  }
0x35: {  	s10 =	sld [smem:$0x3FB3];
	_ =	sdelay $0x3  }
0x36: {  	p1 =	seq.s32 s10, $0x1;
	s10 =	sld [smem:$0x3FB4];
	_ =	sdelay $0x3  }
0x37: {  	[smem:$0x3FB4] =	sst s10  }
0x38: {  	s10 =	sld [smem:$0x3FB5]  }
0x39: {  	_ = 	snop;
	(pc) =	sbr.ind lr, $3  }
0x3a: {  	_ = 	snop  }
0x3b: {  	_ = 	snop  }
0x3c: {  	p2 =	seq.s32 s10, $0x1;
	s10 =	sld [smem:$0x3FB4]  }
0x3d: {  	_ =	shalt  }
0x3e: {  	_ =	shalt  }
0x3f: {  	_ =	shalt  }
0x40: {  	_ =	shalt  }
0x41: {  	_ =	shalt  }
0x42: {  	_ =	shalt  }
0x43: {  	_ =	shalt  }
0x44: {  	_ =	shalt  }
0x45: {  	_ =	shalt  }
0x46: {  	_ =	shalt  }
0x47: {  	_ =	shalt  }
0x48: {  	_ =	shalt  }
0x49: {  	_ =	shalt  }
0x4a: {  	_ =	shalt  }
0x4b: {  	_ =	shalt  }
0x4c: {  	_ =	shalt  }
0x4d: {  	_ =	shalt  }
0x4e: {  	_ =	shalt  }
0x4f: {  	_ =	shalt  }
0x50: {  	_ =	shalt  }
0x51: {  	_ =	shalt  }
0x52: {  	_ =	shalt  }
0x53: {  	_ =	shalt  }
0x54: {  	_ =	shalt  }
0x55: {  	_ =	shalt  }
0x56: {  	_ =	shalt  }
0x57: {  	_ =	shalt  }
0x58: {  	_ =	shalt  }
0x59: {  	_ =	shalt  }
0x5a: {  	_ =	shalt  }
0x5b: {  	_ =	shalt  }
0x5c: {  	_ =	shalt  }
0x5d: {  	_ =	shalt  }
0x5e: {  	_ =	shalt  }
0x5f: {  	_ =	shalt  }
0x60: {  	_ =	shalt  }
0x61: {  	_ =	shalt  }
0x62: {  	_ =	shalt  }
0x63: {  	_ =	shalt  }
0x64: {  	_ =	shalt  }
0x65: {  	_ =	shalt  }
0x66: {  	_ =	shalt  }
0x67: {  	_ =	shalt  }
0x68: {  	_ =	shalt  }
0x69: {  	_ =	shalt  }
0x6a: {  	_ =	shalt  }
0x6b: {  	_ =	shalt  }
0x6c: {  	_ =	shalt  }
0x6d: {  	_ =	shalt  }
0x6e: {  	_ =	shalt  }
0x6f: {  	_ =	shalt  }
0x70: {  	_ =	shalt  }
0x71: {  	_ =	shalt  }
0x72: {  	_ =	shalt  }
0x73: {  	_ =	shalt  }
0x74: {  	_ =	shalt  }
0x75: {  	_ =	shalt  }
0x76: {  	_ =	shalt  }
0x77: {  	_ =	shalt  }
0x78: {  	_ =	shalt  }
0x79: {  	_ =	shalt  }
0x7a: {  	_ =	shalt  }
0x7b: {  	_ =	shalt  }
0x7c: {  	_ =	shalt  }
0x7d: {  	_ =	shalt  }
0x7e: {  	_ =	shalt  }
0x7f: {  	_ =	shalt  }
0x80: {  	_ =	shalt  }
0x81: {  	_ =	shalt  }
0x82: {  	_ =	shalt  }
0x83: {  	_ =	shalt  }
0x84: {  	_ =	shalt  }
0x85: {  	_ =	shalt  }
0x86: {  	_ =	shalt  }
0x87: {  	_ =	shalt  }
.Lfunc_end0:
.L_simem_size_0:
called_computation_lowered:
.L_overlay_start_0:
0x88: {  	s2 =	sld [smem:$0x3FD9]  }
0x89: {  	s3 =	sld [smem:$0x3FFE];
	_ =	sdelay $0x1  }
0x8a: {  	s1 =	srdreg.scid  }
0x8b: {  	s0 =	sand.u32 $0x1, s1  }
0x8c: {  	s17 =	sshll.u32 s0, $0xA;
	s2 =	sadd.s32 s3, s2  }
0x8d: {  	s2 =	sadd.s32 s2, s17  }
0x8e: {  	[smem:$0x3FC0] =	sst s2  }
0x8f: {  	_ = 	snop  }
0x90: {  	s2 =	sld [smem:$0x3FC9]  }
0x91: {  	s18 =	sld [smem:$0x3FD0];
	(tm) =	ssettm $0x1  }
0x92: {  	s4 =	sld [smem:$0x3FFB];
	_ =	sdelay $0x3  }
0x93: {  	_ =	strace s4  }
0x94: {  	s4 =	sld [smem:$0x3FFC];
	_ =	sdelay $0x3  }
0x95: {  	_ =	strace s4  }
0x96: {  	s4 =	sld [smem:$0x3FFD];
	_ =	sdelay $0x3  }
0x97: {  	_ =	strace s4  }
0x98: {  	_ =	strace $0x8FFFFFFF  }
0x99: {  	s19 =	sld [smem:$0x3FDB];
	_ =	sdelay $0x1  }
0x9a: {  	s5 =	simm.s32 $_scs_section_size  }
0x9b: {  	s6 =	simm.s32 $_size__tile_overlayer_lowered;
	s7 =	simm.s32 $_tile_overlayer_lowered  }
0x9c: {  	s22 =	simm.s32 $0x1BFF;
	s21 =	sshll.u32 s7, $0x1;
	s4 =	sadd.s32 s5, s19  }
0x9d: {  	s8 =	simm.s32 $0x0;
	s20 =	sshll.u32 s6, $0x1;
	s6 =	sadd.s32 s21, s4  }
0x9e: {  	[timem:s8], [sflag:s22] =	dma.local [hbm:s6], s20  }
0x9f: {  	_ =	swait.ge [sflag:s22], s20  }
0xa0: {  	s5 =	ssub.s32 $0x0, s20;
	[sflag:s22] =	ssyncset.done $0x0  }
0xa1: {  	[sflag:s22] =	ssyncadd.s32 s5;
	_ =	sdelay $0x1  }
0xa2: {  	s23 =	simm.s32 $0x1B8B  }
0xa3: {  	_ =	swait.ge [sflag:s23], $0x1  }
0xa4: {  	[sflag:s23] =	ssyncset.done $0x0  }
0xa5: {  	s25 =	simm.s32 $0x1B8E;
	s24 =	sld [smem:$0x3FFE];
	[sflag:s23] =	ssyncadd.s32 $0xFFFFFFFF  }
0xa6: {  	s26 =	simm.s32 $execute0_lowered;
	[smem:$0x3FD2] =	sst s25  }
0xa7: {  	s6 =	sshll.u32 s26, $0x1;
	_ =	strace $0x80000046;
	[dreg:$0x1] =	wrdreg $0xFFFFFFFF  }
0xa8: {  	s28 =	simm.s32 $_size_execute0_lowered;
	s4 =	sadd.s32 s4, s6;
	[dreg:$0x0] =	wrdreg $0x0  }
0xa9: {  	s6 =	sshll.u32 s28, $0x1;
	[dreg:$0x2] =	wrdreg s4  }
0xaa: {  	[dreg:$0x3] =	wrdreg s6  }
0xab: {  	[dreg:$0x4] =	wrdreg $0xC0  }
0xac: {  	_ =	task [dreg:s8], $0x5FFFF  }
0xad: {  	[dreg:$0x1] =	wrdreg $0xFFFFFFFF  }
0xae: {  	[dreg:$0x0] =	wrdreg $0x60  }
0xaf: {  	[dreg:$0x2] =	wrdreg s24  }
0xb0: {  	[dreg:$0x3] =	wrdreg s2  }
0xb1: {  	[dreg:$0x4] =	wrdreg s18  }
0xb2: {  	[dreg:$0x5] =	wrdreg $0xB3000  }
0xb3: {  	[dreg:$0x6] =	wrdreg $0x1F3000  }
0xb4: {  	[dreg:$0x7] =	wrdreg $0x9  }
0xb5: {  	_ =	task.clear_ibuf [dreg:s8], $0x8FFFF;
	_ =	strace $0x90000046  }
0xb6: {  	s29 =	simm.s32 $0x9;
	_ =	strace $0x80000048  }
0xb7: {  	_ =	swait.ge [sflag:s29], $0x1  }
0xb8: {  	[sflag:s29] =	ssyncadd.s32 $0xFFFFFFFF  }
0xb9: {  	_ =	strace $0x90000048  }
0xba: {  	_ =	sfence  }
0xbb: {  	s30 =	sld [smem:$0x0];
	_ =	sdelay $0x2  }
0xbc: {  	s31 =	sshll.u32 s1, $0xD;
	s1 =	sshrl.u32 s1, $0x2  }
0xbd: {  	s3 =	sand.u32 $0x4000, s31;
	s1 =	sadd.s32 s1, s30  }
0xbe: {  	s0 =	sor.u32 s3, s0;
	s1 =	sshll.u32 s1, $0x11  }
0xbf: {  	s0 =	sor.u32 s1, s0  }
0xc0: {  	s0 =	sadd.s32 $0x8F2B, s0  }
0xc1: {  	[sflag:s0] =	ssyncadd.remote.s32 $0x1  }
0xc2: {  	_ =	sfence.sel $0xFFFF  }
0xc3: {  	[dreg:$0x0] =	wrdreg $0xFFFFFFFF;
	(pc) =	sbr.abs _section_cstart, $3  }
0xc4: {  	[dreg:$0x1] =	wrdreg $0xFFFFFFFF  }
0xc5: {  	_ =	task.clear_ibuf [dreg:s8], $0x2FFFF;
	_ =	strace $0x9FFFFFFF  }
0xc6: {  	(tm) =	ssettm $0x7FFFFFFF  }
0xc7: {  	_ =	shalt  }
tec
execute0_lowered:
.L_overlay_start_1:
0x0: {  	(tag) =	ssettag $0x1  }
0x1: {  	s2 =	rddreg [dreg:$0x0]  }
0x2: {  	s1 =	rddreg [dreg:$0x1]  }
0x3: {  	s3 =	srdreg.scid;
	s0 =	stileid.u32  }
0x4: {  	s13 =	rddreg [dreg:$0x2];
	s16 =	simm.s32 $0x1400;
	s17 =	simm.s32 $0x80  }
0x5: {  	s18 =	simm.s32 $0x2800;
	s19 =	simm.s32 $0x6800;
	s20 =	simm.s32 $0xA880  }
0x6: {  	s22 =	simm.s32 $0x1;
	s23 =	simm.s32 $0xA800;
	s9 =	smul.u32 $0x14000, s0  }
0x7: {  	s28 =	simm.s32 $0x20;
	s29 =	simm.s32 $0x10;
	s10 =	smul.u32 $0x50000, s0  }
0x8: {  	s30 =	simm.s32 $0x0;
	s8 =	sand.u32 $0x1, s3;
	s31 =	smul.u32 $0xA00, s0  }
0x9: {  	s4 =	sshll.u32 s0, $0x1;
	s3 =	rddreg [dreg:$0x3];
	s12 =	smul.u32 $0x500, s0  }
0xa: {  	s5 =	sor.u32 s8, s4;
	s4 =	rddreg [dreg:$0x4];
	s7 =	smul.u32 $0x140000, s8  }
0xb: {  	s25 =	ssub.s32 $0x2, s8;
	s15 =	sshll.u32 s8, $0x7;
	s6 =	smul.u32 $0x2800, s5  }
0xc: {  	s5 =	simm.s32 $0x0;
	s26 =	sshrl.u32 s25, $0x1;
	s10 =	sshrl.u32 s10, $0x2  }
0xd: {  	s12 =	sor.u32 s15, s12;
	[smem:$0x7FF] =	sst s5;
	s24 =	sadd.s32 s9, s7  }
0xe: {  	s14 =	ssub.s32 s25, s26;
	s9 =	sshrl.u32 s31, $0x2;
	s8 =	sadd.s32 s10, s3  }
0xf: {  	s15 =	sshrl.u32 s12, $0x3;
	s25 =	simm.s32 $0x2700;
	s26 =	simm.s32 $0x2780  }
0x10: {  	_ =	strace $0x80000047;
	s6 =	sshrl.u32 s6, $0x3;
	s9 =	sadd.s32 s9, s4  }
0x11: {  	s13 =	sadd.s32 s13, s15;
	s14 =	smax.u32 s14, $0x1;
	s15 =	simm.s32 $0x3  }
0x12: {  	s11 =	sadd.s32 s6, s2;
	s6 =	sshrl.u32 s24, $0x3;
	s24 =	simm.s32 $0x2  }
0x13: {  	s2 =	sadd.s32 s6, s2;
	s6 =	sadd.s32 $0x2800, s11;
	s7 =	sadd.s32 $0xC800, s11  }
0x14: {  	v0 =	vimm.f32 $0.0e+00;
	v1 =	vimm.f32 $1.000000000e+00;
	s10 =	sadd.s32 $0x2A80, s11;
	s11 =	sadd.s32 $0xCA80, s11;
	s12 =	sadd.s32 $0x16800, s2  }
.LBB2_1:
0x15: {  	[tilespmem:$0xA880] =	vst v0  }
0x16: {  	[tilespmem:$0xA890] =	vst v0  }
0x17: {  	[tilespmem:$0xA8A0] =	vst v0  }
0x18: {  	[tilespmem:$0xA8B0] =	vst v0  }
0x19: {  	[tilespmem:$0xA8C0] =	vst v0  }
0x1a: {  	[tilespmem:$0xA8D0] =	vst v0  }
0x1b: {  	[tilespmem:$0xA8E0] =	vst v0  }
0x1c: {  	[tilespmem:$0xA8F0] =	vst v0  }
0x1d: {  	[tilespmem:$0xA900] =	vst v0  }
0x1e: {  	[tilespmem:$0xA910] =	vst v0  }
0x1f: {  	[tilespmem:$0xA920] =	vst v0  }
0x20: {  	[tilespmem:$0xA930] =	vst v0  }
0x21: {  	[tilespmem:$0xA940] =	vst v0  }
0x22: {  	[tilespmem:$0xA950] =	vst v0  }
0x23: {  	[tilespmem:$0xA960] =	vst v0  }
0x24: {  	[tilespmem:$0xA970] =	vst v0  }
0x25: {  	[tilespmem:$0xA980] =	vst v0  }
0x26: {  	[tilespmem:$0xA990] =	vst v0  }
0x27: {  	[tilespmem:$0xA9A0] =	vst v0  }
0x28: {  	[tilespmem:$0xA9B0] =	vst v0  }
0x29: {  	[tilespmem:$0xA9C0] =	vst v0  }
0x2a: {  	[tilespmem:$0xA9D0] =	vst v0  }
0x2b: {  	[tilespmem:$0xA9E0] =	vst v0  }
0x2c: {  	[tilespmem:$0xA9F0] =	vst v0  }
0x2d: {  	[tilespmem:$0xAA00] =	vst v0  }
0x2e: {  	[tilespmem:$0xAA10] =	vst v0  }
0x2f: {  	[tilespmem:$0xAA20] =	vst v0  }
0x30: {  	[tilespmem:$0xAA30] =	vst v0  }
0x31: {  	[tilespmem:$0xAA40] =	vst v0  }
0x32: {  	[tilespmem:$0xAA50] =	vst v0  }
0x33: {  	[tilespmem:$0xAA60] =	vst v0  }
0x34: {  	[tilespmem:$0xAA70] =	vst v0  }
0x35: {  	[tilespmem:$0xAA80] =	vst v0  }
0x36: {  	[tilespmem:$0xAA90] =	vst v0  }
0x37: {  	[tilespmem:$0xAAA0] =	vst v0  }
0x38: {  	[tilespmem:$0xAAB0] =	vst v0  }
0x39: {  	[tilespmem:$0xAAC0] =	vst v0  }
0x3a: {  	[tilespmem:$0xAAD0] =	vst v0  }
0x3b: {  	[tilespmem:$0xAAE0] =	vst v0  }
0x3c: {  	[tilespmem:$0xAAF0] =	vst v0  }
0x3d: {  	[tilespmem:$0xAB00] =	vst v0  }
0x3e: {  	[tilespmem:$0xAB10] =	vst v0  }
0x3f: {  	[tilespmem:$0xAB20] =	vst v0  }
0x40: {  	[tilespmem:$0xAB30] =	vst v0  }
0x41: {  	[tilespmem:$0xAB40] =	vst v0  }
0x42: {  	[tilespmem:$0xAB50] =	vst v0  }
0x43: {  	[tilespmem:$0xAB60] =	vst v0  }
0x44: {  	[tilespmem:$0xAB70] =	vst v0  }
0x45: {  	[tilespmem:$0xAB80] =	vst v0  }
0x46: {  	[tilespmem:$0xAB90] =	vst v0  }
0x47: {  	[tilespmem:$0xABA0] =	vst v0  }
0x48: {  	[tilespmem:$0xABB0] =	vst v0  }
0x49: {  	[tilespmem:$0xABC0] =	vst v0  }
0x4a: {  	[tilespmem:$0xABD0] =	vst v0  }
0x4b: {  	[tilespmem:$0xABE0] =	vst v0  }
0x4c: {  	[tilespmem:$0xABF0] =	vst v0  }
0x4d: {  	[tilespmem:$0xAC00] =	vst v0  }
0x4e: {  	[tilespmem:$0xAC10] =	vst v0  }
0x4f: {  	[tilespmem:$0xAC20] =	vst v0  }
0x50: {  	[tilespmem:$0xAC30] =	vst v0  }
0x51: {  	[tilespmem:$0xAC40] =	vst v0  }
0x52: {  	[tilespmem:$0xAC50] =	vst v0  }
0x53: {  	[tilespmem:$0xAC60] =	vst v0  }
0x54: {  	[tilespmem:$0xAC70] =	vst v0  }
0x55: {  	[tilespmem:$0xAC80] =	vst v0  }
0x56: {  	[tilespmem:$0xAC90] =	vst v0  }
0x57: {  	[tilespmem:$0xACA0] =	vst v0  }
0x58: {  	[tilespmem:$0xACB0] =	vst v0  }
0x59: {  	[tilespmem:$0xACC0] =	vst v0  }
0x5a: {  	[tilespmem:$0xACD0] =	vst v0  }
0x5b: {  	[tilespmem:$0xACE0] =	vst v0  }
0x5c: {  	[tilespmem:$0xACF0] =	vst v0  }
0x5d: {  	[tilespmem:$0xAD00] =	vst v0  }
0x5e: {  	[tilespmem:$0xAD10] =	vst v0  }
0x5f: {  	[tilespmem:$0xAD20] =	vst v0  }
0x60: {  	[tilespmem:$0xAD30] =	vst v0  }
0x61: {  	[tilespmem:$0xAD40] =	vst v0  }
0x62: {  	[tilespmem:$0xAD50] =	vst v0  }
0x63: {  	[tilespmem:$0xAD60] =	vst v0  }
0x64: {  	[tilespmem:$0xAD70] =	vst v0  }
0x65: {  	[tilespmem:$0xAD80] =	vst v0  }
0x66: {  	[tilespmem:$0xAD90] =	vst v0  }
0x67: {  	[tilespmem:$0xADA0] =	vst v0  }
0x68: {  	[tilespmem:$0xADB0] =	vst v0  }
0x69: {  	[tilespmem:$0xADC0] =	vst v0  }
0x6a: {  	[tilespmem:$0xADD0] =	vst v0  }
0x6b: {  	[tilespmem:$0xADE0] =	vst v0  }
0x6c: {  	[tilespmem:$0xADF0] =	vst v0  }
0x6d: {  	[tilespmem:$0xAE00] =	vst v0  }
0x6e: {  	[tilespmem:$0xAE10] =	vst v0  }
0x6f: {  	[tilespmem:$0xAE20] =	vst v0  }
0x70: {  	[tilespmem:$0xAE30] =	vst v0  }
0x71: {  	[tilespmem:$0xAE40] =	vst v0  }
0x72: {  	[tilespmem:$0xAE50] =	vst v0  }
0x73: {  	[tilespmem:$0xAE60] =	vst v0  }
0x74: {  	[tilespmem:$0xAE70] =	vst v0  }
0x75: {  	[tilespmem:$0xAE80] =	vst v0  }
0x76: {  	[tilespmem:$0xAE90] =	vst v0  }
0x77: {  	[tilespmem:$0xAEA0] =	vst v0  }
0x78: {  	[tilespmem:$0xAEB0] =	vst v0  }
0x79: {  	[tilespmem:$0xAEC0] =	vst v0  }
0x7a: {  	[tilespmem:$0xAED0] =	vst v0  }
0x7b: {  	[tilespmem:$0xAEE0] =	vst v0  }
0x7c: {  	[tilespmem:$0xAEF0] =	vst v0  }
0x7d: {  	[tilespmem:$0xAF00] =	vst v0  }
0x7e: {  	[tilespmem:$0xAF10] =	vst v0  }
0x7f: {  	[tilespmem:$0xAF20] =	vst v0  }
0x80: {  	[tilespmem:$0xAF30] =	vst v0  }
0x81: {  	[tilespmem:$0xAF40] =	vst v0  }
0x82: {  	[tilespmem:$0xAF50] =	vst v0  }
0x83: {  	[tilespmem:$0xAF60] =	vst v0  }
0x84: {  	[tilespmem:$0xAF70] =	vst v0  }
0x85: {  	[tilespmem:$0xAF80] =	vst v0  }
0x86: {  	[tilespmem:$0xAF90] =	vst v0  }
0x87: {  	[tilespmem:$0xAFA0] =	vst v0  }
0x88: {  	[tilespmem:$0xAFB0] =	vst v0  }
0x89: {  	[tilespmem:$0xAFC0] =	vst v0  }
0x8a: {  	[tilespmem:$0xAFD0] =	vst v0  }
0x8b: {  	[tilespmem:$0xAFE0] =	vst v0  }
0x8c: {  	[tilespmem:$0xAFF0] =	vst v0  }
0x8d: {  	[tilespmem:$0xB000] =	vst v0  }
0x8e: {  	[tilespmem:$0xB010] =	vst v0  }
0x8f: {  	[tilespmem:$0xB020] =	vst v0  }
0x90: {  	[tilespmem:$0xB030] =	vst v0  }
0x91: {  	[tilespmem:$0xB040] =	vst v0  }
0x92: {  	[tilespmem:$0xB050] =	vst v0  }
0x93: {  	[tilespmem:$0xB060] =	vst v0  }
0x94: {  	[tilespmem:$0xB070] =	vst v0  }
0x95: {  	[tilespmem:$0xA800] =	vst v1  }
0x96: {  	[tilespmem:$0xA810] =	vst v1  }
0x97: {  	[tilespmem:$0xA820] =	vst v1  }
0x98: {  	[tilespmem:$0xA830] =	vst v1  }
0x99: {  	[tilespmem:$0xA840] =	vst v1  }
0x9a: {  	[tilespmem:$0xA850] =	vst v1  }
0x9b: {  	[tilespmem:$0xA860] =	vst v1  }
0x9c: {  	[tilespmem:$0xA870] =	vst v1  }
0x9d: {  	[tilespmem:$0xB080] =	vst v0  }
0x9e: {  	[tilespmem:$0xB090] =	vst v0  }
0x9f: {  	[tilespmem:$0xB0A0] =	vst v0  }
0xa0: {  	[tilespmem:$0xB0B0] =	vst v0  }
0xa1: {  	[tilespmem:$0xB0C0] =	vst v0  }
0xa2: {  	[tilespmem:$0xB0D0] =	vst v0  }
0xa3: {  	[tilespmem:$0xB0E0] =	vst v0  }
0xa4: {  	[tilespmem:$0xB0F0] =	vst v0  }
0xa5: {  	[tilespmem:$0xB100] =	vst v0  }
0xa6: {  	[tilespmem:$0xB110] =	vst v0  }
0xa7: {  	[tilespmem:$0xB120] =	vst v0  }
0xa8: {  	[tilespmem:$0xB130] =	vst v0  }
0xa9: {  	[tilespmem:$0xB140] =	vst v0  }
0xaa: {  	[tilespmem:$0xB150] =	vst v0  }
0xab: {  	[tilespmem:$0xB160] =	vst v0  }
0xac: {  	[tilespmem:$0xB170] =	vst v0  }
0xad: {  	[tilespmem:$0xB180] =	vst v0  }
0xae: {  	[tilespmem:$0xB190] =	vst v0  }
0xaf: {  	[tilespmem:$0xB1A0] =	vst v0  }
0xb0: {  	[tilespmem:$0xB1B0] =	vst v0  }
0xb1: {  	[tilespmem:$0xB1C0] =	vst v0  }
0xb2: {  	[tilespmem:$0xB1D0] =	vst v0  }
0xb3: {  	[tilespmem:$0xB1E0] =	vst v0  }
0xb4: {  	[tilespmem:$0xB1F0] =	vst v0  }
0xb5: {  	[tilespmem:$0xB200] =	vst v0  }
0xb6: {  	[tilespmem:$0xB210] =	vst v0  }
0xb7: {  	[tilespmem:$0xB220] =	vst v0  }
0xb8: {  	[tilespmem:$0xB230] =	vst v0  }
0xb9: {  	[tilespmem:$0xB240] =	vst v0  }
0xba: {  	[tilespmem:$0xB250] =	vst v0  }
0xbb: {  	[tilespmem:$0xB260] =	vst v0  }
0xbc: {  	[tilespmem:$0xB270] =	vst v0  }
0xbd: {  	[tilespmem:$0xB280] =	vst v0  }
0xbe: {  	[tilespmem:$0xB290] =	vst v0  }
0xbf: {  	[tilespmem:$0xB2A0] =	vst v0  }
0xc0: {  	[tilespmem:$0xB2B0] =	vst v0  }
0xc1: {  	[tilespmem:$0xB2C0] =	vst v0  }
0xc2: {  	[tilespmem:$0xB2D0] =	vst v0  }
0xc3: {  	[tilespmem:$0xB2E0] =	vst v0  }
0xc4: {  	[tilespmem:$0xB2F0] =	vst v0  }
0xc5: {  	[tilespmem:s5], [sflag:$0x3] =	stream.linear.gather [hbm4b:s6+s5], $0x1400, $0x38;
	[tilespmem:$0x1F580] =	vst v63  }
0xc6: {  	_ =	swait.ge [sflag:s15], $0x1400  }
0xc7: {  	[sflag:s15] =	ssyncset.done $0x0  }
0xc8: {  	[sflag:s15] =	ssyncadd.s32 $0xFFFFEC00  }
0xc9: {  	[tilespmem:s16], [sflag:$0x3] =	stream.linear.gather [hbm4b:s7+s5], $0x1400, $0x38;
	[tilespmem:$0x1F580] =	vst v63  }
0xca: {  	_ =	swait.ge [sflag:s15], $0x1400  }
0xcb: {  	[sflag:s15] =	ssyncset.done $0x0  }
0xcc: {  	[sflag:s15] =	ssyncadd.s32 $0xFFFFEC00  }
0xcd: {  	[tilespmem:s18], [sflag:$0x1] =	stream.indirect.gather [hbm4b:s1+s17], $0x80, s5, s17, $0xb8;
	[tilespmem:$0x1F580] =	vst v63  }
0xce: {  	_ = 	snop  }
0xcf: {  	[tilespmem:s19], [sflag:$0x2] =	stream.indirect.gather [hbm4b:s1+s17], $0x80, s17, s17, $0xb8;
	[tilespmem:$0x1F580] =	vst v63  }
0xd0: {  	s2 =	sadd.s32 $0x0, s8  }
0xd1: {  	[spmem:s2] =	stream.linear.scatter [tilespmem:s20], [sflag:$0x3], $0x800, $0x38;
	[tilespmem:$0x1F580] =	vst v63  }
0xd2: {  	s31 =	simm.s32 $0x2000;
	_ =	swait.ge [sflag:s15], $0x800  }
.LBB2_2:
0xd3: {  	s2 =	sshra.s32 s31, $0x2;
	[sflag:s15] =	ssyncset.done $0x0;
	p0 =	sne.s32 s31, $0x4E000  }
.Ltmp0:
0xd4: {  	s2 =	sadd.s32 s2, s8;
	[sflag:s15] =	ssyncadd.s32 $0xFFFFF800;
	(pc) =	sbr.rel @p0 .LBB2_2-.Ltmp0, $3  }
0xd5: {  	[spmem:s2] =	stream.linear.scatter [tilespmem:s20], [sflag:$0x3], $0x800, $0x38;
	[tilespmem:$0x1F580] =	vst v63  }
0xd6: {  	s31 =	sadd.s32 $0x2000, s31;
	_ =	sdelay $0x1  }
0xd7: {  	_ =	swait.ge [sflag:s15], $0x800  }
0xd8: {  	[sflag:s15] =	ssyncset.done $0x0  }
0xd9: {  	s2 =	simm.s32 $0xB080;
	[sflag:s15] =	ssyncadd.s32 $0xFFFFF800  }
0xda: {  	[spmem:s9] =	stream.linear.scatter [tilespmem:s2], [sflag:$0x3], $0x280, $0x38;
	[tilespmem:$0x1F580] =	vst v63  }
0xdb: {  	_ =	swait.ge [sflag:s15], $0x280  }
0xdc: {  	[sflag:s15] =	ssyncset.done $0x0  }
0xdd: {  	[sflag:s15] =	ssyncadd.s32 $0xFFFFFD80  }
0xde: {  	[bflag:$0x0] =	sbarrier.arrive $0xFFFF  }
0xdf: {  	_ =	swait.ge [sflag:s22], $0x4000  }
0xe0: {  	[sflag:s22] =	ssyncset.done $0x0  }
0xe1: {  	s21 =	simm.s32 $0x1400;
	[sflag:s22] =	ssyncadd.s32 $0xFFFFC000  }
0xe2: {  	[spmem:s3] =	stream.indirect.scatter.add.f32 [tilespmem:s18], [sflag:$0x3], $0x80, s21, s17, $0xb8;
	[tilespmem:$0x1F580] =	vst v63  }
0xe3: {  	_ =	swait.ge [sflag:s15], $0x4000  }
0xe4: {  	[sflag:s15] =	ssyncset.done $0x0  }
0xe5: {  	[sflag:s15] =	ssyncadd.s32 $0xFFFFC000  }
0xe6: {  	[spmem:s4] =	stream.indirect.scatter.add.f32 [tilespmem:s23], [sflag:$0x3], $0x1, s21, s17, $0xb8;
	[tilespmem:$0x1F580] =	vst v63  }
0xe7: {  	_ =	swait.ge [sflag:s15], $0x80  }
0xe8: {  	[sflag:s15] =	ssyncset.done $0x0  }
0xe9: {  	s21 =	simm.s32 $0x100;
	[sflag:s15] =	ssyncadd.s32 $0xFFFFFF80  }
0xea: {  	[tilespmem:s18], [sflag:$0x1] =	stream.indirect.gather [hbm4b:s1+s17], $0x80, s21, s17, $0xb8;
	[tilespmem:$0x1F580] =	vst v63  }
0xeb: {  	_ =	swait.ge [sflag:s24], $0x4000  }
0xec: {  	[sflag:s24] =	ssyncset.done $0x0  }
0xed: {  	s21 =	simm.s32 $0x1480;
	[sflag:s24] =	ssyncadd.s32 $0xFFFFC000  }
0xee: {  	[spmem:s3] =	stream.indirect.scatter.add.f32 [tilespmem:s19], [sflag:$0x3], $0x80, s21, s17, $0xb8;
	[tilespmem:$0x1F580] =	vst v63  }
0xef: {  	_ =	swait.ge [sflag:s15], $0x4000  }
0xf0: {  	[sflag:s15] =	ssyncset.done $0x0  }
0xf1: {  	[sflag:s15] =	ssyncadd.s32 $0xFFFFC000  }
0xf2: {  	[spmem:s4] =	stream.indirect.scatter.add.f32 [tilespmem:s23], [sflag:$0x3], $0x1, s21, s17, $0xb8;
	[tilespmem:$0x1F580] =	vst v63  }
0xf3: {  	_ =	swait.ge [sflag:s15], $0x80  }
0xf4: {  	[sflag:s15] =	ssyncset.done $0x0  }
0xf5: {  	s31 =	simm.s32 $0x400;
	s2 =	simm.s32 $0x180;
	[sflag:s15] =	ssyncadd.s32 $0xFFFFFF80  }
.LBB2_4:
0xf6: {  	[tilespmem:s19], [sflag:$0x2] =	stream.indirect.gather [hbm4b:s1+s17], $0x80, s2, s17, $0xb8;
	[tilespmem:$0x1F580] =	vst v63  }
0xf7: {  	s2 =	smov.u32 s31  }
0xf8: {  	p0 =	sne.s32 s31, $0x4800;
	s31 =	sadd.s32 $0x400, s31;
	_ =	swait.ge [sflag:s22], $0x4000  }
0xf9: {  	s2 =	sshra.s32 s2, $0x2;
	[sflag:s22] =	ssyncset.done $0x0  }
0xfa: {  	s21 =	sadd.s32 $0x1400, s2;
	[sflag:s22] =	ssyncadd.s32 $0xFFFFC000  }
0xfb: {  	[spmem:s3] =	stream.indirect.scatter.add.f32 [tilespmem:s18], [sflag:$0x3], $0x80, s21, s17, $0xb8;
	[tilespmem:$0x1F580] =	vst v63  }
0xfc: {  	_ =	swait.ge [sflag:s15], $0x4000  }
0xfd: {  	[sflag:s15] =	ssyncset.done $0x0  }
0xfe: {  	[sflag:s15] =	ssyncadd.s32 $0xFFFFC000  }
0xff: {  	[spmem:s4] =	stream.indirect.scatter.add.f32 [tilespmem:s23], [sflag:$0x3], $0x1, s21, s17, $0xb8;
	[tilespmem:$0x1F580] =	vst v63  }
0x100: {  	_ =	swait.ge [sflag:s15], $0x80  }
0x101: {  	[sflag:s15] =	ssyncset.done $0x0  }
0x102: {  	s21 =	sadd.s32 $0x100, s2;
	[sflag:s15] =	ssyncadd.s32 $0xFFFFFF80  }
0x103: {  	[tilespmem:s18], [sflag:$0x1] =	stream.indirect.gather [hbm4b:s1+s17], $0x80, s21, s17, $0xb8;
	[tilespmem:$0x1F580] =	vst v63  }
0x104: {  	_ =	swait.ge [sflag:s24], $0x4000  }
0x105: {  	[sflag:s24] =	ssyncset.done $0x0  }
0x106: {  	s21 =	sadd.s32 $0x1480, s2;
	[sflag:s24] =	ssyncadd.s32 $0xFFFFC000  }
0x107: {  	[spmem:s3] =	stream.indirect.scatter.add.f32 [tilespmem:s19], [sflag:$0x3], $0x80, s21, s17, $0xb8;
	[tilespmem:$0x1F580] =	vst v63  }
0x108: {  	_ =	swait.ge [sflag:s15], $0x4000  }
0x109: {  	[sflag:s15] =	ssyncset.done $0x0  }
.Ltmp1:
0x10a: {  	[sflag:s15] =	ssyncadd.s32 $0xFFFFC000;
	(pc) =	sbr.rel @p0 .LBB2_4-.Ltmp1, $4  }
0x10b: {  	[spmem:s4] =	stream.indirect.scatter.add.f32 [tilespmem:s23], [sflag:$0x3], $0x1, s21, s17, $0xb8;
	[tilespmem:$0x1F580] =	vst v63  }
0x10c: {  	_ =	swait.ge [sflag:s15], $0x80  }
0x10d: {  	[sflag:s15] =	ssyncset.done $0x0  }
0x10e: {  	s2 =	sadd.s32 $0x180, s2;
	[sflag:s15] =	ssyncadd.s32 $0xFFFFFF80  }
0x10f: {  	[tilespmem:s19], [sflag:$0x2] =	stream.indirect.gather [hbm4b:s1+s17], $0x80, s2, s17, $0xb8;
	[tilespmem:$0x1F580] =	vst v63  }
0x110: {  	_ =	swait.ge [sflag:s22], $0x4000  }
0x111: {  	[sflag:s22] =	ssyncset.done $0x0  }
0x112: {  	[sflag:s22] =	ssyncadd.s32 $0xFFFFC000  }
0x113: {  	[spmem:s3] =	stream.indirect.scatter.add.f32 [tilespmem:s18], [sflag:$0x3], $0x80, s25, s17, $0xb8;
	[tilespmem:$0x1F580] =	vst v63  }
0x114: {  	_ =	swait.ge [sflag:s15], $0x4000  }
0x115: {  	[sflag:s15] =	ssyncset.done $0x0  }
0x116: {  	[sflag:s15] =	ssyncadd.s32 $0xFFFFC000  }
0x117: {  	[spmem:s4] =	stream.indirect.scatter.add.f32 [tilespmem:s23], [sflag:$0x3], $0x1, s25, s17, $0xb8;
	[tilespmem:$0x1F580] =	vst v63  }
0x118: {  	_ =	swait.ge [sflag:s15], $0x80  }
0x119: {  	[sflag:s15] =	ssyncset.done $0x0  }
0x11a: {  	[sflag:s15] =	ssyncadd.s32 $0xFFFFFF80  }
0x11b: {  	_ =	swait.ge [sflag:s24], $0x4000  }
0x11c: {  	[sflag:s24] =	ssyncset.done $0x0  }
0x11d: {  	[sflag:s24] =	ssyncadd.s32 $0xFFFFC000  }
0x11e: {  	[spmem:s3] =	stream.indirect.scatter.add.f32 [tilespmem:s19], [sflag:$0x3], $0x80, s26, s17, $0xb8;
	[tilespmem:$0x1F580] =	vst v63  }
0x11f: {  	_ =	swait.ge [sflag:s15], $0x4000  }
0x120: {  	[sflag:s15] =	ssyncset.done $0x0  }
0x121: {  	[sflag:s15] =	ssyncadd.s32 $0xFFFFC000  }
0x122: {  	[spmem:s4] =	stream.indirect.scatter.add.f32 [tilespmem:s23], [sflag:$0x3], $0x1, s26, s17, $0xb8;
	[tilespmem:$0x1F580] =	vst v63  }
0x123: {  	_ =	swait.ge [sflag:s15], $0x80  }
0x124: {  	[sflag:s15] =	ssyncset.done $0x0  }
0x125: {  	s21 =	simm.s32 $0x0;
	[sflag:s15] =	ssyncadd.s32 $0xFFFFFF80  }
0x126: {  	[tilespmem:s21], [sflag:$0x3] =	stream.linear.gather [hbm4b:s10+s21], $0x1400, $0x38;
	[tilespmem:$0x1F580] =	vst v63  }
0x127: {  	_ =	swait.ge [sflag:s15], $0x1400  }
0x128: {  	[sflag:s15] =	ssyncset.done $0x0  }
0x129: {  	[sflag:s15] =	ssyncadd.s32 $0xFFFFEC00  }
0x12a: {  	[tilespmem:s16], [sflag:$0x3] =	stream.linear.gather [hbm4b:s11+s21], $0x1400, $0x38;
	[tilespmem:$0x1F580] =	vst v63  }
0x12b: {  	_ =	swait.ge [sflag:s15], $0x1400  }
0x12c: {  	[sflag:s15] =	ssyncset.done $0x0  }
0x12d: {  	[sflag:s15] =	ssyncadd.s32 $0xFFFFEC00  }
0x12e: {  	[tilespmem:s18], [sflag:$0x1] =	stream.indirect.gather [hbm4b:s1+s17], $0x80, s21, s17, $0xb8;
	[tilespmem:$0x1F580] =	vst v63  }
0x12f: {  	_ = 	snop  }
0x130: {  	[tilespmem:s19], [sflag:$0x2] =	stream.indirect.gather [hbm4b:s1+s17], $0x80, s17, s17, $0xb8;
	[tilespmem:$0x1F580] =	vst v63  }
0x131: {  	_ =	swait.ge [sflag:s22], $0x4000  }
0x132: {  	[sflag:s22] =	ssyncset.done $0x0  }
0x133: {  	s21 =	simm.s32 $0x1400;
	[sflag:s22] =	ssyncadd.s32 $0xFFFFC000  }
0x134: {  	[spmem:s3] =	stream.indirect.scatter.add.f32 [tilespmem:s18], [sflag:$0x3], $0x80, s21, s17, $0xb8;
	[tilespmem:$0x1F580] =	vst v63  }
0x135: {  	_ =	swait.ge [sflag:s15], $0x4000  }
0x136: {  	[sflag:s15] =	ssyncset.done $0x0  }
0x137: {  	[sflag:s15] =	ssyncadd.s32 $0xFFFFC000  }
0x138: {  	[spmem:s4] =	stream.indirect.scatter.add.f32 [tilespmem:s23], [sflag:$0x3], $0x1, s21, s17, $0xb8;
	[tilespmem:$0x1F580] =	vst v63  }
0x139: {  	_ =	swait.ge [sflag:s15], $0x80  }
0x13a: {  	[sflag:s15] =	ssyncset.done $0x0  }
0x13b: {  	s21 =	simm.s32 $0x100;
	[sflag:s15] =	ssyncadd.s32 $0xFFFFFF80  }
0x13c: {  	[tilespmem:s18], [sflag:$0x1] =	stream.indirect.gather [hbm4b:s1+s17], $0x80, s21, s17, $0xb8;
	[tilespmem:$0x1F580] =	vst v63  }
0x13d: {  	_ =	swait.ge [sflag:s24], $0x4000  }
0x13e: {  	[sflag:s24] =	ssyncset.done $0x0  }
0x13f: {  	s21 =	simm.s32 $0x1480;
	[sflag:s24] =	ssyncadd.s32 $0xFFFFC000  }
0x140: {  	[spmem:s3] =	stream.indirect.scatter.add.f32 [tilespmem:s19], [sflag:$0x3], $0x80, s21, s17, $0xb8;
	[tilespmem:$0x1F580] =	vst v63  }
0x141: {  	_ =	swait.ge [sflag:s15], $0x4000  }
0x142: {  	[sflag:s15] =	ssyncset.done $0x0  }
0x143: {  	[sflag:s15] =	ssyncadd.s32 $0xFFFFC000  }
0x144: {  	[spmem:s4] =	stream.indirect.scatter.add.f32 [tilespmem:s23], [sflag:$0x3], $0x1, s21, s17, $0xb8;
	[tilespmem:$0x1F580] =	vst v63  }
0x145: {  	_ =	swait.ge [sflag:s15], $0x80  }
0x146: {  	[sflag:s15] =	ssyncset.done $0x0  }
0x147: {  	s31 =	simm.s32 $0x400;
	s2 =	simm.s32 $0x180;
	[sflag:s15] =	ssyncadd.s32 $0xFFFFFF80  }
.LBB2_6:
0x148: {  	[tilespmem:s19], [sflag:$0x2] =	stream.indirect.gather [hbm4b:s1+s17], $0x80, s2, s17, $0xb8;
	[tilespmem:$0x1F580] =	vst v63  }
0x149: {  	s2 =	smov.u32 s31  }
0x14a: {  	p0 =	sne.s32 s31, $0x4800;
	s31 =	sadd.s32 $0x400, s31;
	_ =	swait.ge [sflag:s22], $0x4000  }
0x14b: {  	s2 =	sshra.s32 s2, $0x2;
	[sflag:s22] =	ssyncset.done $0x0  }
0x14c: {  	s21 =	sadd.s32 $0x1400, s2;
	[sflag:s22] =	ssyncadd.s32 $0xFFFFC000  }
0x14d: {  	[spmem:s3] =	stream.indirect.scatter.add.f32 [tilespmem:s18], [sflag:$0x3], $0x80, s21, s17, $0xb8;
	[tilespmem:$0x1F580] =	vst v63  }
0x14e: {  	_ =	swait.ge [sflag:s15], $0x4000  }
0x14f: {  	[sflag:s15] =	ssyncset.done $0x0  }
0x150: {  	[sflag:s15] =	ssyncadd.s32 $0xFFFFC000  }
0x151: {  	[spmem:s4] =	stream.indirect.scatter.add.f32 [tilespmem:s23], [sflag:$0x3], $0x1, s21, s17, $0xb8;
	[tilespmem:$0x1F580] =	vst v63  }
0x152: {  	_ =	swait.ge [sflag:s15], $0x80  }
0x153: {  	[sflag:s15] =	ssyncset.done $0x0  }
0x154: {  	s21 =	sadd.s32 $0x100, s2;
	[sflag:s15] =	ssyncadd.s32 $0xFFFFFF80  }
0x155: {  	[tilespmem:s18], [sflag:$0x1] =	stream.indirect.gather [hbm4b:s1+s17], $0x80, s21, s17, $0xb8;
	[tilespmem:$0x1F580] =	vst v63  }
0x156: {  	_ =	swait.ge [sflag:s24], $0x4000  }
0x157: {  	[sflag:s24] =	ssyncset.done $0x0  }
0x158: {  	s21 =	sadd.s32 $0x1480, s2;
	[sflag:s24] =	ssyncadd.s32 $0xFFFFC000  }
0x159: {  	[spmem:s3] =	stream.indirect.scatter.add.f32 [tilespmem:s19], [sflag:$0x3], $0x80, s21, s17, $0xb8;
	[tilespmem:$0x1F580] =	vst v63  }
0x15a: {  	_ =	swait.ge [sflag:s15], $0x4000  }
0x15b: {  	[sflag:s15] =	ssyncset.done $0x0  }
.Ltmp2:
0x15c: {  	[sflag:s15] =	ssyncadd.s32 $0xFFFFC000;
	(pc) =	sbr.rel @p0 .LBB2_6-.Ltmp2, $4  }
0x15d: {  	[spmem:s4] =	stream.indirect.scatter.add.f32 [tilespmem:s23], [sflag:$0x3], $0x1, s21, s17, $0xb8;
	[tilespmem:$0x1F580] =	vst v63  }
0x15e: {  	_ =	swait.ge [sflag:s15], $0x80  }
0x15f: {  	[sflag:s15] =	ssyncset.done $0x0  }
0x160: {  	s2 =	sadd.s32 $0x180, s2;
	[sflag:s15] =	ssyncadd.s32 $0xFFFFFF80  }
0x161: {  	[tilespmem:s19], [sflag:$0x2] =	stream.indirect.gather [hbm4b:s1+s17], $0x80, s2, s17, $0xb8;
	[tilespmem:$0x1F580] =	vst v63  }
0x162: {  	_ =	swait.ge [sflag:s22], $0x4000  }
0x163: {  	[sflag:s22] =	ssyncset.done $0x0  }
0x164: {  	[sflag:s22] =	ssyncadd.s32 $0xFFFFC000  }
0x165: {  	[spmem:s3] =	stream.indirect.scatter.add.f32 [tilespmem:s18], [sflag:$0x3], $0x80, s25, s17, $0xb8;
	[tilespmem:$0x1F580] =	vst v63  }
0x166: {  	_ =	swait.ge [sflag:s15], $0x4000  }
0x167: {  	[sflag:s15] =	ssyncset.done $0x0  }
0x168: {  	[sflag:s15] =	ssyncadd.s32 $0xFFFFC000  }
0x169: {  	[spmem:s4] =	stream.indirect.scatter.add.f32 [tilespmem:s23], [sflag:$0x3], $0x1, s25, s17, $0xb8;
	[tilespmem:$0x1F580] =	vst v63  }
0x16a: {  	_ =	swait.ge [sflag:s15], $0x80  }
0x16b: {  	[sflag:s15] =	ssyncset.done $0x0  }
0x16c: {  	[sflag:s15] =	ssyncadd.s32 $0xFFFFFF80  }
0x16d: {  	_ =	swait.ge [sflag:s24], $0x4000  }
0x16e: {  	[sflag:s24] =	ssyncset.done $0x0  }
0x16f: {  	[sflag:s24] =	ssyncadd.s32 $0xFFFFC000  }
0x170: {  	[spmem:s3] =	stream.indirect.scatter.add.f32 [tilespmem:s19], [sflag:$0x3], $0x80, s26, s17, $0xb8;
	[tilespmem:$0x1F580] =	vst v63  }
0x171: {  	_ =	swait.ge [sflag:s15], $0x4000  }
0x172: {  	[sflag:s15] =	ssyncset.done $0x0  }
0x173: {  	[sflag:s15] =	ssyncadd.s32 $0xFFFFC000  }
0x174: {  	[spmem:s4] =	stream.indirect.scatter.add.f32 [tilespmem:s23], [sflag:$0x3], $0x1, s26, s17, $0xb8;
	[tilespmem:$0x1F580] =	vst v63  }
0x175: {  	_ =	swait.ge [sflag:s15], $0x80  }
0x176: {  	[sflag:s15] =	ssyncset.done $0x0  }
0x177: {  	s21 =	sshll.u32 s0, $0x6;
	[sflag:s15] =	ssyncadd.s32 $0xFFFFFF80  }
0x178: {  	s2 =	sor.u32 $0x1C03, s21;
	s21 =	sshrl.u32 s8, $0x3;
	[bflag:$0x0] =	sbarrier.arrive $0xFFFF  }
0x179: {  	[hbm:s12], [sflag:s2] =	dma.local [spmem:s21], $0x2800  }
0x17a: {  	s30 =	sadd.s32 $0x1, s30;
	_ =	swait.ge [sflag:s15], $0x2800  }
0x17b: {  	p0 =	sne.s32 s30, s14;
	[sflag:s15] =	ssyncset.done $0x0  }
.Ltmp3:
0x17c: {  	s31 =	sshrl.u32 s9, $0x3;
	[sflag:s15] =	ssyncadd.s32 $0xFFFFD800;
	(pc) =	sbr.rel @p0 .LBB2_1-.Ltmp3, $4  }
0x17d: {  	[hbm:s13@s28], [sflag:s2] =	dma.strided [spmem:s31@s29], $0x50, s22, $0x10   }
0x17e: {  	_ =	swait.ge [sflag:s15], $0x50  }
0x17f: {  	[sflag:s15] =	ssyncset.done $0x0  }
0x180: {  	[sflag:s15] =	ssyncadd.s32 $0xFFFFFFB0  }
0x181: {  	_ =	sfence.sel $0x180000  }
0x182: {  	[bflag:$0x0] =	sbarrier.arrive $0xFFFF  }
0x183: {  	_ =	strace $0x90000047  }
0x184: {  	[bflag:$0x2] =	sbarrier.arrive $0xFFFF  }
0x185: {  	p0 =	sne.s32 s0, $0x0;
	s0 =	rddreg [dreg:$0x5]  }
0x186: {  	s0 =	sadd.s32 @!p0 $0x100000, s0  }
0x187: {  	[sflag:s0] =	ssyncadd.tile.s32 @!p0 $0x1;
	_ =	shalt  }
.Lfunc_end2:
_tile_overlayer_lowered:
.L_overlay_start_2:
0x188: {  	(tag) =	ssettag $0x2  }
0x189: {  	s0 =	rddreg [dreg:$0x0];
	s2 =	stileid.u32  }
0x18a: {  	s1 =	rddreg [dreg:$0x1];
	p0 =	sne.s32 s2, $0x0  }
0x18b: {  	s3 =	rddreg [dreg:$0x2];
	[bflag:$0x3] =	sbarrier.arrive $0xFFFF;
	s2 =	simm.s32 @!p0 $0x1C03  }
0x18c: {  	[timem:s3], [sflag:s2] =	dma.local @!p0 [hbm:s0], s1  }
0x18d: {  	s0 =	simm.s32 @!p0 $0x3  }
0x18e: {  	_ =	swait.ge @!p0 [sflag:s0], s1  }
0x18f: {  	s1 =	ssub.s32 @!p0 $0x0, s1;
	[sflag:s0] =	ssyncset.done @!p0 $0x0  }
0x190: {  	[sflag:s0] =	ssyncadd.s32 @!p0 s1  }
0x191: {  	[bflag:$0x3] =	sbarrier.arrive $0xFFFF  }
0x192: {  	_ =	shalt  }

</sc_bundles>
